<compile_context>
chip_gen: v7x
topology: tpu7x:2x2x1
jax: 0.10.2.dev20260603
libtpu: 0.0.44.dev20260713+nightly
codegen_flags: <defaults>
</compile_context>

<pallas_src>
import functools

import jax
import jax.numpy as jnp
from jax import lax
from jax.experimental import pallas as pl
from jax.experimental.pallas import tpu as pltpu
from jax.experimental.pallas import tpu_sc as plsc

N = 10000
E = 320000
NC, NS = 2, 16
NW = NC * NS
EPW = E // NW
KB = 80
NBATCH = EPW // KB
ZR = 624

_MESH = plsc.VectorSubcoreMesh(core_axis_name="c", subcore_axis_name="s")
_SC_PARAMS = pltpu.CompilerParams(needs_layout_passes=False)
_HIGH = jax.lax.Precision.HIGHEST



def _sc_deg_body(dst3_hbm, ew_hbm, zn_hbm, out_hbm, dbuf2, wbuf, stage,
                 acc_sp, ss):
    c = lax.axis_index("c")
    s = lax.axis_index("s")
    wid = s * NC + c

    @pl.when(s == 0)
    def _():
        pltpu.sync_copy(zn_hbm, stage)
        pltpu.sync_copy(stage, acc_sp)

    pltpu.sync_copy(dst3_hbm.at[wid], dbuf2)
    pltpu.sync_copy(ew_hbm.at[pl.ds(pl.multiple_of(wid * EPW, 8), EPW)], wbuf)
    plsc.subcore_barrier()

    def chunk(ch, carry):
        for j in range(5):
            i = ch * 5 + j
            off = pl.multiple_of(i * KB, 8)
            pltpu.async_copy(wbuf.at[pl.ds(off, KB)], acc_sp.at[dbuf2.at[i]],
                             ss, add=True)
        for j in range(5):
            i = ch * 5 + j
            off = pl.multiple_of(i * KB, 8)
            pltpu.make_async_copy(wbuf.at[pl.ds(off, KB)],
                                  acc_sp.at[dbuf2.at[i]], ss).wait()
        return carry

    lax.fori_loop(0, NBATCH // 5, chunk, 0)
    plsc.subcore_barrier()

    @pl.when(s == 0)
    def _():
        pltpu.sync_copy(acc_sp, stage)
        pltpu.sync_copy(stage, out_hbm.at[pl.ds(pl.multiple_of(c * N, 8), N)])


def _sc_norm_body(src_hbm, dst_hbm, ew_hbm, dinv_hbm, out_hbm,
                  dv, sbuf, dbuf, wbuf, nbuf):
    c = lax.axis_index("c")
    s = lax.axis_index("s")
    wid = s * NC + c
    base = pl.multiple_of(wid * EPW, 8)
    pltpu.sync_copy(dinv_hbm, dv)
    pltpu.sync_copy(src_hbm.at[pl.ds(base, EPW)], sbuf)
    pltpu.sync_copy(dst_hbm.at[pl.ds(base, EPW)], dbuf)
    pltpu.sync_copy(ew_hbm.at[pl.ds(base, EPW)], wbuf)

    @plsc.parallel_loop(0, EPW // 16, unroll=4)
    def _(m):
        sl = pl.ds(pl.multiple_of(m * 16, 16), 16)
        a = plsc.load_gather(dv, [sbuf[sl]])
        b = plsc.load_gather(dv, [dbuf[sl]])
        nbuf[sl] = a * wbuf[sl] * b

    pltpu.sync_copy(nbuf, out_hbm.at[pl.ds(base, EPW)])


def _sc_agg_body(y_hbm, src_hbm, dst3_hbm, nrm_hbm, z_hbm, out_hbm,
                 nbuf, dbuf2, sb0, sb1, rows0, rows1, acc_sp,
                 gs0, gs1, ss0, ss1, xs0, xs1):
    c = lax.axis_index("c")
    s = lax.axis_index("s")
    wid = s * NC + c
    base = pl.multiple_of(wid * EPW, 8)
    pltpu.sync_copy(nrm_hbm.at[pl.ds(base, EPW)], nbuf)
    pltpu.sync_copy(dst3_hbm.at[wid], dbuf2)
    start = pl.multiple_of(s * ZR, 8)

    @pl.when(s < NS - 1)
    def _():
        pltpu.sync_copy(z_hbm.at[pl.ds(0, ZR)], acc_sp.at[pl.ds(start, ZR)])

    @pl.when(s == NS - 1)
    def _():
        pltpu.sync_copy(z_hbm, acc_sp.at[pl.ds(start, N - (NS - 1) * ZR)])

    plsc.subcore_barrier()

    def sidx(i):
        return src_hbm.at[pl.ds(pl.multiple_of(base + i * KB, 8), KB)]

    def scale(rows_b, i):
        @plsc.parallel_loop(0, KB, unroll=2)
        def _(r):
            nb = plsc.load_gather(
                nbuf, [jnp.full((16,), i * KB + r, jnp.int32)])
            for cc in range(8):
                sl = pl.ds(cc * 16, 16)
                rows_b[r, sl] = rows_b[r, sl] * nb

    pltpu.sync_copy(sidx(0), sb0)
    pltpu.async_copy(y_hbm.at[sb0], rows0, gs0).wait()
    scale(rows0, 0)
    pltpu.sync_copy(rows0, acc_sp.at[dbuf2.at[0]], add=True)

    pltpu.sync_copy(sidx(1), sb0)
    pltpu.sync_copy(sidx(2), sb1)
    pltpu.async_copy(y_hbm.at[sb0], rows0, gs0)
    pltpu.async_copy(y_hbm.at[sb1], rows1, gs1)

    def stage_b(i, rows_b, sb_b, gs_b, ss_b, xs_b):
        pltpu.make_async_copy(y_hbm.at[sb_b], rows_b, gs_b).wait()

        @pl.when(i + 2 < NBATCH)
        def _():
            pltpu.async_copy(sidx(i + 2), sb_b, xs_b)

        scale(rows_b, i)
        pltpu.async_copy(rows_b, acc_sp.at[dbuf2.at[i]], ss_b, add=True)

    def drain_b(i, rows_b, sb_b, gs_b, ss_b, xs_b):
        pltpu.make_async_copy(rows_b, acc_sp.at[dbuf2.at[i]], ss_b).wait()

        @pl.when(i + 2 < NBATCH)
        def _():
            pltpu.make_async_copy(sidx(i + 2), sb_b, xs_b).wait()
            pltpu.async_copy(y_hbm.at[sb_b], rows_b, gs_b)

    def body2(k, carry):
        i0 = 1 + 2 * k
        i1 = 2 + 2 * k
        stage_b(i0, rows0, sb0, gs0, ss0, xs0)
        stage_b(i1, rows1, sb1, gs1, ss1, xs1)
        drain_b(i0, rows0, sb0, gs0, ss0, xs0)
        drain_b(i1, rows1, sb1, gs1, ss1, xs1)
        return carry

    lax.fori_loop(0, (NBATCH - 1) // 2, body2, 0)
    plsc.subcore_barrier()
    ostart = pl.multiple_of(c * N + s * ZR, 8)

    @pl.when(s < NS - 1)
    def _():
        pltpu.sync_copy(acc_sp.at[pl.ds(start, ZR)],
                        out_hbm.at[pl.ds(ostart, ZR)])

    @pl.when(s == NS - 1)
    def _():
        last = N - (NS - 1) * ZR
        pltpu.sync_copy(acc_sp.at[pl.ds(start, last)],
                        out_hbm.at[pl.ds(ostart, last)])


def _sc_agg1_body(y_hbm, src_hbm, dst3_hbm, nrm_hbm, zn_hbm, out_hbm,
                  y_v, sbuf, nbuf, dbuf2, vbuf2, stage, acc_sp, ss):
    c = lax.axis_index("c")
    s = lax.axis_index("s")
    wid = s * NC + c
    base = pl.multiple_of(wid * EPW, 8)
    pltpu.sync_copy(y_hbm, y_v)
    pltpu.sync_copy(src_hbm.at[pl.ds(base, EPW)], sbuf)
    pltpu.sync_copy(nrm_hbm.at[pl.ds(base, EPW)], nbuf)
    pltpu.sync_copy(dst3_hbm.at[wid], dbuf2)

    @pl.when(s == 0)
    def _():
        pltpu.sync_copy(zn_hbm, stage)
        pltpu.sync_copy(stage, acc_sp)

    plsc.subcore_barrier()

    def chunk(ch, carry):
        for j in range(5):
            i = ch * 5 + j
            for g in range(KB // 16):
                sl = pl.ds(pl.multiple_of(i * KB + g * 16, 16), 16)
                osl = pl.ds(g * 16, 16)
                vbuf2[i, osl] = plsc.load_gather(y_v, [sbuf[sl]]) * nbuf[sl]
            pltpu.async_copy(vbuf2.at[i], acc_sp.at[dbuf2.at[i]], ss, add=True)
        for j in range(5):
            i = ch * 5 + j
            pltpu.make_async_copy(vbuf2.at[i], acc_sp.at[dbuf2.at[i]],
                                  ss).wait()
        return carry

    lax.fori_loop(0, NBATCH // 5, chunk, 0)
    plsc.subcore_barrier()

    @pl.when(s == 0)
    def _():
        pltpu.sync_copy(acc_sp, stage)
        pltpu.sync_copy(stage, out_hbm.at[pl.ds(pl.multiple_of(c * N, 8), N)])


_sc_deg = functools.partial(
    pl.kernel, _sc_deg_body, mesh=_MESH,
    compiler_params=_SC_PARAMS,
    out_type=jax.ShapeDtypeStruct((NC * N,), jnp.float32),
    scratch_types=[
        pltpu.VMEM((NBATCH, KB), jnp.int32),
        pltpu.VMEM((EPW,), jnp.float32),
        pltpu.VMEM((N,), jnp.float32),
        pltpu.VMEM_SHARED((N,), jnp.float32),
        pltpu.SemaphoreType.DMA,
    ],
)

_sc_norm = functools.partial(
    pl.kernel, _sc_norm_body, mesh=_MESH,
    compiler_params=_SC_PARAMS,
    out_type=jax.ShapeDtypeStruct((E,), jnp.float32),
    scratch_types=[
        pltpu.VMEM((N,), jnp.float32),
        pltpu.VMEM((EPW,), jnp.int32),
        pltpu.VMEM((EPW,), jnp.int32),
        pltpu.VMEM((EPW,), jnp.float32),
        pltpu.VMEM((EPW,), jnp.float32),
    ],
)

_sc_agg = functools.partial(
    pl.kernel, _sc_agg_body, mesh=_MESH,
    compiler_params=_SC_PARAMS,
    out_type=jax.ShapeDtypeStruct((NC * N, 128), jnp.float32),
    scratch_types=[
        pltpu.VMEM((EPW,), jnp.float32),
        pltpu.VMEM((NBATCH, KB), jnp.int32),
        pltpu.VMEM((KB,), jnp.int32),
        pltpu.VMEM((KB,), jnp.int32),
        pltpu.VMEM((KB, 128), jnp.float32),
        pltpu.VMEM((KB, 128), jnp.float32),
        pltpu.VMEM_SHARED((N, 128), jnp.float32),
        pltpu.SemaphoreType.DMA,
        pltpu.SemaphoreType.DMA,
        pltpu.SemaphoreType.DMA,
        pltpu.SemaphoreType.DMA,
        pltpu.SemaphoreType.DMA,
        pltpu.SemaphoreType.DMA,
    ],
)

_sc_agg1 = functools.partial(
    pl.kernel, _sc_agg1_body, mesh=_MESH,
    compiler_params=_SC_PARAMS,
    out_type=jax.ShapeDtypeStruct((NC * N,), jnp.float32),
    scratch_types=[
        pltpu.VMEM((N,), jnp.float32),
        pltpu.VMEM((EPW,), jnp.int32),
        pltpu.VMEM((EPW,), jnp.float32),
        pltpu.VMEM((NBATCH, KB), jnp.int32),
        pltpu.VMEM((NBATCH, KB), jnp.float32),
        pltpu.VMEM((N,), jnp.float32),
        pltpu.VMEM_SHARED((N,), jnp.float32),
        pltpu.SemaphoreType.DMA,
    ],
)



def _ew_body(ef_ref, m_ref, o_ref):
    o_ref[...] = jnp.dot(ef_ref[...], m_ref[...],
                         preferred_element_type=jnp.float32, precision=_HIGH)


def _dinv_body(degp_ref, o_ref):
    deg = degp_ref[0:1, :] + degp_ref[1:2, :] + 1.0
    o_ref[...] = jnp.where(deg > 0, lax.rsqrt(deg), 0.0)


def _l1_body(p0, p1, xr, dv, w1, b1r, w2, o):
    d2 = dv[...] * dv[...]
    z = p0[...] + p1[...] + d2 * xr[...]
    h = jnp.dot(z, w1[...], preferred_element_type=jnp.float32)
    h = jnp.maximum(h + b1r[...], 0.0)
    o[...] = jnp.dot(h, w2[...], preferred_element_type=jnp.float32)


def _l2_body(p0, p1, xr, dv, b2r, w3, o):
    d2 = dv[...] * dv[...]
    h = jnp.maximum(p0[...] + p1[...] + d2 * xr[...] + b2r[...], 0.0)
    o[...] = jnp.dot(h, w3[...], preferred_element_type=jnp.float32)


def _out_body(p3, xw3r, dv, b3r, o):
    o[...] = (p3[0:1, :] + p3[1:2, :]
              + dv[...] * dv[...] * xw3r[...] + b3r[...])



def kernel(x, edge_index, edge_feature, W1, b1, W2, b2, W3, b3):
    src = edge_index[0]
    dst = edge_index[1]
    dst3 = dst.reshape(NW, NBATCH, KB)
    zn = jnp.zeros((N,), jnp.float32)
    zrows = jnp.zeros((N - (NS - 1) * ZR, 128), jnp.float32)

    ef2 = edge_feature.reshape(E // 8, 128)
    m = jnp.repeat(jnp.eye(8, dtype=jnp.float32), 16, axis=0) * (1.0 / 16.0)
    ew8 = pl.pallas_call(
        _ew_body,
        grid=(10,),
        in_specs=[pl.BlockSpec((E // 80, 128), lambda i: (i, 0)),
                  pl.BlockSpec((128, 8), lambda i: (0, 0))],
        out_specs=pl.BlockSpec((E // 80, 8), lambda i: (i, 0)),
        out_shape=jax.ShapeDtypeStruct((E // 8, 8), jnp.float32),
    )(ef2, m)
    ew = ew8.reshape(E)

    degp = _sc_deg()(dst3, ew, zn).reshape(NC, N)
    dinv2d = pl.pallas_call(
        _dinv_body,
        out_shape=jax.ShapeDtypeStruct((1, N), jnp.float32),
    )(degp)
    dinv = dinv2d.reshape(N)
    dvcol = dinv2d.reshape(N, 1)

    nrm = _sc_norm()(src, dst, ew, dinv)

    p1_ = _sc_agg()(x, src, dst3, nrm, zrows)
    b1r = b1.reshape(1, 256)
    b2r = b2.reshape(1, 128)
    xw2 = pl.pallas_call(
        _l1_body,
        grid=(10,),
        in_specs=[pl.BlockSpec((1000, 128), lambda i: (i, 0)),
                  pl.BlockSpec((1000, 128), lambda i: (i + 10, 0)),
                  pl.BlockSpec((1000, 128), lambda i: (i, 0)),
                  pl.BlockSpec((1000, 1), lambda i: (i, 0)),
                  pl.BlockSpec((128, 256), lambda i: (0, 0)),
                  pl.BlockSpec((1, 256), lambda i: (0, 0)),
                  pl.BlockSpec((256, 128), lambda i: (0, 0))],
        out_specs=pl.BlockSpec((1000, 128), lambda i: (i, 0)),
        out_shape=jax.ShapeDtypeStruct((N, 128), jnp.float32),
    )(p1_, p1_, x, dvcol, W1, b1r, W2)

    p2_ = _sc_agg()(xw2, src, dst3, nrm, zrows)
    xw3 = pl.pallas_call(
        _l2_body,
        grid=(10,),
        in_specs=[pl.BlockSpec((1000, 128), lambda i: (i, 0)),
                  pl.BlockSpec((1000, 128), lambda i: (i + 10, 0)),
                  pl.BlockSpec((1000, 128), lambda i: (i, 0)),
                  pl.BlockSpec((1000, 1), lambda i: (i, 0)),
                  pl.BlockSpec((1, 128), lambda i: (0, 0)),
                  pl.BlockSpec((128, 1), lambda i: (0, 0))],
        out_specs=pl.BlockSpec((1000, 1), lambda i: (i, 0)),
        out_shape=jax.ShapeDtypeStruct((N, 1), jnp.float32),
    )(p2_, p2_, xw2, dvcol, b2r, W3)

    p3 = _sc_agg1()(xw3.reshape(N), src, dst3, nrm, zn).reshape(NC, N)
    b3r = b3.reshape(1, 1)
    out2d = pl.pallas_call(
        _out_body,
        out_shape=jax.ShapeDtypeStruct((1, N), jnp.float32),
    )(p3, xw3.reshape(1, N), dinv2d, b3r)
    return out2d.reshape(N)

# --- scband reference (transcript-rebuilt; emitter-appended) ---
"""Pipeline reference for scband-node-regressor-38096359916186 (READ-ONLY COPY).

The authoritative reference and input builder live on the scoring server;
editing this copy changes nothing except your own understanding.
"""

import jax, jax.numpy as jnp
import numpy as np

N_NODES = 10000
N_EDGES = 320000


def gcn_conv(x, src, dst, edge_weight, W, b, num_nodes):
    # PyG GCNConv with edge_weight: add self loops (weight 1.0), symmetric norm
    loop = jnp.arange(num_nodes, dtype=src.dtype)
    s = jnp.concatenate([src, loop])
    d = jnp.concatenate([dst, loop])
    ew = jnp.concatenate([edge_weight, jnp.ones((num_nodes,), dtype=x.dtype)])
    deg = jnp.zeros((num_nodes,), dtype=x.dtype).at[d].add(ew)
    dinv = jnp.where(deg > 0, 1.0 / jnp.sqrt(deg), 0.0)
    norm = dinv[s] * ew * dinv[d]
    xw = x @ W
    msg = xw[s] * norm[:, None]
    out = jnp.zeros((num_nodes, W.shape[1]), dtype=x.dtype).at[d].add(msg)
    return out + b


def setup_inputs(seed: int = 0) -> dict:
    key = jax.random.key(seed)
    ks = jax.random.split(key, 9)
    x = jax.random.normal(ks[0], (N_NODES, 128), dtype=jnp.float32)
    edge_index = jax.random.randint(ks[1], (2, N_EDGES), 0, N_NODES, dtype=jnp.int32)
    edge_feature = jax.random.uniform(ks[2], (N_EDGES, 16), dtype=jnp.float32)
    W1 = jax.random.normal(ks[3], (128, 256), dtype=jnp.float32) * (1.0 / np.sqrt(128))
    b1 = jnp.zeros((256,), dtype=jnp.float32)
    W2 = jax.random.normal(ks[4], (256, 128), dtype=jnp.float32) * (1.0 / np.sqrt(256))
    b2 = jnp.zeros((128,), dtype=jnp.float32)
    W3 = jax.random.normal(ks[5], (128, 1), dtype=jnp.float32) * (1.0 / np.sqrt(128))
    b3 = jnp.zeros((1,), dtype=jnp.float32)
    return {"x": x, "edge_index": edge_index, "edge_feature": edge_feature,
            "W1": W1, "b1": b1, "W2": W2, "b2": b2, "W3": W3, "b3": b3}


def reference(x, edge_index, edge_feature, W1, b1, W2, b2, W3, b3):
    src, dst = edge_index[0], edge_index[1]
    # edge_feature_dim != 1 -> edge_weight = mean over feature dim
    edge_weight = edge_feature.mean(axis=1)
    h = gcn_conv(x, src, dst, edge_weight, W1, b1, N_NODES)
    h = jax.nn.relu(h)
    h = gcn_conv(h, src, dst, edge_weight, W2, b2, N_NODES)
    h = jax.nn.relu(h)
    h = gcn_conv(h, src, dst, edge_weight, W3, b3, N_NODES)
    return jnp.squeeze(h, axis=1)

if __name__ == "__main__":
    import jax
    _d = setup_inputs()
    print(jax.jit(kernel)(*tuple(_d.values())))

</pallas_src>

<mosaic_0001>
#map = affine_map<(d0, d1) -> (0, 0)>
#map1 = affine_map<(d0, d1) -> (0)>
#map2 = affine_map<(d0, d1) -> (0, 0, 0)>
module attributes {stable_mosaic.version = 14 : i64} {
  func.func @_sc_agg_body(%arg0: i32, %arg1: i32, %arg2: memref<10000x128xf32, #tpu.memory_space<hbm>>, %arg3: memref<320000xi32, #tpu.memory_space<hbm>>, %arg4: memref<32x125x80xi32, #tpu.memory_space<hbm>>, %arg5: memref<320000xf32, #tpu.memory_space<hbm>>, %arg6: memref<640x128xf32, #tpu.memory_space<hbm>>, %arg7: memref<20000x128xf32, #tpu.memory_space<hbm>>, %arg8: memref<10000xf32, #tpu.memory_space<vmem>>, %arg9: memref<125x80xi32, #tpu.memory_space<vmem>>, %arg10: memref<80xi32, #tpu.memory_space<vmem>>, %arg11: memref<80xi32, #tpu.memory_space<vmem>>, %arg12: memref<80x128xf32, #tpu.memory_space<vmem>>, %arg13: memref<80x128xf32, #tpu.memory_space<vmem>>, %arg14: memref<10000x128xf32, #tpu.memory_space<vmem_shared>>, %arg15: memref<!tpu.dma_semaphore, #tpu.memory_space<semaphore_mem>>, %arg16: memref<!tpu.dma_semaphore, #tpu.memory_space<semaphore_mem>>, %arg17: memref<!tpu.dma_semaphore, #tpu.memory_space<semaphore_mem>>, %arg18: memref<!tpu.dma_semaphore, #tpu.memory_space<semaphore_mem>>, %arg19: memref<!tpu.dma_semaphore, #tpu.memory_space<semaphore_mem>>, %arg20: memref<!tpu.dma_semaphore, #tpu.memory_space<semaphore_mem>>) attributes {dimension_semantics = [#tpu.dimension_semantics<core_parallel>, #tpu.dimension_semantics<subcore_parallel>], iteration_bounds = array<i64: 2, 16>, scalar_prefetch = 0 : i64, scratch_operands = 13 : i64, tpu.core_type = #tpu.core_type<sc_vector_subcore>, window_params = [{transform_indices = #map}, {transform_indices = #map1}, {transform_indices = #map2}, {transform_indices = #map1}, {transform_indices = #map}, {transform_indices = #map}]} {
    %mul3A = arith.constant 2 : i32
    %mul3A_0 = arith.muli %arg1, %mul3A : i32
    %add3A = arith.addi %mul3A_0, %arg0 : i32
    %mul3A_1 = arith.constant 10000 : i32
    %mul3A_2 = arith.muli %add3A, %mul3A_1 : i32
    %multiple_of3A = tpu.assume_multiple %mul3A_2, 8 : i32
    "tpu.region"() ({
      %run_scoped3A_55 = tpu.sem_alloc : memref<!tpu.dma_semaphore, #tpu.memory_space<semaphore_mem>>
      %dma_start3A_56 = tpu.memref_slice %arg5[%multiple_of3A] : memref<320000xf32, #tpu.memory_space<hbm>> -> memref<10000xf32, #tpu.memory_space<hbm>>
      %dma_start3A_57 = tpu.memref_slice %arg5[%multiple_of3A] : memref<320000xf32, #tpu.memory_space<hbm>> -> memref<10000xf32, #tpu.memory_space<hbm>>
      tpu.enqueue_dma source(%dma_start3A_57 : memref<10000xf32, #tpu.memory_space<hbm>>) target(%arg8 : memref<10000xf32, #tpu.memory_space<vmem>>) target_semaphore(%run_scoped3A_55 : memref<!tpu.dma_semaphore, #tpu.memory_space<semaphore_mem>>)
      %dma_wait3A_58 = tpu.memref_slice %arg5[%multiple_of3A] : memref<320000xf32, #tpu.memory_space<hbm>> -> memref<10000xf32, #tpu.memory_space<hbm>>
      %dma_wait3A_59 = tpu.memref_slice %arg5[%multiple_of3A] : memref<320000xf32, #tpu.memory_space<hbm>> -> memref<10000xf32, #tpu.memory_space<hbm>>
      tpu.wait_dma2 semaphore(%run_scoped3A_55 : memref<!tpu.dma_semaphore, #tpu.memory_space<semaphore_mem>>) src(%dma_wait3A_59 : memref<10000xf32, #tpu.memory_space<hbm>>) dst(%arg8 : memref<10000xf32, #tpu.memory_space<vmem>>)
      tpu.yield
    }) : () -> ()
    "tpu.region"() ({
      %run_scoped3A_55 = tpu.sem_alloc : memref<!tpu.dma_semaphore, #tpu.memory_space<semaphore_mem>>
      %dma_start3A_56 = arith.constant 0 : i32
      %dma_start3A_57 = arith.constant 0 : i32
      %dma_start3A_58 = tpu.memref_slice %arg4[%add3A, %dma_start3A_56, %dma_start3A_57] : memref<32x125x80xi32, #tpu.memory_space<hbm>> -> memref<1x125x80xi32, #tpu.memory_space<hbm>>
      %dma_start3A_59 = tpu.memref_squeeze %dma_start3A_58 : memref<1x125x80xi32, #tpu.memory_space<hbm>> -> memref<125x80xi32, #tpu.memory_space<hbm>>
      %dma_start3A_60 = arith.constant 0 : i32
      %dma_start3A_61 = arith.constant 0 : i32
      %dma_start3A_62 = tpu.memref_slice %arg4[%add3A, %dma_start3A_60, %dma_start3A_61] : memref<32x125x80xi32, #tpu.memory_space<hbm>> -> memref<1x125x80xi32, #tpu.memory_space<hbm>>
      %dma_start3A_63 = tpu.memref_squeeze %dma_start3A_62 : memref<1x125x80xi32, #tpu.memory_space<hbm>> -> memref<125x80xi32, #tpu.memory_space<hbm>>
      tpu.enqueue_dma source(%dma_start3A_63 : memref<125x80xi32, #tpu.memory_space<hbm>>) target(%arg9 : memref<125x80xi32, #tpu.memory_space<vmem>>) target_semaphore(%run_scoped3A_55 : memref<!tpu.dma_semaphore, #tpu.memory_space<semaphore_mem>>)
      %dma_wait3A_64 = arith.constant 0 : i32
      %dma_wait3A_65 = arith.constant 0 : i32
      %dma_wait3A_66 = tpu.memref_slice %arg4[%add3A, %dma_wait3A_64, %dma_wait3A_65] : memref<32x125x80xi32, #tpu.memory_space<hbm>> -> memref<1x125x80xi32, #tpu.memory_space<hbm>>
      %dma_wait3A_67 = tpu.memref_squeeze %dma_wait3A_66 : memref<1x125x80xi32, #tpu.memory_space<hbm>> -> memref<125x80xi32, #tpu.memory_space<hbm>>
      %dma_wait3A_68 = arith.constant 0 : i32
      %dma_wait3A_69 = arith.constant 0 : i32
      %dma_wait3A_70 = tpu.memref_slice %arg4[%add3A, %dma_wait3A_68, %dma_wait3A_69] : memref<32x125x80xi32, #tpu.memory_space<hbm>> -> memref<1x125x80xi32, #tpu.memory_space<hbm>>
      %dma_wait3A_71 = tpu.memref_squeeze %dma_wait3A_70 : memref<1x125x80xi32, #tpu.memory_space<hbm>> -> memref<125x80xi32, #tpu.memory_space<hbm>>
      tpu.wait_dma2 semaphore(%run_scoped3A_55 : memref<!tpu.dma_semaphore, #tpu.memory_space<semaphore_mem>>) src(%dma_wait3A_71 : memref<125x80xi32, #tpu.memory_space<hbm>>) dst(%arg9 : memref<125x80xi32, #tpu.memory_space<vmem>>)
      tpu.yield
    }) : () -> ()
    %mul3A_3 = arith.constant 624 : i32
    %mul3A_4 = arith.muli %arg1, %mul3A_3 : i32
    %multiple_of3A_5 = tpu.assume_multiple %mul3A_4, 8 : i32
    %lt3A = arith.constant 15 : i32
    %lt3A_6 = arith.cmpi slt, %arg1, %lt3A : i32
    %convert_element_type3A = arith.extui %lt3A_6 : i1 to i32
    %cond3A = arith.constant 0 : i32
    %cond3A_7 = arith.cmpi ne, %convert_element_type3A, %cond3A : i32
    scf.if %cond3A_7 {
      "tpu.region"() ({
        %run_scoped3A_55 = tpu.sem_alloc : memref<!tpu.dma_semaphore, #tpu.memory_space<semaphore_mem>>
        %dma_start3A_56 = arith.constant 0 : i32
        %dma_start3A_57 = tpu.memref_slice %arg14[%multiple_of3A_5, %dma_start3A_56] : memref<10000x128xf32, #tpu.memory_space<vmem_shared>> -> memref<624x128xf32, #tpu.memory_space<vmem_shared>>
        %dma_start3A_58 = arith.constant 0 : i32
        %dma_start3A_59 = arith.constant 0 : i32
        %dma_start3A_60 = tpu.memref_slice %arg6[%dma_start3A_58, %dma_start3A_59] : memref<640x128xf32, #tpu.memory_space<hbm>> -> memref<624x128xf32, #tpu.memory_space<hbm>>
        tpu.enqueue_dma source(%dma_start3A_60 : memref<624x128xf32, #tpu.memory_space<hbm>>) target(%dma_start3A_57 : memref<624x128xf32, #tpu.memory_space<vmem_shared>>) target_semaphore(%run_scoped3A_55 : memref<!tpu.dma_semaphore, #tpu.memory_space<semaphore_mem>>)
        %dma_wait3A_61 = arith.constant 0 : i32
        %dma_wait3A_62 = tpu.memref_slice %arg14[%multiple_of3A_5, %dma_wait3A_61] : memref<10000x128xf32, #tpu.memory_space<vmem_shared>> -> memref<624x128xf32, #tpu.memory_space<vmem_shared>>
        %dma_wait3A_63 = arith.constant 0 : i32
        %dma_wait3A_64 = arith.constant 0 : i32
        %dma_wait3A_65 = tpu.memref_slice %arg6[%dma_wait3A_63, %dma_wait3A_64] : memref<640x128xf32, #tpu.memory_space<hbm>> -> memref<624x128xf32, #tpu.memory_space<hbm>>
        tpu.wait_dma2 semaphore(%run_scoped3A_55 : memref<!tpu.dma_semaphore, #tpu.memory_space<semaphore_mem>>) src(%dma_wait3A_65 : memref<624x128xf32, #tpu.memory_space<hbm>>) dst(%dma_wait3A_62 : memref<624x128xf32, #tpu.memory_space<vmem_shared>>)
        tpu.yield
      }) : () -> ()
    } else {
    }
    %eq3A = arith.constant 15 : i32
    %eq3A_8 = arith.cmpi eq, %arg1, %eq3A : i32
    %convert_element_type3A_9 = arith.extui %eq3A_8 : i1 to i32
    %cond3A_10 = arith.constant 0 : i32
    %cond3A_11 = arith.cmpi ne, %convert_element_type3A_9, %cond3A_10 : i32
    scf.if %cond3A_11 {
      "tpu.region"() ({
        %run_scoped3A_55 = tpu.sem_alloc : memref<!tpu.dma_semaphore, #tpu.memory_space<semaphore_mem>>
        %dma_start3A_56 = arith.constant 0 : i32
        %dma_start3A_57 = tpu.memref_slice %arg14[%multiple_of3A_5, %dma_start3A_56] : memref<10000x128xf32, #tpu.memory_space<vmem_shared>> -> memref<640x128xf32, #tpu.memory_space<vmem_shared>>
        tpu.enqueue_dma source(%arg6 : memref<640x128xf32, #tpu.memory_space<hbm>>) target(%dma_start3A_57 : memref<640x128xf32, #tpu.memory_space<vmem_shared>>) target_semaphore(%run_scoped3A_55 : memref<!tpu.dma_semaphore, #tpu.memory_space<semaphore_mem>>)
        %dma_wait3A_58 = arith.constant 0 : i32
        %dma_wait3A_59 = tpu.memref_slice %arg14[%multiple_of3A_5, %dma_wait3A_58] : memref<10000x128xf32, #tpu.memory_space<vmem_shared>> -> memref<640x128xf32, #tpu.memory_space<vmem_shared>>
        tpu.wait_dma2 semaphore(%run_scoped3A_55 : memref<!tpu.dma_semaphore, #tpu.memory_space<semaphore_mem>>) src(%arg6 : memref<640x128xf32, #tpu.memory_space<hbm>>) dst(%dma_wait3A_59 : memref<640x128xf32, #tpu.memory_space<vmem_shared>>)
        tpu.yield
      }) : () -> ()
    } else {
    }
    %barrier3A = arith.constant 0 : index
    tpu.barrier barrier_id(%barrier3A)
    %add3A_12 = arith.constant 0 : i32
    %add3A_13 = arith.addi %multiple_of3A, %add3A_12 : i32
    %multiple_of3A_14 = tpu.assume_multiple %add3A_13, 8 : i32
    "tpu.region"() ({
      %run_scoped3A_55 = tpu.sem_alloc : memref<!tpu.dma_semaphore, #tpu.memory_space<semaphore_mem>>
      %dma_start3A_56 = tpu.memref_slice %arg3[%multiple_of3A_14] : memref<320000xi32, #tpu.memory_space<hbm>> -> memref<80xi32, #tpu.memory_space<hbm>>
      %dma_start3A_57 = tpu.memref_slice %arg3[%multiple_of3A_14] : memref<320000xi32, #tpu.memory_space<hbm>> -> memref<80xi32, #tpu.memory_space<hbm>>
      tpu.enqueue_dma source(%dma_start3A_57 : memref<80xi32, #tpu.memory_space<hbm>>) target(%arg10 : memref<80xi32, #tpu.memory_space<vmem>>) target_semaphore(%run_scoped3A_55 : memref<!tpu.dma_semaphore, #tpu.memory_space<semaphore_mem>>)
      %dma_wait3A_58 = tpu.memref_slice %arg3[%multiple_of3A_14] : memref<320000xi32, #tpu.memory_space<hbm>> -> memref<80xi32, #tpu.memory_space<hbm>>
      %dma_wait3A_59 = tpu.memref_slice %arg3[%multiple_of3A_14] : memref<320000xi32, #tpu.memory_space<hbm>> -> memref<80xi32, #tpu.memory_space<hbm>>
      tpu.wait_dma2 semaphore(%run_scoped3A_55 : memref<!tpu.dma_semaphore, #tpu.memory_space<semaphore_mem>>) src(%dma_wait3A_59 : memref<80xi32, #tpu.memory_space<hbm>>) dst(%arg10 : memref<80xi32, #tpu.memory_space<vmem>>)
      tpu.yield
    }) : () -> ()
    %dma_start3A = arith.constant 0 : i32
    %dma_start3A_15 = arith.constant 0 : i32
    %dma_start3A_16 = tpu.memref_slice %arg2[%dma_start3A, %dma_start3A_15] : memref<10000x128xf32, #tpu.memory_space<hbm>> -> memref<10000x128xf32, #tpu.memory_space<hbm>>
    tpu.enqueue_indirect_dma source(%dma_start3A_16 : memref<10000x128xf32, #tpu.memory_space<hbm>>) target(%arg12 : memref<80x128xf32, #tpu.memory_space<vmem>>) offsets(%arg10 : memref<80xi32, #tpu.memory_space<vmem>>) semaphore(%arg15 : memref<!tpu.dma_semaphore, #tpu.memory_space<semaphore_mem>>)
    %dma_wait3A = arith.constant 0 : i32
    %dma_wait3A_17 = arith.constant 0 : i32
    %dma_wait3A_18 = tpu.memref_slice %arg2[%dma_wait3A, %dma_wait3A_17] : memref<10000x128xf32, #tpu.memory_space<hbm>> -> memref<10000x128xf32, #tpu.memory_space<hbm>>
    tpu.wait_indirect_dma semaphore(%arg15 : memref<!tpu.dma_semaphore, #tpu.memory_space<semaphore_mem>>) src(%dma_wait3A_18 : memref<10000x128xf32, #tpu.memory_space<hbm>>) dst(%arg12 : memref<80x128xf32, #tpu.memory_space<vmem>>)
    %parallel_loop3A = arith.constant 0 : i32
    %parallel_loop3A_19 = arith.constant 80 : i32
    %parallel_loop3A_20 = arith.constant 1 : i32
    scf.for %parallel_loop3A_55 = %parallel_loop3A to %parallel_loop3A_19 step %parallel_loop3A_20  : i32 {
      %parallel_loop3A_56 = arith.constant 0 : i32
      %parallel_loop3A_57 = arith.addi %parallel_loop3A_56, %parallel_loop3A_55 : i32
      %parallel_loop3A_58 = vector.broadcast %parallel_loop3A_57 : i32 to vector<16xi32>
      %parallel_loop3A_59 = tpu.vector_load_idx %arg8[%parallel_loop3A_58] : memref<10000xf32, #tpu.memory_space<vmem>>[vector<16xi32>], vector<16xf32>,
      %parallel_loop3A_60 = arith.index_cast %parallel_loop3A_55 : i32 to index
      %parallel_loop3A_61 = arith.constant 0 : index
      %parallel_loop3A_62 = tpu.vector_load %arg12[%parallel_loop3A_60, %parallel_loop3A_61] {strides = array<i32>} : memref<80x128xf32, #tpu.memory_space<vmem>>, vector<16xf32>,
      %parallel_loop3A_63 = arith.mulf %parallel_loop3A_62, %parallel_loop3A_59 : vector<16xf32>
      %parallel_loop3A_64 = arith.index_cast %parallel_loop3A_55 : i32 to index
      %parallel_loop3A_65 = arith.constant 0 : index
      %parallel_loop3A_66 = tpu.vector_load %arg12[%parallel_loop3A_64, %parallel_loop3A_65] {strides = array<i32>} : memref<80x128xf32, #tpu.memory_space<vmem>>, vector<16xf32>,
      tpu.vector_store %arg12[%parallel_loop3A_64, %parallel_loop3A_65], %parallel_loop3A_63 {strides = array<i32>} : memref<80x128xf32, #tpu.memory_space<vmem>>, vector<16xf32>,
      %parallel_loop3A_67 = arith.index_cast %parallel_loop3A_55 : i32 to index
      %parallel_loop3A_68 = arith.constant 16 : index
      %parallel_loop3A_69 = tpu.vector_load %arg12[%parallel_loop3A_67, %parallel_loop3A_68] {strides = array<i32>} : memref<80x128xf32, #tpu.memory_space<vmem>>, vector<16xf32>,
      %parallel_loop3A_70 = arith.mulf %parallel_loop3A_69, %parallel_loop3A_59 : vector<16xf32>
      %parallel_loop3A_71 = arith.index_cast %parallel_loop3A_55 : i32 to index
      %parallel_loop3A_72 = arith.constant 16 : index
      %parallel_loop3A_73 = tpu.vector_load %arg12[%parallel_loop3A_71, %parallel_loop3A_72] {strides = array<i32>} : memref<80x128xf32, #tpu.memory_space<vmem>>, vector<16xf32>,
      tpu.vector_store %arg12[%parallel_loop3A_71, %parallel_loop3A_72], %parallel_loop3A_70 {strides = array<i32>} : memref<80x128xf32, #tpu.memory_space<vmem>>, vector<16xf32>,
      %parallel_loop3A_74 = arith.index_cast %parallel_loop3A_55 : i32 to index
      %parallel_loop3A_75 = arith.constant 32 : index
      %parallel_loop3A_76 = tpu.vector_load %arg12[%parallel_loop3A_74, %parallel_loop3A_75] {strides = array<i32>} : memref<80x128xf32, #tpu.memory_space<vmem>>, vector<16xf32>,
      %parallel_loop3A_77 = arith.mulf %parallel_loop3A_76, %parallel_loop3A_59 : vector<16xf32>
      %parallel_loop3A_78 = arith.index_cast %parallel_loop3A_55 : i32 to index
      %parallel_loop3A_79 = arith.constant 32 : index
      %parallel_loop3A_80 = tpu.vector_load %arg12[%parallel_loop3A_78, %parallel_loop3A_79] {strides = array<i32>} : memref<80x128xf32, #tpu.memory_space<vmem>>, vector<16xf32>,
      tpu.vector_store %arg12[%parallel_loop3A_78, %parallel_loop3A_79], %parallel_loop3A_77 {strides = array<i32>} : memref<80x128xf32, #tpu.memory_space<vmem>>, vector<16xf32>,
      %parallel_loop3A_81 = arith.index_cast %parallel_loop3A_55 : i32 to index
      %parallel_loop3A_82 = arith.constant 48 : index
      %parallel_loop3A_83 = tpu.vector_load %arg12[%parallel_loop3A_81, %parallel_loop3A_82] {strides = array<i32>} : memref<80x128xf32, #tpu.memory_space<vmem>>, vector<16xf32>,
      %parallel_loop3A_84 = arith.mulf %parallel_loop3A_83, %parallel_loop3A_59 : vector<16xf32>
      %parallel_loop3A_85 = arith.index_cast %parallel_loop3A_55 : i32 to index
      %parallel_loop3A_86 = arith.constant 48 : index
      %parallel_loop3A_87 = tpu.vector_load %arg12[%parallel_loop3A_85, %parallel_loop3A_86] {strides = array<i32>} : memref<80x128xf32, #tpu.memory_space<vmem>>, vector<16xf32>,
      tpu.vector_store %arg12[%parallel_loop3A_85, %parallel_loop3A_86], %parallel_loop3A_84 {strides = array<i32>} : memref<80x128xf32, #tpu.memory_space<vmem>>, vector<16xf32>,
      %parallel_loop3A_88 = arith.index_cast %parallel_loop3A_55 : i32 to index
      %parallel_loop3A_89 = arith.constant 64 : index
      %parallel_loop3A_90 = tpu.vector_load %arg12[%parallel_loop3A_88, %parallel_loop3A_89] {strides = array<i32>} : memref<80x128xf32, #tpu.memory_space<vmem>>, vector<16xf32>,
      %parallel_loop3A_91 = arith.mulf %parallel_loop3A_90, %parallel_loop3A_59 : vector<16xf32>
      %parallel_loop3A_92 = arith.index_cast %parallel_loop3A_55 : i32 to index
      %parallel_loop3A_93 = arith.constant 64 : index
      %parallel_loop3A_94 = tpu.vector_load %arg12[%parallel_loop3A_92, %parallel_loop3A_93] {strides = array<i32>} : memref<80x128xf32, #tpu.memory_space<vmem>>, vector<16xf32>,
      tpu.vector_store %arg12[%parallel_loop3A_92, %parallel_loop3A_93], %parallel_loop3A_91 {strides = array<i32>} : memref<80x128xf32, #tpu.memory_space<vmem>>, vector<16xf32>,
      %parallel_loop3A_95 = arith.index_cast %parallel_loop3A_55 : i32 to index
      %parallel_loop3A_96 = arith.constant 80 : index
      %parallel_loop3A_97 = tpu.vector_load %arg12[%parallel_loop3A_95, %parallel_loop3A_96] {strides = array<i32>} : memref<80x128xf32, #tpu.memory_space<vmem>>, vector<16xf32>,
      %parallel_loop3A_98 = arith.mulf %parallel_loop3A_97, %parallel_loop3A_59 : vector<16xf32>
      %parallel_loop3A_99 = arith.index_cast %parallel_loop3A_55 : i32 to index
      %parallel_loop3A_100 = arith.constant 80 : index
      %parallel_loop3A_101 = tpu.vector_load %arg12[%parallel_loop3A_99, %parallel_loop3A_100] {strides = array<i32>} : memref<80x128xf32, #tpu.memory_space<vmem>>, vector<16xf32>,
      tpu.vector_store %arg12[%parallel_loop3A_99, %parallel_loop3A_100], %parallel_loop3A_98 {strides = array<i32>} : memref<80x128xf32, #tpu.memory_space<vmem>>, vector<16xf32>,
      %parallel_loop3A_102 = arith.index_cast %parallel_loop3A_55 : i32 to index
      %parallel_loop3A_103 = arith.constant 96 : index
      %parallel_loop3A_104 = tpu.vector_load %arg12[%parallel_loop3A_102, %parallel_loop3A_103] {strides = array<i32>} : memref<80x128xf32, #tpu.memory_space<vmem>>, vector<16xf32>,
      %parallel_loop3A_105 = arith.mulf %parallel_loop3A_104, %parallel_loop3A_59 : vector<16xf32>
      %parallel_loop3A_106 = arith.index_cast %parallel_loop3A_55 : i32 to index
      %parallel_loop3A_107 = arith.constant 96 : index
      %parallel_loop3A_108 = tpu.vector_load %arg12[%parallel_loop3A_106, %parallel_loop3A_107] {strides = array<i32>} : memref<80x128xf32, #tpu.memory_space<vmem>>, vector<16xf32>,
      tpu.vector_store %arg12[%parallel_loop3A_106, %parallel_loop3A_107], %parallel_loop3A_105 {strides = array<i32>} : memref<80x128xf32, #tpu.memory_space<vmem>>, vector<16xf32>,
      %parallel_loop3A_109 = arith.index_cast %parallel_loop3A_55 : i32 to index
      %parallel_loop3A_110 = arith.constant 112 : index
      %parallel_loop3A_111 = tpu.vector_load %arg12[%parallel_loop3A_109, %parallel_loop3A_110] {strides = array<i32>} : memref<80x128xf32, #tpu.memory_space<vmem>>, vector<16xf32>,
      %parallel_loop3A_112 = arith.mulf %parallel_loop3A_111, %parallel_loop3A_59 : vector<16xf32>
      %parallel_loop3A_113 = arith.index_cast %parallel_loop3A_55 : i32 to index
      %parallel_loop3A_114 = arith.constant 112 : index
      %parallel_loop3A_115 = tpu.vector_load %arg12[%parallel_loop3A_113, %parallel_loop3A_114] {strides = array<i32>} : memref<80x128xf32, #tpu.memory_space<vmem>>, vector<16xf32>,
      tpu.vector_store %arg12[%parallel_loop3A_113, %parallel_loop3A_114], %parallel_loop3A_112 {strides = array<i32>} : memref<80x128xf32, #tpu.memory_space<vmem>>, vector<16xf32>,
    } {sc.loop_unroll_factor = 2 : i64, sc.parallel_access}
    %run_scoped3A = arith.constant 0 : i32
    "tpu.region"() ({
      %run_scoped3A_55 = tpu.sem_alloc : memref<!tpu.dma_semaphore, #tpu.memory_space<semaphore_mem>>
      %dma_start3A_56 = arith.constant 0 : i32
      %dma_start3A_57 = tpu.memref_slice %arg9[%run_scoped3A, %dma_start3A_56] : memref<125x80xi32, #tpu.memory_space<vmem>> -> memref<1x80xi32, #tpu.memory_space<vmem>>
      %dma_start3A_58 = tpu.memref_squeeze %dma_start3A_57 : memref<1x80xi32, #tpu.memory_space<vmem>> -> memref<80xi32, #tpu.memory_space<vmem>>
      %dma_start3A_59 = arith.constant 0 : i32
      %dma_start3A_60 = arith.constant 0 : i32
      %dma_start3A_61 = tpu.memref_slice %arg14[%dma_start3A_59, %dma_start3A_60] : memref<10000x128xf32, #tpu.memory_space<vmem_shared>> -> memref<10000x128xf32, #tpu.memory_space<vmem_shared>>
      tpu.enqueue_indirect_dma source(%arg12 : memref<80x128xf32, #tpu.memory_space<vmem>>) target(%dma_start3A_61 : memref<10000x128xf32, #tpu.memory_space<vmem_shared>>) offsets(%dma_start3A_58 : memref<80xi32, #tpu.memory_space<vmem>>) semaphore(%run_scoped3A_55 : memref<!tpu.dma_semaphore, #tpu.memory_space<semaphore_mem>>) {add = true}
      %dma_wait3A_62 = arith.constant 0 : i32
      %dma_wait3A_63 = tpu.memref_slice %arg9[%run_scoped3A, %dma_wait3A_62] : memref<125x80xi32, #tpu.memory_space<vmem>> -> memref<1x80xi32, #tpu.memory_space<vmem>>
      %dma_wait3A_64 = tpu.memref_squeeze %dma_wait3A_63 : memref<1x80xi32, #tpu.memory_space<vmem>> -> memref<80xi32, #tpu.memory_space<vmem>>
      %dma_wait3A_65 = arith.constant 0 : i32
      %dma_wait3A_66 = arith.constant 0 : i32
      %dma_wait3A_67 = tpu.memref_slice %arg14[%dma_wait3A_65, %dma_wait3A_66] : memref<10000x128xf32, #tpu.memory_space<vmem_shared>> -> memref<10000x128xf32, #tpu.memory_space<vmem_shared>>
      tpu.wait_indirect_dma semaphore(%run_scoped3A_55 : memref<!tpu.dma_semaphore, #tpu.memory_space<semaphore_mem>>) src(%arg12 : memref<80x128xf32, #tpu.memory_space<vmem>>) dst(%dma_wait3A_67 : memref<10000x128xf32, #tpu.memory_space<vmem_shared>>)
      tpu.yield
    }) : () -> ()
    %add3A_21 = arith.constant 80 : i32
    %add3A_22 = arith.addi %multiple_of3A, %add3A_21 : i32
    %multiple_of3A_23 = tpu.assume_multiple %add3A_22, 8 : i32
    "tpu.region"() ({
      %run_scoped3A_55 = tpu.sem_alloc : memref<!tpu.dma_semaphore, #tpu.memory_space<semaphore_mem>>
      %dma_start3A_56 = tpu.memref_slice %arg3[%multiple_of3A_23] : memref<320000xi32, #tpu.memory_space<hbm>> -> memref<80xi32, #tpu.memory_space<hbm>>
      %dma_start3A_57 = tpu.memref_slice %arg3[%multiple_of3A_23] : memref<320000xi32, #tpu.memory_space<hbm>> -> memref<80xi32, #tpu.memory_space<hbm>>
      tpu.enqueue_dma source(%dma_start3A_57 : memref<80xi32, #tpu.memory_space<hbm>>) target(%arg10 : memref<80xi32, #tpu.memory_space<vmem>>) target_semaphore(%run_scoped3A_55 : memref<!tpu.dma_semaphore, #tpu.memory_space<semaphore_mem>>)
      %dma_wait3A_58 = tpu.memref_slice %arg3[%multiple_of3A_23] : memref<320000xi32, #tpu.memory_space<hbm>> -> memref<80xi32, #tpu.memory_space<hbm>>
      %dma_wait3A_59 = tpu.memref_slice %arg3[%multiple_of3A_23] : memref<320000xi32, #tpu.memory_space<hbm>> -> memref<80xi32, #tpu.memory_space<hbm>>
      tpu.wait_dma2 semaphore(%run_scoped3A_55 : memref<!tpu.dma_semaphore, #tpu.memory_space<semaphore_mem>>) src(%dma_wait3A_59 : memref<80xi32, #tpu.memory_space<hbm>>) dst(%arg10 : memref<80xi32, #tpu.memory_space<vmem>>)
      tpu.yield
    }) : () -> ()
    %add3A_24 = arith.constant 160 : i32
    %add3A_25 = arith.addi %multiple_of3A, %add3A_24 : i32
    %multiple_of3A_26 = tpu.assume_multiple %add3A_25, 8 : i32
    "tpu.region"() ({
      %run_scoped3A_55 = tpu.sem_alloc : memref<!tpu.dma_semaphore, #tpu.memory_space<semaphore_mem>>
      %dma_start3A_56 = tpu.memref_slice %arg3[%multiple_of3A_26] : memref<320000xi32, #tpu.memory_space<hbm>> -> memref<80xi32, #tpu.memory_space<hbm>>
      %dma_start3A_57 = tpu.memref_slice %arg3[%multiple_of3A_26] : memref<320000xi32, #tpu.memory_space<hbm>> -> memref<80xi32, #tpu.memory_space<hbm>>
      tpu.enqueue_dma source(%dma_start3A_57 : memref<80xi32, #tpu.memory_space<hbm>>) target(%arg11 : memref<80xi32, #tpu.memory_space<vmem>>) target_semaphore(%run_scoped3A_55 : memref<!tpu.dma_semaphore, #tpu.memory_space<semaphore_mem>>)
      %dma_wait3A_58 = tpu.memref_slice %arg3[%multiple_of3A_26] : memref<320000xi32, #tpu.memory_space<hbm>> -> memref<80xi32, #tpu.memory_space<hbm>>
      %dma_wait3A_59 = tpu.memref_slice %arg3[%multiple_of3A_26] : memref<320000xi32, #tpu.memory_space<hbm>> -> memref<80xi32, #tpu.memory_space<hbm>>
      tpu.wait_dma2 semaphore(%run_scoped3A_55 : memref<!tpu.dma_semaphore, #tpu.memory_space<semaphore_mem>>) src(%dma_wait3A_59 : memref<80xi32, #tpu.memory_space<hbm>>) dst(%arg11 : memref<80xi32, #tpu.memory_space<vmem>>)
      tpu.yield
    }) : () -> ()
    %dma_start3A_27 = arith.constant 0 : i32
    %dma_start3A_28 = arith.constant 0 : i32
    %dma_start3A_29 = tpu.memref_slice %arg2[%dma_start3A_27, %dma_start3A_28] : memref<10000x128xf32, #tpu.memory_space<hbm>> -> memref<10000x128xf32, #tpu.memory_space<hbm>>
    tpu.enqueue_indirect_dma source(%dma_start3A_29 : memref<10000x128xf32, #tpu.memory_space<hbm>>) target(%arg12 : memref<80x128xf32, #tpu.memory_space<vmem>>) offsets(%arg10 : memref<80xi32, #tpu.memory_space<vmem>>) semaphore(%arg15 : memref<!tpu.dma_semaphore, #tpu.memory_space<semaphore_mem>>)
    %dma_start3A_30 = arith.constant 0 : i32
    %dma_start3A_31 = arith.constant 0 : i32
    %dma_start3A_32 = tpu.memref_slice %arg2[%dma_start3A_30, %dma_start3A_31] : memref<10000x128xf32, #tpu.memory_space<hbm>> -> memref<10000x128xf32, #tpu.memory_space<hbm>>
    tpu.enqueue_indirect_dma source(%dma_start3A_32 : memref<10000x128xf32, #tpu.memory_space<hbm>>) target(%arg13 : memref<80x128xf32, #tpu.memory_space<vmem>>) offsets(%arg11 : memref<80xi32, #tpu.memory_space<vmem>>) semaphore(%arg16 : memref<!tpu.dma_semaphore, #tpu.memory_space<semaphore_mem>>)
    %scan3A = arith.constant 0 : i32
    %scan3A_33 = arith.constant 0 : i32
    %scan3A_34 = arith.constant 62 : i32
    %scan3A_35 = arith.addi %scan3A_33, %scan3A_34 : i32
    %scan3A_36 = arith.constant 1 : i32
    scf.for %scan3A_55 = %scan3A_33 to %scan3A_35 step %scan3A_36  : i32 {
      %mul3A_56 = arith.constant 2 : i32
      %mul3A_57 = arith.muli %mul3A_56, %scan3A_55 : i32
      %add3A_58 = arith.constant 1 : i32
      %add3A_59 = arith.addi %add3A_58, %mul3A_57 : i32
      %mul3A_60 = arith.constant 2 : i32
      %mul3A_61 = arith.muli %mul3A_60, %scan3A_55 : i32
      %add3A_62 = arith.constant 2 : i32
      %add3A_63 = arith.addi %add3A_62, %mul3A_61 : i32
      %dma_wait3A_64 = arith.constant 0 : i32
      %dma_wait3A_65 = arith.constant 0 : i32
      %dma_wait3A_66 = tpu.memref_slice %arg2[%dma_wait3A_64, %dma_wait3A_65] : memref<10000x128xf32, #tpu.memory_space<hbm>> -> memref<10000x128xf32, #tpu.memory_space<hbm>>
      tpu.wait_indirect_dma semaphore(%arg15 : memref<!tpu.dma_semaphore, #tpu.memory_space<semaphore_mem>>) src(%dma_wait3A_66 : memref<10000x128xf32, #tpu.memory_space<hbm>>) dst(%arg12 : memref<80x128xf32, #tpu.memory_space<vmem>>)
      %add3A_67 = arith.constant 2 : i32
      %add3A_68 = arith.addi %add3A_59, %add3A_67 : i32
      %lt3A_69 = arith.constant 125 : i32
      %lt3A_70 = arith.cmpi slt, %add3A_68, %lt3A_69 : i32
      %convert_element_type3A_71 = arith.extui %lt3A_70 : i1 to i32
      %cond3A_72 = arith.constant 0 : i32
      %cond3A_73 = arith.cmpi ne, %convert_element_type3A_71, %cond3A_72 : i32
      scf.if %cond3A_73 {
        %add3A_128 = arith.constant 2 : i32
        %add3A_129 = arith.addi %add3A_59, %add3A_128 : i32
        %mul3A_130 = arith.constant 80 : i32
        %mul3A_131 = arith.muli %add3A_129, %mul3A_130 : i32
        %add3A_132 = arith.addi %multiple_of3A, %mul3A_131 : i32
        %multiple_of3A_133 = tpu.assume_multiple %add3A_132, 8 : i32
        %dma_start3A_134 = tpu.memref_slice %arg3[%multiple_of3A_133] : memref<320000xi32, #tpu.memory_space<hbm>> -> memref<80xi32, #tpu.memory_space<hbm>>
        %dma_start3A_135 = tpu.memref_slice %arg3[%multiple_of3A_133] : memref<320000xi32, #tpu.memory_space<hbm>> -> memref<80xi32, #tpu.memory_space<hbm>>
        tpu.enqueue_dma source(%dma_start3A_135 : memref<80xi32, #tpu.memory_space<hbm>>) target(%arg10 : memref<80xi32, #tpu.memory_space<vmem>>) target_semaphore(%arg19 : memref<!tpu.dma_semaphore, #tpu.memory_space<semaphore_mem>>)
      } else {
      }
      %parallel_loop3A_74 = arith.constant 0 : i32
      %parallel_loop3A_75 = arith.constant 80 : i32
      %parallel_loop3A_76 = arith.constant 1 : i32
      scf.for %parallel_loop3A_128 = %parallel_loop3A_74 to %parallel_loop3A_75 step %parallel_loop3A_76  : i32 {
        %parallel_loop3A_129 = arith.constant 80 : i32
        %parallel_loop3A_130 = arith.muli %add3A_59, %parallel_loop3A_129 : i32
        %parallel_loop3A_131 = arith.addi %parallel_loop3A_130, %parallel_loop3A_128 : i32
        %parallel_loop3A_132 = vector.broadcast %parallel_loop3A_131 : i32 to vector<16xi32>
        %parallel_loop3A_133 = tpu.vector_load_idx %arg8[%parallel_loop3A_132] : memref<10000xf32, #tpu.memory_space<vmem>>[vector<16xi32>], vector<16xf32>,
        %parallel_loop3A_134 = arith.index_cast %parallel_loop3A_128 : i32 to index
        %parallel_loop3A_135 = arith.constant 0 : index
        %parallel_loop3A_136 = tpu.vector_load %arg12[%parallel_loop3A_134, %parallel_loop3A_135] {strides = array<i32>} : memref<80x128xf32, #tpu.memory_space<vmem>>, vector<16xf32>,
        %parallel_loop3A_137 = arith.mulf %parallel_loop3A_136, %parallel_loop3A_133 : vector<16xf32>
        %parallel_loop3A_138 = arith.index_cast %parallel_loop3A_128 : i32 to index
        %parallel_loop3A_139 = arith.constant 0 : index
        %parallel_loop3A_140 = tpu.vector_load %arg12[%parallel_loop3A_138, %parallel_loop3A_139] {strides = array<i32>} : memref<80x128xf32, #tpu.memory_space<vmem>>, vector<16xf32>,
        tpu.vector_store %arg12[%parallel_loop3A_138, %parallel_loop3A_139], %parallel_loop3A_137 {strides = array<i32>} : memref<80x128xf32, #tpu.memory_space<vmem>>, vector<16xf32>,
        %parallel_loop3A_141 = arith.index_cast %parallel_loop3A_128 : i32 to index
        %parallel_loop3A_142 = arith.constant 16 : index
        %parallel_loop3A_143 = tpu.vector_load %arg12[%parallel_loop3A_141, %parallel_loop3A_142] {strides = array<i32>} : memref<80x128xf32, #tpu.memory_space<vmem>>, vector<16xf32>,
        %parallel_loop3A_144 = arith.mulf %parallel_loop3A_143, %parallel_loop3A_133 : vector<16xf32>
        %parallel_loop3A_145 = arith.index_cast %parallel_loop3A_128 : i32 to index
        %parallel_loop3A_146 = arith.constant 16 : index
        %parallel_loop3A_147 = tpu.vector_load %arg12[%parallel_loop3A_145, %parallel_loop3A_146] {strides = array<i32>} : memref<80x128xf32, #tpu.memory_space<vmem>>, vector<16xf32>,
        tpu.vector_store %arg12[%parallel_loop3A_145, %parallel_loop3A_146], %parallel_loop3A_144 {strides = array<i32>} : memref<80x128xf32, #tpu.memory_space<vmem>>, vector<16xf32>,
        %parallel_loop3A_148 = arith.index_cast %parallel_loop3A_128 : i32 to index
        %parallel_loop3A_149 = arith.constant 32 : index
        %parallel_loop3A_150 = tpu.vector_load %arg12[%parallel_loop3A_148, %parallel_loop3A_149] {strides = array<i32>} : memref<80x128xf32, #tpu.memory_space<vmem>>, vector<16xf32>,
        %parallel_loop3A_151 = arith.mulf %parallel_loop3A_150, %parallel_loop3A_133 : vector<16xf32>
        %parallel_loop3A_152 = arith.index_cast %parallel_loop3A_128 : i32 to index
        %parallel_loop3A_153 = arith.constant 32 : index
        %parallel_loop3A_154 = tpu.vector_load %arg12[%parallel_loop3A_152, %parallel_loop3A_153] {strides = array<i32>} : memref<80x128xf32, #tpu.memory_space<vmem>>, vector<16xf32>,
        tpu.vector_store %arg12[%parallel_loop3A_152, %parallel_loop3A_153], %parallel_loop3A_151 {strides = array<i32>} : memref<80x128xf32, #tpu.memory_space<vmem>>, vector<16xf32>,
        %parallel_loop3A_155 = arith.index_cast %parallel_loop3A_128 : i32 to index
        %parallel_loop3A_156 = arith.constant 48 : index
        %parallel_loop3A_157 = tpu.vector_load %arg12[%parallel_loop3A_155, %parallel_loop3A_156] {strides = array<i32>} : memref<80x128xf32, #tpu.memory_space<vmem>>, vector<16xf32>,
        %parallel_loop3A_158 = arith.mulf %parallel_loop3A_157, %parallel_loop3A_133 : vector<16xf32>
        %parallel_loop3A_159 = arith.index_cast %parallel_loop3A_128 : i32 to index
        %parallel_loop3A_160 = arith.constant 48 : index
        %parallel_loop3A_161 = tpu.vector_load %arg12[%parallel_loop3A_159, %parallel_loop3A_160] {strides = array<i32>} : memref<80x128xf32, #tpu.memory_space<vmem>>, vector<16xf32>,
        tpu.vector_store %arg12[%parallel_loop3A_159, %parallel_loop3A_160], %parallel_loop3A_158 {strides = array<i32>} : memref<80x128xf32, #tpu.memory_space<vmem>>, vector<16xf32>,
        %parallel_loop3A_162 = arith.index_cast %parallel_loop3A_128 : i32 to index
        %parallel_loop3A_163 = arith.constant 64 : index
        %parallel_loop3A_164 = tpu.vector_load %arg12[%parallel_loop3A_162, %parallel_loop3A_163] {strides = array<i32>} : memref<80x128xf32, #tpu.memory_space<vmem>>, vector<16xf32>,
        %parallel_loop3A_165 = arith.mulf %parallel_loop3A_164, %parallel_loop3A_133 : vector<16xf32>
        %parallel_loop3A_166 = arith.index_cast %parallel_loop3A_128 : i32 to index
        %parallel_loop3A_167 = arith.constant 64 : index
        %parallel_loop3A_168 = tpu.vector_load %arg12[%parallel_loop3A_166, %parallel_loop3A_167] {strides = array<i32>} : memref<80x128xf32, #tpu.memory_space<vmem>>, vector<16xf32>,
        tpu.vector_store %arg12[%parallel_loop3A_166, %parallel_loop3A_167], %parallel_loop3A_165 {strides = array<i32>} : memref<80x128xf32, #tpu.memory_space<vmem>>, vector<16xf32>,
        %parallel_loop3A_169 = arith.index_cast %parallel_loop3A_128 : i32 to index
        %parallel_loop3A_170 = arith.constant 80 : index
        %parallel_loop3A_171 = tpu.vector_load %arg12[%parallel_loop3A_169, %parallel_loop3A_170] {strides = array<i32>} : memref<80x128xf32, #tpu.memory_space<vmem>>, vector<16xf32>,
        %parallel_loop3A_172 = arith.mulf %parallel_loop3A_171, %parallel_loop3A_133 : vector<16xf32>
        %parallel_loop3A_173 = arith.index_cast %parallel_loop3A_128 : i32 to index
        %parallel_loop3A_174 = arith.constant 80 : index
        %parallel_loop3A_175 = tpu.vector_load %arg12[%parallel_loop3A_173, %parallel_loop3A_174] {strides = array<i32>} : memref<80x128xf32, #tpu.memory_space<vmem>>, vector<16xf32>,
        tpu.vector_store %arg12[%parallel_loop3A_173, %parallel_loop3A_174], %parallel_loop3A_172 {strides = array<i32>} : memref<80x128xf32, #tpu.memory_space<vmem>>, vector<16xf32>,
        %parallel_loop3A_176 = arith.index_cast %parallel_loop3A_128 : i32 to index
        %parallel_loop3A_177 = arith.constant 96 : index
        %parallel_loop3A_178 = tpu.vector_load %arg12[%parallel_loop3A_176, %parallel_loop3A_177] {strides = array<i32>} : memref<80x128xf32, #tpu.memory_space<vmem>>, vector<16xf32>,
        %parallel_loop3A_179 = arith.mulf %parallel_loop3A_178, %parallel_loop3A_133 : vector<16xf32>
        %parallel_loop3A_180 = arith.index_cast %parallel_loop3A_128 : i32 to index
        %parallel_loop3A_181 = arith.constant 96 : index
        %parallel_loop3A_182 = tpu.vector_load %arg12[%parallel_loop3A_180, %parallel_loop3A_181] {strides = array<i32>} : memref<80x128xf32, #tpu.memory_space<vmem>>, vector<16xf32>,
        tpu.vector_store %arg12[%parallel_loop3A_180, %parallel_loop3A_181], %parallel_loop3A_179 {strides = array<i32>} : memref<80x128xf32, #tpu.memory_space<vmem>>, vector<16xf32>,
        %parallel_loop3A_183 = arith.index_cast %parallel_loop3A_128 : i32 to index
        %parallel_loop3A_184 = arith.constant 112 : index
        %parallel_loop3A_185 = tpu.vector_load %arg12[%parallel_loop3A_183, %parallel_loop3A_184] {strides = array<i32>} : memref<80x128xf32, #tpu.memory_space<vmem>>, vector<16xf32>,
        %parallel_loop3A_186 = arith.mulf %parallel_loop3A_185, %parallel_loop3A_133 : vector<16xf32>
        %parallel_loop3A_187 = arith.index_cast %parallel_loop3A_128 : i32 to index
        %parallel_loop3A_188 = arith.constant 112 : index
        %parallel_loop3A_189 = tpu.vector_load %arg12[%parallel_loop3A_187, %parallel_loop3A_188] {strides = array<i32>} : memref<80x128xf32, #tpu.memory_space<vmem>>, vector<16xf32>,
        tpu.vector_store %arg12[%parallel_loop3A_187, %parallel_loop3A_188], %parallel_loop3A_186 {strides = array<i32>} : memref<80x128xf32, #tpu.memory_space<vmem>>, vector<16xf32>,
      } {sc.loop_unroll_factor = 2 : i64, sc.parallel_access}
      %dma_start3A_77 = arith.constant 0 : i32
      %dma_start3A_78 = tpu.memref_slice %arg9[%add3A_59, %dma_start3A_77] : memref<125x80xi32, #tpu.memory_space<vmem>> -> memref<1x80xi32, #tpu.memory_space<vmem>>
      %dma_start3A_79 = tpu.memref_squeeze %dma_start3A_78 : memref<1x80xi32, #tpu.memory_space<vmem>> -> memref<80xi32, #tpu.memory_space<vmem>>
      %dma_start3A_80 = arith.constant 0 : i32
      %dma_start3A_81 = arith.constant 0 : i32
      %dma_start3A_82 = tpu.memref_slice %arg14[%dma_start3A_80, %dma_start3A_81] : memref<10000x128xf32, #tpu.memory_space<vmem_shared>> -> memref<10000x128xf32, #tpu.memory_space<vmem_shared>>
      tpu.enqueue_indirect_dma source(%arg12 : memref<80x128xf32, #tpu.memory_space<vmem>>) target(%dma_start3A_82 : memref<10000x128xf32, #tpu.memory_space<vmem_shared>>) offsets(%dma_start3A_79 : memref<80xi32, #tpu.memory_space<vmem>>) semaphore(%arg17 : memref<!tpu.dma_semaphore, #tpu.memory_space<semaphore_mem>>) {add = true}
      %dma_wait3A_83 = arith.constant 0 : i32
      %dma_wait3A_84 = arith.constant 0 : i32
      %dma_wait3A_85 = tpu.memref_slice %arg2[%dma_wait3A_83, %dma_wait3A_84] : memref<10000x128xf32, #tpu.memory_space<hbm>> -> memref<10000x128xf32, #tpu.memory_space<hbm>>
      tpu.wait_indirect_dma semaphore(%arg16 : memref<!tpu.dma_semaphore, #tpu.memory_space<semaphore_mem>>) src(%dma_wait3A_85 : memref<10000x128xf32, #tpu.memory_space<hbm>>) dst(%arg13 : memref<80x128xf32, #tpu.memory_space<vmem>>)
      %add3A_86 = arith.constant 2 : i32
      %add3A_87 = arith.addi %add3A_63, %add3A_86 : i32
      %lt3A_88 = arith.constant 125 : i32
      %lt3A_89 = arith.cmpi slt, %add3A_87, %lt3A_88 : i32
      %convert_element_type3A_90 = arith.extui %lt3A_89 : i1 to i32
      %cond3A_91 = arith.constant 0 : i32
      %cond3A_92 = arith.cmpi ne, %convert_element_type3A_90, %cond3A_91 : i32
      scf.if %cond3A_92 {
        %add3A_128 = arith.constant 2 : i32
        %add3A_129 = arith.addi %add3A_63, %add3A_128 : i32
        %mul3A_130 = arith.constant 80 : i32
        %mul3A_131 = arith.muli %add3A_129, %mul3A_130 : i32
        %add3A_132 = arith.addi %multiple_of3A, %mul3A_131 : i32
        %multiple_of3A_133 = tpu.assume_multiple %add3A_132, 8 : i32
        %dma_start3A_134 = tpu.memref_slice %arg3[%multiple_of3A_133] : memref<320000xi32, #tpu.memory_space<hbm>> -> memref<80xi32, #tpu.memory_space<hbm>>
        %dma_start3A_135 = tpu.memref_slice %arg3[%multiple_of3A_133] : memref<320000xi32, #tpu.memory_space<hbm>> -> memref<80xi32, #tpu.memory_space<hbm>>
        tpu.enqueue_dma source(%dma_start3A_135 : memref<80xi32, #tpu.memory_space<hbm>>) target(%arg11 : memref<80xi32, #tpu.memory_space<vmem>>) target_semaphore(%arg20 : memref<!tpu.dma_semaphore, #tpu.memory_space<semaphore_mem>>)
      } else {
      }
      %parallel_loop3A_93 = arith.constant 0 : i32
      %parallel_loop3A_94 = arith.constant 80 : i32
      %parallel_loop3A_95 = arith.constant 1 : i32
      scf.for %parallel_loop3A_128 = %parallel_loop3A_93 to %parallel_loop3A_94 step %parallel_loop3A_95  : i32 {
        %parallel_loop3A_129 = arith.constant 80 : i32
        %parallel_loop3A_130 = arith.muli %add3A_63, %parallel_loop3A_129 : i32
        %parallel_loop3A_131 = arith.addi %parallel_loop3A_130, %parallel_loop3A_128 : i32
        %parallel_loop3A_132 = vector.broadcast %parallel_loop3A_131 : i32 to vector<16xi32>
        %parallel_loop3A_133 = tpu.vector_load_idx %arg8[%parallel_loop3A_132] : memref<10000xf32, #tpu.memory_space<vmem>>[vector<16xi32>], vector<16xf32>,
        %parallel_loop3A_134 = arith.index_cast %parallel_loop3A_128 : i32 to index
        %parallel_loop3A_135 = arith.constant 0 : index
        %parallel_loop3A_136 = tpu.vector_load %arg13[%parallel_loop3A_134, %parallel_loop3A_135] {strides = array<i32>} : memref<80x128xf32, #tpu.memory_space<vmem>>, vector<16xf32>,
        %parallel_loop3A_137 = arith.mulf %parallel_loop3A_136, %parallel_loop3A_133 : vector<16xf32>
        %parallel_loop3A_138 = arith.index_cast %parallel_loop3A_128 : i32 to index
        %parallel_loop3A_139 = arith.constant 0 : index
        %parallel_loop3A_140 = tpu.vector_load %arg13[%parallel_loop3A_138, %parallel_loop3A_139] {strides = array<i32>} : memref<80x128xf32, #tpu.memory_space<vmem>>, vector<16xf32>,
        tpu.vector_store %arg13[%parallel_loop3A_138, %parallel_loop3A_139], %parallel_loop3A_137 {strides = array<i32>} : memref<80x128xf32, #tpu.memory_space<vmem>>, vector<16xf32>,
        %parallel_loop3A_141 = arith.index_cast %parallel_loop3A_128 : i32 to index
        %parallel_loop3A_142 = arith.constant 16 : index
        %parallel_loop3A_143 = tpu.vector_load %arg13[%parallel_loop3A_141, %parallel_loop3A_142] {strides = array<i32>} : memref<80x128xf32, #tpu.memory_space<vmem>>, vector<16xf32>,
        %parallel_loop3A_144 = arith.mulf %parallel_loop3A_143, %parallel_loop3A_133 : vector<16xf32>
        %parallel_loop3A_145 = arith.index_cast %parallel_loop3A_128 : i32 to index
        %parallel_loop3A_146 = arith.constant 16 : index
        %parallel_loop3A_147 = tpu.vector_load %arg13[%parallel_loop3A_145, %parallel_loop3A_146] {strides = array<i32>} : memref<80x128xf32, #tpu.memory_space<vmem>>, vector<16xf32>,
        tpu.vector_store %arg13[%parallel_loop3A_145, %parallel_loop3A_146], %parallel_loop3A_144 {strides = array<i32>} : memref<80x128xf32, #tpu.memory_space<vmem>>, vector<16xf32>,
        %parallel_loop3A_148 = arith.index_cast %parallel_loop3A_128 : i32 to index
        %parallel_loop3A_149 = arith.constant 32 : index
        %parallel_loop3A_150 = tpu.vector_load %arg13[%parallel_loop3A_148, %parallel_loop3A_149] {strides = array<i32>} : memref<80x128xf32, #tpu.memory_space<vmem>>, vector<16xf32>,
        %parallel_loop3A_151 = arith.mulf %parallel_loop3A_150, %parallel_loop3A_133 : vector<16xf32>
        %parallel_loop3A_152 = arith.index_cast %parallel_loop3A_128 : i32 to index
        %parallel_loop3A_153 = arith.constant 32 : index
        %parallel_loop3A_154 = tpu.vector_load %arg13[%parallel_loop3A_152, %parallel_loop3A_153] {strides = array<i32>} : memref<80x128xf32, #tpu.memory_space<vmem>>, vector<16xf32>,
        tpu.vector_store %arg13[%parallel_loop3A_152, %parallel_loop3A_153], %parallel_loop3A_151 {strides = array<i32>} : memref<80x128xf32, #tpu.memory_space<vmem>>, vector<16xf32>,
        %parallel_loop3A_155 = arith.index_cast %parallel_loop3A_128 : i32 to index
        %parallel_loop3A_156 = arith.constant 48 : index
        %parallel_loop3A_157 = tpu.vector_load %arg13[%parallel_loop3A_155, %parallel_loop3A_156] {strides = array<i32>} : memref<80x128xf32, #tpu.memory_space<vmem>>, vector<16xf32>,
        %parallel_loop3A_158 = arith.mulf %parallel_loop3A_157, %parallel_loop3A_133 : vector<16xf32>
        %parallel_loop3A_159 = arith.index_cast %parallel_loop3A_128 : i32 to index
        %parallel_loop3A_160 = arith.constant 48 : index
        %parallel_loop3A_161 = tpu.vector_load %arg13[%parallel_loop3A_159, %parallel_loop3A_160] {strides = array<i32>} : memref<80x128xf32, #tpu.memory_space<vmem>>, vector<16xf32>,
        tpu.vector_store %arg13[%parallel_loop3A_159, %parallel_loop3A_160], %parallel_loop3A_158 {strides = array<i32>} : memref<80x128xf32, #tpu.memory_space<vmem>>, vector<16xf32>,
        %parallel_loop3A_162 = arith.index_cast %parallel_loop3A_128 : i32 to index
        %parallel_loop3A_163 = arith.constant 64 : index
        %parallel_loop3A_164 = tpu.vector_load %arg13[%parallel_loop3A_162, %parallel_loop3A_163] {strides = array<i32>} : memref<80x128xf32, #tpu.memory_space<vmem>>, vector<16xf32>,
        %parallel_loop3A_165 = arith.mulf %parallel_loop3A_164, %parallel_loop3A_133 : vector<16xf32>
        %parallel_loop3A_166 = arith.index_cast %parallel_loop3A_128 : i32 to index
        %parallel_loop3A_167 = arith.constant 64 : index
        %parallel_loop3A_168 = tpu.vector_load %arg13[%parallel_loop3A_166, %parallel_loop3A_167] {strides = array<i32>} : memref<80x128xf32, #tpu.memory_space<vmem>>, vector<16xf32>,
        tpu.vector_store %arg13[%parallel_loop3A_166, %parallel_loop3A_167], %parallel_loop3A_165 {strides = array<i32>} : memref<80x128xf32, #tpu.memory_space<vmem>>, vector<16xf32>,
        %parallel_loop3A_169 = arith.index_cast %parallel_loop3A_128 : i32 to index
        %parallel_loop3A_170 = arith.constant 80 : index
        %parallel_loop3A_171 = tpu.vector_load %arg13[%parallel_loop3A_169, %parallel_loop3A_170] {strides = array<i32>} : memref<80x128xf32, #tpu.memory_space<vmem>>, vector<16xf32>,
        %parallel_loop3A_172 = arith.mulf %parallel_loop3A_171, %parallel_loop3A_133 : vector<16xf32>
        %parallel_loop3A_173 = arith.index_cast %parallel_loop3A_128 : i32 to index
        %parallel_loop3A_174 = arith.constant 80 : index
        %parallel_loop3A_175 = tpu.vector_load %arg13[%parallel_loop3A_173, %parallel_loop3A_174] {strides = array<i32>} : memref<80x128xf32, #tpu.memory_space<vmem>>, vector<16xf32>,
        tpu.vector_store %arg13[%parallel_loop3A_173, %parallel_loop3A_174], %parallel_loop3A_172 {strides = array<i32>} : memref<80x128xf32, #tpu.memory_space<vmem>>, vector<16xf32>,
        %parallel_loop3A_176 = arith.index_cast %parallel_loop3A_128 : i32 to index
        %parallel_loop3A_177 = arith.constant 96 : index
        %parallel_loop3A_178 = tpu.vector_load %arg13[%parallel_loop3A_176, %parallel_loop3A_177] {strides = array<i32>} : memref<80x128xf32, #tpu.memory_space<vmem>>, vector<16xf32>,
        %parallel_loop3A_179 = arith.mulf %parallel_loop3A_178, %parallel_loop3A_133 : vector<16xf32>
        %parallel_loop3A_180 = arith.index_cast %parallel_loop3A_128 : i32 to index
        %parallel_loop3A_181 = arith.constant 96 : index
        %parallel_loop3A_182 = tpu.vector_load %arg13[%parallel_loop3A_180, %parallel_loop3A_181] {strides = array<i32>} : memref<80x128xf32, #tpu.memory_space<vmem>>, vector<16xf32>,
        tpu.vector_store %arg13[%parallel_loop3A_180, %parallel_loop3A_181], %parallel_loop3A_179 {strides = array<i32>} : memref<80x128xf32, #tpu.memory_space<vmem>>, vector<16xf32>,
        %parallel_loop3A_183 = arith.index_cast %parallel_loop3A_128 : i32 to index
        %parallel_loop3A_184 = arith.constant 112 : index
        %parallel_loop3A_185 = tpu.vector_load %arg13[%parallel_loop3A_183, %parallel_loop3A_184] {strides = array<i32>} : memref<80x128xf32, #tpu.memory_space<vmem>>, vector<16xf32>,
        %parallel_loop3A_186 = arith.mulf %parallel_loop3A_185, %parallel_loop3A_133 : vector<16xf32>
        %parallel_loop3A_187 = arith.index_cast %parallel_loop3A_128 : i32 to index
        %parallel_loop3A_188 = arith.constant 112 : index
        %parallel_loop3A_189 = tpu.vector_load %arg13[%parallel_loop3A_187, %parallel_loop3A_188] {strides = array<i32>} : memref<80x128xf32, #tpu.memory_space<vmem>>, vector<16xf32>,
        tpu.vector_store %arg13[%parallel_loop3A_187, %parallel_loop3A_188], %parallel_loop3A_186 {strides = array<i32>} : memref<80x128xf32, #tpu.memory_space<vmem>>, vector<16xf32>,
      } {sc.loop_unroll_factor = 2 : i64, sc.parallel_access}
      %dma_start3A_96 = arith.constant 0 : i32
      %dma_start3A_97 = tpu.memref_slice %arg9[%add3A_63, %dma_start3A_96] : memref<125x80xi32, #tpu.memory_space<vmem>> -> memref<1x80xi32, #tpu.memory_space<vmem>>
      %dma_start3A_98 = tpu.memref_squeeze %dma_start3A_97 : memref<1x80xi32, #tpu.memory_space<vmem>> -> memref<80xi32, #tpu.memory_space<vmem>>
      %dma_start3A_99 = arith.constant 0 : i32
      %dma_start3A_100 = arith.constant 0 : i32
      %dma_start3A_101 = tpu.memref_slice %arg14[%dma_start3A_99, %dma_start3A_100] : memref<10000x128xf32, #tpu.memory_space<vmem_shared>> -> memref<10000x128xf32, #tpu.memory_space<vmem_shared>>
      tpu.enqueue_indirect_dma source(%arg13 : memref<80x128xf32, #tpu.memory_space<vmem>>) target(%dma_start3A_101 : memref<10000x128xf32, #tpu.memory_space<vmem_shared>>) offsets(%dma_start3A_98 : memref<80xi32, #tpu.memory_space<vmem>>) semaphore(%arg18 : memref<!tpu.dma_semaphore, #tpu.memory_space<semaphore_mem>>) {add = true}
      %dma_wait3A_102 = arith.constant 0 : i32
      %dma_wait3A_103 = tpu.memref_slice %arg9[%add3A_59, %dma_wait3A_102] : memref<125x80xi32, #tpu.memory_space<vmem>> -> memref<1x80xi32, #tpu.memory_space<vmem>>
      %dma_wait3A_104 = tpu.memref_squeeze %dma_wait3A_103 : memref<1x80xi32, #tpu.memory_space<vmem>> -> memref<80xi32, #tpu.memory_space<vmem>>
      %dma_wait3A_105 = arith.constant 0 : i32
      %dma_wait3A_106 = arith.constant 0 : i32
      %dma_wait3A_107 = tpu.memref_slice %arg14[%dma_wait3A_105, %dma_wait3A_106] : memref<10000x128xf32, #tpu.memory_space<vmem_shared>> -> memref<10000x128xf32, #tpu.memory_space<vmem_shared>>
      tpu.wait_indirect_dma semaphore(%arg17 : memref<!tpu.dma_semaphore, #tpu.memory_space<semaphore_mem>>) src(%arg12 : memref<80x128xf32, #tpu.memory_space<vmem>>) dst(%dma_wait3A_107 : memref<10000x128xf32, #tpu.memory_space<vmem_shared>>)
      %add3A_108 = arith.constant 2 : i32
      %add3A_109 = arith.addi %add3A_59, %add3A_108 : i32
      %lt3A_110 = arith.constant 125 : i32
      %lt3A_111 = arith.cmpi slt, %add3A_109, %lt3A_110 : i32
      %convert_element_type3A_112 = arith.extui %lt3A_111 : i1 to i32
      %cond3A_113 = arith.constant 0 : i32
      %cond3A_114 = arith.cmpi ne, %convert_element_type3A_112, %cond3A_113 : i32
      scf.if %cond3A_114 {
        %add3A_128 = arith.constant 2 : i32
        %add3A_129 = arith.addi %add3A_59, %add3A_128 : i32
        %mul3A_130 = arith.constant 80 : i32
        %mul3A_131 = arith.muli %add3A_129, %mul3A_130 : i32
        %add3A_132 = arith.addi %multiple_of3A, %mul3A_131 : i32
        %multiple_of3A_133 = tpu.assume_multiple %add3A_132, 8 : i32
        %dma_wait3A_134 = tpu.memref_slice %arg3[%multiple_of3A_133] : memref<320000xi32, #tpu.memory_space<hbm>> -> memref<80xi32, #tpu.memory_space<hbm>>
        %dma_wait3A_135 = tpu.memref_slice %arg3[%multiple_of3A_133] : memref<320000xi32, #tpu.memory_space<hbm>> -> memref<80xi32, #tpu.memory_space<hbm>>
        tpu.wait_dma2 semaphore(%arg19 : memref<!tpu.dma_semaphore, #tpu.memory_space<semaphore_mem>>) src(%dma_wait3A_135 : memref<80xi32, #tpu.memory_space<hbm>>) dst(%arg10 : memref<80xi32, #tpu.memory_space<vmem>>)
        %dma_start3A_136 = arith.constant 0 : i32
        %dma_start3A_137 = arith.constant 0 : i32
        %dma_start3A_138 = tpu.memref_slice %arg2[%dma_start3A_136, %dma_start3A_137] : memref<10000x128xf32, #tpu.memory_space<hbm>> -> memref<10000x128xf32, #tpu.memory_space<hbm>>
        tpu.enqueue_indirect_dma source(%dma_start3A_138 : memref<10000x128xf32, #tpu.memory_space<hbm>>) target(%arg12 : memref<80x128xf32, #tpu.memory_space<vmem>>) offsets(%arg10 : memref<80xi32, #tpu.memory_space<vmem>>) semaphore(%arg15 : memref<!tpu.dma_semaphore, #tpu.memory_space<semaphore_mem>>)
      } else {
      }
      %dma_wait3A_115 = arith.constant 0 : i32
      %dma_wait3A_116 = tpu.memref_slice %arg9[%add3A_63, %dma_wait3A_115] : memref<125x80xi32, #tpu.memory_space<vmem>> -> memref<1x80xi32, #tpu.memory_space<vmem>>
      %dma_wait3A_117 = tpu.memref_squeeze %dma_wait3A_116 : memref<1x80xi32, #tpu.memory_space<vmem>> -> memref<80xi32, #tpu.memory_space<vmem>>
      %dma_wait3A_118 = arith.constant 0 : i32
      %dma_wait3A_119 = arith.constant 0 : i32
      %dma_wait3A_120 = tpu.memref_slice %arg14[%dma_wait3A_118, %dma_wait3A_119] : memref<10000x128xf32, #tpu.memory_space<vmem_shared>> -> memref<10000x128xf32, #tpu.memory_space<vmem_shared>>
      tpu.wait_indirect_dma semaphore(%arg18 : memref<!tpu.dma_semaphore, #tpu.memory_space<semaphore_mem>>) src(%arg13 : memref<80x128xf32, #tpu.memory_space<vmem>>) dst(%dma_wait3A_120 : memref<10000x128xf32, #tpu.memory_space<vmem_shared>>)
      %add3A_121 = arith.constant 2 : i32
      %add3A_122 = arith.addi %add3A_63, %add3A_121 : i32
      %lt3A_123 = arith.constant 125 : i32
      %lt3A_124 = arith.cmpi slt, %add3A_122, %lt3A_123 : i32
      %convert_element_type3A_125 = arith.extui %lt3A_124 : i1 to i32
      %cond3A_126 = arith.constant 0 : i32
      %cond3A_127 = arith.cmpi ne, %convert_element_type3A_125, %cond3A_126 : i32
      scf.if %cond3A_127 {
        %add3A_128 = arith.constant 2 : i32
        %add3A_129 = arith.addi %add3A_63, %add3A_128 : i32
        %mul3A_130 = arith.constant 80 : i32
        %mul3A_131 = arith.muli %add3A_129, %mul3A_130 : i32
        %add3A_132 = arith.addi %multiple_of3A, %mul3A_131 : i32
        %multiple_of3A_133 = tpu.assume_multiple %add3A_132, 8 : i32
        %dma_wait3A_134 = tpu.memref_slice %arg3[%multiple_of3A_133] : memref<320000xi32, #tpu.memory_space<hbm>> -> memref<80xi32, #tpu.memory_space<hbm>>
        %dma_wait3A_135 = tpu.memref_slice %arg3[%multiple_of3A_133] : memref<320000xi32, #tpu.memory_space<hbm>> -> memref<80xi32, #tpu.memory_space<hbm>>
        tpu.wait_dma2 semaphore(%arg20 : memref<!tpu.dma_semaphore, #tpu.memory_space<semaphore_mem>>) src(%dma_wait3A_135 : memref<80xi32, #tpu.memory_space<hbm>>) dst(%arg11 : memref<80xi32, #tpu.memory_space<vmem>>)
        %dma_start3A_136 = arith.constant 0 : i32
        %dma_start3A_137 = arith.constant 0 : i32
        %dma_start3A_138 = tpu.memref_slice %arg2[%dma_start3A_136, %dma_start3A_137] : memref<10000x128xf32, #tpu.memory_space<hbm>> -> memref<10000x128xf32, #tpu.memory_space<hbm>>
        tpu.enqueue_indirect_dma source(%dma_start3A_138 : memref<10000x128xf32, #tpu.memory_space<hbm>>) target(%arg13 : memref<80x128xf32, #tpu.memory_space<vmem>>) offsets(%arg11 : memref<80xi32, #tpu.memory_space<vmem>>) semaphore(%arg16 : memref<!tpu.dma_semaphore, #tpu.memory_space<semaphore_mem>>)
      } else {
      }
    }
    %scan3A_37 = arith.constant 62 : i32
    %barrier3A_38 = arith.constant 0 : index
    tpu.barrier barrier_id(%barrier3A_38)
    %mul3A_39 = arith.constant 10000 : i32
    %mul3A_40 = arith.muli %arg0, %mul3A_39 : i32
    %mul3A_41 = arith.constant 624 : i32
    %mul3A_42 = arith.muli %arg1, %mul3A_41 : i32
    %add3A_43 = arith.addi %mul3A_40, %mul3A_42 : i32
    %multiple_of3A_44 = tpu.assume_multiple %add3A_43, 8 : i32
    %lt3A_45 = arith.constant 15 : i32
    %lt3A_46 = arith.cmpi slt, %arg1, %lt3A_45 : i32
    %convert_element_type3A_47 = arith.extui %lt3A_46 : i1 to i32
    %cond3A_48 = arith.constant 0 : i32
    %cond3A_49 = arith.cmpi ne, %convert_element_type3A_47, %cond3A_48 : i32
    scf.if %cond3A_49 {
      "tpu.region"() ({
        %run_scoped3A_55 = tpu.sem_alloc : memref<!tpu.dma_semaphore, #tpu.memory_space<semaphore_mem>>
        %dma_start3A_56 = arith.constant 0 : i32
        %dma_start3A_57 = tpu.memref_slice %arg7[%multiple_of3A_44, %dma_start3A_56] : memref<20000x128xf32, #tpu.memory_space<hbm>> -> memref<624x128xf32, #tpu.memory_space<hbm>>
        %dma_start3A_58 = arith.constant 0 : i32
        %dma_start3A_59 = tpu.memref_slice %arg14[%multiple_of3A_5, %dma_start3A_58] : memref<10000x128xf32, #tpu.memory_space<vmem_shared>> -> memref<624x128xf32, #tpu.memory_space<vmem_shared>>
        tpu.enqueue_dma source(%dma_start3A_59 : memref<624x128xf32, #tpu.memory_space<vmem_shared>>) target(%dma_start3A_57 : memref<624x128xf32, #tpu.memory_space<hbm>>) target_semaphore(%run_scoped3A_55 : memref<!tpu.dma_semaphore, #tpu.memory_space<semaphore_mem>>)
        %dma_wait3A_60 = arith.constant 0 : i32
        %dma_wait3A_61 = tpu.memref_slice %arg7[%multiple_of3A_44, %dma_wait3A_60] : memref<20000x128xf32, #tpu.memory_space<hbm>> -> memref<624x128xf32, #tpu.memory_space<hbm>>
        %dma_wait3A_62 = arith.constant 0 : i32
        %dma_wait3A_63 = tpu.memref_slice %arg14[%multiple_of3A_5, %dma_wait3A_62] : memref<10000x128xf32, #tpu.memory_space<vmem_shared>> -> memref<624x128xf32, #tpu.memory_space<vmem_shared>>
        tpu.wait_dma2 semaphore(%run_scoped3A_55 : memref<!tpu.dma_semaphore, #tpu.memory_space<semaphore_mem>>) src(%dma_wait3A_63 : memref<624x128xf32, #tpu.memory_space<vmem_shared>>) dst(%dma_wait3A_61 : memref<624x128xf32, #tpu.memory_space<hbm>>)
        tpu.yield
      }) : () -> ()
    } else {
    }
    %eq3A_50 = arith.constant 15 : i32
    %eq3A_51 = arith.cmpi eq, %arg1, %eq3A_50 : i32
    %convert_element_type3A_52 = arith.extui %eq3A_51 : i1 to i32
    %cond3A_53 = arith.constant 0 : i32
    %cond3A_54 = arith.cmpi ne, %convert_element_type3A_52, %cond3A_53 : i32
    scf.if %cond3A_54 {
      "tpu.region"() ({
        %run_scoped3A_55 = tpu.sem_alloc : memref<!tpu.dma_semaphore, #tpu.memory_space<semaphore_mem>>
        %dma_start3A_56 = arith.constant 0 : i32
        %dma_start3A_57 = tpu.memref_slice %arg7[%multiple_of3A_44, %dma_start3A_56] : memref<20000x128xf32, #tpu.memory_space<hbm>> -> memref<640x128xf32, #tpu.memory_space<hbm>>
        %dma_start3A_58 = arith.constant 0 : i32
        %dma_start3A_59 = tpu.memref_slice %arg14[%multiple_of3A_5, %dma_start3A_58] : memref<10000x128xf32, #tpu.memory_space<vmem_shared>> -> memref<640x128xf32, #tpu.memory_space<vmem_shared>>
        tpu.enqueue_dma source(%dma_start3A_59 : memref<640x128xf32, #tpu.memory_space<vmem_shared>>) target(%dma_start3A_57 : memref<640x128xf32, #tpu.memory_space<hbm>>) target_semaphore(%run_scoped3A_55 : memref<!tpu.dma_semaphore, #tpu.memory_space<semaphore_mem>>)
        %dma_wait3A_60 = arith.constant 0 : i32
        %dma_wait3A_61 = tpu.memref_slice %arg7[%multiple_of3A_44, %dma_wait3A_60] : memref<20000x128xf32, #tpu.memory_space<hbm>> -> memref<640x128xf32, #tpu.memory_space<hbm>>
        %dma_wait3A_62 = arith.constant 0 : i32
        %dma_wait3A_63 = tpu.memref_slice %arg14[%multiple_of3A_5, %dma_wait3A_62] : memref<10000x128xf32, #tpu.memory_space<vmem_shared>> -> memref<640x128xf32, #tpu.memory_space<vmem_shared>>
        tpu.wait_dma2 semaphore(%run_scoped3A_55 : memref<!tpu.dma_semaphore, #tpu.memory_space<semaphore_mem>>) src(%dma_wait3A_63 : memref<640x128xf32, #tpu.memory_space<vmem_shared>>) dst(%dma_wait3A_61 : memref<640x128xf32, #tpu.memory_space<hbm>>)
        tpu.yield
      }) : () -> ()
    } else {
    }
    return
  }
}

#map = affine_map<(d0, d1) -> (0, 0, 0)>
#map1 = affine_map<(d0, d1) -> (0)>
module attributes {stable_mosaic.version = 14 : i64} {
  func.func @_sc_deg_body(%arg0: i32, %arg1: i32, %arg2: memref<32x125x80xi32, #tpu.memory_space<hbm>>, %arg3: memref<320000xf32, #tpu.memory_space<hbm>>, %arg4: memref<10000xf32, #tpu.memory_space<hbm>>, %arg5: memref<20000xf32, #tpu.memory_space<hbm>>, %arg6: memref<125x80xi32, #tpu.memory_space<vmem>>, %arg7: memref<10000xf32, #tpu.memory_space<vmem>>, %arg8: memref<10000xf32, #tpu.memory_space<vmem>>, %arg9: memref<10000xf32, #tpu.memory_space<vmem_shared>>, %arg10: memref<!tpu.dma_semaphore, #tpu.memory_space<semaphore_mem>>) attributes {dimension_semantics = [#tpu.dimension_semantics<core_parallel>, #tpu.dimension_semantics<subcore_parallel>], iteration_bounds = array<i64: 2, 16>, scalar_prefetch = 0 : i64, scratch_operands = 5 : i64, tpu.core_type = #tpu.core_type<sc_vector_subcore>, window_params = [{transform_indices = #map}, {transform_indices = #map1}, {transform_indices = #map1}, {transform_indices = #map1}]} {
    %mul3A = arith.constant 2 : i32
    %mul3A_0 = arith.muli %arg1, %mul3A : i32
    %add3A = arith.addi %mul3A_0, %arg0 : i32
    %eq3A = arith.constant 0 : i32
    %eq3A_1 = arith.cmpi eq, %arg1, %eq3A : i32
    %convert_element_type3A = arith.extui %eq3A_1 : i1 to i32
    %cond3A = arith.constant 0 : i32
    %cond3A_2 = arith.cmpi ne, %convert_element_type3A, %cond3A : i32
    scf.if %cond3A_2 {
      "tpu.region"() ({
        %run_scoped3A = tpu.sem_alloc : memref<!tpu.dma_semaphore, #tpu.memory_space<semaphore_mem>>
        tpu.enqueue_dma source(%arg4 : memref<10000xf32, #tpu.memory_space<hbm>>) target(%arg8 : memref<10000xf32, #tpu.memory_space<vmem>>) target_semaphore(%run_scoped3A : memref<!tpu.dma_semaphore, #tpu.memory_space<semaphore_mem>>)
        tpu.wait_dma2 semaphore(%run_scoped3A : memref<!tpu.dma_semaphore, #tpu.memory_space<semaphore_mem>>) src(%arg4 : memref<10000xf32, #tpu.memory_space<hbm>>) dst(%arg8 : memref<10000xf32, #tpu.memory_space<vmem>>)
        tpu.yield
      }) : () -> ()
      "tpu.region"() ({
        %run_scoped3A = tpu.sem_alloc : memref<!tpu.dma_semaphore, #tpu.memory_space<semaphore_mem>>
        tpu.enqueue_dma source(%arg8 : memref<10000xf32, #tpu.memory_space<vmem>>) target(%arg9 : memref<10000xf32, #tpu.memory_space<vmem_shared>>) target_semaphore(%run_scoped3A : memref<!tpu.dma_semaphore, #tpu.memory_space<semaphore_mem>>)
        tpu.wait_dma2 semaphore(%run_scoped3A : memref<!tpu.dma_semaphore, #tpu.memory_space<semaphore_mem>>) src(%arg8 : memref<10000xf32, #tpu.memory_space<vmem>>) dst(%arg9 : memref<10000xf32, #tpu.memory_space<vmem_shared>>)
        tpu.yield
      }) : () -> ()
    } else {
    }
    "tpu.region"() ({
      %run_scoped3A = tpu.sem_alloc : memref<!tpu.dma_semaphore, #tpu.memory_space<semaphore_mem>>
      %dma_start3A = arith.constant 0 : i32
      %dma_start3A_16 = arith.constant 0 : i32
      %dma_start3A_17 = tpu.memref_slice %arg2[%add3A, %dma_start3A, %dma_start3A_16] : memref<32x125x80xi32, #tpu.memory_space<hbm>> -> memref<1x125x80xi32, #tpu.memory_space<hbm>>
      %dma_start3A_18 = tpu.memref_squeeze %dma_start3A_17 : memref<1x125x80xi32, #tpu.memory_space<hbm>> -> memref<125x80xi32, #tpu.memory_space<hbm>>
      %dma_start3A_19 = arith.constant 0 : i32
      %dma_start3A_20 = arith.constant 0 : i32
      %dma_start3A_21 = tpu.memref_slice %arg2[%add3A, %dma_start3A_19, %dma_start3A_20] : memref<32x125x80xi32, #tpu.memory_space<hbm>> -> memref<1x125x80xi32, #tpu.memory_space<hbm>>
      %dma_start3A_22 = tpu.memref_squeeze %dma_start3A_21 : memref<1x125x80xi32, #tpu.memory_space<hbm>> -> memref<125x80xi32, #tpu.memory_space<hbm>>
      tpu.enqueue_dma source(%dma_start3A_22 : memref<125x80xi32, #tpu.memory_space<hbm>>) target(%arg6 : memref<125x80xi32, #tpu.memory_space<vmem>>) target_semaphore(%run_scoped3A : memref<!tpu.dma_semaphore, #tpu.memory_space<semaphore_mem>>)
      %dma_wait3A = arith.constant 0 : i32
      %dma_wait3A_23 = arith.constant 0 : i32
      %dma_wait3A_24 = tpu.memref_slice %arg2[%add3A, %dma_wait3A, %dma_wait3A_23] : memref<32x125x80xi32, #tpu.memory_space<hbm>> -> memref<1x125x80xi32, #tpu.memory_space<hbm>>
      %dma_wait3A_25 = tpu.memref_squeeze %dma_wait3A_24 : memref<1x125x80xi32, #tpu.memory_space<hbm>> -> memref<125x80xi32, #tpu.memory_space<hbm>>
      %dma_wait3A_26 = arith.constant 0 : i32
      %dma_wait3A_27 = arith.constant 0 : i32
      %dma_wait3A_28 = tpu.memref_slice %arg2[%add3A, %dma_wait3A_26, %dma_wait3A_27] : memref<32x125x80xi32, #tpu.memory_space<hbm>> -> memref<1x125x80xi32, #tpu.memory_space<hbm>>
      %dma_wait3A_29 = tpu.memref_squeeze %dma_wait3A_28 : memref<1x125x80xi32, #tpu.memory_space<hbm>> -> memref<125x80xi32, #tpu.memory_space<hbm>>
      tpu.wait_dma2 semaphore(%run_scoped3A : memref<!tpu.dma_semaphore, #tpu.memory_space<semaphore_mem>>) src(%dma_wait3A_29 : memref<125x80xi32, #tpu.memory_space<hbm>>) dst(%arg6 : memref<125x80xi32, #tpu.memory_space<vmem>>)
      tpu.yield
    }) : () -> ()
    %mul3A_3 = arith.constant 10000 : i32
    %mul3A_4 = arith.muli %add3A, %mul3A_3 : i32
    %multiple_of3A = tpu.assume_multiple %mul3A_4, 8 : i32
    "tpu.region"() ({
      %run_scoped3A = tpu.sem_alloc : memref<!tpu.dma_semaphore, #tpu.memory_space<semaphore_mem>>
      %dma_start3A = tpu.memref_slice %arg3[%multiple_of3A] : memref<320000xf32, #tpu.memory_space<hbm>> -> memref<10000xf32, #tpu.memory_space<hbm>>
      %dma_start3A_16 = tpu.memref_slice %arg3[%multiple_of3A] : memref<320000xf32, #tpu.memory_space<hbm>> -> memref<10000xf32, #tpu.memory_space<hbm>>
      tpu.enqueue_dma source(%dma_start3A_16 : memref<10000xf32, #tpu.memory_space<hbm>>) target(%arg7 : memref<10000xf32, #tpu.memory_space<vmem>>) target_semaphore(%run_scoped3A : memref<!tpu.dma_semaphore, #tpu.memory_space<semaphore_mem>>)
      %dma_wait3A = tpu.memref_slice %arg3[%multiple_of3A] : memref<320000xf32, #tpu.memory_space<hbm>> -> memref<10000xf32, #tpu.memory_space<hbm>>
      %dma_wait3A_17 = tpu.memref_slice %arg3[%multiple_of3A] : memref<320000xf32, #tpu.memory_space<hbm>> -> memref<10000xf32, #tpu.memory_space<hbm>>
      tpu.wait_dma2 semaphore(%run_scoped3A : memref<!tpu.dma_semaphore, #tpu.memory_space<semaphore_mem>>) src(%dma_wait3A_17 : memref<10000xf32, #tpu.memory_space<hbm>>) dst(%arg7 : memref<10000xf32, #tpu.memory_space<vmem>>)
      tpu.yield
    }) : () -> ()
    %barrier3A = arith.constant 0 : index
    tpu.barrier barrier_id(%barrier3A)
    %scan3A = arith.constant 0 : i32
    %scan3A_5 = arith.constant 0 : i32
    %scan3A_6 = arith.constant 25 : i32
    %scan3A_7 = arith.addi %scan3A_5, %scan3A_6 : i32
    %scan3A_8 = arith.constant 1 : i32
    scf.for %scan3A_16 = %scan3A_5 to %scan3A_7 step %scan3A_8  : i32 {
      %mul3A_17 = arith.constant 5 : i32
      %mul3A_18 = arith.muli %scan3A_16, %mul3A_17 : i32
      %add3A_19 = arith.constant 0 : i32
      %add3A_20 = arith.addi %mul3A_18, %add3A_19 : i32
      %mul3A_21 = arith.constant 80 : i32
      %mul3A_22 = arith.muli %add3A_20, %mul3A_21 : i32
      %multiple_of3A_23 = tpu.assume_multiple %mul3A_22, 8 : i32
      %dma_start3A = tpu.memref_slice %arg7[%multiple_of3A_23] : memref<10000xf32, #tpu.memory_space<vmem>> -> memref<80xf32, #tpu.memory_space<vmem>>
      %dma_start3A_24 = arith.constant 0 : i32
      %dma_start3A_25 = tpu.memref_slice %arg6[%add3A_20, %dma_start3A_24] : memref<125x80xi32, #tpu.memory_space<vmem>> -> memref<1x80xi32, #tpu.memory_space<vmem>>
      %dma_start3A_26 = tpu.memref_squeeze %dma_start3A_25 : memref<1x80xi32, #tpu.memory_space<vmem>> -> memref<80xi32, #tpu.memory_space<vmem>>
      %dma_start3A_27 = arith.constant 0 : i32
      %dma_start3A_28 = tpu.memref_slice %arg9[%dma_start3A_27] : memref<10000xf32, #tpu.memory_space<vmem_shared>> -> memref<10000xf32, #tpu.memory_space<vmem_shared>>
      tpu.enqueue_indirect_dma source(%dma_start3A : memref<80xf32, #tpu.memory_space<vmem>>) target(%dma_start3A_28 : memref<10000xf32, #tpu.memory_space<vmem_shared>>) offsets(%dma_start3A_26 : memref<80xi32, #tpu.memory_space<vmem>>) semaphore(%arg10 : memref<!tpu.dma_semaphore, #tpu.memory_space<semaphore_mem>>) {add = true}
      %mul3A_29 = arith.constant 5 : i32
      %mul3A_30 = arith.muli %scan3A_16, %mul3A_29 : i32
      %add3A_31 = arith.constant 1 : i32
      %add3A_32 = arith.addi %mul3A_30, %add3A_31 : i32
      %mul3A_33 = arith.constant 80 : i32
      %mul3A_34 = arith.muli %add3A_32, %mul3A_33 : i32
      %multiple_of3A_35 = tpu.assume_multiple %mul3A_34, 8 : i32
      %dma_start3A_36 = tpu.memref_slice %arg7[%multiple_of3A_35] : memref<10000xf32, #tpu.memory_space<vmem>> -> memref<80xf32, #tpu.memory_space<vmem>>
      %dma_start3A_37 = arith.constant 0 : i32
      %dma_start3A_38 = tpu.memref_slice %arg6[%add3A_32, %dma_start3A_37] : memref<125x80xi32, #tpu.memory_space<vmem>> -> memref<1x80xi32, #tpu.memory_space<vmem>>
      %dma_start3A_39 = tpu.memref_squeeze %dma_start3A_38 : memref<1x80xi32, #tpu.memory_space<vmem>> -> memref<80xi32, #tpu.memory_space<vmem>>
      %dma_start3A_40 = arith.constant 0 : i32
      %dma_start3A_41 = tpu.memref_slice %arg9[%dma_start3A_40] : memref<10000xf32, #tpu.memory_space<vmem_shared>> -> memref<10000xf32, #tpu.memory_space<vmem_shared>>
      tpu.enqueue_indirect_dma source(%dma_start3A_36 : memref<80xf32, #tpu.memory_space<vmem>>) target(%dma_start3A_41 : memref<10000xf32, #tpu.memory_space<vmem_shared>>) offsets(%dma_start3A_39 : memref<80xi32, #tpu.memory_space<vmem>>) semaphore(%arg10 : memref<!tpu.dma_semaphore, #tpu.memory_space<semaphore_mem>>) {add = true}
      %mul3A_42 = arith.constant 5 : i32
      %mul3A_43 = arith.muli %scan3A_16, %mul3A_42 : i32
      %add3A_44 = arith.constant 2 : i32
      %add3A_45 = arith.addi %mul3A_43, %add3A_44 : i32
      %mul3A_46 = arith.constant 80 : i32
      %mul3A_47 = arith.muli %add3A_45, %mul3A_46 : i32
      %multiple_of3A_48 = tpu.assume_multiple %mul3A_47, 8 : i32
      %dma_start3A_49 = tpu.memref_slice %arg7[%multiple_of3A_48] : memref<10000xf32, #tpu.memory_space<vmem>> -> memref<80xf32, #tpu.memory_space<vmem>>
      %dma_start3A_50 = arith.constant 0 : i32
      %dma_start3A_51 = tpu.memref_slice %arg6[%add3A_45, %dma_start3A_50] : memref<125x80xi32, #tpu.memory_space<vmem>> -> memref<1x80xi32, #tpu.memory_space<vmem>>
      %dma_start3A_52 = tpu.memref_squeeze %dma_start3A_51 : memref<1x80xi32, #tpu.memory_space<vmem>> -> memref<80xi32, #tpu.memory_space<vmem>>
      %dma_start3A_53 = arith.constant 0 : i32
      %dma_start3A_54 = tpu.memref_slice %arg9[%dma_start3A_53] : memref<10000xf32, #tpu.memory_space<vmem_shared>> -> memref<10000xf32, #tpu.memory_space<vmem_shared>>
      tpu.enqueue_indirect_dma source(%dma_start3A_49 : memref<80xf32, #tpu.memory_space<vmem>>) target(%dma_start3A_54 : memref<10000xf32, #tpu.memory_space<vmem_shared>>) offsets(%dma_start3A_52 : memref<80xi32, #tpu.memory_space<vmem>>) semaphore(%arg10 : memref<!tpu.dma_semaphore, #tpu.memory_space<semaphore_mem>>) {add = true}
      %mul3A_55 = arith.constant 5 : i32
      %mul3A_56 = arith.muli %scan3A_16, %mul3A_55 : i32
      %add3A_57 = arith.constant 3 : i32
      %add3A_58 = arith.addi %mul3A_56, %add3A_57 : i32
      %mul3A_59 = arith.constant 80 : i32
      %mul3A_60 = arith.muli %add3A_58, %mul3A_59 : i32
      %multiple_of3A_61 = tpu.assume_multiple %mul3A_60, 8 : i32
      %dma_start3A_62 = tpu.memref_slice %arg7[%multiple_of3A_61] : memref<10000xf32, #tpu.memory_space<vmem>> -> memref<80xf32, #tpu.memory_space<vmem>>
      %dma_start3A_63 = arith.constant 0 : i32
      %dma_start3A_64 = tpu.memref_slice %arg6[%add3A_58, %dma_start3A_63] : memref<125x80xi32, #tpu.memory_space<vmem>> -> memref<1x80xi32, #tpu.memory_space<vmem>>
      %dma_start3A_65 = tpu.memref_squeeze %dma_start3A_64 : memref<1x80xi32, #tpu.memory_space<vmem>> -> memref<80xi32, #tpu.memory_space<vmem>>
      %dma_start3A_66 = arith.constant 0 : i32
      %dma_start3A_67 = tpu.memref_slice %arg9[%dma_start3A_66] : memref<10000xf32, #tpu.memory_space<vmem_shared>> -> memref<10000xf32, #tpu.memory_space<vmem_shared>>
      tpu.enqueue_indirect_dma source(%dma_start3A_62 : memref<80xf32, #tpu.memory_space<vmem>>) target(%dma_start3A_67 : memref<10000xf32, #tpu.memory_space<vmem_shared>>) offsets(%dma_start3A_65 : memref<80xi32, #tpu.memory_space<vmem>>) semaphore(%arg10 : memref<!tpu.dma_semaphore, #tpu.memory_space<semaphore_mem>>) {add = true}
      %mul3A_68 = arith.constant 5 : i32
      %mul3A_69 = arith.muli %scan3A_16, %mul3A_68 : i32
      %add3A_70 = arith.constant 4 : i32
      %add3A_71 = arith.addi %mul3A_69, %add3A_70 : i32
      %mul3A_72 = arith.constant 80 : i32
      %mul3A_73 = arith.muli %add3A_71, %mul3A_72 : i32
      %multiple_of3A_74 = tpu.assume_multiple %mul3A_73, 8 : i32
      %dma_start3A_75 = tpu.memref_slice %arg7[%multiple_of3A_74] : memref<10000xf32, #tpu.memory_space<vmem>> -> memref<80xf32, #tpu.memory_space<vmem>>
      %dma_start3A_76 = arith.constant 0 : i32
      %dma_start3A_77 = tpu.memref_slice %arg6[%add3A_71, %dma_start3A_76] : memref<125x80xi32, #tpu.memory_space<vmem>> -> memref<1x80xi32, #tpu.memory_space<vmem>>
      %dma_start3A_78 = tpu.memref_squeeze %dma_start3A_77 : memref<1x80xi32, #tpu.memory_space<vmem>> -> memref<80xi32, #tpu.memory_space<vmem>>
      %dma_start3A_79 = arith.constant 0 : i32
      %dma_start3A_80 = tpu.memref_slice %arg9[%dma_start3A_79] : memref<10000xf32, #tpu.memory_space<vmem_shared>> -> memref<10000xf32, #tpu.memory_space<vmem_shared>>
      tpu.enqueue_indirect_dma source(%dma_start3A_75 : memref<80xf32, #tpu.memory_space<vmem>>) target(%dma_start3A_80 : memref<10000xf32, #tpu.memory_space<vmem_shared>>) offsets(%dma_start3A_78 : memref<80xi32, #tpu.memory_space<vmem>>) semaphore(%arg10 : memref<!tpu.dma_semaphore, #tpu.memory_space<semaphore_mem>>) {add = true}
      %mul3A_81 = arith.constant 5 : i32
      %mul3A_82 = arith.muli %scan3A_16, %mul3A_81 : i32
      %add3A_83 = arith.constant 0 : i32
      %add3A_84 = arith.addi %mul3A_82, %add3A_83 : i32
      %mul3A_85 = arith.constant 80 : i32
      %mul3A_86 = arith.muli %add3A_84, %mul3A_85 : i32
      %multiple_of3A_87 = tpu.assume_multiple %mul3A_86, 8 : i32
      %dma_wait3A = tpu.memref_slice %arg7[%multiple_of3A_87] : memref<10000xf32, #tpu.memory_space<vmem>> -> memref<80xf32, #tpu.memory_space<vmem>>
      %dma_wait3A_88 = arith.constant 0 : i32
      %dma_wait3A_89 = tpu.memref_slice %arg6[%add3A_84, %dma_wait3A_88] : memref<125x80xi32, #tpu.memory_space<vmem>> -> memref<1x80xi32, #tpu.memory_space<vmem>>
      %dma_wait3A_90 = tpu.memref_squeeze %dma_wait3A_89 : memref<1x80xi32, #tpu.memory_space<vmem>> -> memref<80xi32, #tpu.memory_space<vmem>>
      %dma_wait3A_91 = arith.constant 0 : i32
      %dma_wait3A_92 = tpu.memref_slice %arg9[%dma_wait3A_91] : memref<10000xf32, #tpu.memory_space<vmem_shared>> -> memref<10000xf32, #tpu.memory_space<vmem_shared>>
      tpu.wait_indirect_dma semaphore(%arg10 : memref<!tpu.dma_semaphore, #tpu.memory_space<semaphore_mem>>) src(%dma_wait3A : memref<80xf32, #tpu.memory_space<vmem>>) dst(%dma_wait3A_92 : memref<10000xf32, #tpu.memory_space<vmem_shared>>)
      %mul3A_93 = arith.constant 5 : i32
      %mul3A_94 = arith.muli %scan3A_16, %mul3A_93 : i32
      %add3A_95 = arith.constant 1 : i32
      %add3A_96 = arith.addi %mul3A_94, %add3A_95 : i32
      %mul3A_97 = arith.constant 80 : i32
      %mul3A_98 = arith.muli %add3A_96, %mul3A_97 : i32
      %multiple_of3A_99 = tpu.assume_multiple %mul3A_98, 8 : i32
      %dma_wait3A_100 = tpu.memref_slice %arg7[%multiple_of3A_99] : memref<10000xf32, #tpu.memory_space<vmem>> -> memref<80xf32, #tpu.memory_space<vmem>>
      %dma_wait3A_101 = arith.constant 0 : i32
      %dma_wait3A_102 = tpu.memref_slice %arg6[%add3A_96, %dma_wait3A_101] : memref<125x80xi32, #tpu.memory_space<vmem>> -> memref<1x80xi32, #tpu.memory_space<vmem>>
      %dma_wait3A_103 = tpu.memref_squeeze %dma_wait3A_102 : memref<1x80xi32, #tpu.memory_space<vmem>> -> memref<80xi32, #tpu.memory_space<vmem>>
      %dma_wait3A_104 = arith.constant 0 : i32
      %dma_wait3A_105 = tpu.memref_slice %arg9[%dma_wait3A_104] : memref<10000xf32, #tpu.memory_space<vmem_shared>> -> memref<10000xf32, #tpu.memory_space<vmem_shared>>
      tpu.wait_indirect_dma semaphore(%arg10 : memref<!tpu.dma_semaphore, #tpu.memory_space<semaphore_mem>>) src(%dma_wait3A_100 : memref<80xf32, #tpu.memory_space<vmem>>) dst(%dma_wait3A_105 : memref<10000xf32, #tpu.memory_space<vmem_shared>>)
      %mul3A_106 = arith.constant 5 : i32
      %mul3A_107 = arith.muli %scan3A_16, %mul3A_106 : i32
      %add3A_108 = arith.constant 2 : i32
      %add3A_109 = arith.addi %mul3A_107, %add3A_108 : i32
      %mul3A_110 = arith.constant 80 : i32
      %mul3A_111 = arith.muli %add3A_109, %mul3A_110 : i32
      %multiple_of3A_112 = tpu.assume_multiple %mul3A_111, 8 : i32
      %dma_wait3A_113 = tpu.memref_slice %arg7[%multiple_of3A_112] : memref<10000xf32, #tpu.memory_space<vmem>> -> memref<80xf32, #tpu.memory_space<vmem>>
      %dma_wait3A_114 = arith.constant 0 : i32
      %dma_wait3A_115 = tpu.memref_slice %arg6[%add3A_109, %dma_wait3A_114] : memref<125x80xi32, #tpu.memory_space<vmem>> -> memref<1x80xi32, #tpu.memory_space<vmem>>
      %dma_wait3A_116 = tpu.memref_squeeze %dma_wait3A_115 : memref<1x80xi32, #tpu.memory_space<vmem>> -> memref<80xi32, #tpu.memory_space<vmem>>
      %dma_wait3A_117 = arith.constant 0 : i32
      %dma_wait3A_118 = tpu.memref_slice %arg9[%dma_wait3A_117] : memref<10000xf32, #tpu.memory_space<vmem_shared>> -> memref<10000xf32, #tpu.memory_space<vmem_shared>>
      tpu.wait_indirect_dma semaphore(%arg10 : memref<!tpu.dma_semaphore, #tpu.memory_space<semaphore_mem>>) src(%dma_wait3A_113 : memref<80xf32, #tpu.memory_space<vmem>>) dst(%dma_wait3A_118 : memref<10000xf32, #tpu.memory_space<vmem_shared>>)
      %mul3A_119 = arith.constant 5 : i32
      %mul3A_120 = arith.muli %scan3A_16, %mul3A_119 : i32
      %add3A_121 = arith.constant 3 : i32
      %add3A_122 = arith.addi %mul3A_120, %add3A_121 : i32
      %mul3A_123 = arith.constant 80 : i32
      %mul3A_124 = arith.muli %add3A_122, %mul3A_123 : i32
      %multiple_of3A_125 = tpu.assume_multiple %mul3A_124, 8 : i32
      %dma_wait3A_126 = tpu.memref_slice %arg7[%multiple_of3A_125] : memref<10000xf32, #tpu.memory_space<vmem>> -> memref<80xf32, #tpu.memory_space<vmem>>
      %dma_wait3A_127 = arith.constant 0 : i32
      %dma_wait3A_128 = tpu.memref_slice %arg6[%add3A_122, %dma_wait3A_127] : memref<125x80xi32, #tpu.memory_space<vmem>> -> memref<1x80xi32, #tpu.memory_space<vmem>>
      %dma_wait3A_129 = tpu.memref_squeeze %dma_wait3A_128 : memref<1x80xi32, #tpu.memory_space<vmem>> -> memref<80xi32, #tpu.memory_space<vmem>>
      %dma_wait3A_130 = arith.constant 0 : i32
      %dma_wait3A_131 = tpu.memref_slice %arg9[%dma_wait3A_130] : memref<10000xf32, #tpu.memory_space<vmem_shared>> -> memref<10000xf32, #tpu.memory_space<vmem_shared>>
      tpu.wait_indirect_dma semaphore(%arg10 : memref<!tpu.dma_semaphore, #tpu.memory_space<semaphore_mem>>) src(%dma_wait3A_126 : memref<80xf32, #tpu.memory_space<vmem>>) dst(%dma_wait3A_131 : memref<10000xf32, #tpu.memory_space<vmem_shared>>)
      %mul3A_132 = arith.constant 5 : i32
      %mul3A_133 = arith.muli %scan3A_16, %mul3A_132 : i32
      %add3A_134 = arith.constant 4 : i32
      %add3A_135 = arith.addi %mul3A_133, %add3A_134 : i32
      %mul3A_136 = arith.constant 80 : i32
      %mul3A_137 = arith.muli %add3A_135, %mul3A_136 : i32
      %multiple_of3A_138 = tpu.assume_multiple %mul3A_137, 8 : i32
      %dma_wait3A_139 = tpu.memref_slice %arg7[%multiple_of3A_138] : memref<10000xf32, #tpu.memory_space<vmem>> -> memref<80xf32, #tpu.memory_space<vmem>>
      %dma_wait3A_140 = arith.constant 0 : i32
      %dma_wait3A_141 = tpu.memref_slice %arg6[%add3A_135, %dma_wait3A_140] : memref<125x80xi32, #tpu.memory_space<vmem>> -> memref<1x80xi32, #tpu.memory_space<vmem>>
      %dma_wait3A_142 = tpu.memref_squeeze %dma_wait3A_141 : memref<1x80xi32, #tpu.memory_space<vmem>> -> memref<80xi32, #tpu.memory_space<vmem>>
      %dma_wait3A_143 = arith.constant 0 : i32
      %dma_wait3A_144 = tpu.memref_slice %arg9[%dma_wait3A_143] : memref<10000xf32, #tpu.memory_space<vmem_shared>> -> memref<10000xf32, #tpu.memory_space<vmem_shared>>
      tpu.wait_indirect_dma semaphore(%arg10 : memref<!tpu.dma_semaphore, #tpu.memory_space<semaphore_mem>>) src(%dma_wait3A_139 : memref<80xf32, #tpu.memory_space<vmem>>) dst(%dma_wait3A_144 : memref<10000xf32, #tpu.memory_space<vmem_shared>>)
    }
    %scan3A_9 = arith.constant 25 : i32
    %barrier3A_10 = arith.constant 0 : index
    tpu.barrier barrier_id(%barrier3A_10)
    %eq3A_11 = arith.constant 0 : i32
    %eq3A_12 = arith.cmpi eq, %arg1, %eq3A_11 : i32
    %convert_element_type3A_13 = arith.extui %eq3A_12 : i1 to i32
    %cond3A_14 = arith.constant 0 : i32
    %cond3A_15 = arith.cmpi ne, %convert_element_type3A_13, %cond3A_14 : i32
    scf.if %cond3A_15 {
      "tpu.region"() ({
        %run_scoped3A = tpu.sem_alloc : memref<!tpu.dma_semaphore, #tpu.memory_space<semaphore_mem>>
        tpu.enqueue_dma source(%arg9 : memref<10000xf32, #tpu.memory_space<vmem_shared>>) target(%arg8 : memref<10000xf32, #tpu.memory_space<vmem>>) target_semaphore(%run_scoped3A : memref<!tpu.dma_semaphore, #tpu.memory_space<semaphore_mem>>)
        tpu.wait_dma2 semaphore(%run_scoped3A : memref<!tpu.dma_semaphore, #tpu.memory_space<semaphore_mem>>) src(%arg9 : memref<10000xf32, #tpu.memory_space<vmem_shared>>) dst(%arg8 : memref<10000xf32, #tpu.memory_space<vmem>>)
        tpu.yield
      }) : () -> ()
      %mul3A_16 = arith.constant 10000 : i32
      %mul3A_17 = arith.muli %arg0, %mul3A_16 : i32
      %multiple_of3A_18 = tpu.assume_multiple %mul3A_17, 8 : i32
      "tpu.region"() ({
        %run_scoped3A = tpu.sem_alloc : memref<!tpu.dma_semaphore, #tpu.memory_space<semaphore_mem>>
        %dma_start3A = tpu.memref_slice %arg5[%multiple_of3A_18] : memref<20000xf32, #tpu.memory_space<hbm>> -> memref<10000xf32, #tpu.memory_space<hbm>>
        %dma_start3A_19 = tpu.memref_slice %arg5[%multiple_of3A_18] : memref<20000xf32, #tpu.memory_space<hbm>> -> memref<10000xf32, #tpu.memory_space<hbm>>
        tpu.enqueue_dma source(%arg8 : memref<10000xf32, #tpu.memory_space<vmem>>) target(%dma_start3A_19 : memref<10000xf32, #tpu.memory_space<hbm>>) target_semaphore(%run_scoped3A : memref<!tpu.dma_semaphore, #tpu.memory_space<semaphore_mem>>)
        %dma_wait3A = tpu.memref_slice %arg5[%multiple_of3A_18] : memref<20000xf32, #tpu.memory_space<hbm>> -> memref<10000xf32, #tpu.memory_space<hbm>>
        %dma_wait3A_20 = tpu.memref_slice %arg5[%multiple_of3A_18] : memref<20000xf32, #tpu.memory_space<hbm>> -> memref<10000xf32, #tpu.memory_space<hbm>>
        tpu.wait_dma2 semaphore(%run_scoped3A : memref<!tpu.dma_semaphore, #tpu.memory_space<semaphore_mem>>) src(%arg8 : memref<10000xf32, #tpu.memory_space<vmem>>) dst(%dma_wait3A_20 : memref<10000xf32, #tpu.memory_space<hbm>>)
        tpu.yield
      }) : () -> ()
    } else {
    }
    return
  }
}

#map = affine_map<(d0, d1) -> (0, 0)>
#map1 = affine_map<(d0, d1) -> (0)>
#map2 = affine_map<(d0, d1) -> (0, 0, 0)>
module attributes {stable_mosaic.version = 14 : i64} {
  func.func @_sc_agg_body(%arg0: i32, %arg1: i32, %arg2: memref<10000x128xf32, #tpu.memory_space<hbm>>, %arg3: memref<320000xi32, #tpu.memory_space<hbm>>, %arg4: memref<32x125x80xi32, #tpu.memory_space<hbm>>, %arg5: memref<320000xf32, #tpu.memory_space<hbm>>, %arg6: memref<640x128xf32, #tpu.memory_space<hbm>>, %arg7: memref<20000x128xf32, #tpu.memory_space<hbm>>, %arg8: memref<10000xf32, #tpu.memory_space<vmem>>, %arg9: memref<125x80xi32, #tpu.memory_space<vmem>>, %arg10: memref<80xi32, #tpu.memory_space<vmem>>, %arg11: memref<80xi32, #tpu.memory_space<vmem>>, %arg12: memref<80x128xf32, #tpu.memory_space<vmem>>, %arg13: memref<80x128xf32, #tpu.memory_space<vmem>>, %arg14: memref<10000x128xf32, #tpu.memory_space<vmem_shared>>, %arg15: memref<!tpu.dma_semaphore, #tpu.memory_space<semaphore_mem>>, %arg16: memref<!tpu.dma_semaphore, #tpu.memory_space<semaphore_mem>>, %arg17: memref<!tpu.dma_semaphore, #tpu.memory_space<semaphore_mem>>, %arg18: memref<!tpu.dma_semaphore, #tpu.memory_space<semaphore_mem>>, %arg19: memref<!tpu.dma_semaphore, #tpu.memory_space<semaphore_mem>>, %arg20: memref<!tpu.dma_semaphore, #tpu.memory_space<semaphore_mem>>) attributes {dimension_semantics = [#tpu.dimension_semantics<core_parallel>, #tpu.dimension_semantics<subcore_parallel>], iteration_bounds = array<i64: 2, 16>, scalar_prefetch = 0 : i64, scratch_operands = 13 : i64, tpu.core_type = #tpu.core_type<sc_vector_subcore>, window_params = [{transform_indices = #map}, {transform_indices = #map1}, {transform_indices = #map2}, {transform_indices = #map1}, {transform_indices = #map}, {transform_indices = #map}]} {
    %mul3A = arith.constant 2 : i32
    %mul3A_0 = arith.muli %arg1, %mul3A : i32
    %add3A = arith.addi %mul3A_0, %arg0 : i32
    %mul3A_1 = arith.constant 10000 : i32
    %mul3A_2 = arith.muli %add3A, %mul3A_1 : i32
    %multiple_of3A = tpu.assume_multiple %mul3A_2, 8 : i32
    "tpu.region"() ({
      %run_scoped3A_55 = tpu.sem_alloc : memref<!tpu.dma_semaphore, #tpu.memory_space<semaphore_mem>>
      %dma_start3A_56 = tpu.memref_slice %arg5[%multiple_of3A] : memref<320000xf32, #tpu.memory_space<hbm>> -> memref<10000xf32, #tpu.memory_space<hbm>>
      %dma_start3A_57 = tpu.memref_slice %arg5[%multiple_of3A] : memref<320000xf32, #tpu.memory_space<hbm>> -> memref<10000xf32, #tpu.memory_space<hbm>>
      tpu.enqueue_dma source(%dma_start3A_57 : memref<10000xf32, #tpu.memory_space<hbm>>) target(%arg8 : memref<10000xf32, #tpu.memory_space<vmem>>) target_semaphore(%run_scoped3A_55 : memref<!tpu.dma_semaphore, #tpu.memory_space<semaphore_mem>>)
      %dma_wait3A_58 = tpu.memref_slice %arg5[%multiple_of3A] : memref<320000xf32, #tpu.memory_space<hbm>> -> memref<10000xf32, #tpu.memory_space<hbm>>
      %dma_wait3A_59 = tpu.memref_slice %arg5[%multiple_of3A] : memref<320000xf32, #tpu.memory_space<hbm>> -> memref<10000xf32, #tpu.memory_space<hbm>>
      tpu.wait_dma2 semaphore(%run_scoped3A_55 : memref<!tpu.dma_semaphore, #tpu.memory_space<semaphore_mem>>) src(%dma_wait3A_59 : memref<10000xf32, #tpu.memory_space<hbm>>) dst(%arg8 : memref<10000xf32, #tpu.memory_space<vmem>>)
      tpu.yield
    }) : () -> ()
    "tpu.region"() ({
      %run_scoped3A_55 = tpu.sem_alloc : memref<!tpu.dma_semaphore, #tpu.memory_space<semaphore_mem>>
      %dma_start3A_56 = arith.constant 0 : i32
      %dma_start3A_57 = arith.constant 0 : i32
      %dma_start3A_58 = tpu.memref_slice %arg4[%add3A, %dma_start3A_56, %dma_start3A_57] : memref<32x125x80xi32, #tpu.memory_space<hbm>> -> memref<1x125x80xi32, #tpu.memory_space<hbm>>
      %dma_start3A_59 = tpu.memref_squeeze %dma_start3A_58 : memref<1x125x80xi32, #tpu.memory_space<hbm>> -> memref<125x80xi32, #tpu.memory_space<hbm>>
      %dma_start3A_60 = arith.constant 0 : i32
      %dma_start3A_61 = arith.constant 0 : i32
      %dma_start3A_62 = tpu.memref_slice %arg4[%add3A, %dma_start3A_60, %dma_start3A_61] : memref<32x125x80xi32, #tpu.memory_space<hbm>> -> memref<1x125x80xi32, #tpu.memory_space<hbm>>
      %dma_start3A_63 = tpu.memref_squeeze %dma_start3A_62 : memref<1x125x80xi32, #tpu.memory_space<hbm>> -> memref<125x80xi32, #tpu.memory_space<hbm>>
      tpu.enqueue_dma source(%dma_start3A_63 : memref<125x80xi32, #tpu.memory_space<hbm>>) target(%arg9 : memref<125x80xi32, #tpu.memory_space<vmem>>) target_semaphore(%run_scoped3A_55 : memref<!tpu.dma_semaphore, #tpu.memory_space<semaphore_mem>>)
      %dma_wait3A_64 = arith.constant 0 : i32
      %dma_wait3A_65 = arith.constant 0 : i32
      %dma_wait3A_66 = tpu.memref_slice %arg4[%add3A, %dma_wait3A_64, %dma_wait3A_65] : memref<32x125x80xi32, #tpu.memory_space<hbm>> -> memref<1x125x80xi32, #tpu.memory_space<hbm>>
      %dma_wait3A_67 = tpu.memref_squeeze %dma_wait3A_66 : memref<1x125x80xi32, #tpu.memory_space<hbm>> -> memref<125x80xi32, #tpu.memory_space<hbm>>
      %dma_wait3A_68 = arith.constant 0 : i32
      %dma_wait3A_69 = arith.constant 0 : i32
      %dma_wait3A_70 = tpu.memref_slice %arg4[%add3A, %dma_wait3A_68, %dma_wait3A_69] : memref<32x125x80xi32, #tpu.memory_space<hbm>> -> memref<1x125x80xi32, #tpu.memory_space<hbm>>
      %dma_wait3A_71 = tpu.memref_squeeze %dma_wait3A_70 : memref<1x125x80xi32, #tpu.memory_space<hbm>> -> memref<125x80xi32, #tpu.memory_space<hbm>>
      tpu.wait_dma2 semaphore(%run_scoped3A_55 : memref<!tpu.dma_semaphore, #tpu.memory_space<semaphore_mem>>) src(%dma_wait3A_71 : memref<125x80xi32, #tpu.memory_space<hbm>>) dst(%arg9 : memref<125x80xi32, #tpu.memory_space<vmem>>)
      tpu.yield
    }) : () -> ()
    %mul3A_3 = arith.constant 624 : i32
    %mul3A_4 = arith.muli %arg1, %mul3A_3 : i32
    %multiple_of3A_5 = tpu.assume_multiple %mul3A_4, 8 : i32
    %lt3A = arith.constant 15 : i32
    %lt3A_6 = arith.cmpi slt, %arg1, %lt3A : i32
    %convert_element_type3A = arith.extui %lt3A_6 : i1 to i32
    %cond3A = arith.constant 0 : i32
    %cond3A_7 = arith.cmpi ne, %convert_element_type3A, %cond3A : i32
    scf.if %cond3A_7 {
      "tpu.region"() ({
        %run_scoped3A_55 = tpu.sem_alloc : memref<!tpu.dma_semaphore, #tpu.memory_space<semaphore_mem>>
        %dma_start3A_56 = arith.constant 0 : i32
        %dma_start3A_57 = tpu.memref_slice %arg14[%multiple_of3A_5, %dma_start3A_56] : memref<10000x128xf32, #tpu.memory_space<vmem_shared>> -> memref<624x128xf32, #tpu.memory_space<vmem_shared>>
        %dma_start3A_58 = arith.constant 0 : i32
        %dma_start3A_59 = arith.constant 0 : i32
        %dma_start3A_60 = tpu.memref_slice %arg6[%dma_start3A_58, %dma_start3A_59] : memref<640x128xf32, #tpu.memory_space<hbm>> -> memref<624x128xf32, #tpu.memory_space<hbm>>
        tpu.enqueue_dma source(%dma_start3A_60 : memref<624x128xf32, #tpu.memory_space<hbm>>) target(%dma_start3A_57 : memref<624x128xf32, #tpu.memory_space<vmem_shared>>) target_semaphore(%run_scoped3A_55 : memref<!tpu.dma_semaphore, #tpu.memory_space<semaphore_mem>>)
        %dma_wait3A_61 = arith.constant 0 : i32
        %dma_wait3A_62 = tpu.memref_slice %arg14[%multiple_of3A_5, %dma_wait3A_61] : memref<10000x128xf32, #tpu.memory_space<vmem_shared>> -> memref<624x128xf32, #tpu.memory_space<vmem_shared>>
        %dma_wait3A_63 = arith.constant 0 : i32
        %dma_wait3A_64 = arith.constant 0 : i32
        %dma_wait3A_65 = tpu.memref_slice %arg6[%dma_wait3A_63, %dma_wait3A_64] : memref<640x128xf32, #tpu.memory_space<hbm>> -> memref<624x128xf32, #tpu.memory_space<hbm>>
        tpu.wait_dma2 semaphore(%run_scoped3A_55 : memref<!tpu.dma_semaphore, #tpu.memory_space<semaphore_mem>>) src(%dma_wait3A_65 : memref<624x128xf32, #tpu.memory_space<hbm>>) dst(%dma_wait3A_62 : memref<624x128xf32, #tpu.memory_space<vmem_shared>>)
        tpu.yield
      }) : () -> ()
    } else {
    }
    %eq3A = arith.constant 15 : i32
    %eq3A_8 = arith.cmpi eq, %arg1, %eq3A : i32
    %convert_element_type3A_9 = arith.extui %eq3A_8 : i1 to i32
    %cond3A_10 = arith.constant 0 : i32
    %cond3A_11 = arith.cmpi ne, %convert_element_type3A_9, %cond3A_10 : i32
    scf.if %cond3A_11 {
      "tpu.region"() ({
        %run_scoped3A_55 = tpu.sem_alloc : memref<!tpu.dma_semaphore, #tpu.memory_space<semaphore_mem>>
        %dma_start3A_56 = arith.constant 0 : i32
        %dma_start3A_57 = tpu.memref_slice %arg14[%multiple_of3A_5, %dma_start3A_56] : memref<10000x128xf32, #tpu.memory_space<vmem_shared>> -> memref<640x128xf32, #tpu.memory_space<vmem_shared>>
        tpu.enqueue_dma source(%arg6 : memref<640x128xf32, #tpu.memory_space<hbm>>) target(%dma_start3A_57 : memref<640x128xf32, #tpu.memory_space<vmem_shared>>) target_semaphore(%run_scoped3A_55 : memref<!tpu.dma_semaphore, #tpu.memory_space<semaphore_mem>>)
        %dma_wait3A_58 = arith.constant 0 : i32
        %dma_wait3A_59 = tpu.memref_slice %arg14[%multiple_of3A_5, %dma_wait3A_58] : memref<10000x128xf32, #tpu.memory_space<vmem_shared>> -> memref<640x128xf32, #tpu.memory_space<vmem_shared>>
        tpu.wait_dma2 semaphore(%run_scoped3A_55 : memref<!tpu.dma_semaphore, #tpu.memory_space<semaphore_mem>>) src(%arg6 : memref<640x128xf32, #tpu.memory_space<hbm>>) dst(%dma_wait3A_59 : memref<640x128xf32, #tpu.memory_space<vmem_shared>>)
        tpu.yield
      }) : () -> ()
    } else {
    }
    %barrier3A = arith.constant 0 : index
    tpu.barrier barrier_id(%barrier3A)
    %add3A_12 = arith.constant 0 : i32
    %add3A_13 = arith.addi %multiple_of3A, %add3A_12 : i32
    %multiple_of3A_14 = tpu.assume_multiple %add3A_13, 8 : i32
    "tpu.region"() ({
      %run_scoped3A_55 = tpu.sem_alloc : memref<!tpu.dma_semaphore, #tpu.memory_space<semaphore_mem>>
      %dma_start3A_56 = tpu.memref_slice %arg3[%multiple_of3A_14] : memref<320000xi32, #tpu.memory_space<hbm>> -> memref<80xi32, #tpu.memory_space<hbm>>
      %dma_start3A_57 = tpu.memref_slice %arg3[%multiple_of3A_14] : memref<320000xi32, #tpu.memory_space<hbm>> -> memref<80xi32, #tpu.memory_space<hbm>>
      tpu.enqueue_dma source(%dma_start3A_57 : memref<80xi32, #tpu.memory_space<hbm>>) target(%arg10 : memref<80xi32, #tpu.memory_space<vmem>>) target_semaphore(%run_scoped3A_55 : memref<!tpu.dma_semaphore, #tpu.memory_space<semaphore_mem>>)
      %dma_wait3A_58 = tpu.memref_slice %arg3[%multiple_of3A_14] : memref<320000xi32, #tpu.memory_space<hbm>> -> memref<80xi32, #tpu.memory_space<hbm>>
      %dma_wait3A_59 = tpu.memref_slice %arg3[%multiple_of3A_14] : memref<320000xi32, #tpu.memory_space<hbm>> -> memref<80xi32, #tpu.memory_space<hbm>>
      tpu.wait_dma2 semaphore(%run_scoped3A_55 : memref<!tpu.dma_semaphore, #tpu.memory_space<semaphore_mem>>) src(%dma_wait3A_59 : memref<80xi32, #tpu.memory_space<hbm>>) dst(%arg10 : memref<80xi32, #tpu.memory_space<vmem>>)
      tpu.yield
    }) : () -> ()
    %dma_start3A = arith.constant 0 : i32
    %dma_start3A_15 = arith.constant 0 : i32
    %dma_start3A_16 = tpu.memref_slice %arg2[%dma_start3A, %dma_start3A_15] : memref<10000x128xf32, #tpu.memory_space<hbm>> -> memref<10000x128xf32, #tpu.memory_space<hbm>>
    tpu.enqueue_indirect_dma source(%dma_start3A_16 : memref<10000x128xf32, #tpu.memory_space<hbm>>) target(%arg12 : memref<80x128xf32, #tpu.memory_space<vmem>>) offsets(%arg10 : memref<80xi32, #tpu.memory_space<vmem>>) semaphore(%arg15 : memref<!tpu.dma_semaphore, #tpu.memory_space<semaphore_mem>>)
    %dma_wait3A = arith.constant 0 : i32
    %dma_wait3A_17 = arith.constant 0 : i32
    %dma_wait3A_18 = tpu.memref_slice %arg2[%dma_wait3A, %dma_wait3A_17] : memref<10000x128xf32, #tpu.memory_space<hbm>> -> memref<10000x128xf32, #tpu.memory_space<hbm>>
    tpu.wait_indirect_dma semaphore(%arg15 : memref<!tpu.dma_semaphore, #tpu.memory_space<semaphore_mem>>) src(%dma_wait3A_18 : memref<10000x128xf32, #tpu.memory_space<hbm>>) dst(%arg12 : memref<80x128xf32, #tpu.memory_space<vmem>>)
    %parallel_loop3A = arith.constant 0 : i32
    %parallel_loop3A_19 = arith.constant 80 : i32
    %parallel_loop3A_20 = arith.constant 1 : i32
    scf.for %parallel_loop3A_55 = %parallel_loop3A to %parallel_loop3A_19 step %parallel_loop3A_20  : i32 {
      %parallel_loop3A_56 = arith.constant 0 : i32
      %parallel_loop3A_57 = arith.addi %parallel_loop3A_56, %parallel_loop3A_55 : i32
      %parallel_loop3A_58 = vector.broadcast %parallel_loop3A_57 : i32 to vector<16xi32>
      %parallel_loop3A_59 = tpu.vector_load_idx %arg8[%parallel_loop3A_58] : memref<10000xf32, #tpu.memory_space<vmem>>[vector<16xi32>], vector<16xf32>,
      %parallel_loop3A_60 = arith.index_cast %parallel_loop3A_55 : i32 to index
      %parallel_loop3A_61 = arith.constant 0 : index
      %parallel_loop3A_62 = tpu.vector_load %arg12[%parallel_loop3A_60, %parallel_loop3A_61] {strides = array<i32>} : memref<80x128xf32, #tpu.memory_space<vmem>>, vector<16xf32>,
      %parallel_loop3A_63 = arith.mulf %parallel_loop3A_62, %parallel_loop3A_59 : vector<16xf32>
      %parallel_loop3A_64 = arith.index_cast %parallel_loop3A_55 : i32 to index
      %parallel_loop3A_65 = arith.constant 0 : index
      %parallel_loop3A_66 = tpu.vector_load %arg12[%parallel_loop3A_64, %parallel_loop3A_65] {strides = array<i32>} : memref<80x128xf32, #tpu.memory_space<vmem>>, vector<16xf32>,
      tpu.vector_store %arg12[%parallel_loop3A_64, %parallel_loop3A_65], %parallel_loop3A_63 {strides = array<i32>} : memref<80x128xf32, #tpu.memory_space<vmem>>, vector<16xf32>,
      %parallel_loop3A_67 = arith.index_cast %parallel_loop3A_55 : i32 to index
      %parallel_loop3A_68 = arith.constant 16 : index
      %parallel_loop3A_69 = tpu.vector_load %arg12[%parallel_loop3A_67, %parallel_loop3A_68] {strides = array<i32>} : memref<80x128xf32, #tpu.memory_space<vmem>>, vector<16xf32>,
      %parallel_loop3A_70 = arith.mulf %parallel_loop3A_69, %parallel_loop3A_59 : vector<16xf32>
      %parallel_loop3A_71 = arith.index_cast %parallel_loop3A_55 : i32 to index
      %parallel_loop3A_72 = arith.constant 16 : index
      %parallel_loop3A_73 = tpu.vector_load %arg12[%parallel_loop3A_71, %parallel_loop3A_72] {strides = array<i32>} : memref<80x128xf32, #tpu.memory_space<vmem>>, vector<16xf32>,
      tpu.vector_store %arg12[%parallel_loop3A_71, %parallel_loop3A_72], %parallel_loop3A_70 {strides = array<i32>} : memref<80x128xf32, #tpu.memory_space<vmem>>, vector<16xf32>,
      %parallel_loop3A_74 = arith.index_cast %parallel_loop3A_55 : i32 to index
      %parallel_loop3A_75 = arith.constant 32 : index
      %parallel_loop3A_76 = tpu.vector_load %arg12[%parallel_loop3A_74, %parallel_loop3A_75] {strides = array<i32>} : memref<80x128xf32, #tpu.memory_space<vmem>>, vector<16xf32>,
      %parallel_loop3A_77 = arith.mulf %parallel_loop3A_76, %parallel_loop3A_59 : vector<16xf32>
      %parallel_loop3A_78 = arith.index_cast %parallel_loop3A_55 : i32 to index
      %parallel_loop3A_79 = arith.constant 32 : index
      %parallel_loop3A_80 = tpu.vector_load %arg12[%parallel_loop3A_78, %parallel_loop3A_79] {strides = array<i32>} : memref<80x128xf32, #tpu.memory_space<vmem>>, vector<16xf32>,
      tpu.vector_store %arg12[%parallel_loop3A_78, %parallel_loop3A_79], %parallel_loop3A_77 {strides = array<i32>} : memref<80x128xf32, #tpu.memory_space<vmem>>, vector<16xf32>,
      %parallel_loop3A_81 = arith.index_cast %parallel_loop3A_55 : i32 to index
      %parallel_loop3A_82 = arith.constant 48 : index
      %parallel_loop3A_83 = tpu.vector_load %arg12[%parallel_loop3A_81, %parallel_loop3A_82] {strides = array<i32>} : memref<80x128xf32, #tpu.memory_space<vmem>>, vector<16xf32>,
      %parallel_loop3A_84 = arith.mulf %parallel_loop3A_83, %parallel_loop3A_59 : vector<16xf32>
      %parallel_loop3A_85 = arith.index_cast %parallel_loop3A_55 : i32 to index
      %parallel_loop3A_86 = arith.constant 48 : index
      %parallel_loop3A_87 = tpu.vector_load %arg12[%parallel_loop3A_85, %parallel_loop3A_86] {strides = array<i32>} : memref<80x128xf32, #tpu.memory_space<vmem>>, vector<16xf32>,
      tpu.vector_store %arg12[%parallel_loop3A_85, %parallel_loop3A_86], %parallel_loop3A_84 {strides = array<i32>} : memref<80x128xf32, #tpu.memory_space<vmem>>, vector<16xf32>,
      %parallel_loop3A_88 = arith.index_cast %parallel_loop3A_55 : i32 to index
      %parallel_loop3A_89 = arith.constant 64 : index
      %parallel_loop3A_90 = tpu.vector_load %arg12[%parallel_loop3A_88, %parallel_loop3A_89] {strides = array<i32>} : memref<80x128xf32, #tpu.memory_space<vmem>>, vector<16xf32>,
      %parallel_loop3A_91 = arith.mulf %parallel_loop3A_90, %parallel_loop3A_59 : vector<16xf32>
      %parallel_loop3A_92 = arith.index_cast %parallel_loop3A_55 : i32 to index
      %parallel_loop3A_93 = arith.constant 64 : index
      %parallel_loop3A_94 = tpu.vector_load %arg12[%parallel_loop3A_92, %parallel_loop3A_93] {strides = array<i32>} : memref<80x128xf32, #tpu.memory_space<vmem>>, vector<16xf32>,
      tpu.vector_store %arg12[%parallel_loop3A_92, %parallel_loop3A_93], %parallel_loop3A_91 {strides = array<i32>} : memref<80x128xf32, #tpu.memory_space<vmem>>, vector<16xf32>,
      %parallel_loop3A_95 = arith.index_cast %parallel_loop3A_55 : i32 to index
      %parallel_loop3A_96 = arith.constant 80 : index
      %parallel_loop3A_97 = tpu.vector_load %arg12[%parallel_loop3A_95, %parallel_loop3A_96] {strides = array<i32>} : memref<80x128xf32, #tpu.memory_space<vmem>>, vector<16xf32>,
      %parallel_loop3A_98 = arith.mulf %parallel_loop3A_97, %parallel_loop3A_59 : vector<16xf32>
      %parallel_loop3A_99 = arith.index_cast %parallel_loop3A_55 : i32 to index
      %parallel_loop3A_100 = arith.constant 80 : index
      %parallel_loop3A_101 = tpu.vector_load %arg12[%parallel_loop3A_99, %parallel_loop3A_100] {strides = array<i32>} : memref<80x128xf32, #tpu.memory_space<vmem>>, vector<16xf32>,
      tpu.vector_store %arg12[%parallel_loop3A_99, %parallel_loop3A_100], %parallel_loop3A_98 {strides = array<i32>} : memref<80x128xf32, #tpu.memory_space<vmem>>, vector<16xf32>,
      %parallel_loop3A_102 = arith.index_cast %parallel_loop3A_55 : i32 to index
      %parallel_loop3A_103 = arith.constant 96 : index
      %parallel_loop3A_104 = tpu.vector_load %arg12[%parallel_loop3A_102, %parallel_loop3A_103] {strides = array<i32>} : memref<80x128xf32, #tpu.memory_space<vmem>>, vector<16xf32>,
      %parallel_loop3A_105 = arith.mulf %parallel_loop3A_104, %parallel_loop3A_59 : vector<16xf32>
      %parallel_loop3A_106 = arith.index_cast %parallel_loop3A_55 : i32 to index
      %parallel_loop3A_107 = arith.constant 96 : index
      %parallel_loop3A_108 = tpu.vector_load %arg12[%parallel_loop3A_106, %parallel_loop3A_107] {strides = array<i32>} : memref<80x128xf32, #tpu.memory_space<vmem>>, vector<16xf32>,
      tpu.vector_store %arg12[%parallel_loop3A_106, %parallel_loop3A_107], %parallel_loop3A_105 {strides = array<i32>} : memref<80x128xf32, #tpu.memory_space<vmem>>, vector<16xf32>,
      %parallel_loop3A_109 = arith.index_cast %parallel_loop3A_55 : i32 to index
      %parallel_loop3A_110 = arith.constant 112 : index
      %parallel_loop3A_111 = tpu.vector_load %arg12[%parallel_loop3A_109, %parallel_loop3A_110] {strides = array<i32>} : memref<80x128xf32, #tpu.memory_space<vmem>>, vector<16xf32>,
      %parallel_loop3A_112 = arith.mulf %parallel_loop3A_111, %parallel_loop3A_59 : vector<16xf32>
      %parallel_loop3A_113 = arith.index_cast %parallel_loop3A_55 : i32 to index
      %parallel_loop3A_114 = arith.constant 112 : index
      %parallel_loop3A_115 = tpu.vector_load %arg12[%parallel_loop3A_113, %parallel_loop3A_114] {strides = array<i32>} : memref<80x128xf32, #tpu.memory_space<vmem>>, vector<16xf32>,
      tpu.vector_store %arg12[%parallel_loop3A_113, %parallel_loop3A_114], %parallel_loop3A_112 {strides = array<i32>} : memref<80x128xf32, #tpu.memory_space<vmem>>, vector<16xf32>,
    } {sc.loop_unroll_factor = 2 : i64, sc.parallel_access}
    %run_scoped3A = arith.constant 0 : i32
    "tpu.region"() ({
      %run_scoped3A_55 = tpu.sem_alloc : memref<!tpu.dma_semaphore, #tpu.memory_space<semaphore_mem>>
      %dma_start3A_56 = arith.constant 0 : i32
      %dma_start3A_57 = tpu.memref_slice %arg9[%run_scoped3A, %dma_start3A_56] : memref<125x80xi32, #tpu.memory_space<vmem>> -> memref<1x80xi32, #tpu.memory_space<vmem>>
      %dma_start3A_58 = tpu.memref_squeeze %dma_start3A_57 : memref<1x80xi32, #tpu.memory_space<vmem>> -> memref<80xi32, #tpu.memory_space<vmem>>
      %dma_start3A_59 = arith.constant 0 : i32
      %dma_start3A_60 = arith.constant 0 : i32
      %dma_start3A_61 = tpu.memref_slice %arg14[%dma_start3A_59, %dma_start3A_60] : memref<10000x128xf32, #tpu.memory_space<vmem_shared>> -> memref<10000x128xf32, #tpu.memory_space<vmem_shared>>
      tpu.enqueue_indirect_dma source(%arg12 : memref<80x128xf32, #tpu.memory_space<vmem>>) target(%dma_start3A_61 : memref<10000x128xf32, #tpu.memory_space<vmem_shared>>) offsets(%dma_start3A_58 : memref<80xi32, #tpu.memory_space<vmem>>) semaphore(%run_scoped3A_55 : memref<!tpu.dma_semaphore, #tpu.memory_space<semaphore_mem>>) {add = true}
      %dma_wait3A_62 = arith.constant 0 : i32
      %dma_wait3A_63 = tpu.memref_slice %arg9[%run_scoped3A, %dma_wait3A_62] : memref<125x80xi32, #tpu.memory_space<vmem>> -> memref<1x80xi32, #tpu.memory_space<vmem>>
      %dma_wait3A_64 = tpu.memref_squeeze %dma_wait3A_63 : memref<1x80xi32, #tpu.memory_space<vmem>> -> memref<80xi32, #tpu.memory_space<vmem>>
      %dma_wait3A_65 = arith.constant 0 : i32
      %dma_wait3A_66 = arith.constant 0 : i32
      %dma_wait3A_67 = tpu.memref_slice %arg14[%dma_wait3A_65, %dma_wait3A_66] : memref<10000x128xf32, #tpu.memory_space<vmem_shared>> -> memref<10000x128xf32, #tpu.memory_space<vmem_shared>>
      tpu.wait_indirect_dma semaphore(%run_scoped3A_55 : memref<!tpu.dma_semaphore, #tpu.memory_space<semaphore_mem>>) src(%arg12 : memref<80x128xf32, #tpu.memory_space<vmem>>) dst(%dma_wait3A_67 : memref<10000x128xf32, #tpu.memory_space<vmem_shared>>)
      tpu.yield
    }) : () -> ()
    %add3A_21 = arith.constant 80 : i32
    %add3A_22 = arith.addi %multiple_of3A, %add3A_21 : i32
    %multiple_of3A_23 = tpu.assume_multiple %add3A_22, 8 : i32
    "tpu.region"() ({
      %run_scoped3A_55 = tpu.sem_alloc : memref<!tpu.dma_semaphore, #tpu.memory_space<semaphore_mem>>
      %dma_start3A_56 = tpu.memref_slice %arg3[%multiple_of3A_23] : memref<320000xi32, #tpu.memory_space<hbm>> -> memref<80xi32, #tpu.memory_space<hbm>>
      %dma_start3A_57 = tpu.memref_slice %arg3[%multiple_of3A_23] : memref<320000xi32, #tpu.memory_space<hbm>> -> memref<80xi32, #tpu.memory_space<hbm>>
      tpu.enqueue_dma source(%dma_start3A_57 : memref<80xi32, #tpu.memory_space<hbm>>) target(%arg10 : memref<80xi32, #tpu.memory_space<vmem>>) target_semaphore(%run_scoped3A_55 : memref<!tpu.dma_semaphore, #tpu.memory_space<semaphore_mem>>)
      %dma_wait3A_58 = tpu.memref_slice %arg3[%multiple_of3A_23] : memref<320000xi32, #tpu.memory_space<hbm>> -> memref<80xi32, #tpu.memory_space<hbm>>
      %dma_wait3A_59 = tpu.memref_slice %arg3[%multiple_of3A_23] : memref<320000xi32, #tpu.memory_space<hbm>> -> memref<80xi32, #tpu.memory_space<hbm>>
      tpu.wait_dma2 semaphore(%run_scoped3A_55 : memref<!tpu.dma_semaphore, #tpu.memory_space<semaphore_mem>>) src(%dma_wait3A_59 : memref<80xi32, #tpu.memory_space<hbm>>) dst(%arg10 : memref<80xi32, #tpu.memory_space<vmem>>)
      tpu.yield
    }) : () -> ()
    %add3A_24 = arith.constant 160 : i32
    %add3A_25 = arith.addi %multiple_of3A, %add3A_24 : i32
    %multiple_of3A_26 = tpu.assume_multiple %add3A_25, 8 : i32
    "tpu.region"() ({
      %run_scoped3A_55 = tpu.sem_alloc : memref<!tpu.dma_semaphore, #tpu.memory_space<semaphore_mem>>
      %dma_start3A_56 = tpu.memref_slice %arg3[%multiple_of3A_26] : memref<320000xi32, #tpu.memory_space<hbm>> -> memref<80xi32, #tpu.memory_space<hbm>>
      %dma_start3A_57 = tpu.memref_slice %arg3[%multiple_of3A_26] : memref<320000xi32, #tpu.memory_space<hbm>> -> memref<80xi32, #tpu.memory_space<hbm>>
      tpu.enqueue_dma source(%dma_start3A_57 : memref<80xi32, #tpu.memory_space<hbm>>) target(%arg11 : memref<80xi32, #tpu.memory_space<vmem>>) target_semaphore(%run_scoped3A_55 : memref<!tpu.dma_semaphore, #tpu.memory_space<semaphore_mem>>)
      %dma_wait3A_58 = tpu.memref_slice %arg3[%multiple_of3A_26] : memref<320000xi32, #tpu.memory_space<hbm>> -> memref<80xi32, #tpu.memory_space<hbm>>
      %dma_wait3A_59 = tpu.memref_slice %arg3[%multiple_of3A_26] : memref<320000xi32, #tpu.memory_space<hbm>> -> memref<80xi32, #tpu.memory_space<hbm>>
      tpu.wait_dma2 semaphore(%run_scoped3A_55 : memref<!tpu.dma_semaphore, #tpu.memory_space<semaphore_mem>>) src(%dma_wait3A_59 : memref<80xi32, #tpu.memory_space<hbm>>) dst(%arg11 : memref<80xi32, #tpu.memory_space<vmem>>)
      tpu.yield
    }) : () -> ()
    %dma_start3A_27 = arith.constant 0 : i32
    %dma_start3A_28 = arith.constant 0 : i32
    %dma_start3A_29 = tpu.memref_slice %arg2[%dma_start3A_27, %dma_start3A_28] : memref<10000x128xf32, #tpu.memory_space<hbm>> -> memref<10000x128xf32, #tpu.memory_space<hbm>>
    tpu.enqueue_indirect_dma source(%dma_start3A_29 : memref<10000x128xf32, #tpu.memory_space<hbm>>) target(%arg12 : memref<80x128xf32, #tpu.memory_space<vmem>>) offsets(%arg10 : memref<80xi32, #tpu.memory_space<vmem>>) semaphore(%arg15 : memref<!tpu.dma_semaphore, #tpu.memory_space<semaphore_mem>>)
    %dma_start3A_30 = arith.constant 0 : i32
    %dma_start3A_31 = arith.constant 0 : i32
    %dma_start3A_32 = tpu.memref_slice %arg2[%dma_start3A_30, %dma_start3A_31] : memref<10000x128xf32, #tpu.memory_space<hbm>> -> memref<10000x128xf32, #tpu.memory_space<hbm>>
    tpu.enqueue_indirect_dma source(%dma_start3A_32 : memref<10000x128xf32, #tpu.memory_space<hbm>>) target(%arg13 : memref<80x128xf32, #tpu.memory_space<vmem>>) offsets(%arg11 : memref<80xi32, #tpu.memory_space<vmem>>) semaphore(%arg16 : memref<!tpu.dma_semaphore, #tpu.memory_space<semaphore_mem>>)
    %scan3A = arith.constant 0 : i32
    %scan3A_33 = arith.constant 0 : i32
    %scan3A_34 = arith.constant 62 : i32
    %scan3A_35 = arith.addi %scan3A_33, %scan3A_34 : i32
    %scan3A_36 = arith.constant 1 : i32
    scf.for %scan3A_55 = %scan3A_33 to %scan3A_35 step %scan3A_36  : i32 {
      %mul3A_56 = arith.constant 2 : i32
      %mul3A_57 = arith.muli %mul3A_56, %scan3A_55 : i32
      %add3A_58 = arith.constant 1 : i32
      %add3A_59 = arith.addi %add3A_58, %mul3A_57 : i32
      %mul3A_60 = arith.constant 2 : i32
      %mul3A_61 = arith.muli %mul3A_60, %scan3A_55 : i32
      %add3A_62 = arith.constant 2 : i32
      %add3A_63 = arith.addi %add3A_62, %mul3A_61 : i32
      %dma_wait3A_64 = arith.constant 0 : i32
      %dma_wait3A_65 = arith.constant 0 : i32
      %dma_wait3A_66 = tpu.memref_slice %arg2[%dma_wait3A_64, %dma_wait3A_65] : memref<10000x128xf32, #tpu.memory_space<hbm>> -> memref<10000x128xf32, #tpu.memory_space<hbm>>
      tpu.wait_indirect_dma semaphore(%arg15 : memref<!tpu.dma_semaphore, #tpu.memory_space<semaphore_mem>>) src(%dma_wait3A_66 : memref<10000x128xf32, #tpu.memory_space<hbm>>) dst(%arg12 : memref<80x128xf32, #tpu.memory_space<vmem>>)
      %add3A_67 = arith.constant 2 : i32
      %add3A_68 = arith.addi %add3A_59, %add3A_67 : i32
      %lt3A_69 = arith.constant 125 : i32
      %lt3A_70 = arith.cmpi slt, %add3A_68, %lt3A_69 : i32
      %convert_element_type3A_71 = arith.extui %lt3A_70 : i1 to i32
      %cond3A_72 = arith.constant 0 : i32
      %cond3A_73 = arith.cmpi ne, %convert_element_type3A_71, %cond3A_72 : i32
      scf.if %cond3A_73 {
        %add3A_128 = arith.constant 2 : i32
        %add3A_129 = arith.addi %add3A_59, %add3A_128 : i32
        %mul3A_130 = arith.constant 80 : i32
        %mul3A_131 = arith.muli %add3A_129, %mul3A_130 : i32
        %add3A_132 = arith.addi %multiple_of3A, %mul3A_131 : i32
        %multiple_of3A_133 = tpu.assume_multiple %add3A_132, 8 : i32
        %dma_start3A_134 = tpu.memref_slice %arg3[%multiple_of3A_133] : memref<320000xi32, #tpu.memory_space<hbm>> -> memref<80xi32, #tpu.memory_space<hbm>>
        %dma_start3A_135 = tpu.memref_slice %arg3[%multiple_of3A_133] : memref<320000xi32, #tpu.memory_space<hbm>> -> memref<80xi32, #tpu.memory_space<hbm>>
        tpu.enqueue_dma source(%dma_start3A_135 : memref<80xi32, #tpu.memory_space<hbm>>) target(%arg10 : memref<80xi32, #tpu.memory_space<vmem>>) target_semaphore(%arg19 : memref<!tpu.dma_semaphore, #tpu.memory_space<semaphore_mem>>)
      } else {
      }
      %parallel_loop3A_74 = arith.constant 0 : i32
      %parallel_loop3A_75 = arith.constant 80 : i32
      %parallel_loop3A_76 = arith.constant 1 : i32
      scf.for %parallel_loop3A_128 = %parallel_loop3A_74 to %parallel_loop3A_75 step %parallel_loop3A_76  : i32 {
        %parallel_loop3A_129 = arith.constant 80 : i32
        %parallel_loop3A_130 = arith.muli %add3A_59, %parallel_loop3A_129 : i32
        %parallel_loop3A_131 = arith.addi %parallel_loop3A_130, %parallel_loop3A_128 : i32
        %parallel_loop3A_132 = vector.broadcast %parallel_loop3A_131 : i32 to vector<16xi32>
        %parallel_loop3A_133 = tpu.vector_load_idx %arg8[%parallel_loop3A_132] : memref<10000xf32, #tpu.memory_space<vmem>>[vector<16xi32>], vector<16xf32>,
        %parallel_loop3A_134 = arith.index_cast %parallel_loop3A_128 : i32 to index
        %parallel_loop3A_135 = arith.constant 0 : index
        %parallel_loop3A_136 = tpu.vector_load %arg12[%parallel_loop3A_134, %parallel_loop3A_135] {strides = array<i32>} : memref<80x128xf32, #tpu.memory_space<vmem>>, vector<16xf32>,
        %parallel_loop3A_137 = arith.mulf %parallel_loop3A_136, %parallel_loop3A_133 : vector<16xf32>
        %parallel_loop3A_138 = arith.index_cast %parallel_loop3A_128 : i32 to index
        %parallel_loop3A_139 = arith.constant 0 : index
        %parallel_loop3A_140 = tpu.vector_load %arg12[%parallel_loop3A_138, %parallel_loop3A_139] {strides = array<i32>} : memref<80x128xf32, #tpu.memory_space<vmem>>, vector<16xf32>,
        tpu.vector_store %arg12[%parallel_loop3A_138, %parallel_loop3A_139], %parallel_loop3A_137 {strides = array<i32>} : memref<80x128xf32, #tpu.memory_space<vmem>>, vector<16xf32>,
        %parallel_loop3A_141 = arith.index_cast %parallel_loop3A_128 : i32 to index
        %parallel_loop3A_142 = arith.constant 16 : index
        %parallel_loop3A_143 = tpu.vector_load %arg12[%parallel_loop3A_141, %parallel_loop3A_142] {strides = array<i32>} : memref<80x128xf32, #tpu.memory_space<vmem>>, vector<16xf32>,
        %parallel_loop3A_144 = arith.mulf %parallel_loop3A_143, %parallel_loop3A_133 : vector<16xf32>
        %parallel_loop3A_145 = arith.index_cast %parallel_loop3A_128 : i32 to index
        %parallel_loop3A_146 = arith.constant 16 : index
        %parallel_loop3A_147 = tpu.vector_load %arg12[%parallel_loop3A_145, %parallel_loop3A_146] {strides = array<i32>} : memref<80x128xf32, #tpu.memory_space<vmem>>, vector<16xf32>,
        tpu.vector_store %arg12[%parallel_loop3A_145, %parallel_loop3A_146], %parallel_loop3A_144 {strides = array<i32>} : memref<80x128xf32, #tpu.memory_space<vmem>>, vector<16xf32>,
        %parallel_loop3A_148 = arith.index_cast %parallel_loop3A_128 : i32 to index
        %parallel_loop3A_149 = arith.constant 32 : index
        %parallel_loop3A_150 = tpu.vector_load %arg12[%parallel_loop3A_148, %parallel_loop3A_149] {strides = array<i32>} : memref<80x128xf32, #tpu.memory_space<vmem>>, vector<16xf32>,
        %parallel_loop3A_151 = arith.mulf %parallel_loop3A_150, %parallel_loop3A_133 : vector<16xf32>
        %parallel_loop3A_152 = arith.index_cast %parallel_loop3A_128 : i32 to index
        %parallel_loop3A_153 = arith.constant 32 : index
        %parallel_loop3A_154 = tpu.vector_load %arg12[%parallel_loop3A_152, %parallel_loop3A_153] {strides = array<i32>} : memref<80x128xf32, #tpu.memory_space<vmem>>, vector<16xf32>,
        tpu.vector_store %arg12[%parallel_loop3A_152, %parallel_loop3A_153], %parallel_loop3A_151 {strides = array<i32>} : memref<80x128xf32, #tpu.memory_space<vmem>>, vector<16xf32>,
        %parallel_loop3A_155 = arith.index_cast %parallel_loop3A_128 : i32 to index
        %parallel_loop3A_156 = arith.constant 48 : index
        %parallel_loop3A_157 = tpu.vector_load %arg12[%parallel_loop3A_155, %parallel_loop3A_156] {strides = array<i32>} : memref<80x128xf32, #tpu.memory_space<vmem>>, vector<16xf32>,
        %parallel_loop3A_158 = arith.mulf %parallel_loop3A_157, %parallel_loop3A_133 : vector<16xf32>
        %parallel_loop3A_159 = arith.index_cast %parallel_loop3A_128 : i32 to index
        %parallel_loop3A_160 = arith.constant 48 : index
        %parallel_loop3A_161 = tpu.vector_load %arg12[%parallel_loop3A_159, %parallel_loop3A_160] {strides = array<i32>} : memref<80x128xf32, #tpu.memory_space<vmem>>, vector<16xf32>,
        tpu.vector_store %arg12[%parallel_loop3A_159, %parallel_loop3A_160], %parallel_loop3A_158 {strides = array<i32>} : memref<80x128xf32, #tpu.memory_space<vmem>>, vector<16xf32>,
        %parallel_loop3A_162 = arith.index_cast %parallel_loop3A_128 : i32 to index
        %parallel_loop3A_163 = arith.constant 64 : index
        %parallel_loop3A_164 = tpu.vector_load %arg12[%parallel_loop3A_162, %parallel_loop3A_163] {strides = array<i32>} : memref<80x128xf32, #tpu.memory_space<vmem>>, vector<16xf32>,
        %parallel_loop3A_165 = arith.mulf %parallel_loop3A_164, %parallel_loop3A_133 : vector<16xf32>
        %parallel_loop3A_166 = arith.index_cast %parallel_loop3A_128 : i32 to index
        %parallel_loop3A_167 = arith.constant 64 : index
        %parallel_loop3A_168 = tpu.vector_load %arg12[%parallel_loop3A_166, %parallel_loop3A_167] {strides = array<i32>} : memref<80x128xf32, #tpu.memory_space<vmem>>, vector<16xf32>,
        tpu.vector_store %arg12[%parallel_loop3A_166, %parallel_loop3A_167], %parallel_loop3A_165 {strides = array<i32>} : memref<80x128xf32, #tpu.memory_space<vmem>>, vector<16xf32>,
        %parallel_loop3A_169 = arith.index_cast %parallel_loop3A_128 : i32 to index
        %parallel_loop3A_170 = arith.constant 80 : index
        %parallel_loop3A_171 = tpu.vector_load %arg12[%parallel_loop3A_169, %parallel_loop3A_170] {strides = array<i32>} : memref<80x128xf32, #tpu.memory_space<vmem>>, vector<16xf32>,
        %parallel_loop3A_172 = arith.mulf %parallel_loop3A_171, %parallel_loop3A_133 : vector<16xf32>
        %parallel_loop3A_173 = arith.index_cast %parallel_loop3A_128 : i32 to index
        %parallel_loop3A_174 = arith.constant 80 : index
        %parallel_loop3A_175 = tpu.vector_load %arg12[%parallel_loop3A_173, %parallel_loop3A_174] {strides = array<i32>} : memref<80x128xf32, #tpu.memory_space<vmem>>, vector<16xf32>,
        tpu.vector_store %arg12[%parallel_loop3A_173, %parallel_loop3A_174], %parallel_loop3A_172 {strides = array<i32>} : memref<80x128xf32, #tpu.memory_space<vmem>>, vector<16xf32>,
        %parallel_loop3A_176 = arith.index_cast %parallel_loop3A_128 : i32 to index
        %parallel_loop3A_177 = arith.constant 96 : index
        %parallel_loop3A_178 = tpu.vector_load %arg12[%parallel_loop3A_176, %parallel_loop3A_177] {strides = array<i32>} : memref<80x128xf32, #tpu.memory_space<vmem>>, vector<16xf32>,
        %parallel_loop3A_179 = arith.mulf %parallel_loop3A_178, %parallel_loop3A_133 : vector<16xf32>
        %parallel_loop3A_180 = arith.index_cast %parallel_loop3A_128 : i32 to index
        %parallel_loop3A_181 = arith.constant 96 : index
        %parallel_loop3A_182 = tpu.vector_load %arg12[%parallel_loop3A_180, %parallel_loop3A_181] {strides = array<i32>} : memref<80x128xf32, #tpu.memory_space<vmem>>, vector<16xf32>,
        tpu.vector_store %arg12[%parallel_loop3A_180, %parallel_loop3A_181], %parallel_loop3A_179 {strides = array<i32>} : memref<80x128xf32, #tpu.memory_space<vmem>>, vector<16xf32>,
        %parallel_loop3A_183 = arith.index_cast %parallel_loop3A_128 : i32 to index
        %parallel_loop3A_184 = arith.constant 112 : index
        %parallel_loop3A_185 = tpu.vector_load %arg12[%parallel_loop3A_183, %parallel_loop3A_184] {strides = array<i32>} : memref<80x128xf32, #tpu.memory_space<vmem>>, vector<16xf32>,
        %parallel_loop3A_186 = arith.mulf %parallel_loop3A_185, %parallel_loop3A_133 : vector<16xf32>
        %parallel_loop3A_187 = arith.index_cast %parallel_loop3A_128 : i32 to index
        %parallel_loop3A_188 = arith.constant 112 : index
        %parallel_loop3A_189 = tpu.vector_load %arg12[%parallel_loop3A_187, %parallel_loop3A_188] {strides = array<i32>} : memref<80x128xf32, #tpu.memory_space<vmem>>, vector<16xf32>,
        tpu.vector_store %arg12[%parallel_loop3A_187, %parallel_loop3A_188], %parallel_loop3A_186 {strides = array<i32>} : memref<80x128xf32, #tpu.memory_space<vmem>>, vector<16xf32>,
      } {sc.loop_unroll_factor = 2 : i64, sc.parallel_access}
      %dma_start3A_77 = arith.constant 0 : i32
      %dma_start3A_78 = tpu.memref_slice %arg9[%add3A_59, %dma_start3A_77] : memref<125x80xi32, #tpu.memory_space<vmem>> -> memref<1x80xi32, #tpu.memory_space<vmem>>
      %dma_start3A_79 = tpu.memref_squeeze %dma_start3A_78 : memref<1x80xi32, #tpu.memory_space<vmem>> -> memref<80xi32, #tpu.memory_space<vmem>>
      %dma_start3A_80 = arith.constant 0 : i32
      %dma_start3A_81 = arith.constant 0 : i32
      %dma_start3A_82 = tpu.memref_slice %arg14[%dma_start3A_80, %dma_start3A_81] : memref<10000x128xf32, #tpu.memory_space<vmem_shared>> -> memref<10000x128xf32, #tpu.memory_space<vmem_shared>>
      tpu.enqueue_indirect_dma source(%arg12 : memref<80x128xf32, #tpu.memory_space<vmem>>) target(%dma_start3A_82 : memref<10000x128xf32, #tpu.memory_space<vmem_shared>>) offsets(%dma_start3A_79 : memref<80xi32, #tpu.memory_space<vmem>>) semaphore(%arg17 : memref<!tpu.dma_semaphore, #tpu.memory_space<semaphore_mem>>) {add = true}
      %dma_wait3A_83 = arith.constant 0 : i32
      %dma_wait3A_84 = arith.constant 0 : i32
      %dma_wait3A_85 = tpu.memref_slice %arg2[%dma_wait3A_83, %dma_wait3A_84] : memref<10000x128xf32, #tpu.memory_space<hbm>> -> memref<10000x128xf32, #tpu.memory_space<hbm>>
      tpu.wait_indirect_dma semaphore(%arg16 : memref<!tpu.dma_semaphore, #tpu.memory_space<semaphore_mem>>) src(%dma_wait3A_85 : memref<10000x128xf32, #tpu.memory_space<hbm>>) dst(%arg13 : memref<80x128xf32, #tpu.memory_space<vmem>>)
      %add3A_86 = arith.constant 2 : i32
      %add3A_87 = arith.addi %add3A_63, %add3A_86 : i32
      %lt3A_88 = arith.constant 125 : i32
      %lt3A_89 = arith.cmpi slt, %add3A_87, %lt3A_88 : i32
      %convert_element_type3A_90 = arith.extui %lt3A_89 : i1 to i32
      %cond3A_91 = arith.constant 0 : i32
      %cond3A_92 = arith.cmpi ne, %convert_element_type3A_90, %cond3A_91 : i32
      scf.if %cond3A_92 {
        %add3A_128 = arith.constant 2 : i32
        %add3A_129 = arith.addi %add3A_63, %add3A_128 : i32
        %mul3A_130 = arith.constant 80 : i32
        %mul3A_131 = arith.muli %add3A_129, %mul3A_130 : i32
        %add3A_132 = arith.addi %multiple_of3A, %mul3A_131 : i32
        %multiple_of3A_133 = tpu.assume_multiple %add3A_132, 8 : i32
        %dma_start3A_134 = tpu.memref_slice %arg3[%multiple_of3A_133] : memref<320000xi32, #tpu.memory_space<hbm>> -> memref<80xi32, #tpu.memory_space<hbm>>
        %dma_start3A_135 = tpu.memref_slice %arg3[%multiple_of3A_133] : memref<320000xi32, #tpu.memory_space<hbm>> -> memref<80xi32, #tpu.memory_space<hbm>>
        tpu.enqueue_dma source(%dma_start3A_135 : memref<80xi32, #tpu.memory_space<hbm>>) target(%arg11 : memref<80xi32, #tpu.memory_space<vmem>>) target_semaphore(%arg20 : memref<!tpu.dma_semaphore, #tpu.memory_space<semaphore_mem>>)
      } else {
      }
      %parallel_loop3A_93 = arith.constant 0 : i32
      %parallel_loop3A_94 = arith.constant 80 : i32
      %parallel_loop3A_95 = arith.constant 1 : i32
      scf.for %parallel_loop3A_128 = %parallel_loop3A_93 to %parallel_loop3A_94 step %parallel_loop3A_95  : i32 {
        %parallel_loop3A_129 = arith.constant 80 : i32
        %parallel_loop3A_130 = arith.muli %add3A_63, %parallel_loop3A_129 : i32
        %parallel_loop3A_131 = arith.addi %parallel_loop3A_130, %parallel_loop3A_128 : i32
        %parallel_loop3A_132 = vector.broadcast %parallel_loop3A_131 : i32 to vector<16xi32>
        %parallel_loop3A_133 = tpu.vector_load_idx %arg8[%parallel_loop3A_132] : memref<10000xf32, #tpu.memory_space<vmem>>[vector<16xi32>], vector<16xf32>,
        %parallel_loop3A_134 = arith.index_cast %parallel_loop3A_128 : i32 to index
        %parallel_loop3A_135 = arith.constant 0 : index
        %parallel_loop3A_136 = tpu.vector_load %arg13[%parallel_loop3A_134, %parallel_loop3A_135] {strides = array<i32>} : memref<80x128xf32, #tpu.memory_space<vmem>>, vector<16xf32>,
        %parallel_loop3A_137 = arith.mulf %parallel_loop3A_136, %parallel_loop3A_133 : vector<16xf32>
        %parallel_loop3A_138 = arith.index_cast %parallel_loop3A_128 : i32 to index
        %parallel_loop3A_139 = arith.constant 0 : index
        %parallel_loop3A_140 = tpu.vector_load %arg13[%parallel_loop3A_138, %parallel_loop3A_139] {strides = array<i32>} : memref<80x128xf32, #tpu.memory_space<vmem>>, vector<16xf32>,
        tpu.vector_store %arg13[%parallel_loop3A_138, %parallel_loop3A_139], %parallel_loop3A_137 {strides = array<i32>} : memref<80x128xf32, #tpu.memory_space<vmem>>, vector<16xf32>,
        %parallel_loop3A_141 = arith.index_cast %parallel_loop3A_128 : i32 to index
        %parallel_loop3A_142 = arith.constant 16 : index
        %parallel_loop3A_143 = tpu.vector_load %arg13[%parallel_loop3A_141, %parallel_loop3A_142] {strides = array<i32>} : memref<80x128xf32, #tpu.memory_space<vmem>>, vector<16xf32>,
        %parallel_loop3A_144 = arith.mulf %parallel_loop3A_143, %parallel_loop3A_133 : vector<16xf32>
        %parallel_loop3A_145 = arith.index_cast %parallel_loop3A_128 : i32 to index
        %parallel_loop3A_146 = arith.constant 16 : index
        %parallel_loop3A_147 = tpu.vector_load %arg13[%parallel_loop3A_145, %parallel_loop3A_146] {strides = array<i32>} : memref<80x128xf32, #tpu.memory_space<vmem>>, vector<16xf32>,
        tpu.vector_store %arg13[%parallel_loop3A_145, %parallel_loop3A_146], %parallel_loop3A_144 {strides = array<i32>} : memref<80x128xf32, #tpu.memory_space<vmem>>, vector<16xf32>,
        %parallel_loop3A_148 = arith.index_cast %parallel_loop3A_128 : i32 to index
        %parallel_loop3A_149 = arith.constant 32 : index
        %parallel_loop3A_150 = tpu.vector_load %arg13[%parallel_loop3A_148, %parallel_loop3A_149] {strides = array<i32>} : memref<80x128xf32, #tpu.memory_space<vmem>>, vector<16xf32>,
        %parallel_loop3A_151 = arith.mulf %parallel_loop3A_150, %parallel_loop3A_133 : vector<16xf32>
        %parallel_loop3A_152 = arith.index_cast %parallel_loop3A_128 : i32 to index
        %parallel_loop3A_153 = arith.constant 32 : index
        %parallel_loop3A_154 = tpu.vector_load %arg13[%parallel_loop3A_152, %parallel_loop3A_153] {strides = array<i32>} : memref<80x128xf32, #tpu.memory_space<vmem>>, vector<16xf32>,
        tpu.vector_store %arg13[%parallel_loop3A_152, %parallel_loop3A_153], %parallel_loop3A_151 {strides = array<i32>} : memref<80x128xf32, #tpu.memory_space<vmem>>, vector<16xf32>,
        %parallel_loop3A_155 = arith.index_cast %parallel_loop3A_128 : i32 to index
        %parallel_loop3A_156 = arith.constant 48 : index
        %parallel_loop3A_157 = tpu.vector_load %arg13[%parallel_loop3A_155, %parallel_loop3A_156] {strides = array<i32>} : memref<80x128xf32, #tpu.memory_space<vmem>>, vector<16xf32>,
        %parallel_loop3A_158 = arith.mulf %parallel_loop3A_157, %parallel_loop3A_133 : vector<16xf32>
        %parallel_loop3A_159 = arith.index_cast %parallel_loop3A_128 : i32 to index
        %parallel_loop3A_160 = arith.constant 48 : index
        %parallel_loop3A_161 = tpu.vector_load %arg13[%parallel_loop3A_159, %parallel_loop3A_160] {strides = array<i32>} : memref<80x128xf32, #tpu.memory_space<vmem>>, vector<16xf32>,
        tpu.vector_store %arg13[%parallel_loop3A_159, %parallel_loop3A_160], %parallel_loop3A_158 {strides = array<i32>} : memref<80x128xf32, #tpu.memory_space<vmem>>, vector<16xf32>,
        %parallel_loop3A_162 = arith.index_cast %parallel_loop3A_128 : i32 to index
        %parallel_loop3A_163 = arith.constant 64 : index
        %parallel_loop3A_164 = tpu.vector_load %arg13[%parallel_loop3A_162, %parallel_loop3A_163] {strides = array<i32>} : memref<80x128xf32, #tpu.memory_space<vmem>>, vector<16xf32>,
        %parallel_loop3A_165 = arith.mulf %parallel_loop3A_164, %parallel_loop3A_133 : vector<16xf32>
        %parallel_loop3A_166 = arith.index_cast %parallel_loop3A_128 : i32 to index
        %parallel_loop3A_167 = arith.constant 64 : index
        %parallel_loop3A_168 = tpu.vector_load %arg13[%parallel_loop3A_166, %parallel_loop3A_167] {strides = array<i32>} : memref<80x128xf32, #tpu.memory_space<vmem>>, vector<16xf32>,
        tpu.vector_store %arg13[%parallel_loop3A_166, %parallel_loop3A_167], %parallel_loop3A_165 {strides = array<i32>} : memref<80x128xf32, #tpu.memory_space<vmem>>, vector<16xf32>,
        %parallel_loop3A_169 = arith.index_cast %parallel_loop3A_128 : i32 to index
        %parallel_loop3A_170 = arith.constant 80 : index
        %parallel_loop3A_171 = tpu.vector_load %arg13[%parallel_loop3A_169, %parallel_loop3A_170] {strides = array<i32>} : memref<80x128xf32, #tpu.memory_space<vmem>>, vector<16xf32>,
        %parallel_loop3A_172 = arith.mulf %parallel_loop3A_171, %parallel_loop3A_133 : vector<16xf32>
        %parallel_loop3A_173 = arith.index_cast %parallel_loop3A_128 : i32 to index
        %parallel_loop3A_174 = arith.constant 80 : index
        %parallel_loop3A_175 = tpu.vector_load %arg13[%parallel_loop3A_173, %parallel_loop3A_174] {strides = array<i32>} : memref<80x128xf32, #tpu.memory_space<vmem>>, vector<16xf32>,
        tpu.vector_store %arg13[%parallel_loop3A_173, %parallel_loop3A_174], %parallel_loop3A_172 {strides = array<i32>} : memref<80x128xf32, #tpu.memory_space<vmem>>, vector<16xf32>,
        %parallel_loop3A_176 = arith.index_cast %parallel_loop3A_128 : i32 to index
        %parallel_loop3A_177 = arith.constant 96 : index
        %parallel_loop3A_178 = tpu.vector_load %arg13[%parallel_loop3A_176, %parallel_loop3A_177] {strides = array<i32>} : memref<80x128xf32, #tpu.memory_space<vmem>>, vector<16xf32>,
        %parallel_loop3A_179 = arith.mulf %parallel_loop3A_178, %parallel_loop3A_133 : vector<16xf32>
        %parallel_loop3A_180 = arith.index_cast %parallel_loop3A_128 : i32 to index
        %parallel_loop3A_181 = arith.constant 96 : index
        %parallel_loop3A_182 = tpu.vector_load %arg13[%parallel_loop3A_180, %parallel_loop3A_181] {strides = array<i32>} : memref<80x128xf32, #tpu.memory_space<vmem>>, vector<16xf32>,
        tpu.vector_store %arg13[%parallel_loop3A_180, %parallel_loop3A_181], %parallel_loop3A_179 {strides = array<i32>} : memref<80x128xf32, #tpu.memory_space<vmem>>, vector<16xf32>,
        %parallel_loop3A_183 = arith.index_cast %parallel_loop3A_128 : i32 to index
        %parallel_loop3A_184 = arith.constant 112 : index
        %parallel_loop3A_185 = tpu.vector_load %arg13[%parallel_loop3A_183, %parallel_loop3A_184] {strides = array<i32>} : memref<80x128xf32, #tpu.memory_space<vmem>>, vector<16xf32>,
        %parallel_loop3A_186 = arith.mulf %parallel_loop3A_185, %parallel_loop3A_133 : vector<16xf32>
        %parallel_loop3A_187 = arith.index_cast %parallel_loop3A_128 : i32 to index
        %parallel_loop3A_188 = arith.constant 112 : index
        %parallel_loop3A_189 = tpu.vector_load %arg13[%parallel_loop3A_187, %parallel_loop3A_188] {strides = array<i32>} : memref<80x128xf32, #tpu.memory_space<vmem>>, vector<16xf32>,
        tpu.vector_store %arg13[%parallel_loop3A_187, %parallel_loop3A_188], %parallel_loop3A_186 {strides = array<i32>} : memref<80x128xf32, #tpu.memory_space<vmem>>, vector<16xf32>,
      } {sc.loop_unroll_factor = 2 : i64, sc.parallel_access}
      %dma_start3A_96 = arith.constant 0 : i32
      %dma_start3A_97 = tpu.memref_slice %arg9[%add3A_63, %dma_start3A_96] : memref<125x80xi32, #tpu.memory_space<vmem>> -> memref<1x80xi32, #tpu.memory_space<vmem>>
      %dma_start3A_98 = tpu.memref_squeeze %dma_start3A_97 : memref<1x80xi32, #tpu.memory_space<vmem>> -> memref<80xi32, #tpu.memory_space<vmem>>
      %dma_start3A_99 = arith.constant 0 : i32
      %dma_start3A_100 = arith.constant 0 : i32
      %dma_start3A_101 = tpu.memref_slice %arg14[%dma_start3A_99, %dma_start3A_100] : memref<10000x128xf32, #tpu.memory_space<vmem_shared>> -> memref<10000x128xf32, #tpu.memory_space<vmem_shared>>
      tpu.enqueue_indirect_dma source(%arg13 : memref<80x128xf32, #tpu.memory_space<vmem>>) target(%dma_start3A_101 : memref<10000x128xf32, #tpu.memory_space<vmem_shared>>) offsets(%dma_start3A_98 : memref<80xi32, #tpu.memory_space<vmem>>) semaphore(%arg18 : memref<!tpu.dma_semaphore, #tpu.memory_space<semaphore_mem>>) {add = true}
      %dma_wait3A_102 = arith.constant 0 : i32
      %dma_wait3A_103 = tpu.memref_slice %arg9[%add3A_59, %dma_wait3A_102] : memref<125x80xi32, #tpu.memory_space<vmem>> -> memref<1x80xi32, #tpu.memory_space<vmem>>
      %dma_wait3A_104 = tpu.memref_squeeze %dma_wait3A_103 : memref<1x80xi32, #tpu.memory_space<vmem>> -> memref<80xi32, #tpu.memory_space<vmem>>
      %dma_wait3A_105 = arith.constant 0 : i32
      %dma_wait3A_106 = arith.constant 0 : i32
      %dma_wait3A_107 = tpu.memref_slice %arg14[%dma_wait3A_105, %dma_wait3A_106] : memref<10000x128xf32, #tpu.memory_space<vmem_shared>> -> memref<10000x128xf32, #tpu.memory_space<vmem_shared>>
      tpu.wait_indirect_dma semaphore(%arg17 : memref<!tpu.dma_semaphore, #tpu.memory_space<semaphore_mem>>) src(%arg12 : memref<80x128xf32, #tpu.memory_space<vmem>>) dst(%dma_wait3A_107 : memref<10000x128xf32, #tpu.memory_space<vmem_shared>>)
      %add3A_108 = arith.constant 2 : i32
      %add3A_109 = arith.addi %add3A_59, %add3A_108 : i32
      %lt3A_110 = arith.constant 125 : i32
      %lt3A_111 = arith.cmpi slt, %add3A_109, %lt3A_110 : i32
      %convert_element_type3A_112 = arith.extui %lt3A_111 : i1 to i32
      %cond3A_113 = arith.constant 0 : i32
      %cond3A_114 = arith.cmpi ne, %convert_element_type3A_112, %cond3A_113 : i32
      scf.if %cond3A_114 {
        %add3A_128 = arith.constant 2 : i32
        %add3A_129 = arith.addi %add3A_59, %add3A_128 : i32
        %mul3A_130 = arith.constant 80 : i32
        %mul3A_131 = arith.muli %add3A_129, %mul3A_130 : i32
        %add3A_132 = arith.addi %multiple_of3A, %mul3A_131 : i32
        %multiple_of3A_133 = tpu.assume_multiple %add3A_132, 8 : i32
        %dma_wait3A_134 = tpu.memref_slice %arg3[%multiple_of3A_133] : memref<320000xi32, #tpu.memory_space<hbm>> -> memref<80xi32, #tpu.memory_space<hbm>>
        %dma_wait3A_135 = tpu.memref_slice %arg3[%multiple_of3A_133] : memref<320000xi32, #tpu.memory_space<hbm>> -> memref<80xi32, #tpu.memory_space<hbm>>
        tpu.wait_dma2 semaphore(%arg19 : memref<!tpu.dma_semaphore, #tpu.memory_space<semaphore_mem>>) src(%dma_wait3A_135 : memref<80xi32, #tpu.memory_space<hbm>>) dst(%arg10 : memref<80xi32, #tpu.memory_space<vmem>>)
        %dma_start3A_136 = arith.constant 0 : i32
        %dma_start3A_137 = arith.constant 0 : i32
        %dma_start3A_138 = tpu.memref_slice %arg2[%dma_start3A_136, %dma_start3A_137] : memref<10000x128xf32, #tpu.memory_space<hbm>> -> memref<10000x128xf32, #tpu.memory_space<hbm>>
        tpu.enqueue_indirect_dma source(%dma_start3A_138 : memref<10000x128xf32, #tpu.memory_space<hbm>>) target(%arg12 : memref<80x128xf32, #tpu.memory_space<vmem>>) offsets(%arg10 : memref<80xi32, #tpu.memory_space<vmem>>) semaphore(%arg15 : memref<!tpu.dma_semaphore, #tpu.memory_space<semaphore_mem>>)
      } else {
      }
      %dma_wait3A_115 = arith.constant 0 : i32
      %dma_wait3A_116 = tpu.memref_slice %arg9[%add3A_63, %dma_wait3A_115] : memref<125x80xi32, #tpu.memory_space<vmem>> -> memref<1x80xi32, #tpu.memory_space<vmem>>
      %dma_wait3A_117 = tpu.memref_squeeze %dma_wait3A_116 : memref<1x80xi32, #tpu.memory_space<vmem>> -> memref<80xi32, #tpu.memory_space<vmem>>
      %dma_wait3A_118 = arith.constant 0 : i32
      %dma_wait3A_119 = arith.constant 0 : i32
      %dma_wait3A_120 = tpu.memref_slice %arg14[%dma_wait3A_118, %dma_wait3A_119] : memref<10000x128xf32, #tpu.memory_space<vmem_shared>> -> memref<10000x128xf32, #tpu.memory_space<vmem_shared>>
      tpu.wait_indirect_dma semaphore(%arg18 : memref<!tpu.dma_semaphore, #tpu.memory_space<semaphore_mem>>) src(%arg13 : memref<80x128xf32, #tpu.memory_space<vmem>>) dst(%dma_wait3A_120 : memref<10000x128xf32, #tpu.memory_space<vmem_shared>>)
      %add3A_121 = arith.constant 2 : i32
      %add3A_122 = arith.addi %add3A_63, %add3A_121 : i32
      %lt3A_123 = arith.constant 125 : i32
      %lt3A_124 = arith.cmpi slt, %add3A_122, %lt3A_123 : i32
      %convert_element_type3A_125 = arith.extui %lt3A_124 : i1 to i32
      %cond3A_126 = arith.constant 0 : i32
      %cond3A_127 = arith.cmpi ne, %convert_element_type3A_125, %cond3A_126 : i32
      scf.if %cond3A_127 {
        %add3A_128 = arith.constant 2 : i32
        %add3A_129 = arith.addi %add3A_63, %add3A_128 : i32
        %mul3A_130 = arith.constant 80 : i32
        %mul3A_131 = arith.muli %add3A_129, %mul3A_130 : i32
        %add3A_132 = arith.addi %multiple_of3A, %mul3A_131 : i32
        %multiple_of3A_133 = tpu.assume_multiple %add3A_132, 8 : i32
        %dma_wait3A_134 = tpu.memref_slice %arg3[%multiple_of3A_133] : memref<320000xi32, #tpu.memory_space<hbm>> -> memref<80xi32, #tpu.memory_space<hbm>>
        %dma_wait3A_135 = tpu.memref_slice %arg3[%multiple_of3A_133] : memref<320000xi32, #tpu.memory_space<hbm>> -> memref<80xi32, #tpu.memory_space<hbm>>
        tpu.wait_dma2 semaphore(%arg20 : memref<!tpu.dma_semaphore, #tpu.memory_space<semaphore_mem>>) src(%dma_wait3A_135 : memref<80xi32, #tpu.memory_space<hbm>>) dst(%arg11 : memref<80xi32, #tpu.memory_space<vmem>>)
        %dma_start3A_136 = arith.constant 0 : i32
        %dma_start3A_137 = arith.constant 0 : i32
        %dma_start3A_138 = tpu.memref_slice %arg2[%dma_start3A_136, %dma_start3A_137] : memref<10000x128xf32, #tpu.memory_space<hbm>> -> memref<10000x128xf32, #tpu.memory_space<hbm>>
        tpu.enqueue_indirect_dma source(%dma_start3A_138 : memref<10000x128xf32, #tpu.memory_space<hbm>>) target(%arg13 : memref<80x128xf32, #tpu.memory_space<vmem>>) offsets(%arg11 : memref<80xi32, #tpu.memory_space<vmem>>) semaphore(%arg16 : memref<!tpu.dma_semaphore, #tpu.memory_space<semaphore_mem>>)
      } else {
      }
    }
    %scan3A_37 = arith.constant 62 : i32
    %barrier3A_38 = arith.constant 0 : index
    tpu.barrier barrier_id(%barrier3A_38)
    %mul3A_39 = arith.constant 10000 : i32
    %mul3A_40 = arith.muli %arg0, %mul3A_39 : i32
    %mul3A_41 = arith.constant 624 : i32
    %mul3A_42 = arith.muli %arg1, %mul3A_41 : i32
    %add3A_43 = arith.addi %mul3A_40, %mul3A_42 : i32
    %multiple_of3A_44 = tpu.assume_multiple %add3A_43, 8 : i32
    %lt3A_45 = arith.constant 15 : i32
    %lt3A_46 = arith.cmpi slt, %arg1, %lt3A_45 : i32
    %convert_element_type3A_47 = arith.extui %lt3A_46 : i1 to i32
    %cond3A_48 = arith.constant 0 : i32
    %cond3A_49 = arith.cmpi ne, %convert_element_type3A_47, %cond3A_48 : i32
    scf.if %cond3A_49 {
      "tpu.region"() ({
        %run_scoped3A_55 = tpu.sem_alloc : memref<!tpu.dma_semaphore, #tpu.memory_space<semaphore_mem>>
        %dma_start3A_56 = arith.constant 0 : i32
        %dma_start3A_57 = tpu.memref_slice %arg7[%multiple_of3A_44, %dma_start3A_56] : memref<20000x128xf32, #tpu.memory_space<hbm>> -> memref<624x128xf32, #tpu.memory_space<hbm>>
        %dma_start3A_58 = arith.constant 0 : i32
        %dma_start3A_59 = tpu.memref_slice %arg14[%multiple_of3A_5, %dma_start3A_58] : memref<10000x128xf32, #tpu.memory_space<vmem_shared>> -> memref<624x128xf32, #tpu.memory_space<vmem_shared>>
        tpu.enqueue_dma source(%dma_start3A_59 : memref<624x128xf32, #tpu.memory_space<vmem_shared>>) target(%dma_start3A_57 : memref<624x128xf32, #tpu.memory_space<hbm>>) target_semaphore(%run_scoped3A_55 : memref<!tpu.dma_semaphore, #tpu.memory_space<semaphore_mem>>)
        %dma_wait3A_60 = arith.constant 0 : i32
        %dma_wait3A_61 = tpu.memref_slice %arg7[%multiple_of3A_44, %dma_wait3A_60] : memref<20000x128xf32, #tpu.memory_space<hbm>> -> memref<624x128xf32, #tpu.memory_space<hbm>>
        %dma_wait3A_62 = arith.constant 0 : i32
        %dma_wait3A_63 = tpu.memref_slice %arg14[%multiple_of3A_5, %dma_wait3A_62] : memref<10000x128xf32, #tpu.memory_space<vmem_shared>> -> memref<624x128xf32, #tpu.memory_space<vmem_shared>>
        tpu.wait_dma2 semaphore(%run_scoped3A_55 : memref<!tpu.dma_semaphore, #tpu.memory_space<semaphore_mem>>) src(%dma_wait3A_63 : memref<624x128xf32, #tpu.memory_space<vmem_shared>>) dst(%dma_wait3A_61 : memref<624x128xf32, #tpu.memory_space<hbm>>)
        tpu.yield
      }) : () -> ()
    } else {
    }
    %eq3A_50 = arith.constant 15 : i32
    %eq3A_51 = arith.cmpi eq, %arg1, %eq3A_50 : i32
    %convert_element_type3A_52 = arith.extui %eq3A_51 : i1 to i32
    %cond3A_53 = arith.constant 0 : i32
    %cond3A_54 = arith.cmpi ne, %convert_element_type3A_52, %cond3A_53 : i32
    scf.if %cond3A_54 {
      "tpu.region"() ({
        %run_scoped3A_55 = tpu.sem_alloc : memref<!tpu.dma_semaphore, #tpu.memory_space<semaphore_mem>>
        %dma_start3A_56 = arith.constant 0 : i32
        %dma_start3A_57 = tpu.memref_slice %arg7[%multiple_of3A_44, %dma_start3A_56] : memref<20000x128xf32, #tpu.memory_space<hbm>> -> memref<640x128xf32, #tpu.memory_space<hbm>>
        %dma_start3A_58 = arith.constant 0 : i32
        %dma_start3A_59 = tpu.memref_slice %arg14[%multiple_of3A_5, %dma_start3A_58] : memref<10000x128xf32, #tpu.memory_space<vmem_shared>> -> memref<640x128xf32, #tpu.memory_space<vmem_shared>>
        tpu.enqueue_dma source(%dma_start3A_59 : memref<640x128xf32, #tpu.memory_space<vmem_shared>>) target(%dma_start3A_57 : memref<640x128xf32, #tpu.memory_space<hbm>>) target_semaphore(%run_scoped3A_55 : memref<!tpu.dma_semaphore, #tpu.memory_space<semaphore_mem>>)
        %dma_wait3A_60 = arith.constant 0 : i32
        %dma_wait3A_61 = tpu.memref_slice %arg7[%multiple_of3A_44, %dma_wait3A_60] : memref<20000x128xf32, #tpu.memory_space<hbm>> -> memref<640x128xf32, #tpu.memory_space<hbm>>
        %dma_wait3A_62 = arith.constant 0 : i32
        %dma_wait3A_63 = tpu.memref_slice %arg14[%multiple_of3A_5, %dma_wait3A_62] : memref<10000x128xf32, #tpu.memory_space<vmem_shared>> -> memref<640x128xf32, #tpu.memory_space<vmem_shared>>
        tpu.wait_dma2 semaphore(%run_scoped3A_55 : memref<!tpu.dma_semaphore, #tpu.memory_space<semaphore_mem>>) src(%dma_wait3A_63 : memref<640x128xf32, #tpu.memory_space<vmem_shared>>) dst(%dma_wait3A_61 : memref<640x128xf32, #tpu.memory_space<hbm>>)
        tpu.yield
      }) : () -> ()
    } else {
    }
    return
  }
}

#map = affine_map<(d0, d1) -> (0)>
module attributes {stable_mosaic.version = 14 : i64} {
  func.func @_sc_norm_body(%arg0: i32, %arg1: i32, %arg2: memref<320000xi32, #tpu.memory_space<hbm>>, %arg3: memref<320000xi32, #tpu.memory_space<hbm>>, %arg4: memref<320000xf32, #tpu.memory_space<hbm>>, %arg5: memref<10000xf32, #tpu.memory_space<hbm>>, %arg6: memref<320000xf32, #tpu.memory_space<hbm>>, %arg7: memref<10000xf32, #tpu.memory_space<vmem>>, %arg8: memref<10000xi32, #tpu.memory_space<vmem>>, %arg9: memref<10000xi32, #tpu.memory_space<vmem>>, %arg10: memref<10000xf32, #tpu.memory_space<vmem>>, %arg11: memref<10000xf32, #tpu.memory_space<vmem>>) attributes {dimension_semantics = [#tpu.dimension_semantics<core_parallel>, #tpu.dimension_semantics<subcore_parallel>], iteration_bounds = array<i64: 2, 16>, scalar_prefetch = 0 : i64, scratch_operands = 5 : i64, tpu.core_type = #tpu.core_type<sc_vector_subcore>, window_params = [{transform_indices = #map}, {transform_indices = #map}, {transform_indices = #map}, {transform_indices = #map}, {transform_indices = #map}]} {
    %mul3A = arith.constant 2 : i32
    %mul3A_0 = arith.muli %arg1, %mul3A : i32
    %add3A = arith.addi %mul3A_0, %arg0 : i32
    %mul3A_1 = arith.constant 10000 : i32
    %mul3A_2 = arith.muli %add3A, %mul3A_1 : i32
    %multiple_of3A = tpu.assume_multiple %mul3A_2, 8 : i32
    "tpu.region"() ({
      %run_scoped3A = tpu.sem_alloc : memref<!tpu.dma_semaphore, #tpu.memory_space<semaphore_mem>>
      tpu.enqueue_dma source(%arg5 : memref<10000xf32, #tpu.memory_space<hbm>>) target(%arg7 : memref<10000xf32, #tpu.memory_space<vmem>>) target_semaphore(%run_scoped3A : memref<!tpu.dma_semaphore, #tpu.memory_space<semaphore_mem>>)
      tpu.wait_dma2 semaphore(%run_scoped3A : memref<!tpu.dma_semaphore, #tpu.memory_space<semaphore_mem>>) src(%arg5 : memref<10000xf32, #tpu.memory_space<hbm>>) dst(%arg7 : memref<10000xf32, #tpu.memory_space<vmem>>)
      tpu.yield
    }) : () -> ()
    "tpu.region"() ({
      %run_scoped3A = tpu.sem_alloc : memref<!tpu.dma_semaphore, #tpu.memory_space<semaphore_mem>>
      %dma_start3A = tpu.memref_slice %arg2[%multiple_of3A] : memref<320000xi32, #tpu.memory_space<hbm>> -> memref<10000xi32, #tpu.memory_space<hbm>>
      %dma_start3A_5 = tpu.memref_slice %arg2[%multiple_of3A] : memref<320000xi32, #tpu.memory_space<hbm>> -> memref<10000xi32, #tpu.memory_space<hbm>>
      tpu.enqueue_dma source(%dma_start3A_5 : memref<10000xi32, #tpu.memory_space<hbm>>) target(%arg8 : memref<10000xi32, #tpu.memory_space<vmem>>) target_semaphore(%run_scoped3A : memref<!tpu.dma_semaphore, #tpu.memory_space<semaphore_mem>>)
      %dma_wait3A = tpu.memref_slice %arg2[%multiple_of3A] : memref<320000xi32, #tpu.memory_space<hbm>> -> memref<10000xi32, #tpu.memory_space<hbm>>
      %dma_wait3A_6 = tpu.memref_slice %arg2[%multiple_of3A] : memref<320000xi32, #tpu.memory_space<hbm>> -> memref<10000xi32, #tpu.memory_space<hbm>>
      tpu.wait_dma2 semaphore(%run_scoped3A : memref<!tpu.dma_semaphore, #tpu.memory_space<semaphore_mem>>) src(%dma_wait3A_6 : memref<10000xi32, #tpu.memory_space<hbm>>) dst(%arg8 : memref<10000xi32, #tpu.memory_space<vmem>>)
      tpu.yield
    }) : () -> ()
    "tpu.region"() ({
      %run_scoped3A = tpu.sem_alloc : memref<!tpu.dma_semaphore, #tpu.memory_space<semaphore_mem>>
      %dma_start3A = tpu.memref_slice %arg3[%multiple_of3A] : memref<320000xi32, #tpu.memory_space<hbm>> -> memref<10000xi32, #tpu.memory_space<hbm>>
      %dma_start3A_5 = tpu.memref_slice %arg3[%multiple_of3A] : memref<320000xi32, #tpu.memory_space<hbm>> -> memref<10000xi32, #tpu.memory_space<hbm>>
      tpu.enqueue_dma source(%dma_start3A_5 : memref<10000xi32, #tpu.memory_space<hbm>>) target(%arg9 : memref<10000xi32, #tpu.memory_space<vmem>>) target_semaphore(%run_scoped3A : memref<!tpu.dma_semaphore, #tpu.memory_space<semaphore_mem>>)
      %dma_wait3A = tpu.memref_slice %arg3[%multiple_of3A] : memref<320000xi32, #tpu.memory_space<hbm>> -> memref<10000xi32, #tpu.memory_space<hbm>>
      %dma_wait3A_6 = tpu.memref_slice %arg3[%multiple_of3A] : memref<320000xi32, #tpu.memory_space<hbm>> -> memref<10000xi32, #tpu.memory_space<hbm>>
      tpu.wait_dma2 semaphore(%run_scoped3A : memref<!tpu.dma_semaphore, #tpu.memory_space<semaphore_mem>>) src(%dma_wait3A_6 : memref<10000xi32, #tpu.memory_space<hbm>>) dst(%arg9 : memref<10000xi32, #tpu.memory_space<vmem>>)
      tpu.yield
    }) : () -> ()
    "tpu.region"() ({
      %run_scoped3A = tpu.sem_alloc : memref<!tpu.dma_semaphore, #tpu.memory_space<semaphore_mem>>
      %dma_start3A = tpu.memref_slice %arg4[%multiple_of3A] : memref<320000xf32, #tpu.memory_space<hbm>> -> memref<10000xf32, #tpu.memory_space<hbm>>
      %dma_start3A_5 = tpu.memref_slice %arg4[%multiple_of3A] : memref<320000xf32, #tpu.memory_space<hbm>> -> memref<10000xf32, #tpu.memory_space<hbm>>
      tpu.enqueue_dma source(%dma_start3A_5 : memref<10000xf32, #tpu.memory_space<hbm>>) target(%arg10 : memref<10000xf32, #tpu.memory_space<vmem>>) target_semaphore(%run_scoped3A : memref<!tpu.dma_semaphore, #tpu.memory_space<semaphore_mem>>)
      %dma_wait3A = tpu.memref_slice %arg4[%multiple_of3A] : memref<320000xf32, #tpu.memory_space<hbm>> -> memref<10000xf32, #tpu.memory_space<hbm>>
      %dma_wait3A_6 = tpu.memref_slice %arg4[%multiple_of3A] : memref<320000xf32, #tpu.memory_space<hbm>> -> memref<10000xf32, #tpu.memory_space<hbm>>
      tpu.wait_dma2 semaphore(%run_scoped3A : memref<!tpu.dma_semaphore, #tpu.memory_space<semaphore_mem>>) src(%dma_wait3A_6 : memref<10000xf32, #tpu.memory_space<hbm>>) dst(%arg10 : memref<10000xf32, #tpu.memory_space<vmem>>)
      tpu.yield
    }) : () -> ()
    %parallel_loop3A = arith.constant 0 : i32
    %parallel_loop3A_3 = arith.constant 625 : i32
    %parallel_loop3A_4 = arith.constant 1 : i32
    scf.for %parallel_loop3A_5 = %parallel_loop3A to %parallel_loop3A_3 step %parallel_loop3A_4  : i32 {
      %parallel_loop3A_6 = arith.constant 16 : i32
      %parallel_loop3A_7 = arith.muli %parallel_loop3A_5, %parallel_loop3A_6 : i32
      %parallel_loop3A_8 = tpu.assume_multiple %parallel_loop3A_7, 16 : i32
      %parallel_loop3A_9 = arith.index_cast %parallel_loop3A_8 : i32 to index
      %parallel_loop3A_10 = tpu.vector_load %arg8[%parallel_loop3A_9] {strides = array<i32>} : memref<10000xi32, #tpu.memory_space<vmem>>, vector<16xi32>,
      %parallel_loop3A_11 = tpu.vector_load_idx %arg7[%parallel_loop3A_10] : memref<10000xf32, #tpu.memory_space<vmem>>[vector<16xi32>], vector<16xf32>,
      %parallel_loop3A_12 = arith.index_cast %parallel_loop3A_8 : i32 to index
      %parallel_loop3A_13 = tpu.vector_load %arg9[%parallel_loop3A_12] {strides = array<i32>} : memref<10000xi32, #tpu.memory_space<vmem>>, vector<16xi32>,
      %parallel_loop3A_14 = tpu.vector_load_idx %arg7[%parallel_loop3A_13] : memref<10000xf32, #tpu.memory_space<vmem>>[vector<16xi32>], vector<16xf32>,
      %parallel_loop3A_15 = arith.index_cast %parallel_loop3A_8 : i32 to index
      %parallel_loop3A_16 = tpu.vector_load %arg10[%parallel_loop3A_15] {strides = array<i32>} : memref<10000xf32, #tpu.memory_space<vmem>>, vector<16xf32>,
      %parallel_loop3A_17 = arith.mulf %parallel_loop3A_11, %parallel_loop3A_16 : vector<16xf32>
      %parallel_loop3A_18 = arith.mulf %parallel_loop3A_17, %parallel_loop3A_14 : vector<16xf32>
      %parallel_loop3A_19 = arith.index_cast %parallel_loop3A_8 : i32 to index
      %parallel_loop3A_20 = tpu.vector_load %arg11[%parallel_loop3A_19] {strides = array<i32>} : memref<10000xf32, #tpu.memory_space<vmem>>, vector<16xf32>,
      tpu.vector_store %arg11[%parallel_loop3A_19], %parallel_loop3A_18 {strides = array<i32>} : memref<10000xf32, #tpu.memory_space<vmem>>, vector<16xf32>,
    } {sc.loop_unroll_factor = 4 : i64, sc.parallel_access}
    "tpu.region"() ({
      %run_scoped3A = tpu.sem_alloc : memref<!tpu.dma_semaphore, #tpu.memory_space<semaphore_mem>>
      %dma_start3A = tpu.memref_slice %arg6[%multiple_of3A] : memref<320000xf32, #tpu.memory_space<hbm>> -> memref<10000xf32, #tpu.memory_space<hbm>>
      %dma_start3A_5 = tpu.memref_slice %arg6[%multiple_of3A] : memref<320000xf32, #tpu.memory_space<hbm>> -> memref<10000xf32, #tpu.memory_space<hbm>>
      tpu.enqueue_dma source(%arg11 : memref<10000xf32, #tpu.memory_space<vmem>>) target(%dma_start3A_5 : memref<10000xf32, #tpu.memory_space<hbm>>) target_semaphore(%run_scoped3A : memref<!tpu.dma_semaphore, #tpu.memory_space<semaphore_mem>>)
      %dma_wait3A = tpu.memref_slice %arg6[%multiple_of3A] : memref<320000xf32, #tpu.memory_space<hbm>> -> memref<10000xf32, #tpu.memory_space<hbm>>
      %dma_wait3A_6 = tpu.memref_slice %arg6[%multiple_of3A] : memref<320000xf32, #tpu.memory_space<hbm>> -> memref<10000xf32, #tpu.memory_space<hbm>>
      tpu.wait_dma2 semaphore(%run_scoped3A : memref<!tpu.dma_semaphore, #tpu.memory_space<semaphore_mem>>) src(%arg11 : memref<10000xf32, #tpu.memory_space<vmem>>) dst(%dma_wait3A_6 : memref<10000xf32, #tpu.memory_space<hbm>>)
      tpu.yield
    }) : () -> ()
    return
  }
}

#map = affine_map<(d0, d1) -> (0)>
#map1 = affine_map<(d0, d1) -> (0, 0, 0)>
module attributes {stable_mosaic.version = 14 : i64} {
  func.func @_sc_agg1_body(%arg0: i32, %arg1: i32, %arg2: memref<10000xf32, #tpu.memory_space<hbm>>, %arg3: memref<320000xi32, #tpu.memory_space<hbm>>, %arg4: memref<32x125x80xi32, #tpu.memory_space<hbm>>, %arg5: memref<320000xf32, #tpu.memory_space<hbm>>, %arg6: memref<10000xf32, #tpu.memory_space<hbm>>, %arg7: memref<20000xf32, #tpu.memory_space<hbm>>, %arg8: memref<10000xf32, #tpu.memory_space<vmem>>, %arg9: memref<10000xi32, #tpu.memory_space<vmem>>, %arg10: memref<10000xf32, #tpu.memory_space<vmem>>, %arg11: memref<125x80xi32, #tpu.memory_space<vmem>>, %arg12: memref<125x80xf32, #tpu.memory_space<vmem>>, %arg13: memref<10000xf32, #tpu.memory_space<vmem>>, %arg14: memref<10000xf32, #tpu.memory_space<vmem_shared>>, %arg15: memref<!tpu.dma_semaphore, #tpu.memory_space<semaphore_mem>>) attributes {dimension_semantics = [#tpu.dimension_semantics<core_parallel>, #tpu.dimension_semantics<subcore_parallel>], iteration_bounds = array<i64: 2, 16>, scalar_prefetch = 0 : i64, scratch_operands = 8 : i64, tpu.core_type = #tpu.core_type<sc_vector_subcore>, window_params = [{transform_indices = #map}, {transform_indices = #map}, {transform_indices = #map1}, {transform_indices = #map}, {transform_indices = #map}, {transform_indices = #map}]} {
    %mul3A = arith.constant 2 : i32
    %mul3A_0 = arith.muli %arg1, %mul3A : i32
    %add3A = arith.addi %mul3A_0, %arg0 : i32
    %mul3A_1 = arith.constant 10000 : i32
    %mul3A_2 = arith.muli %add3A, %mul3A_1 : i32
    %multiple_of3A = tpu.assume_multiple %mul3A_2, 8 : i32
    "tpu.region"() ({
      %run_scoped3A = tpu.sem_alloc : memref<!tpu.dma_semaphore, #tpu.memory_space<semaphore_mem>>
      tpu.enqueue_dma source(%arg2 : memref<10000xf32, #tpu.memory_space<hbm>>) target(%arg8 : memref<10000xf32, #tpu.memory_space<vmem>>) target_semaphore(%run_scoped3A : memref<!tpu.dma_semaphore, #tpu.memory_space<semaphore_mem>>)
      tpu.wait_dma2 semaphore(%run_scoped3A : memref<!tpu.dma_semaphore, #tpu.memory_space<semaphore_mem>>) src(%arg2 : memref<10000xf32, #tpu.memory_space<hbm>>) dst(%arg8 : memref<10000xf32, #tpu.memory_space<vmem>>)
      tpu.yield
    }) : () -> ()
    "tpu.region"() ({
      %run_scoped3A = tpu.sem_alloc : memref<!tpu.dma_semaphore, #tpu.memory_space<semaphore_mem>>
      %dma_start3A = tpu.memref_slice %arg3[%multiple_of3A] : memref<320000xi32, #tpu.memory_space<hbm>> -> memref<10000xi32, #tpu.memory_space<hbm>>
      %dma_start3A_16 = tpu.memref_slice %arg3[%multiple_of3A] : memref<320000xi32, #tpu.memory_space<hbm>> -> memref<10000xi32, #tpu.memory_space<hbm>>
      tpu.enqueue_dma source(%dma_start3A_16 : memref<10000xi32, #tpu.memory_space<hbm>>) target(%arg9 : memref<10000xi32, #tpu.memory_space<vmem>>) target_semaphore(%run_scoped3A : memref<!tpu.dma_semaphore, #tpu.memory_space<semaphore_mem>>)
      %dma_wait3A = tpu.memref_slice %arg3[%multiple_of3A] : memref<320000xi32, #tpu.memory_space<hbm>> -> memref<10000xi32, #tpu.memory_space<hbm>>
      %dma_wait3A_17 = tpu.memref_slice %arg3[%multiple_of3A] : memref<320000xi32, #tpu.memory_space<hbm>> -> memref<10000xi32, #tpu.memory_space<hbm>>
      tpu.wait_dma2 semaphore(%run_scoped3A : memref<!tpu.dma_semaphore, #tpu.memory_space<semaphore_mem>>) src(%dma_wait3A_17 : memref<10000xi32, #tpu.memory_space<hbm>>) dst(%arg9 : memref<10000xi32, #tpu.memory_space<vmem>>)
      tpu.yield
    }) : () -> ()
    "tpu.region"() ({
      %run_scoped3A = tpu.sem_alloc : memref<!tpu.dma_semaphore, #tpu.memory_space<semaphore_mem>>
      %dma_start3A = tpu.memref_slice %arg5[%multiple_of3A] : memref<320000xf32, #tpu.memory_space<hbm>> -> memref<10000xf32, #tpu.memory_space<hbm>>
      %dma_start3A_16 = tpu.memref_slice %arg5[%multiple_of3A] : memref<320000xf32, #tpu.memory_space<hbm>> -> memref<10000xf32, #tpu.memory_space<hbm>>
      tpu.enqueue_dma source(%dma_start3A_16 : memref<10000xf32, #tpu.memory_space<hbm>>) target(%arg10 : memref<10000xf32, #tpu.memory_space<vmem>>) target_semaphore(%run_scoped3A : memref<!tpu.dma_semaphore, #tpu.memory_space<semaphore_mem>>)
      %dma_wait3A = tpu.memref_slice %arg5[%multiple_of3A] : memref<320000xf32, #tpu.memory_space<hbm>> -> memref<10000xf32, #tpu.memory_space<hbm>>
      %dma_wait3A_17 = tpu.memref_slice %arg5[%multiple_of3A] : memref<320000xf32, #tpu.memory_space<hbm>> -> memref<10000xf32, #tpu.memory_space<hbm>>
      tpu.wait_dma2 semaphore(%run_scoped3A : memref<!tpu.dma_semaphore, #tpu.memory_space<semaphore_mem>>) src(%dma_wait3A_17 : memref<10000xf32, #tpu.memory_space<hbm>>) dst(%arg10 : memref<10000xf32, #tpu.memory_space<vmem>>)
      tpu.yield
    }) : () -> ()
    "tpu.region"() ({
      %run_scoped3A = tpu.sem_alloc : memref<!tpu.dma_semaphore, #tpu.memory_space<semaphore_mem>>
      %dma_start3A = arith.constant 0 : i32
      %dma_start3A_16 = arith.constant 0 : i32
      %dma_start3A_17 = tpu.memref_slice %arg4[%add3A, %dma_start3A, %dma_start3A_16] : memref<32x125x80xi32, #tpu.memory_space<hbm>> -> memref<1x125x80xi32, #tpu.memory_space<hbm>>
      %dma_start3A_18 = tpu.memref_squeeze %dma_start3A_17 : memref<1x125x80xi32, #tpu.memory_space<hbm>> -> memref<125x80xi32, #tpu.memory_space<hbm>>
      %dma_start3A_19 = arith.constant 0 : i32
      %dma_start3A_20 = arith.constant 0 : i32
      %dma_start3A_21 = tpu.memref_slice %arg4[%add3A, %dma_start3A_19, %dma_start3A_20] : memref<32x125x80xi32, #tpu.memory_space<hbm>> -> memref<1x125x80xi32, #tpu.memory_space<hbm>>
      %dma_start3A_22 = tpu.memref_squeeze %dma_start3A_21 : memref<1x125x80xi32, #tpu.memory_space<hbm>> -> memref<125x80xi32, #tpu.memory_space<hbm>>
      tpu.enqueue_dma source(%dma_start3A_22 : memref<125x80xi32, #tpu.memory_space<hbm>>) target(%arg11 : memref<125x80xi32, #tpu.memory_space<vmem>>) target_semaphore(%run_scoped3A : memref<!tpu.dma_semaphore, #tpu.memory_space<semaphore_mem>>)
      %dma_wait3A = arith.constant 0 : i32
      %dma_wait3A_23 = arith.constant 0 : i32
      %dma_wait3A_24 = tpu.memref_slice %arg4[%add3A, %dma_wait3A, %dma_wait3A_23] : memref<32x125x80xi32, #tpu.memory_space<hbm>> -> memref<1x125x80xi32, #tpu.memory_space<hbm>>
      %dma_wait3A_25 = tpu.memref_squeeze %dma_wait3A_24 : memref<1x125x80xi32, #tpu.memory_space<hbm>> -> memref<125x80xi32, #tpu.memory_space<hbm>>
      %dma_wait3A_26 = arith.constant 0 : i32
      %dma_wait3A_27 = arith.constant 0 : i32
      %dma_wait3A_28 = tpu.memref_slice %arg4[%add3A, %dma_wait3A_26, %dma_wait3A_27] : memref<32x125x80xi32, #tpu.memory_space<hbm>> -> memref<1x125x80xi32, #tpu.memory_space<hbm>>
      %dma_wait3A_29 = tpu.memref_squeeze %dma_wait3A_28 : memref<1x125x80xi32, #tpu.memory_space<hbm>> -> memref<125x80xi32, #tpu.memory_space<hbm>>
      tpu.wait_dma2 semaphore(%run_scoped3A : memref<!tpu.dma_semaphore, #tpu.memory_space<semaphore_mem>>) src(%dma_wait3A_29 : memref<125x80xi32, #tpu.memory_space<hbm>>) dst(%arg11 : memref<125x80xi32, #tpu.memory_space<vmem>>)
      tpu.yield
    }) : () -> ()
    %eq3A = arith.constant 0 : i32
    %eq3A_3 = arith.cmpi eq, %arg1, %eq3A : i32
    %convert_element_type3A = arith.extui %eq3A_3 : i1 to i32
    %cond3A = arith.constant 0 : i32
    %cond3A_4 = arith.cmpi ne, %convert_element_type3A, %cond3A : i32
    scf.if %cond3A_4 {
      "tpu.region"() ({
        %run_scoped3A = tpu.sem_alloc : memref<!tpu.dma_semaphore, #tpu.memory_space<semaphore_mem>>
        tpu.enqueue_dma source(%arg6 : memref<10000xf32, #tpu.memory_space<hbm>>) target(%arg13 : memref<10000xf32, #tpu.memory_space<vmem>>) target_semaphore(%run_scoped3A : memref<!tpu.dma_semaphore, #tpu.memory_space<semaphore_mem>>)
        tpu.wait_dma2 semaphore(%run_scoped3A : memref<!tpu.dma_semaphore, #tpu.memory_space<semaphore_mem>>) src(%arg6 : memref<10000xf32, #tpu.memory_space<hbm>>) dst(%arg13 : memref<10000xf32, #tpu.memory_space<vmem>>)
        tpu.yield
      }) : () -> ()
      "tpu.region"() ({
        %run_scoped3A = tpu.sem_alloc : memref<!tpu.dma_semaphore, #tpu.memory_space<semaphore_mem>>
        tpu.enqueue_dma source(%arg13 : memref<10000xf32, #tpu.memory_space<vmem>>) target(%arg14 : memref<10000xf32, #tpu.memory_space<vmem_shared>>) target_semaphore(%run_scoped3A : memref<!tpu.dma_semaphore, #tpu.memory_space<semaphore_mem>>)
        tpu.wait_dma2 semaphore(%run_scoped3A : memref<!tpu.dma_semaphore, #tpu.memory_space<semaphore_mem>>) src(%arg13 : memref<10000xf32, #tpu.memory_space<vmem>>) dst(%arg14 : memref<10000xf32, #tpu.memory_space<vmem_shared>>)
        tpu.yield
      }) : () -> ()
    } else {
    }
    %barrier3A = arith.constant 0 : index
    tpu.barrier barrier_id(%barrier3A)
    %scan3A = arith.constant 0 : i32
    %scan3A_5 = arith.constant 0 : i32
    %scan3A_6 = arith.constant 25 : i32
    %scan3A_7 = arith.addi %scan3A_5, %scan3A_6 : i32
    %scan3A_8 = arith.constant 1 : i32
    scf.for %scan3A_16 = %scan3A_5 to %scan3A_7 step %scan3A_8  : i32 {
      %mul3A_17 = arith.constant 5 : i32
      %mul3A_18 = arith.muli %scan3A_16, %mul3A_17 : i32
      %add3A_19 = arith.constant 0 : i32
      %add3A_20 = arith.addi %mul3A_18, %add3A_19 : i32
      %mul3A_21 = arith.constant 80 : i32
      %mul3A_22 = arith.muli %add3A_20, %mul3A_21 : i32
      %add3A_23 = arith.constant 0 : i32
      %add3A_24 = arith.addi %mul3A_22, %add3A_23 : i32
      %multiple_of3A_25 = tpu.assume_multiple %add3A_24, 16 : i32
      %get3A = arith.index_cast %multiple_of3A_25 : i32 to index
      %get3A_26 = tpu.vector_load %arg9[%get3A] {strides = array<i32>} : memref<10000xi32, #tpu.memory_space<vmem>>, vector<16xi32>,
      %gather3A = tpu.vector_load_idx %arg8[%get3A_26] : memref<10000xf32, #tpu.memory_space<vmem>>[vector<16xi32>], vector<16xf32>,
      %get3A_27 = arith.index_cast %multiple_of3A_25 : i32 to index
      %get3A_28 = tpu.vector_load %arg10[%get3A_27] {strides = array<i32>} : memref<10000xf32, #tpu.memory_space<vmem>>, vector<16xf32>,
      %mul3A_29 = arith.mulf %gather3A, %get3A_28 : vector<16xf32>
      %swap3A = arith.index_cast %add3A_20 : i32 to index
      %swap3A_30 = arith.constant 0 : index
      %swap3A_31 = tpu.vector_load %arg12[%swap3A, %swap3A_30] {strides = array<i32>} : memref<125x80xf32, #tpu.memory_space<vmem>>, vector<16xf32>,
      tpu.vector_store %arg12[%swap3A, %swap3A_30], %mul3A_29 {strides = array<i32>} : memref<125x80xf32, #tpu.memory_space<vmem>>, vector<16xf32>,
      %mul3A_32 = arith.constant 80 : i32
      %mul3A_33 = arith.muli %add3A_20, %mul3A_32 : i32
      %add3A_34 = arith.constant 16 : i32
      %add3A_35 = arith.addi %mul3A_33, %add3A_34 : i32
      %multiple_of3A_36 = tpu.assume_multiple %add3A_35, 16 : i32
      %get3A_37 = arith.index_cast %multiple_of3A_36 : i32 to index
      %get3A_38 = tpu.vector_load %arg9[%get3A_37] {strides = array<i32>} : memref<10000xi32, #tpu.memory_space<vmem>>, vector<16xi32>,
      %gather3A_39 = tpu.vector_load_idx %arg8[%get3A_38] : memref<10000xf32, #tpu.memory_space<vmem>>[vector<16xi32>], vector<16xf32>,
      %get3A_40 = arith.index_cast %multiple_of3A_36 : i32 to index
      %get3A_41 = tpu.vector_load %arg10[%get3A_40] {strides = array<i32>} : memref<10000xf32, #tpu.memory_space<vmem>>, vector<16xf32>,
      %mul3A_42 = arith.mulf %gather3A_39, %get3A_41 : vector<16xf32>
      %swap3A_43 = arith.index_cast %add3A_20 : i32 to index
      %swap3A_44 = arith.constant 16 : index
      %swap3A_45 = tpu.vector_load %arg12[%swap3A_43, %swap3A_44] {strides = array<i32>} : memref<125x80xf32, #tpu.memory_space<vmem>>, vector<16xf32>,
      tpu.vector_store %arg12[%swap3A_43, %swap3A_44], %mul3A_42 {strides = array<i32>} : memref<125x80xf32, #tpu.memory_space<vmem>>, vector<16xf32>,
      %mul3A_46 = arith.constant 80 : i32
      %mul3A_47 = arith.muli %add3A_20, %mul3A_46 : i32
      %add3A_48 = arith.constant 32 : i32
      %add3A_49 = arith.addi %mul3A_47, %add3A_48 : i32
      %multiple_of3A_50 = tpu.assume_multiple %add3A_49, 16 : i32
      %get3A_51 = arith.index_cast %multiple_of3A_50 : i32 to index
      %get3A_52 = tpu.vector_load %arg9[%get3A_51] {strides = array<i32>} : memref<10000xi32, #tpu.memory_space<vmem>>, vector<16xi32>,
      %gather3A_53 = tpu.vector_load_idx %arg8[%get3A_52] : memref<10000xf32, #tpu.memory_space<vmem>>[vector<16xi32>], vector<16xf32>,
      %get3A_54 = arith.index_cast %multiple_of3A_50 : i32 to index
      %get3A_55 = tpu.vector_load %arg10[%get3A_54] {strides = array<i32>} : memref<10000xf32, #tpu.memory_space<vmem>>, vector<16xf32>,
      %mul3A_56 = arith.mulf %gather3A_53, %get3A_55 : vector<16xf32>
      %swap3A_57 = arith.index_cast %add3A_20 : i32 to index
      %swap3A_58 = arith.constant 32 : index
      %swap3A_59 = tpu.vector_load %arg12[%swap3A_57, %swap3A_58] {strides = array<i32>} : memref<125x80xf32, #tpu.memory_space<vmem>>, vector<16xf32>,
      tpu.vector_store %arg12[%swap3A_57, %swap3A_58], %mul3A_56 {strides = array<i32>} : memref<125x80xf32, #tpu.memory_space<vmem>>, vector<16xf32>,
      %mul3A_60 = arith.constant 80 : i32
      %mul3A_61 = arith.muli %add3A_20, %mul3A_60 : i32
      %add3A_62 = arith.constant 48 : i32
      %add3A_63 = arith.addi %mul3A_61, %add3A_62 : i32
      %multiple_of3A_64 = tpu.assume_multiple %add3A_63, 16 : i32
      %get3A_65 = arith.index_cast %multiple_of3A_64 : i32 to index
      %get3A_66 = tpu.vector_load %arg9[%get3A_65] {strides = array<i32>} : memref<10000xi32, #tpu.memory_space<vmem>>, vector<16xi32>,
      %gather3A_67 = tpu.vector_load_idx %arg8[%get3A_66] : memref<10000xf32, #tpu.memory_space<vmem>>[vector<16xi32>], vector<16xf32>,
      %get3A_68 = arith.index_cast %multiple_of3A_64 : i32 to index
      %get3A_69 = tpu.vector_load %arg10[%get3A_68] {strides = array<i32>} : memref<10000xf32, #tpu.memory_space<vmem>>, vector<16xf32>,
      %mul3A_70 = arith.mulf %gather3A_67, %get3A_69 : vector<16xf32>
      %swap3A_71 = arith.index_cast %add3A_20 : i32 to index
      %swap3A_72 = arith.constant 48 : index
      %swap3A_73 = tpu.vector_load %arg12[%swap3A_71, %swap3A_72] {strides = array<i32>} : memref<125x80xf32, #tpu.memory_space<vmem>>, vector<16xf32>,
      tpu.vector_store %arg12[%swap3A_71, %swap3A_72], %mul3A_70 {strides = array<i32>} : memref<125x80xf32, #tpu.memory_space<vmem>>, vector<16xf32>,
      %mul3A_74 = arith.constant 80 : i32
      %mul3A_75 = arith.muli %add3A_20, %mul3A_74 : i32
      %add3A_76 = arith.constant 64 : i32
      %add3A_77 = arith.addi %mul3A_75, %add3A_76 : i32
      %multiple_of3A_78 = tpu.assume_multiple %add3A_77, 16 : i32
      %get3A_79 = arith.index_cast %multiple_of3A_78 : i32 to index
      %get3A_80 = tpu.vector_load %arg9[%get3A_79] {strides = array<i32>} : memref<10000xi32, #tpu.memory_space<vmem>>, vector<16xi32>,
      %gather3A_81 = tpu.vector_load_idx %arg8[%get3A_80] : memref<10000xf32, #tpu.memory_space<vmem>>[vector<16xi32>], vector<16xf32>,
      %get3A_82 = arith.index_cast %multiple_of3A_78 : i32 to index
      %get3A_83 = tpu.vector_load %arg10[%get3A_82] {strides = array<i32>} : memref<10000xf32, #tpu.memory_space<vmem>>, vector<16xf32>,
      %mul3A_84 = arith.mulf %gather3A_81, %get3A_83 : vector<16xf32>
      %swap3A_85 = arith.index_cast %add3A_20 : i32 to index
      %swap3A_86 = arith.constant 64 : index
      %swap3A_87 = tpu.vector_load %arg12[%swap3A_85, %swap3A_86] {strides = array<i32>} : memref<125x80xf32, #tpu.memory_space<vmem>>, vector<16xf32>,
      tpu.vector_store %arg12[%swap3A_85, %swap3A_86], %mul3A_84 {strides = array<i32>} : memref<125x80xf32, #tpu.memory_space<vmem>>, vector<16xf32>,
      %dma_start3A = arith.constant 0 : i32
      %dma_start3A_88 = tpu.memref_slice %arg12[%add3A_20, %dma_start3A] : memref<125x80xf32, #tpu.memory_space<vmem>> -> memref<1x80xf32, #tpu.memory_space<vmem>>
      %dma_start3A_89 = tpu.memref_squeeze %dma_start3A_88 : memref<1x80xf32, #tpu.memory_space<vmem>> -> memref<80xf32, #tpu.memory_space<vmem>>
      %dma_start3A_90 = arith.constant 0 : i32
      %dma_start3A_91 = tpu.memref_slice %arg11[%add3A_20, %dma_start3A_90] : memref<125x80xi32, #tpu.memory_space<vmem>> -> memref<1x80xi32, #tpu.memory_space<vmem>>
      %dma_start3A_92 = tpu.memref_squeeze %dma_start3A_91 : memref<1x80xi32, #tpu.memory_space<vmem>> -> memref<80xi32, #tpu.memory_space<vmem>>
      %dma_start3A_93 = arith.constant 0 : i32
      %dma_start3A_94 = tpu.memref_slice %arg14[%dma_start3A_93] : memref<10000xf32, #tpu.memory_space<vmem_shared>> -> memref<10000xf32, #tpu.memory_space<vmem_shared>>
      tpu.enqueue_indirect_dma source(%dma_start3A_89 : memref<80xf32, #tpu.memory_space<vmem>>) target(%dma_start3A_94 : memref<10000xf32, #tpu.memory_space<vmem_shared>>) offsets(%dma_start3A_92 : memref<80xi32, #tpu.memory_space<vmem>>) semaphore(%arg15 : memref<!tpu.dma_semaphore, #tpu.memory_space<semaphore_mem>>) {add = true}
      %mul3A_95 = arith.constant 5 : i32
      %mul3A_96 = arith.muli %scan3A_16, %mul3A_95 : i32
      %add3A_97 = arith.constant 1 : i32
      %add3A_98 = arith.addi %mul3A_96, %add3A_97 : i32
      %mul3A_99 = arith.constant 80 : i32
      %mul3A_100 = arith.muli %add3A_98, %mul3A_99 : i32
      %add3A_101 = arith.constant 0 : i32
      %add3A_102 = arith.addi %mul3A_100, %add3A_101 : i32
      %multiple_of3A_103 = tpu.assume_multiple %add3A_102, 16 : i32
      %get3A_104 = arith.index_cast %multiple_of3A_103 : i32 to index
      %get3A_105 = tpu.vector_load %arg9[%get3A_104] {strides = array<i32>} : memref<10000xi32, #tpu.memory_space<vmem>>, vector<16xi32>,
      %gather3A_106 = tpu.vector_load_idx %arg8[%get3A_105] : memref<10000xf32, #tpu.memory_space<vmem>>[vector<16xi32>], vector<16xf32>,
      %get3A_107 = arith.index_cast %multiple_of3A_103 : i32 to index
      %get3A_108 = tpu.vector_load %arg10[%get3A_107] {strides = array<i32>} : memref<10000xf32, #tpu.memory_space<vmem>>, vector<16xf32>,
      %mul3A_109 = arith.mulf %gather3A_106, %get3A_108 : vector<16xf32>
      %swap3A_110 = arith.index_cast %add3A_98 : i32 to index
      %swap3A_111 = arith.constant 0 : index
      %swap3A_112 = tpu.vector_load %arg12[%swap3A_110, %swap3A_111] {strides = array<i32>} : memref<125x80xf32, #tpu.memory_space<vmem>>, vector<16xf32>,
      tpu.vector_store %arg12[%swap3A_110, %swap3A_111], %mul3A_109 {strides = array<i32>} : memref<125x80xf32, #tpu.memory_space<vmem>>, vector<16xf32>,
      %mul3A_113 = arith.constant 80 : i32
      %mul3A_114 = arith.muli %add3A_98, %mul3A_113 : i32
      %add3A_115 = arith.constant 16 : i32
      %add3A_116 = arith.addi %mul3A_114, %add3A_115 : i32
      %multiple_of3A_117 = tpu.assume_multiple %add3A_116, 16 : i32
      %get3A_118 = arith.index_cast %multiple_of3A_117 : i32 to index
      %get3A_119 = tpu.vector_load %arg9[%get3A_118] {strides = array<i32>} : memref<10000xi32, #tpu.memory_space<vmem>>, vector<16xi32>,
      %gather3A_120 = tpu.vector_load_idx %arg8[%get3A_119] : memref<10000xf32, #tpu.memory_space<vmem>>[vector<16xi32>], vector<16xf32>,
      %get3A_121 = arith.index_cast %multiple_of3A_117 : i32 to index
      %get3A_122 = tpu.vector_load %arg10[%get3A_121] {strides = array<i32>} : memref<10000xf32, #tpu.memory_space<vmem>>, vector<16xf32>,
      %mul3A_123 = arith.mulf %gather3A_120, %get3A_122 : vector<16xf32>
      %swap3A_124 = arith.index_cast %add3A_98 : i32 to index
      %swap3A_125 = arith.constant 16 : index
      %swap3A_126 = tpu.vector_load %arg12[%swap3A_124, %swap3A_125] {strides = array<i32>} : memref<125x80xf32, #tpu.memory_space<vmem>>, vector<16xf32>,
      tpu.vector_store %arg12[%swap3A_124, %swap3A_125], %mul3A_123 {strides = array<i32>} : memref<125x80xf32, #tpu.memory_space<vmem>>, vector<16xf32>,
      %mul3A_127 = arith.constant 80 : i32
      %mul3A_128 = arith.muli %add3A_98, %mul3A_127 : i32
      %add3A_129 = arith.constant 32 : i32
      %add3A_130 = arith.addi %mul3A_128, %add3A_129 : i32
      %multiple_of3A_131 = tpu.assume_multiple %add3A_130, 16 : i32
      %get3A_132 = arith.index_cast %multiple_of3A_131 : i32 to index
      %get3A_133 = tpu.vector_load %arg9[%get3A_132] {strides = array<i32>} : memref<10000xi32, #tpu.memory_space<vmem>>, vector<16xi32>,
      %gather3A_134 = tpu.vector_load_idx %arg8[%get3A_133] : memref<10000xf32, #tpu.memory_space<vmem>>[vector<16xi32>], vector<16xf32>,
      %get3A_135 = arith.index_cast %multiple_of3A_131 : i32 to index
      %get3A_136 = tpu.vector_load %arg10[%get3A_135] {strides = array<i32>} : memref<10000xf32, #tpu.memory_space<vmem>>, vector<16xf32>,
      %mul3A_137 = arith.mulf %gather3A_134, %get3A_136 : vector<16xf32>
      %swap3A_138 = arith.index_cast %add3A_98 : i32 to index
      %swap3A_139 = arith.constant 32 : index
      %swap3A_140 = tpu.vector_load %arg12[%swap3A_138, %swap3A_139] {strides = array<i32>} : memref<125x80xf32, #tpu.memory_space<vmem>>, vector<16xf32>,
      tpu.vector_store %arg12[%swap3A_138, %swap3A_139], %mul3A_137 {strides = array<i32>} : memref<125x80xf32, #tpu.memory_space<vmem>>, vector<16xf32>,
      %mul3A_141 = arith.constant 80 : i32
      %mul3A_142 = arith.muli %add3A_98, %mul3A_141 : i32
      %add3A_143 = arith.constant 48 : i32
      %add3A_144 = arith.addi %mul3A_142, %add3A_143 : i32
      %multiple_of3A_145 = tpu.assume_multiple %add3A_144, 16 : i32
      %get3A_146 = arith.index_cast %multiple_of3A_145 : i32 to index
      %get3A_147 = tpu.vector_load %arg9[%get3A_146] {strides = array<i32>} : memref<10000xi32, #tpu.memory_space<vmem>>, vector<16xi32>,
      %gather3A_148 = tpu.vector_load_idx %arg8[%get3A_147] : memref<10000xf32, #tpu.memory_space<vmem>>[vector<16xi32>], vector<16xf32>,
      %get3A_149 = arith.index_cast %multiple_of3A_145 : i32 to index
      %get3A_150 = tpu.vector_load %arg10[%get3A_149] {strides = array<i32>} : memref<10000xf32, #tpu.memory_space<vmem>>, vector<16xf32>,
      %mul3A_151 = arith.mulf %gather3A_148, %get3A_150 : vector<16xf32>
      %swap3A_152 = arith.index_cast %add3A_98 : i32 to index
      %swap3A_153 = arith.constant 48 : index
      %swap3A_154 = tpu.vector_load %arg12[%swap3A_152, %swap3A_153] {strides = array<i32>} : memref<125x80xf32, #tpu.memory_space<vmem>>, vector<16xf32>,
      tpu.vector_store %arg12[%swap3A_152, %swap3A_153], %mul3A_151 {strides = array<i32>} : memref<125x80xf32, #tpu.memory_space<vmem>>, vector<16xf32>,
      %mul3A_155 = arith.constant 80 : i32
      %mul3A_156 = arith.muli %add3A_98, %mul3A_155 : i32
      %add3A_157 = arith.constant 64 : i32
      %add3A_158 = arith.addi %mul3A_156, %add3A_157 : i32
      %multiple_of3A_159 = tpu.assume_multiple %add3A_158, 16 : i32
      %get3A_160 = arith.index_cast %multiple_of3A_159 : i32 to index
      %get3A_161 = tpu.vector_load %arg9[%get3A_160] {strides = array<i32>} : memref<10000xi32, #tpu.memory_space<vmem>>, vector<16xi32>,
      %gather3A_162 = tpu.vector_load_idx %arg8[%get3A_161] : memref<10000xf32, #tpu.memory_space<vmem>>[vector<16xi32>], vector<16xf32>,
      %get3A_163 = arith.index_cast %multiple_of3A_159 : i32 to index
      %get3A_164 = tpu.vector_load %arg10[%get3A_163] {strides = array<i32>} : memref<10000xf32, #tpu.memory_space<vmem>>, vector<16xf32>,
      %mul3A_165 = arith.mulf %gather3A_162, %get3A_164 : vector<16xf32>
      %swap3A_166 = arith.index_cast %add3A_98 : i32 to index
      %swap3A_167 = arith.constant 64 : index
      %swap3A_168 = tpu.vector_load %arg12[%swap3A_166, %swap3A_167] {strides = array<i32>} : memref<125x80xf32, #tpu.memory_space<vmem>>, vector<16xf32>,
      tpu.vector_store %arg12[%swap3A_166, %swap3A_167], %mul3A_165 {strides = array<i32>} : memref<125x80xf32, #tpu.memory_space<vmem>>, vector<16xf32>,
      %dma_start3A_169 = arith.constant 0 : i32
      %dma_start3A_170 = tpu.memref_slice %arg12[%add3A_98, %dma_start3A_169] : memref<125x80xf32, #tpu.memory_space<vmem>> -> memref<1x80xf32, #tpu.memory_space<vmem>>
      %dma_start3A_171 = tpu.memref_squeeze %dma_start3A_170 : memref<1x80xf32, #tpu.memory_space<vmem>> -> memref<80xf32, #tpu.memory_space<vmem>>
      %dma_start3A_172 = arith.constant 0 : i32
      %dma_start3A_173 = tpu.memref_slice %arg11[%add3A_98, %dma_start3A_172] : memref<125x80xi32, #tpu.memory_space<vmem>> -> memref<1x80xi32, #tpu.memory_space<vmem>>
      %dma_start3A_174 = tpu.memref_squeeze %dma_start3A_173 : memref<1x80xi32, #tpu.memory_space<vmem>> -> memref<80xi32, #tpu.memory_space<vmem>>
      %dma_start3A_175 = arith.constant 0 : i32
      %dma_start3A_176 = tpu.memref_slice %arg14[%dma_start3A_175] : memref<10000xf32, #tpu.memory_space<vmem_shared>> -> memref<10000xf32, #tpu.memory_space<vmem_shared>>
      tpu.enqueue_indirect_dma source(%dma_start3A_171 : memref<80xf32, #tpu.memory_space<vmem>>) target(%dma_start3A_176 : memref<10000xf32, #tpu.memory_space<vmem_shared>>) offsets(%dma_start3A_174 : memref<80xi32, #tpu.memory_space<vmem>>) semaphore(%arg15 : memref<!tpu.dma_semaphore, #tpu.memory_space<semaphore_mem>>) {add = true}
      %mul3A_177 = arith.constant 5 : i32
      %mul3A_178 = arith.muli %scan3A_16, %mul3A_177 : i32
      %add3A_179 = arith.constant 2 : i32
      %add3A_180 = arith.addi %mul3A_178, %add3A_179 : i32
      %mul3A_181 = arith.constant 80 : i32
      %mul3A_182 = arith.muli %add3A_180, %mul3A_181 : i32
      %add3A_183 = arith.constant 0 : i32
      %add3A_184 = arith.addi %mul3A_182, %add3A_183 : i32
      %multiple_of3A_185 = tpu.assume_multiple %add3A_184, 16 : i32
      %get3A_186 = arith.index_cast %multiple_of3A_185 : i32 to index
      %get3A_187 = tpu.vector_load %arg9[%get3A_186] {strides = array<i32>} : memref<10000xi32, #tpu.memory_space<vmem>>, vector<16xi32>,
      %gather3A_188 = tpu.vector_load_idx %arg8[%get3A_187] : memref<10000xf32, #tpu.memory_space<vmem>>[vector<16xi32>], vector<16xf32>,
      %get3A_189 = arith.index_cast %multiple_of3A_185 : i32 to index
      %get3A_190 = tpu.vector_load %arg10[%get3A_189] {strides = array<i32>} : memref<10000xf32, #tpu.memory_space<vmem>>, vector<16xf32>,
      %mul3A_191 = arith.mulf %gather3A_188, %get3A_190 : vector<16xf32>
      %swap3A_192 = arith.index_cast %add3A_180 : i32 to index
      %swap3A_193 = arith.constant 0 : index
      %swap3A_194 = tpu.vector_load %arg12[%swap3A_192, %swap3A_193] {strides = array<i32>} : memref<125x80xf32, #tpu.memory_space<vmem>>, vector<16xf32>,
      tpu.vector_store %arg12[%swap3A_192, %swap3A_193], %mul3A_191 {strides = array<i32>} : memref<125x80xf32, #tpu.memory_space<vmem>>, vector<16xf32>,
      %mul3A_195 = arith.constant 80 : i32
      %mul3A_196 = arith.muli %add3A_180, %mul3A_195 : i32
      %add3A_197 = arith.constant 16 : i32
      %add3A_198 = arith.addi %mul3A_196, %add3A_197 : i32
      %multiple_of3A_199 = tpu.assume_multiple %add3A_198, 16 : i32
      %get3A_200 = arith.index_cast %multiple_of3A_199 : i32 to index
      %get3A_201 = tpu.vector_load %arg9[%get3A_200] {strides = array<i32>} : memref<10000xi32, #tpu.memory_space<vmem>>, vector<16xi32>,
      %gather3A_202 = tpu.vector_load_idx %arg8[%get3A_201] : memref<10000xf32, #tpu.memory_space<vmem>>[vector<16xi32>], vector<16xf32>,
      %get3A_203 = arith.index_cast %multiple_of3A_199 : i32 to index
      %get3A_204 = tpu.vector_load %arg10[%get3A_203] {strides = array<i32>} : memref<10000xf32, #tpu.memory_space<vmem>>, vector<16xf32>,
      %mul3A_205 = arith.mulf %gather3A_202, %get3A_204 : vector<16xf32>
      %swap3A_206 = arith.index_cast %add3A_180 : i32 to index
      %swap3A_207 = arith.constant 16 : index
      %swap3A_208 = tpu.vector_load %arg12[%swap3A_206, %swap3A_207] {strides = array<i32>} : memref<125x80xf32, #tpu.memory_space<vmem>>, vector<16xf32>,
      tpu.vector_store %arg12[%swap3A_206, %swap3A_207], %mul3A_205 {strides = array<i32>} : memref<125x80xf32, #tpu.memory_space<vmem>>, vector<16xf32>,
      %mul3A_209 = arith.constant 80 : i32
      %mul3A_210 = arith.muli %add3A_180, %mul3A_209 : i32
      %add3A_211 = arith.constant 32 : i32
      %add3A_212 = arith.addi %mul3A_210, %add3A_211 : i32
      %multiple_of3A_213 = tpu.assume_multiple %add3A_212, 16 : i32
      %get3A_214 = arith.index_cast %multiple_of3A_213 : i32 to index
      %get3A_215 = tpu.vector_load %arg9[%get3A_214] {strides = array<i32>} : memref<10000xi32, #tpu.memory_space<vmem>>, vector<16xi32>,
      %gather3A_216 = tpu.vector_load_idx %arg8[%get3A_215] : memref<10000xf32, #tpu.memory_space<vmem>>[vector<16xi32>], vector<16xf32>,
      %get3A_217 = arith.index_cast %multiple_of3A_213 : i32 to index
      %get3A_218 = tpu.vector_load %arg10[%get3A_217] {strides = array<i32>} : memref<10000xf32, #tpu.memory_space<vmem>>, vector<16xf32>,
      %mul3A_219 = arith.mulf %gather3A_216, %get3A_218 : vector<16xf32>
      %swap3A_220 = arith.index_cast %add3A_180 : i32 to index
      %swap3A_221 = arith.constant 32 : index
      %swap3A_222 = tpu.vector_load %arg12[%swap3A_220, %swap3A_221] {strides = array<i32>} : memref<125x80xf32, #tpu.memory_space<vmem>>, vector<16xf32>,
      tpu.vector_store %arg12[%swap3A_220, %swap3A_221], %mul3A_219 {strides = array<i32>} : memref<125x80xf32, #tpu.memory_space<vmem>>, vector<16xf32>,
      %mul3A_223 = arith.constant 80 : i32
      %mul3A_224 = arith.muli %add3A_180, %mul3A_223 : i32
      %add3A_225 = arith.constant 48 : i32
      %add3A_226 = arith.addi %mul3A_224, %add3A_225 : i32
      %multiple_of3A_227 = tpu.assume_multiple %add3A_226, 16 : i32
      %get3A_228 = arith.index_cast %multiple_of3A_227 : i32 to index
      %get3A_229 = tpu.vector_load %arg9[%get3A_228] {strides = array<i32>} : memref<10000xi32, #tpu.memory_space<vmem>>, vector<16xi32>,
      %gather3A_230 = tpu.vector_load_idx %arg8[%get3A_229] : memref<10000xf32, #tpu.memory_space<vmem>>[vector<16xi32>], vector<16xf32>,
      %get3A_231 = arith.index_cast %multiple_of3A_227 : i32 to index
      %get3A_232 = tpu.vector_load %arg10[%get3A_231] {strides = array<i32>} : memref<10000xf32, #tpu.memory_space<vmem>>, vector<16xf32>,
      %mul3A_233 = arith.mulf %gather3A_230, %get3A_232 : vector<16xf32>
      %swap3A_234 = arith.index_cast %add3A_180 : i32 to index
      %swap3A_235 = arith.constant 48 : index
      %swap3A_236 = tpu.vector_load %arg12[%swap3A_234, %swap3A_235] {strides = array<i32>} : memref<125x80xf32, #tpu.memory_space<vmem>>, vector<16xf32>,
      tpu.vector_store %arg12[%swap3A_234, %swap3A_235], %mul3A_233 {strides = array<i32>} : memref<125x80xf32, #tpu.memory_space<vmem>>, vector<16xf32>,
      %mul3A_237 = arith.constant 80 : i32
      %mul3A_238 = arith.muli %add3A_180, %mul3A_237 : i32
      %add3A_239 = arith.constant 64 : i32
      %add3A_240 = arith.addi %mul3A_238, %add3A_239 : i32
      %multiple_of3A_241 = tpu.assume_multiple %add3A_240, 16 : i32
      %get3A_242 = arith.index_cast %multiple_of3A_241 : i32 to index
      %get3A_243 = tpu.vector_load %arg9[%get3A_242] {strides = array<i32>} : memref<10000xi32, #tpu.memory_space<vmem>>, vector<16xi32>,
      %gather3A_244 = tpu.vector_load_idx %arg8[%get3A_243] : memref<10000xf32, #tpu.memory_space<vmem>>[vector<16xi32>], vector<16xf32>,
      %get3A_245 = arith.index_cast %multiple_of3A_241 : i32 to index
      %get3A_246 = tpu.vector_load %arg10[%get3A_245] {strides = array<i32>} : memref<10000xf32, #tpu.memory_space<vmem>>, vector<16xf32>,
      %mul3A_247 = arith.mulf %gather3A_244, %get3A_246 : vector<16xf32>
      %swap3A_248 = arith.index_cast %add3A_180 : i32 to index
      %swap3A_249 = arith.constant 64 : index
      %swap3A_250 = tpu.vector_load %arg12[%swap3A_248, %swap3A_249] {strides = array<i32>} : memref<125x80xf32, #tpu.memory_space<vmem>>, vector<16xf32>,
      tpu.vector_store %arg12[%swap3A_248, %swap3A_249], %mul3A_247 {strides = array<i32>} : memref<125x80xf32, #tpu.memory_space<vmem>>, vector<16xf32>,
      %dma_start3A_251 = arith.constant 0 : i32
      %dma_start3A_252 = tpu.memref_slice %arg12[%add3A_180, %dma_start3A_251] : memref<125x80xf32, #tpu.memory_space<vmem>> -> memref<1x80xf32, #tpu.memory_space<vmem>>
      %dma_start3A_253 = tpu.memref_squeeze %dma_start3A_252 : memref<1x80xf32, #tpu.memory_space<vmem>> -> memref<80xf32, #tpu.memory_space<vmem>>
      %dma_start3A_254 = arith.constant 0 : i32
      %dma_start3A_255 = tpu.memref_slice %arg11[%add3A_180, %dma_start3A_254] : memref<125x80xi32, #tpu.memory_space<vmem>> -> memref<1x80xi32, #tpu.memory_space<vmem>>
      %dma_start3A_256 = tpu.memref_squeeze %dma_start3A_255 : memref<1x80xi32, #tpu.memory_space<vmem>> -> memref<80xi32, #tpu.memory_space<vmem>>
      %dma_start3A_257 = arith.constant 0 : i32
      %dma_start3A_258 = tpu.memref_slice %arg14[%dma_start3A_257] : memref<10000xf32, #tpu.memory_space<vmem_shared>> -> memref<10000xf32, #tpu.memory_space<vmem_shared>>
      tpu.enqueue_indirect_dma source(%dma_start3A_253 : memref<80xf32, #tpu.memory_space<vmem>>) target(%dma_start3A_258 : memref<10000xf32, #tpu.memory_space<vmem_shared>>) offsets(%dma_start3A_256 : memref<80xi32, #tpu.memory_space<vmem>>) semaphore(%arg15 : memref<!tpu.dma_semaphore, #tpu.memory_space<semaphore_mem>>) {add = true}
      %mul3A_259 = arith.constant 5 : i32
      %mul3A_260 = arith.muli %scan3A_16, %mul3A_259 : i32
      %add3A_261 = arith.constant 3 : i32
      %add3A_262 = arith.addi %mul3A_260, %add3A_261 : i32
      %mul3A_263 = arith.constant 80 : i32
      %mul3A_264 = arith.muli %add3A_262, %mul3A_263 : i32
      %add3A_265 = arith.constant 0 : i32
      %add3A_266 = arith.addi %mul3A_264, %add3A_265 : i32
      %multiple_of3A_267 = tpu.assume_multiple %add3A_266, 16 : i32
      %get3A_268 = arith.index_cast %multiple_of3A_267 : i32 to index
      %get3A_269 = tpu.vector_load %arg9[%get3A_268] {strides = array<i32>} : memref<10000xi32, #tpu.memory_space<vmem>>, vector<16xi32>,
      %gather3A_270 = tpu.vector_load_idx %arg8[%get3A_269] : memref<10000xf32, #tpu.memory_space<vmem>>[vector<16xi32>], vector<16xf32>,
      %get3A_271 = arith.index_cast %multiple_of3A_267 : i32 to index
      %get3A_272 = tpu.vector_load %arg10[%get3A_271] {strides = array<i32>} : memref<10000xf32, #tpu.memory_space<vmem>>, vector<16xf32>,
      %mul3A_273 = arith.mulf %gather3A_270, %get3A_272 : vector<16xf32>
      %swap3A_274 = arith.index_cast %add3A_262 : i32 to index
      %swap3A_275 = arith.constant 0 : index
      %swap3A_276 = tpu.vector_load %arg12[%swap3A_274, %swap3A_275] {strides = array<i32>} : memref<125x80xf32, #tpu.memory_space<vmem>>, vector<16xf32>,
      tpu.vector_store %arg12[%swap3A_274, %swap3A_275], %mul3A_273 {strides = array<i32>} : memref<125x80xf32, #tpu.memory_space<vmem>>, vector<16xf32>,
      %mul3A_277 = arith.constant 80 : i32
      %mul3A_278 = arith.muli %add3A_262, %mul3A_277 : i32
      %add3A_279 = arith.constant 16 : i32
      %add3A_280 = arith.addi %mul3A_278, %add3A_279 : i32
      %multiple_of3A_281 = tpu.assume_multiple %add3A_280, 16 : i32
      %get3A_282 = arith.index_cast %multiple_of3A_281 : i32 to index
      %get3A_283 = tpu.vector_load %arg9[%get3A_282] {strides = array<i32>} : memref<10000xi32, #tpu.memory_space<vmem>>, vector<16xi32>,
      %gather3A_284 = tpu.vector_load_idx %arg8[%get3A_283] : memref<10000xf32, #tpu.memory_space<vmem>>[vector<16xi32>], vector<16xf32>,
      %get3A_285 = arith.index_cast %multiple_of3A_281 : i32 to index
      %get3A_286 = tpu.vector_load %arg10[%get3A_285] {strides = array<i32>} : memref<10000xf32, #tpu.memory_space<vmem>>, vector<16xf32>,
      %mul3A_287 = arith.mulf %gather3A_284, %get3A_286 : vector<16xf32>
      %swap3A_288 = arith.index_cast %add3A_262 : i32 to index
      %swap3A_289 = arith.constant 16 : index
      %swap3A_290 = tpu.vector_load %arg12[%swap3A_288, %swap3A_289] {strides = array<i32>} : memref<125x80xf32, #tpu.memory_space<vmem>>, vector<16xf32>,
      tpu.vector_store %arg12[%swap3A_288, %swap3A_289], %mul3A_287 {strides = array<i32>} : memref<125x80xf32, #tpu.memory_space<vmem>>, vector<16xf32>,
      %mul3A_291 = arith.constant 80 : i32
      %mul3A_292 = arith.muli %add3A_262, %mul3A_291 : i32
      %add3A_293 = arith.constant 32 : i32
      %add3A_294 = arith.addi %mul3A_292, %add3A_293 : i32
      %multiple_of3A_295 = tpu.assume_multiple %add3A_294, 16 : i32
      %get3A_296 = arith.index_cast %multiple_of3A_295 : i32 to index
      %get3A_297 = tpu.vector_load %arg9[%get3A_296] {strides = array<i32>} : memref<10000xi32, #tpu.memory_space<vmem>>, vector<16xi32>,
      %gather3A_298 = tpu.vector_load_idx %arg8[%get3A_297] : memref<10000xf32, #tpu.memory_space<vmem>>[vector<16xi32>], vector<16xf32>,
      %get3A_299 = arith.index_cast %multiple_of3A_295 : i32 to index
      %get3A_300 = tpu.vector_load %arg10[%get3A_299] {strides = array<i32>} : memref<10000xf32, #tpu.memory_space<vmem>>, vector<16xf32>,
      %mul3A_301 = arith.mulf %gather3A_298, %get3A_300 : vector<16xf32>
      %swap3A_302 = arith.index_cast %add3A_262 : i32 to index
      %swap3A_303 = arith.constant 32 : index
      %swap3A_304 = tpu.vector_load %arg12[%swap3A_302, %swap3A_303] {strides = array<i32>} : memref<125x80xf32, #tpu.memory_space<vmem>>, vector<16xf32>,
      tpu.vector_store %arg12[%swap3A_302, %swap3A_303], %mul3A_301 {strides = array<i32>} : memref<125x80xf32, #tpu.memory_space<vmem>>, vector<16xf32>,
      %mul3A_305 = arith.constant 80 : i32
      %mul3A_306 = arith.muli %add3A_262, %mul3A_305 : i32
      %add3A_307 = arith.constant 48 : i32
      %add3A_308 = arith.addi %mul3A_306, %add3A_307 : i32
      %multiple_of3A_309 = tpu.assume_multiple %add3A_308, 16 : i32
      %get3A_310 = arith.index_cast %multiple_of3A_309 : i32 to index
      %get3A_311 = tpu.vector_load %arg9[%get3A_310] {strides = array<i32>} : memref<10000xi32, #tpu.memory_space<vmem>>, vector<16xi32>,
      %gather3A_312 = tpu.vector_load_idx %arg8[%get3A_311] : memref<10000xf32, #tpu.memory_space<vmem>>[vector<16xi32>], vector<16xf32>,
      %get3A_313 = arith.index_cast %multiple_of3A_309 : i32 to index
      %get3A_314 = tpu.vector_load %arg10[%get3A_313] {strides = array<i32>} : memref<10000xf32, #tpu.memory_space<vmem>>, vector<16xf32>,
      %mul3A_315 = arith.mulf %gather3A_312, %get3A_314 : vector<16xf32>
      %swap3A_316 = arith.index_cast %add3A_262 : i32 to index
      %swap3A_317 = arith.constant 48 : index
      %swap3A_318 = tpu.vector_load %arg12[%swap3A_316, %swap3A_317] {strides = array<i32>} : memref<125x80xf32, #tpu.memory_space<vmem>>, vector<16xf32>,
      tpu.vector_store %arg12[%swap3A_316, %swap3A_317], %mul3A_315 {strides = array<i32>} : memref<125x80xf32, #tpu.memory_space<vmem>>, vector<16xf32>,
      %mul3A_319 = arith.constant 80 : i32
      %mul3A_320 = arith.muli %add3A_262, %mul3A_319 : i32
      %add3A_321 = arith.constant 64 : i32
      %add3A_322 = arith.addi %mul3A_320, %add3A_321 : i32
      %multiple_of3A_323 = tpu.assume_multiple %add3A_322, 16 : i32
      %get3A_324 = arith.index_cast %multiple_of3A_323 : i32 to index
      %get3A_325 = tpu.vector_load %arg9[%get3A_324] {strides = array<i32>} : memref<10000xi32, #tpu.memory_space<vmem>>, vector<16xi32>,
      %gather3A_326 = tpu.vector_load_idx %arg8[%get3A_325] : memref<10000xf32, #tpu.memory_space<vmem>>[vector<16xi32>], vector<16xf32>,
      %get3A_327 = arith.index_cast %multiple_of3A_323 : i32 to index
      %get3A_328 = tpu.vector_load %arg10[%get3A_327] {strides = array<i32>} : memref<10000xf32, #tpu.memory_space<vmem>>, vector<16xf32>,
      %mul3A_329 = arith.mulf %gather3A_326, %get3A_328 : vector<16xf32>
      %swap3A_330 = arith.index_cast %add3A_262 : i32 to index
      %swap3A_331 = arith.constant 64 : index
      %swap3A_332 = tpu.vector_load %arg12[%swap3A_330, %swap3A_331] {strides = array<i32>} : memref<125x80xf32, #tpu.memory_space<vmem>>, vector<16xf32>,
      tpu.vector_store %arg12[%swap3A_330, %swap3A_331], %mul3A_329 {strides = array<i32>} : memref<125x80xf32, #tpu.memory_space<vmem>>, vector<16xf32>,
      %dma_start3A_333 = arith.constant 0 : i32
      %dma_start3A_334 = tpu.memref_slice %arg12[%add3A_262, %dma_start3A_333] : memref<125x80xf32, #tpu.memory_space<vmem>> -> memref<1x80xf32, #tpu.memory_space<vmem>>
      %dma_start3A_335 = tpu.memref_squeeze %dma_start3A_334 : memref<1x80xf32, #tpu.memory_space<vmem>> -> memref<80xf32, #tpu.memory_space<vmem>>
      %dma_start3A_336 = arith.constant 0 : i32
      %dma_start3A_337 = tpu.memref_slice %arg11[%add3A_262, %dma_start3A_336] : memref<125x80xi32, #tpu.memory_space<vmem>> -> memref<1x80xi32, #tpu.memory_space<vmem>>
      %dma_start3A_338 = tpu.memref_squeeze %dma_start3A_337 : memref<1x80xi32, #tpu.memory_space<vmem>> -> memref<80xi32, #tpu.memory_space<vmem>>
      %dma_start3A_339 = arith.constant 0 : i32
      %dma_start3A_340 = tpu.memref_slice %arg14[%dma_start3A_339] : memref<10000xf32, #tpu.memory_space<vmem_shared>> -> memref<10000xf32, #tpu.memory_space<vmem_shared>>
      tpu.enqueue_indirect_dma source(%dma_start3A_335 : memref<80xf32, #tpu.memory_space<vmem>>) target(%dma_start3A_340 : memref<10000xf32, #tpu.memory_space<vmem_shared>>) offsets(%dma_start3A_338 : memref<80xi32, #tpu.memory_space<vmem>>) semaphore(%arg15 : memref<!tpu.dma_semaphore, #tpu.memory_space<semaphore_mem>>) {add = true}
      %mul3A_341 = arith.constant 5 : i32
      %mul3A_342 = arith.muli %scan3A_16, %mul3A_341 : i32
      %add3A_343 = arith.constant 4 : i32
      %add3A_344 = arith.addi %mul3A_342, %add3A_343 : i32
      %mul3A_345 = arith.constant 80 : i32
      %mul3A_346 = arith.muli %add3A_344, %mul3A_345 : i32
      %add3A_347 = arith.constant 0 : i32
      %add3A_348 = arith.addi %mul3A_346, %add3A_347 : i32
      %multiple_of3A_349 = tpu.assume_multiple %add3A_348, 16 : i32
      %get3A_350 = arith.index_cast %multiple_of3A_349 : i32 to index
      %get3A_351 = tpu.vector_load %arg9[%get3A_350] {strides = array<i32>} : memref<10000xi32, #tpu.memory_space<vmem>>, vector<16xi32>,
      %gather3A_352 = tpu.vector_load_idx %arg8[%get3A_351] : memref<10000xf32, #tpu.memory_space<vmem>>[vector<16xi32>], vector<16xf32>,
      %get3A_353 = arith.index_cast %multiple_of3A_349 : i32 to index
      %get3A_354 = tpu.vector_load %arg10[%get3A_353] {strides = array<i32>} : memref<10000xf32, #tpu.memory_space<vmem>>, vector<16xf32>,
      %mul3A_355 = arith.mulf %gather3A_352, %get3A_354 : vector<16xf32>
      %swap3A_356 = arith.index_cast %add3A_344 : i32 to index
      %swap3A_357 = arith.constant 0 : index
      %swap3A_358 = tpu.vector_load %arg12[%swap3A_356, %swap3A_357] {strides = array<i32>} : memref<125x80xf32, #tpu.memory_space<vmem>>, vector<16xf32>,
      tpu.vector_store %arg12[%swap3A_356, %swap3A_357], %mul3A_355 {strides = array<i32>} : memref<125x80xf32, #tpu.memory_space<vmem>>, vector<16xf32>,
      %mul3A_359 = arith.constant 80 : i32
      %mul3A_360 = arith.muli %add3A_344, %mul3A_359 : i32
      %add3A_361 = arith.constant 16 : i32
      %add3A_362 = arith.addi %mul3A_360, %add3A_361 : i32
      %multiple_of3A_363 = tpu.assume_multiple %add3A_362, 16 : i32
      %get3A_364 = arith.index_cast %multiple_of3A_363 : i32 to index
      %get3A_365 = tpu.vector_load %arg9[%get3A_364] {strides = array<i32>} : memref<10000xi32, #tpu.memory_space<vmem>>, vector<16xi32>,
      %gather3A_366 = tpu.vector_load_idx %arg8[%get3A_365] : memref<10000xf32, #tpu.memory_space<vmem>>[vector<16xi32>], vector<16xf32>,
      %get3A_367 = arith.index_cast %multiple_of3A_363 : i32 to index
      %get3A_368 = tpu.vector_load %arg10[%get3A_367] {strides = array<i32>} : memref<10000xf32, #tpu.memory_space<vmem>>, vector<16xf32>,
      %mul3A_369 = arith.mulf %gather3A_366, %get3A_368 : vector<16xf32>
      %swap3A_370 = arith.index_cast %add3A_344 : i32 to index
      %swap3A_371 = arith.constant 16 : index
      %swap3A_372 = tpu.vector_load %arg12[%swap3A_370, %swap3A_371] {strides = array<i32>} : memref<125x80xf32, #tpu.memory_space<vmem>>, vector<16xf32>,
      tpu.vector_store %arg12[%swap3A_370, %swap3A_371], %mul3A_369 {strides = array<i32>} : memref<125x80xf32, #tpu.memory_space<vmem>>, vector<16xf32>,
      %mul3A_373 = arith.constant 80 : i32
      %mul3A_374 = arith.muli %add3A_344, %mul3A_373 : i32
      %add3A_375 = arith.constant 32 : i32
      %add3A_376 = arith.addi %mul3A_374, %add3A_375 : i32
      %multiple_of3A_377 = tpu.assume_multiple %add3A_376, 16 : i32
      %get3A_378 = arith.index_cast %multiple_of3A_377 : i32 to index
      %get3A_379 = tpu.vector_load %arg9[%get3A_378] {strides = array<i32>} : memref<10000xi32, #tpu.memory_space<vmem>>, vector<16xi32>,
      %gather3A_380 = tpu.vector_load_idx %arg8[%get3A_379] : memref<10000xf32, #tpu.memory_space<vmem>>[vector<16xi32>], vector<16xf32>,
      %get3A_381 = arith.index_cast %multiple_of3A_377 : i32 to index
      %get3A_382 = tpu.vector_load %arg10[%get3A_381] {strides = array<i32>} : memref<10000xf32, #tpu.memory_space<vmem>>, vector<16xf32>,
      %mul3A_383 = arith.mulf %gather3A_380, %get3A_382 : vector<16xf32>
      %swap3A_384 = arith.index_cast %add3A_344 : i32 to index
      %swap3A_385 = arith.constant 32 : index
      %swap3A_386 = tpu.vector_load %arg12[%swap3A_384, %swap3A_385] {strides = array<i32>} : memref<125x80xf32, #tpu.memory_space<vmem>>, vector<16xf32>,
      tpu.vector_store %arg12[%swap3A_384, %swap3A_385], %mul3A_383 {strides = array<i32>} : memref<125x80xf32, #tpu.memory_space<vmem>>, vector<16xf32>,
      %mul3A_387 = arith.constant 80 : i32
      %mul3A_388 = arith.muli %add3A_344, %mul3A_387 : i32
      %add3A_389 = arith.constant 48 : i32
      %add3A_390 = arith.addi %mul3A_388, %add3A_389 : i32
      %multiple_of3A_391 = tpu.assume_multiple %add3A_390, 16 : i32
      %get3A_392 = arith.index_cast %multiple_of3A_391 : i32 to index
      %get3A_393 = tpu.vector_load %arg9[%get3A_392] {strides = array<i32>} : memref<10000xi32, #tpu.memory_space<vmem>>, vector<16xi32>,
      %gather3A_394 = tpu.vector_load_idx %arg8[%get3A_393] : memref<10000xf32, #tpu.memory_space<vmem>>[vector<16xi32>], vector<16xf32>,
      %get3A_395 = arith.index_cast %multiple_of3A_391 : i32 to index
      %get3A_396 = tpu.vector_load %arg10[%get3A_395] {strides = array<i32>} : memref<10000xf32, #tpu.memory_space<vmem>>, vector<16xf32>,
      %mul3A_397 = arith.mulf %gather3A_394, %get3A_396 : vector<16xf32>
      %swap3A_398 = arith.index_cast %add3A_344 : i32 to index
      %swap3A_399 = arith.constant 48 : index
      %swap3A_400 = tpu.vector_load %arg12[%swap3A_398, %swap3A_399] {strides = array<i32>} : memref<125x80xf32, #tpu.memory_space<vmem>>, vector<16xf32>,
      tpu.vector_store %arg12[%swap3A_398, %swap3A_399], %mul3A_397 {strides = array<i32>} : memref<125x80xf32, #tpu.memory_space<vmem>>, vector<16xf32>,
      %mul3A_401 = arith.constant 80 : i32
      %mul3A_402 = arith.muli %add3A_344, %mul3A_401 : i32
      %add3A_403 = arith.constant 64 : i32
      %add3A_404 = arith.addi %mul3A_402, %add3A_403 : i32
      %multiple_of3A_405 = tpu.assume_multiple %add3A_404, 16 : i32
      %get3A_406 = arith.index_cast %multiple_of3A_405 : i32 to index
      %get3A_407 = tpu.vector_load %arg9[%get3A_406] {strides = array<i32>} : memref<10000xi32, #tpu.memory_space<vmem>>, vector<16xi32>,
      %gather3A_408 = tpu.vector_load_idx %arg8[%get3A_407] : memref<10000xf32, #tpu.memory_space<vmem>>[vector<16xi32>], vector<16xf32>,
      %get3A_409 = arith.index_cast %multiple_of3A_405 : i32 to index
      %get3A_410 = tpu.vector_load %arg10[%get3A_409] {strides = array<i32>} : memref<10000xf32, #tpu.memory_space<vmem>>, vector<16xf32>,
      %mul3A_411 = arith.mulf %gather3A_408, %get3A_410 : vector<16xf32>
      %swap3A_412 = arith.index_cast %add3A_344 : i32 to index
      %swap3A_413 = arith.constant 64 : index
      %swap3A_414 = tpu.vector_load %arg12[%swap3A_412, %swap3A_413] {strides = array<i32>} : memref<125x80xf32, #tpu.memory_space<vmem>>, vector<16xf32>,
      tpu.vector_store %arg12[%swap3A_412, %swap3A_413], %mul3A_411 {strides = array<i32>} : memref<125x80xf32, #tpu.memory_space<vmem>>, vector<16xf32>,
      %dma_start3A_415 = arith.constant 0 : i32
      %dma_start3A_416 = tpu.memref_slice %arg12[%add3A_344, %dma_start3A_415] : memref<125x80xf32, #tpu.memory_space<vmem>> -> memref<1x80xf32, #tpu.memory_space<vmem>>
      %dma_start3A_417 = tpu.memref_squeeze %dma_start3A_416 : memref<1x80xf32, #tpu.memory_space<vmem>> -> memref<80xf32, #tpu.memory_space<vmem>>
      %dma_start3A_418 = arith.constant 0 : i32
      %dma_start3A_419 = tpu.memref_slice %arg11[%add3A_344, %dma_start3A_418] : memref<125x80xi32, #tpu.memory_space<vmem>> -> memref<1x80xi32, #tpu.memory_space<vmem>>
      %dma_start3A_420 = tpu.memref_squeeze %dma_start3A_419 : memref<1x80xi32, #tpu.memory_space<vmem>> -> memref<80xi32, #tpu.memory_space<vmem>>
      %dma_start3A_421 = arith.constant 0 : i32
      %dma_start3A_422 = tpu.memref_slice %arg14[%dma_start3A_421] : memref<10000xf32, #tpu.memory_space<vmem_shared>> -> memref<10000xf32, #tpu.memory_space<vmem_shared>>
      tpu.enqueue_indirect_dma source(%dma_start3A_417 : memref<80xf32, #tpu.memory_space<vmem>>) target(%dma_start3A_422 : memref<10000xf32, #tpu.memory_space<vmem_shared>>) offsets(%dma_start3A_420 : memref<80xi32, #tpu.memory_space<vmem>>) semaphore(%arg15 : memref<!tpu.dma_semaphore, #tpu.memory_space<semaphore_mem>>) {add = true}
      %mul3A_423 = arith.constant 5 : i32
      %mul3A_424 = arith.muli %scan3A_16, %mul3A_423 : i32
      %add3A_425 = arith.constant 0 : i32
      %add3A_426 = arith.addi %mul3A_424, %add3A_425 : i32
      %dma_wait3A = arith.constant 0 : i32
      %dma_wait3A_427 = tpu.memref_slice %arg12[%add3A_426, %dma_wait3A] : memref<125x80xf32, #tpu.memory_space<vmem>> -> memref<1x80xf32, #tpu.memory_space<vmem>>
      %dma_wait3A_428 = tpu.memref_squeeze %dma_wait3A_427 : memref<1x80xf32, #tpu.memory_space<vmem>> -> memref<80xf32, #tpu.memory_space<vmem>>
      %dma_wait3A_429 = arith.constant 0 : i32
      %dma_wait3A_430 = tpu.memref_slice %arg11[%add3A_426, %dma_wait3A_429] : memref<125x80xi32, #tpu.memory_space<vmem>> -> memref<1x80xi32, #tpu.memory_space<vmem>>
      %dma_wait3A_431 = tpu.memref_squeeze %dma_wait3A_430 : memref<1x80xi32, #tpu.memory_space<vmem>> -> memref<80xi32, #tpu.memory_space<vmem>>
      %dma_wait3A_432 = arith.constant 0 : i32
      %dma_wait3A_433 = tpu.memref_slice %arg14[%dma_wait3A_432] : memref<10000xf32, #tpu.memory_space<vmem_shared>> -> memref<10000xf32, #tpu.memory_space<vmem_shared>>
      tpu.wait_indirect_dma semaphore(%arg15 : memref<!tpu.dma_semaphore, #tpu.memory_space<semaphore_mem>>) src(%dma_wait3A_428 : memref<80xf32, #tpu.memory_space<vmem>>) dst(%dma_wait3A_433 : memref<10000xf32, #tpu.memory_space<vmem_shared>>)
      %mul3A_434 = arith.constant 5 : i32
      %mul3A_435 = arith.muli %scan3A_16, %mul3A_434 : i32
      %add3A_436 = arith.constant 1 : i32
      %add3A_437 = arith.addi %mul3A_435, %add3A_436 : i32
      %dma_wait3A_438 = arith.constant 0 : i32
      %dma_wait3A_439 = tpu.memref_slice %arg12[%add3A_437, %dma_wait3A_438] : memref<125x80xf32, #tpu.memory_space<vmem>> -> memref<1x80xf32, #tpu.memory_space<vmem>>
      %dma_wait3A_440 = tpu.memref_squeeze %dma_wait3A_439 : memref<1x80xf32, #tpu.memory_space<vmem>> -> memref<80xf32, #tpu.memory_space<vmem>>
      %dma_wait3A_441 = arith.constant 0 : i32
      %dma_wait3A_442 = tpu.memref_slice %arg11[%add3A_437, %dma_wait3A_441] : memref<125x80xi32, #tpu.memory_space<vmem>> -> memref<1x80xi32, #tpu.memory_space<vmem>>
      %dma_wait3A_443 = tpu.memref_squeeze %dma_wait3A_442 : memref<1x80xi32, #tpu.memory_space<vmem>> -> memref<80xi32, #tpu.memory_space<vmem>>
      %dma_wait3A_444 = arith.constant 0 : i32
      %dma_wait3A_445 = tpu.memref_slice %arg14[%dma_wait3A_444] : memref<10000xf32, #tpu.memory_space<vmem_shared>> -> memref<10000xf32, #tpu.memory_space<vmem_shared>>
      tpu.wait_indirect_dma semaphore(%arg15 : memref<!tpu.dma_semaphore, #tpu.memory_space<semaphore_mem>>) src(%dma_wait3A_440 : memref<80xf32, #tpu.memory_space<vmem>>) dst(%dma_wait3A_445 : memref<10000xf32, #tpu.memory_space<vmem_shared>>)
      %mul3A_446 = arith.constant 5 : i32
      %mul3A_447 = arith.muli %scan3A_16, %mul3A_446 : i32
      %add3A_448 = arith.constant 2 : i32
      %add3A_449 = arith.addi %mul3A_447, %add3A_448 : i32
      %dma_wait3A_450 = arith.constant 0 : i32
      %dma_wait3A_451 = tpu.memref_slice %arg12[%add3A_449, %dma_wait3A_450] : memref<125x80xf32, #tpu.memory_space<vmem>> -> memref<1x80xf32, #tpu.memory_space<vmem>>
      %dma_wait3A_452 = tpu.memref_squeeze %dma_wait3A_451 : memref<1x80xf32, #tpu.memory_space<vmem>> -> memref<80xf32, #tpu.memory_space<vmem>>
      %dma_wait3A_453 = arith.constant 0 : i32
      %dma_wait3A_454 = tpu.memref_slice %arg11[%add3A_449, %dma_wait3A_453] : memref<125x80xi32, #tpu.memory_space<vmem>> -> memref<1x80xi32, #tpu.memory_space<vmem>>
      %dma_wait3A_455 = tpu.memref_squeeze %dma_wait3A_454 : memref<1x80xi32, #tpu.memory_space<vmem>> -> memref<80xi32, #tpu.memory_space<vmem>>
      %dma_wait3A_456 = arith.constant 0 : i32
      %dma_wait3A_457 = tpu.memref_slice %arg14[%dma_wait3A_456] : memref<10000xf32, #tpu.memory_space<vmem_shared>> -> memref<10000xf32, #tpu.memory_space<vmem_shared>>
      tpu.wait_indirect_dma semaphore(%arg15 : memref<!tpu.dma_semaphore, #tpu.memory_space<semaphore_mem>>) src(%dma_wait3A_452 : memref<80xf32, #tpu.memory_space<vmem>>) dst(%dma_wait3A_457 : memref<10000xf32, #tpu.memory_space<vmem_shared>>)
      %mul3A_458 = arith.constant 5 : i32
      %mul3A_459 = arith.muli %scan3A_16, %mul3A_458 : i32
      %add3A_460 = arith.constant 3 : i32
      %add3A_461 = arith.addi %mul3A_459, %add3A_460 : i32
      %dma_wait3A_462 = arith.constant 0 : i32
      %dma_wait3A_463 = tpu.memref_slice %arg12[%add3A_461, %dma_wait3A_462] : memref<125x80xf32, #tpu.memory_space<vmem>> -> memref<1x80xf32, #tpu.memory_space<vmem>>
      %dma_wait3A_464 = tpu.memref_squeeze %dma_wait3A_463 : memref<1x80xf32, #tpu.memory_space<vmem>> -> memref<80xf32, #tpu.memory_space<vmem>>
      %dma_wait3A_465 = arith.constant 0 : i32
      %dma_wait3A_466 = tpu.memref_slice %arg11[%add3A_461, %dma_wait3A_465] : memref<125x80xi32, #tpu.memory_space<vmem>> -> memref<1x80xi32, #tpu.memory_space<vmem>>
      %dma_wait3A_467 = tpu.memref_squeeze %dma_wait3A_466 : memref<1x80xi32, #tpu.memory_space<vmem>> -> memref<80xi32, #tpu.memory_space<vmem>>
      %dma_wait3A_468 = arith.constant 0 : i32
      %dma_wait3A_469 = tpu.memref_slice %arg14[%dma_wait3A_468] : memref<10000xf32, #tpu.memory_space<vmem_shared>> -> memref<10000xf32, #tpu.memory_space<vmem_shared>>
      tpu.wait_indirect_dma semaphore(%arg15 : memref<!tpu.dma_semaphore, #tpu.memory_space<semaphore_mem>>) src(%dma_wait3A_464 : memref<80xf32, #tpu.memory_space<vmem>>) dst(%dma_wait3A_469 : memref<10000xf32, #tpu.memory_space<vmem_shared>>)
      %mul3A_470 = arith.constant 5 : i32
      %mul3A_471 = arith.muli %scan3A_16, %mul3A_470 : i32
      %add3A_472 = arith.constant 4 : i32
      %add3A_473 = arith.addi %mul3A_471, %add3A_472 : i32
      %dma_wait3A_474 = arith.constant 0 : i32
      %dma_wait3A_475 = tpu.memref_slice %arg12[%add3A_473, %dma_wait3A_474] : memref<125x80xf32, #tpu.memory_space<vmem>> -> memref<1x80xf32, #tpu.memory_space<vmem>>
      %dma_wait3A_476 = tpu.memref_squeeze %dma_wait3A_475 : memref<1x80xf32, #tpu.memory_space<vmem>> -> memref<80xf32, #tpu.memory_space<vmem>>
      %dma_wait3A_477 = arith.constant 0 : i32
      %dma_wait3A_478 = tpu.memref_slice %arg11[%add3A_473, %dma_wait3A_477] : memref<125x80xi32, #tpu.memory_space<vmem>> -> memref<1x80xi32, #tpu.memory_space<vmem>>
      %dma_wait3A_479 = tpu.memref_squeeze %dma_wait3A_478 : memref<1x80xi32, #tpu.memory_space<vmem>> -> memref<80xi32, #tpu.memory_space<vmem>>
      %dma_wait3A_480 = arith.constant 0 : i32
      %dma_wait3A_481 = tpu.memref_slice %arg14[%dma_wait3A_480] : memref<10000xf32, #tpu.memory_space<vmem_shared>> -> memref<10000xf32, #tpu.memory_space<vmem_shared>>
      tpu.wait_indirect_dma semaphore(%arg15 : memref<!tpu.dma_semaphore, #tpu.memory_space<semaphore_mem>>) src(%dma_wait3A_476 : memref<80xf32, #tpu.memory_space<vmem>>) dst(%dma_wait3A_481 : memref<10000xf32, #tpu.memory_space<vmem_shared>>)
    }
    %scan3A_9 = arith.constant 25 : i32
    %barrier3A_10 = arith.constant 0 : index
    tpu.barrier barrier_id(%barrier3A_10)
    %eq3A_11 = arith.constant 0 : i32
    %eq3A_12 = arith.cmpi eq, %arg1, %eq3A_11 : i32
    %convert_element_type3A_13 = arith.extui %eq3A_12 : i1 to i32
    %cond3A_14 = arith.constant 0 : i32
    %cond3A_15 = arith.cmpi ne, %convert_element_type3A_13, %cond3A_14 : i32
    scf.if %cond3A_15 {
      "tpu.region"() ({
        %run_scoped3A = tpu.sem_alloc : memref<!tpu.dma_semaphore, #tpu.memory_space<semaphore_mem>>
        tpu.enqueue_dma source(%arg14 : memref<10000xf32, #tpu.memory_space<vmem_shared>>) target(%arg13 : memref<10000xf32, #tpu.memory_space<vmem>>) target_semaphore(%run_scoped3A : memref<!tpu.dma_semaphore, #tpu.memory_space<semaphore_mem>>)
        tpu.wait_dma2 semaphore(%run_scoped3A : memref<!tpu.dma_semaphore, #tpu.memory_space<semaphore_mem>>) src(%arg14 : memref<10000xf32, #tpu.memory_space<vmem_shared>>) dst(%arg13 : memref<10000xf32, #tpu.memory_space<vmem>>)
        tpu.yield
      }) : () -> ()
      %mul3A_16 = arith.constant 10000 : i32
      %mul3A_17 = arith.muli %arg0, %mul3A_16 : i32
      %multiple_of3A_18 = tpu.assume_multiple %mul3A_17, 8 : i32
      "tpu.region"() ({
        %run_scoped3A = tpu.sem_alloc : memref<!tpu.dma_semaphore, #tpu.memory_space<semaphore_mem>>
        %dma_start3A = tpu.memref_slice %arg7[%multiple_of3A_18] : memref<20000xf32, #tpu.memory_space<hbm>> -> memref<10000xf32, #tpu.memory_space<hbm>>
        %dma_start3A_19 = tpu.memref_slice %arg7[%multiple_of3A_18] : memref<20000xf32, #tpu.memory_space<hbm>> -> memref<10000xf32, #tpu.memory_space<hbm>>
        tpu.enqueue_dma source(%arg13 : memref<10000xf32, #tpu.memory_space<vmem>>) target(%dma_start3A_19 : memref<10000xf32, #tpu.memory_space<hbm>>) target_semaphore(%run_scoped3A : memref<!tpu.dma_semaphore, #tpu.memory_space<semaphore_mem>>)
        %dma_wait3A = tpu.memref_slice %arg7[%multiple_of3A_18] : memref<20000xf32, #tpu.memory_space<hbm>> -> memref<10000xf32, #tpu.memory_space<hbm>>
        %dma_wait3A_20 = tpu.memref_slice %arg7[%multiple_of3A_18] : memref<20000xf32, #tpu.memory_space<hbm>> -> memref<10000xf32, #tpu.memory_space<hbm>>
        tpu.wait_dma2 semaphore(%run_scoped3A : memref<!tpu.dma_semaphore, #tpu.memory_space<semaphore_mem>>) src(%arg13 : memref<10000xf32, #tpu.memory_space<vmem>>) dst(%dma_wait3A_20 : memref<10000xf32, #tpu.memory_space<hbm>>)
        tpu.yield
      }) : () -> ()
    } else {
    }
    return
  }
}

module attributes {stable_mosaic.version = 14 : i64} {
  func.func @_ew_body(%arg0: i32, %arg1: memref<4000x128xf32, #tpu.memory_space<vmem>>, %arg2: memref<128x8xf32, #tpu.memory_space<vmem>>, %arg3: memref<4000x8xf32, #tpu.memory_space<vmem>>) attributes {dimension_semantics = [#tpu.dimension_semantics<arbitrary>], iteration_bounds = array<i64: 10>, scalar_prefetch = 0 : i64, scratch_operands = 0 : i64, tpu.core_type = #tpu.core_type<tc>, window_params = [{transform_indices = @transform_0, window_bounds = array<i64: 4000, 128>}, {pipeline_mode = #tpu.pipeline_mode<synchronous>, transform_indices = @transform_1, window_bounds = array<i64: 128, 8>}, {transform_indices = @transform_2, window_bounds = array<i64: 4000, 8>}]} {
    %get3A = arith.constant 0 : index
    %get3A_0 = arith.constant 0 : index
    %get3A_1 = vector.load %arg1[%get3A, %get3A_0] : memref<4000x128xf32, #tpu.memory_space<vmem>>, vector<4000x128xf32>
    %get3A_2 = arith.constant 0 : index
    %get3A_3 = arith.constant 0 : index
    %get3A_4 = vector.load %arg2[%get3A_2, %get3A_3] : memref<128x8xf32, #tpu.memory_space<vmem>>, vector<128x8xf32>
    %dot_general3A = arith.constant dense<0.000000e+00> : vector<4000x8xf32>
    %dot_general3A_5 = tpu.matmul %get3A_1, %get3A_4, %dot_general3A {dimension_numbers = #tpu.dot_dimension_numbers<[1], [0], [0], [1], [0, 0, 1, 1], [], []>, precision = #tpu.contract_precision<fp32>, transpose_lhs_hint = false} : vector<4000x128xf32>, vector<128x8xf32>, vector<4000x8xf32> -> vector<4000x8xf32>
    %swap3A = arith.constant 0 : index
    %swap3A_6 = arith.constant 0 : index
    %swap3A_7 = vector.load %arg3[%swap3A, %swap3A_6] : memref<4000x8xf32, #tpu.memory_space<vmem>>, vector<4000x8xf32>
    tpu.vector_store %arg3[%swap3A, %swap3A_6], %dot_general3A_5 {strides = array<i32>} : memref<4000x8xf32, #tpu.memory_space<vmem>>, vector<4000x8xf32>,
    return
  }
  func.func @transform_0(%arg0: i32) -> (i32, i32) {
    %c0_i32 = arith.constant 0 : i32
    %c0_i32_0 = arith.constant 0 : i32
    return %arg0, %c0_i32 : i32, i32
  }
  func.func @transform_1(%arg0: i32) -> (i32, i32) {
    %c0_i32 = arith.constant 0 : i32
    %c0_i32_0 = arith.constant 0 : i32
    %c0_i32_1 = arith.constant 0 : i32
    return %c0_i32, %c0_i32_0 : i32, i32
  }
  func.func @transform_2(%arg0: i32) -> (i32, i32) {
    %c0_i32 = arith.constant 0 : i32
    %c0_i32_0 = arith.constant 0 : i32
    return %arg0, %c0_i32 : i32, i32
  }
}

module attributes {stable_mosaic.version = 14 : i64} {
  func.func @_dinv_body(%arg0: memref<2x10000xf32, #tpu.memory_space<vmem>>, %arg1: memref<1x10000xf32, #tpu.memory_space<vmem>>) attributes {dimension_semantics = [], scalar_prefetch = 0 : i64, scratch_operands = 0 : i64, tpu.core_type = #tpu.core_type<tc>} {
    %get3A = arith.constant 0 : index
    %get3A_0 = arith.constant 0 : index
    %get3A_1 = vector.load %arg0[%get3A, %get3A_0] : memref<2x10000xf32, #tpu.memory_space<vmem>>, vector<1x10000xf32>
    %get3A_2 = arith.constant 1 : index
    %get3A_3 = arith.constant 0 : index
    %get3A_4 = vector.load %arg0[%get3A_2, %get3A_3] : memref<2x10000xf32, #tpu.memory_space<vmem>>, vector<1x10000xf32>
    %add3A = arith.addf %get3A_1, %get3A_4 : vector<1x10000xf32>
    %add3A_5 = arith.constant 1.000000e+00 : f32
    %add3A_6 = vector.broadcast %add3A_5 : f32 to vector<1x10000xf32>
    %add3A_7 = arith.addf %add3A, %add3A_6 : vector<1x10000xf32>
    %gt3A = arith.constant 0.000000e+00 : f32
    %gt3A_8 = vector.broadcast %gt3A : f32 to vector<1x10000xf32>
    %gt3A_9 = arith.cmpf ogt, %add3A_7, %gt3A_8 : vector<1x10000xf32>
    %rsqrt3A = math.rsqrt %add3A_7 : vector<1x10000xf32>
    %jit3A = arith.constant 0.000000e+00 : f32
    %broadcast_in_dim3A = vector.broadcast %jit3A : f32 to vector<1x10000xf32>
    %select_n3A = arith.select %gt3A_9, %rsqrt3A, %broadcast_in_dim3A : vector<1x10000xi1>, vector<1x10000xf32>
    %swap3A = arith.constant 0 : index
    %swap3A_10 = arith.constant 0 : index
    %swap3A_11 = vector.load %arg1[%swap3A, %swap3A_10] : memref<1x10000xf32, #tpu.memory_space<vmem>>, vector<1x10000xf32>
    tpu.vector_store %arg1[%swap3A, %swap3A_10], %select_n3A {strides = array<i32>} : memref<1x10000xf32, #tpu.memory_space<vmem>>, vector<1x10000xf32>,
    return
  }
}

module attributes {stable_mosaic.version = 14 : i64} {
  func.func @_l1_body(%arg0: i32, %arg1: memref<1000x128xf32, #tpu.memory_space<vmem>>, %arg2: memref<1000x128xf32, #tpu.memory_space<vmem>>, %arg3: memref<1000x128xf32, #tpu.memory_space<vmem>>, %arg4: memref<1000x1xf32, #tpu.memory_space<vmem>>, %arg5: memref<128x256xf32, #tpu.memory_space<vmem>>, %arg6: memref<1x256xf32, #tpu.memory_space<vmem>>, %arg7: memref<256x128xf32, #tpu.memory_space<vmem>>, %arg8: memref<1000x128xf32, #tpu.memory_space<vmem>>) attributes {dimension_semantics = [#tpu.dimension_semantics<arbitrary>], iteration_bounds = array<i64: 10>, scalar_prefetch = 0 : i64, scratch_operands = 0 : i64, tpu.core_type = #tpu.core_type<tc>, window_params = [{transform_indices = @transform_0, window_bounds = array<i64: 1000, 128>}, {transform_indices = @transform_1, window_bounds = array<i64: 1000, 128>}, {transform_indices = @transform_2, window_bounds = array<i64: 1000, 128>}, {transform_indices = @transform_3, window_bounds = array<i64: 1000, 1>}, {pipeline_mode = #tpu.pipeline_mode<synchronous>, transform_indices = @transform_4, window_bounds = array<i64: 128, 256>}, {pipeline_mode = #tpu.pipeline_mode<synchronous>, transform_indices = @transform_5, window_bounds = array<i64: 1, 256>}, {pipeline_mode = #tpu.pipeline_mode<synchronous>, transform_indices = @transform_6, window_bounds = array<i64: 256, 128>}, {transform_indices = @transform_7, window_bounds = array<i64: 1000, 128>}]} {
    %get3A = arith.constant 0 : index
    %get3A_0 = arith.constant 0 : index
    %get3A_1 = vector.load %arg4[%get3A, %get3A_0] : memref<1000x1xf32, #tpu.memory_space<vmem>>, vector<1000x1xf32>
    %get3A_2 = arith.constant 0 : index
    %get3A_3 = arith.constant 0 : index
    %get3A_4 = vector.load %arg4[%get3A_2, %get3A_3] : memref<1000x1xf32, #tpu.memory_space<vmem>>, vector<1000x1xf32>
    %mul3A = arith.mulf %get3A_1, %get3A_4 : vector<1000x1xf32>
    %get3A_5 = arith.constant 0 : index
    %get3A_6 = arith.constant 0 : index
    %get3A_7 = vector.load %arg1[%get3A_5, %get3A_6] : memref<1000x128xf32, #tpu.memory_space<vmem>>, vector<1000x128xf32>
    %get3A_8 = arith.constant 0 : index
    %get3A_9 = arith.constant 0 : index
    %get3A_10 = vector.load %arg2[%get3A_8, %get3A_9] : memref<1000x128xf32, #tpu.memory_space<vmem>>, vector<1000x128xf32>
    %add3A = arith.addf %get3A_7, %get3A_10 : vector<1000x128xf32>
    %get3A_11 = arith.constant 0 : index
    %get3A_12 = arith.constant 0 : index
    %get3A_13 = vector.load %arg3[%get3A_11, %get3A_12] : memref<1000x128xf32, #tpu.memory_space<vmem>>, vector<1000x128xf32>
    %mul3A_14 = vector.broadcast %mul3A : vector<1000x1xf32> to vector<1000x128xf32>
    %mul3A_15 = arith.mulf %mul3A_14, %get3A_13 : vector<1000x128xf32>
    %add3A_16 = arith.addf %add3A, %mul3A_15 : vector<1000x128xf32>
    %get3A_17 = arith.constant 0 : index
    %get3A_18 = arith.constant 0 : index
    %get3A_19 = vector.load %arg5[%get3A_17, %get3A_18] : memref<128x256xf32, #tpu.memory_space<vmem>>, vector<128x256xf32>
    %dot_general3A = arith.constant dense<0.000000e+00> : vector<1000x256xf32>
    %dot_general3A_20 = tpu.matmul %add3A_16, %get3A_19, %dot_general3A {dimension_numbers = #tpu.dot_dimension_numbers<[1], [0], [0], [1], [0, 0, 1, 1], [], []>, transpose_lhs_hint = false} : vector<1000x128xf32>, vector<128x256xf32>, vector<1000x256xf32> -> vector<1000x256xf32>
    %get3A_21 = arith.constant 0 : index
    %get3A_22 = arith.constant 0 : index
    %get3A_23 = vector.load %arg6[%get3A_21, %get3A_22] : memref<1x256xf32, #tpu.memory_space<vmem>>, vector<1x256xf32>
    %add3A_24 = vector.broadcast %get3A_23 : vector<1x256xf32> to vector<1000x256xf32>
    %add3A_25 = arith.addf %dot_general3A_20, %add3A_24 : vector<1000x256xf32>
    %max3A = arith.constant 0.000000e+00 : f32
    %max3A_26 = vector.broadcast %max3A : f32 to vector<1000x256xf32>
    %max3A_27 = arith.maximumf %add3A_25, %max3A_26 : vector<1000x256xf32>
    %get3A_28 = arith.constant 0 : index
    %get3A_29 = arith.constant 0 : index
    %get3A_30 = vector.load %arg7[%get3A_28, %get3A_29] : memref<256x128xf32, #tpu.memory_space<vmem>>, vector<256x128xf32>
    %dot_general3A_31 = arith.constant dense<0.000000e+00> : vector<1000x128xf32>
    %dot_general3A_32 = tpu.matmul %max3A_27, %get3A_30, %dot_general3A_31 {dimension_numbers = #tpu.dot_dimension_numbers<[1], [0], [0], [1], [0, 0, 1, 1], [], []>, transpose_lhs_hint = false} : vector<1000x256xf32>, vector<256x128xf32>, vector<1000x128xf32> -> vector<1000x128xf32>
    %swap3A = arith.constant 0 : index
    %swap3A_33 = arith.constant 0 : index
    %swap3A_34 = vector.load %arg8[%swap3A, %swap3A_33] : memref<1000x128xf32, #tpu.memory_space<vmem>>, vector<1000x128xf32>
    tpu.vector_store %arg8[%swap3A, %swap3A_33], %dot_general3A_32 {strides = array<i32>} : memref<1000x128xf32, #tpu.memory_space<vmem>>, vector<1000x128xf32>,
    return
  }
  func.func @transform_0(%arg0: i32) -> (i32, i32) {
    %c0_i32 = arith.constant 0 : i32
    %c0_i32_0 = arith.constant 0 : i32
    return %arg0, %c0_i32 : i32, i32
  }
  func.func @transform_1(%arg0: i32) -> (i32, i32) {
    %add3A = arith.constant 10 : i32
    %add3A_0 = arith.addi %arg0, %add3A : i32
    %c0_i32 = arith.constant 0 : i32
    %c0_i32_1 = arith.constant 0 : i32
    return %add3A_0, %c0_i32 : i32, i32
  }
  func.func @transform_2(%arg0: i32) -> (i32, i32) {
    %c0_i32 = arith.constant 0 : i32
    %c0_i32_0 = arith.constant 0 : i32
    return %arg0, %c0_i32 : i32, i32
  }
  func.func @transform_3(%arg0: i32) -> (i32, i32) {
    %c0_i32 = arith.constant 0 : i32
    %c0_i32_0 = arith.constant 0 : i32
    return %arg0, %c0_i32 : i32, i32
  }
  func.func @transform_4(%arg0: i32) -> (i32, i32) {
    %c0_i32 = arith.constant 0 : i32
    %c0_i32_0 = arith.constant 0 : i32
    %c0_i32_1 = arith.constant 0 : i32
    return %c0_i32, %c0_i32_0 : i32, i32
  }
  func.func @transform_5(%arg0: i32) -> (i32, i32) {
    %c0_i32 = arith.constant 0 : i32
    %c0_i32_0 = arith.constant 0 : i32
    %c0_i32_1 = arith.constant 0 : i32
    return %c0_i32, %c0_i32_0 : i32, i32
  }
  func.func @transform_6(%arg0: i32) -> (i32, i32) {
    %c0_i32 = arith.constant 0 : i32
    %c0_i32_0 = arith.constant 0 : i32
    %c0_i32_1 = arith.constant 0 : i32
    return %c0_i32, %c0_i32_0 : i32, i32
  }
  func.func @transform_7(%arg0: i32) -> (i32, i32) {
    %c0_i32 = arith.constant 0 : i32
    %c0_i32_0 = arith.constant 0 : i32
    return %arg0, %c0_i32 : i32, i32
  }
}

module attributes {stable_mosaic.version = 14 : i64} {
  func.func @_l2_body(%arg0: i32, %arg1: memref<1000x128xf32, #tpu.memory_space<vmem>>, %arg2: memref<1000x128xf32, #tpu.memory_space<vmem>>, %arg3: memref<1000x128xf32, #tpu.memory_space<vmem>>, %arg4: memref<1000x1xf32, #tpu.memory_space<vmem>>, %arg5: memref<1x128xf32, #tpu.memory_space<vmem>>, %arg6: memref<128x1xf32, #tpu.memory_space<vmem>>, %arg7: memref<1000x1xf32, #tpu.memory_space<vmem>>) attributes {dimension_semantics = [#tpu.dimension_semantics<arbitrary>], iteration_bounds = array<i64: 10>, scalar_prefetch = 0 : i64, scratch_operands = 0 : i64, tpu.core_type = #tpu.core_type<tc>, window_params = [{transform_indices = @transform_0, window_bounds = array<i64: 1000, 128>}, {transform_indices = @transform_1, window_bounds = array<i64: 1000, 128>}, {transform_indices = @transform_2, window_bounds = array<i64: 1000, 128>}, {transform_indices = @transform_3, window_bounds = array<i64: 1000, 1>}, {pipeline_mode = #tpu.pipeline_mode<synchronous>, transform_indices = @transform_4, window_bounds = array<i64: 1, 128>}, {pipeline_mode = #tpu.pipeline_mode<synchronous>, transform_indices = @transform_5, window_bounds = array<i64: 128, 1>}, {transform_indices = @transform_6, window_bounds = array<i64: 1000, 1>}]} {
    %get3A = arith.constant 0 : index
    %get3A_0 = arith.constant 0 : index
    %get3A_1 = vector.load %arg4[%get3A, %get3A_0] : memref<1000x1xf32, #tpu.memory_space<vmem>>, vector<1000x1xf32>
    %get3A_2 = arith.constant 0 : index
    %get3A_3 = arith.constant 0 : index
    %get3A_4 = vector.load %arg4[%get3A_2, %get3A_3] : memref<1000x1xf32, #tpu.memory_space<vmem>>, vector<1000x1xf32>
    %mul3A = arith.mulf %get3A_1, %get3A_4 : vector<1000x1xf32>
    %get3A_5 = arith.constant 0 : index
    %get3A_6 = arith.constant 0 : index
    %get3A_7 = vector.load %arg1[%get3A_5, %get3A_6] : memref<1000x128xf32, #tpu.memory_space<vmem>>, vector<1000x128xf32>
    %get3A_8 = arith.constant 0 : index
    %get3A_9 = arith.constant 0 : index
    %get3A_10 = vector.load %arg2[%get3A_8, %get3A_9] : memref<1000x128xf32, #tpu.memory_space<vmem>>, vector<1000x128xf32>
    %add3A = arith.addf %get3A_7, %get3A_10 : vector<1000x128xf32>
    %get3A_11 = arith.constant 0 : index
    %get3A_12 = arith.constant 0 : index
    %get3A_13 = vector.load %arg3[%get3A_11, %get3A_12] : memref<1000x128xf32, #tpu.memory_space<vmem>>, vector<1000x128xf32>
    %mul3A_14 = vector.broadcast %mul3A : vector<1000x1xf32> to vector<1000x128xf32>
    %mul3A_15 = arith.mulf %mul3A_14, %get3A_13 : vector<1000x128xf32>
    %add3A_16 = arith.addf %add3A, %mul3A_15 : vector<1000x128xf32>
    %get3A_17 = arith.constant 0 : index
    %get3A_18 = arith.constant 0 : index
    %get3A_19 = vector.load %arg5[%get3A_17, %get3A_18] : memref<1x128xf32, #tpu.memory_space<vmem>>, vector<1x128xf32>
    %add3A_20 = vector.broadcast %get3A_19 : vector<1x128xf32> to vector<1000x128xf32>
    %add3A_21 = arith.addf %add3A_16, %add3A_20 : vector<1000x128xf32>
    %max3A = arith.constant 0.000000e+00 : f32
    %max3A_22 = vector.broadcast %max3A : f32 to vector<1000x128xf32>
    %max3A_23 = arith.maximumf %add3A_21, %max3A_22 : vector<1000x128xf32>
    %get3A_24 = arith.constant 0 : index
    %get3A_25 = arith.constant 0 : index
    %get3A_26 = vector.load %arg6[%get3A_24, %get3A_25] : memref<128x1xf32, #tpu.memory_space<vmem>>, vector<128x1xf32>
    %dot_general3A = arith.constant dense<0.000000e+00> : vector<1000x1xf32>
    %dot_general3A_27 = tpu.matmul %max3A_23, %get3A_26, %dot_general3A {dimension_numbers = #tpu.dot_dimension_numbers<[1], [0], [0], [1], [0, 0, 1, 1], [], []>, transpose_lhs_hint = false} : vector<1000x128xf32>, vector<128x1xf32>, vector<1000x1xf32> -> vector<1000x1xf32>
    %swap3A = arith.constant 0 : index
    %swap3A_28 = arith.constant 0 : index
    %swap3A_29 = vector.load %arg7[%swap3A, %swap3A_28] : memref<1000x1xf32, #tpu.memory_space<vmem>>, vector<1000x1xf32>
    tpu.vector_store %arg7[%swap3A, %swap3A_28], %dot_general3A_27 {strides = array<i32>} : memref<1000x1xf32, #tpu.memory_space<vmem>>, vector<1000x1xf32>,
    return
  }
  func.func @transform_0(%arg0: i32) -> (i32, i32) {
    %c0_i32 = arith.constant 0 : i32
    %c0_i32_0 = arith.constant 0 : i32
    return %arg0, %c0_i32 : i32, i32
  }
  func.func @transform_1(%arg0: i32) -> (i32, i32) {
    %add3A = arith.constant 10 : i32
    %add3A_0 = arith.addi %arg0, %add3A : i32
    %c0_i32 = arith.constant 0 : i32
    %c0_i32_1 = arith.constant 0 : i32
    return %add3A_0, %c0_i32 : i32, i32
  }
  func.func @transform_2(%arg0: i32) -> (i32, i32) {
    %c0_i32 = arith.constant 0 : i32
    %c0_i32_0 = arith.constant 0 : i32
    return %arg0, %c0_i32 : i32, i32
  }
  func.func @transform_3(%arg0: i32) -> (i32, i32) {
    %c0_i32 = arith.constant 0 : i32
    %c0_i32_0 = arith.constant 0 : i32
    return %arg0, %c0_i32 : i32, i32
  }
  func.func @transform_4(%arg0: i32) -> (i32, i32) {
    %c0_i32 = arith.constant 0 : i32
    %c0_i32_0 = arith.constant 0 : i32
    %c0_i32_1 = arith.constant 0 : i32
    return %c0_i32, %c0_i32_0 : i32, i32
  }
  func.func @transform_5(%arg0: i32) -> (i32, i32) {
    %c0_i32 = arith.constant 0 : i32
    %c0_i32_0 = arith.constant 0 : i32
    %c0_i32_1 = arith.constant 0 : i32
    return %c0_i32, %c0_i32_0 : i32, i32
  }
  func.func @transform_6(%arg0: i32) -> (i32, i32) {
    %c0_i32 = arith.constant 0 : i32
    %c0_i32_0 = arith.constant 0 : i32
    return %arg0, %c0_i32 : i32, i32
  }
}

module attributes {stable_mosaic.version = 14 : i64} {
  func.func @_out_body(%arg0: memref<2x10000xf32, #tpu.memory_space<vmem>>, %arg1: memref<1x10000xf32, #tpu.memory_space<vmem>>, %arg2: memref<1x10000xf32, #tpu.memory_space<vmem>>, %arg3: memref<1x1xf32, #tpu.memory_space<vmem>>, %arg4: memref<1x10000xf32, #tpu.memory_space<vmem>>) attributes {dimension_semantics = [], scalar_prefetch = 0 : i64, scratch_operands = 0 : i64, tpu.core_type = #tpu.core_type<tc>} {
    %get3A = arith.constant 0 : index
    %get3A_0 = arith.constant 0 : index
    %get3A_1 = vector.load %arg0[%get3A, %get3A_0] : memref<2x10000xf32, #tpu.memory_space<vmem>>, vector<1x10000xf32>
    %get3A_2 = arith.constant 1 : index
    %get3A_3 = arith.constant 0 : index
    %get3A_4 = vector.load %arg0[%get3A_2, %get3A_3] : memref<2x10000xf32, #tpu.memory_space<vmem>>, vector<1x10000xf32>
    %add3A = arith.addf %get3A_1, %get3A_4 : vector<1x10000xf32>
    %get3A_5 = arith.constant 0 : index
    %get3A_6 = arith.constant 0 : index
    %get3A_7 = vector.load %arg2[%get3A_5, %get3A_6] : memref<1x10000xf32, #tpu.memory_space<vmem>>, vector<1x10000xf32>
    %get3A_8 = arith.constant 0 : index
    %get3A_9 = arith.constant 0 : index
    %get3A_10 = vector.load %arg2[%get3A_8, %get3A_9] : memref<1x10000xf32, #tpu.memory_space<vmem>>, vector<1x10000xf32>
    %mul3A = arith.mulf %get3A_7, %get3A_10 : vector<1x10000xf32>
    %get3A_11 = arith.constant 0 : index
    %get3A_12 = arith.constant 0 : index
    %get3A_13 = vector.load %arg1[%get3A_11, %get3A_12] : memref<1x10000xf32, #tpu.memory_space<vmem>>, vector<1x10000xf32>
    %mul3A_14 = arith.mulf %mul3A, %get3A_13 : vector<1x10000xf32>
    %add3A_15 = arith.addf %add3A, %mul3A_14 : vector<1x10000xf32>
    %get3A_16 = arith.constant 0 : index
    %get3A_17 = arith.constant 0 : index
    %get3A_18 = vector.load %arg3[%get3A_16, %get3A_17] : memref<1x1xf32, #tpu.memory_space<vmem>>, vector<1x1xf32>
    %add3A_19 = vector.broadcast %get3A_18 : vector<1x1xf32> to vector<1x10000xf32>
    %add3A_20 = arith.addf %add3A_15, %add3A_19 : vector<1x10000xf32>
    %swap3A = arith.constant 0 : index
    %swap3A_21 = arith.constant 0 : index
    %swap3A_22 = vector.load %arg4[%swap3A, %swap3A_21] : memref<1x10000xf32, #tpu.memory_space<vmem>>, vector<1x10000xf32>
    tpu.vector_store %arg4[%swap3A, %swap3A_21], %add3A_20 {strides = array<i32>} : memref<1x10000xf32, #tpu.memory_space<vmem>>, vector<1x10000xf32>,
    return
  }
}

</mosaic_0001>

<sc_bundles>
// kernel: kernel.12.cloned.1.call-start
scs
__scs_entry_jumppad:
0x0: {  	(pc) =	sbr.rel $0x88, $3  }
0x1: {  	(tag) =	ssettag $0x0;
	lr =	simm.s32 $0x1  }
0x2: {  	[smem:$0x3F98] =	sst lr;
	_ =	strace $0xD0000000  }
0x3: {  	_ = 	snop  }
0x4: {  	_ = 	snop  }
0x5: {  	_ = 	snop  }
0x6: {  	_ = 	snop  }
0x7: {  	_ = 	snop  }
__scs_overlays_trampoline_lowered:
0x8: {  	[smem:$0x3FA7] =	sst s0  }
0x9: {  	[smem:$0x3FA8] =	sst s1  }
0xa: {  	[smem:$0x3FA9] =	sst s2  }
0xb: {  	[smem:$0x3FAA] =	sst s3  }
0xc: {  	[smem:$0x3FAB] =	sst s4  }
0xd: {  	[smem:$0x3FAC] =	sst s5  }
0xe: {  	[smem:$0x3FAD] =	sst s6  }
0xf: {  	[smem:$0x3FAE] =	sst s7  }
0x10: {  	[smem:$0x3FAF] =	sst s8  }
0x11: {  	[smem:$0x3FB0] =	sst s9;
	s0 =	simm.s32 @!p0 $0x0  }
0x12: {  	s1 =	sld [smem:$0x3F96];
	s0 =	simm.s32 @p0 $0x1  }
0x13: {  	[smem:$0x3FB1] =	sst s0;
	s0 =	simm.s32 @!p1 $0x0  }
0x14: {  	s2 =	sld [smem:$0x3F95];
	s0 =	simm.s32 @p1 $0x1  }
0x15: {  	[smem:$0x3FB2] =	sst s0;
	s0 =	simm.s32 @!p2 $0x0  }
0x16: {  	s3 =	sld [smem:$0x3FDB];
	s0 =	simm.s32 @p2 $0x1  }
0x17: {  	s4 =	simm.s32 $0x1BF5;
	[smem:$0x3FB4] =	sst s0  }
0x18: {  	s0 =	sld [smem:$0x3F97];
	_ =	swait.ge [sflag:s4], $0x0  }
0x19: {  	s7 =	sld [smem:$0x3F98]  }
0x1a: {  	s8 =	sadd.s32 $0xFFFFE003, lr  }
0x1b: {  	s9 =	sadd.s32 $0xFFFFFEF7, lr;
	s5 =	simm.s32 $0xFFFFFFFF;
	p2 =	slt.u32 s8, $0xFFFFF086  }
0x1c: {  	p1 =	slt.u32 s9, $0xF7A;
	s5 =	simm.s32 @!p2 $0x0  }
0x1d: {  	s5 =	simm.s32 @p1 $0x1;
	p0 =	seq.s32 s7, s2  }
0x1e: {  	s7 =	smul.u32 @!p0 $0xF7A, s2;
	p2 =	seq.s32 @!p0 s5, $0x0  }
0x1f: {  	s9 =	smul.u32 $0xF7A, s1;
	s8 =	simm.s32 @!p0 $0x1BF5;
	p2 =	por !p2, p0  }
0x20: {  	[sflag:s8] =	ssyncset.s32 @!p0 $0xFFFFF086;
	s6 =	sadd.s32 @!p0 s3, s7;
	s7 =	simm.s32 @!p0 $0x108  }
0x21: {  	s3 =	sadd.s32 s3, s9;
	s6 =	sadd.s32 @!p0 $0x88, s6;
	s7 =	simm.s32 @p2 $0x1082  }
0x22: {  	[simem:s7], [sflag:s8] =	dma.local @!p0 [hbm:s6], $0xF7A  }
0x23: {  	s9 =	sor.u32 $0xD0000000, s2;
	s6 =	simm.s32 $0x108;
	_ =	swait.ge @!p0 [sflag:s8], $0x0  }
0x24: {  	s3 =	sadd.s32 $0x88, s3;
	s6 =	simm.s32 @!p1 $0x1082;
	[sflag:s4] =	ssyncset.s32 $0xFFFFF086  }
0x25: {  	[simem:s6], [sflag:s4] =	dma.local [hbm:s3], $0xF7A  }
0x26: {  	[smem:$0x3F98] =	sst s1;
	(tag) =	ssettag s2;
	_ =	strace s9  }
0x27: {  	s1 =	sld [smem:$0x3FA8]  }
0x28: {  	s2 =	sld [smem:$0x3FA9]  }
0x29: {  	s4 =	sld [smem:$0x3FAB]  }
0x2a: {  	p0 =	seq.s32 s5, $0x0;
	s5 =	sld [smem:$0x3FAC]  }
0x2b: {  	s6 =	sld [smem:$0x3FAD]  }
0x2c: {  	s7 =	sld [smem:$0x3FAE]  }
0x2d: {  	s3 =	simm.s32 $0x108;
	s8 =	sld [smem:$0x3FAF]  }
0x2e: {  	s3 =	simm.s32 @!p0 $0x1082;
	s9 =	sld [smem:$0x3FB0]  }
0x2f: {  	lr =	sadd.s32 s0, s3;
	s0 =	sld [smem:$0x3FA7]  }
0x30: {  	s3 =	sld [smem:$0x3FAA]  }
0x31: {  	[smem:$0x3FB3] =	sst s10  }
0x32: {  	s10 =	sld [smem:$0x3FB1];
	_ =	sdelay $0x3  }
0x33: {  	p0 =	seq.s32 s10, $0x1;
	s10 =	sld [smem:$0x3FB3];
	_ =	sdelay $0x3  }
0x34: {  	[smem:$0x3FB3] =	sst s10  }
0x35: {  	s10 =	sld [smem:$0x3FB2];
	_ =	sdelay $0x3  }
0x36: {  	p1 =	seq.s32 s10, $0x1;
	s10 =	sld [smem:$0x3FB3];
	_ =	sdelay $0x3  }
0x37: {  	[smem:$0x3FB3] =	sst s10  }
0x38: {  	s10 =	sld [smem:$0x3FB4]  }
0x39: {  	_ = 	snop;
	(pc) =	sbr.ind lr, $3  }
0x3a: {  	_ = 	snop  }
0x3b: {  	_ = 	snop  }
0x3c: {  	p2 =	seq.s32 s10, $0x1;
	s10 =	sld [smem:$0x3FB3]  }
0x3d: {  	_ =	shalt  }
0x3e: {  	_ =	shalt  }
0x3f: {  	_ =	shalt  }
0x40: {  	_ =	shalt  }
0x41: {  	_ =	shalt  }
0x42: {  	_ =	shalt  }
0x43: {  	_ =	shalt  }
0x44: {  	_ =	shalt  }
0x45: {  	_ =	shalt  }
0x46: {  	_ =	shalt  }
0x47: {  	_ =	shalt  }
0x48: {  	_ =	shalt  }
0x49: {  	_ =	shalt  }
0x4a: {  	_ =	shalt  }
0x4b: {  	_ =	shalt  }
0x4c: {  	_ =	shalt  }
0x4d: {  	_ =	shalt  }
0x4e: {  	_ =	shalt  }
0x4f: {  	_ =	shalt  }
0x50: {  	_ =	shalt  }
0x51: {  	_ =	shalt  }
0x52: {  	_ =	shalt  }
0x53: {  	_ =	shalt  }
0x54: {  	_ =	shalt  }
0x55: {  	_ =	shalt  }
0x56: {  	_ =	shalt  }
0x57: {  	_ =	shalt  }
0x58: {  	_ =	shalt  }
0x59: {  	_ =	shalt  }
0x5a: {  	_ =	shalt  }
0x5b: {  	_ =	shalt  }
0x5c: {  	_ =	shalt  }
0x5d: {  	_ =	shalt  }
0x5e: {  	_ =	shalt  }
0x5f: {  	_ =	shalt  }
0x60: {  	_ =	shalt  }
0x61: {  	_ =	shalt  }
0x62: {  	_ =	shalt  }
0x63: {  	_ =	shalt  }
0x64: {  	_ =	shalt  }
0x65: {  	_ =	shalt  }
0x66: {  	_ =	shalt  }
0x67: {  	_ =	shalt  }
0x68: {  	_ =	shalt  }
0x69: {  	_ =	shalt  }
0x6a: {  	_ =	shalt  }
0x6b: {  	_ =	shalt  }
0x6c: {  	_ =	shalt  }
0x6d: {  	_ =	shalt  }
0x6e: {  	_ =	shalt  }
0x6f: {  	_ =	shalt  }
0x70: {  	_ =	shalt  }
0x71: {  	_ =	shalt  }
0x72: {  	_ =	shalt  }
0x73: {  	_ =	shalt  }
0x74: {  	_ =	shalt  }
0x75: {  	_ =	shalt  }
0x76: {  	_ =	shalt  }
0x77: {  	_ =	shalt  }
0x78: {  	_ =	shalt  }
0x79: {  	_ =	shalt  }
0x7a: {  	_ =	shalt  }
0x7b: {  	_ =	shalt  }
0x7c: {  	_ =	shalt  }
0x7d: {  	_ =	shalt  }
0x7e: {  	_ =	shalt  }
0x7f: {  	_ =	shalt  }
0x80: {  	_ =	shalt  }
0x81: {  	_ =	shalt  }
0x82: {  	_ =	shalt  }
0x83: {  	_ =	shalt  }
0x84: {  	_ =	shalt  }
0x85: {  	_ =	shalt  }
0x86: {  	_ =	shalt  }
0x87: {  	_ =	shalt  }
.Lfunc_end0:
.L_simem_size_0:
called_computation_lowered:
.L_overlay_start_0:
0x88: {  	s2 =	sld [smem:$0x3FD9]  }
0x89: {  	s3 =	sld [smem:$0x3FFE];
	_ =	sdelay $0x1  }
0x8a: {  	s1 =	srdreg.scid  }
0x8b: {  	s0 =	sand.u32 $0x1, s1  }
0x8c: {  	s17 =	sshll.u32 s0, $0xA;
	s2 =	sadd.s32 s3, s2  }
0x8d: {  	s2 =	sadd.s32 s2, s17  }
0x8e: {  	[smem:$0x3FBF] =	sst s2  }
0x8f: {  	_ = 	snop  }
0x90: {  	s2 =	sld [smem:$0x3FD0];
	(tm) =	ssettm $0x1  }
0x91: {  	s18 =	sld [smem:$0x3FFB];
	_ =	sdelay $0x3  }
0x92: {  	_ =	strace s18  }
0x93: {  	s3 =	sld [smem:$0x3FFC];
	_ =	sdelay $0x3  }
0x94: {  	_ =	strace s3  }
0x95: {  	s3 =	sld [smem:$0x3FFD];
	_ =	sdelay $0x3  }
0x96: {  	_ =	strace s3  }
0x97: {  	_ =	strace $0x8FFFFFFF  }
0x98: {  	s19 =	sld [smem:$0x3FDB];
	_ =	sdelay $0x1  }
0x99: {  	s4 =	simm.s32 $_scs_section_size  }
0x9a: {  	s5 =	simm.s32 $_size__tile_overlayer_lowered;
	s6 =	simm.s32 $_tile_overlayer_lowered  }
0x9b: {  	s22 =	simm.s32 $0x1BFF;
	s21 =	sshll.u32 s6, $0x1;
	s3 =	sadd.s32 s4, s19  }
0x9c: {  	s7 =	simm.s32 $0x0;
	s20 =	sshll.u32 s5, $0x1;
	s5 =	sadd.s32 s21, s3  }
0x9d: {  	[timem:s7], [sflag:s22] =	dma.local [hbm:s5], s20  }
0x9e: {  	_ =	swait.ge [sflag:s22], s20  }
0x9f: {  	s4 =	ssub.s32 $0x0, s20;
	[sflag:s22] =	ssyncset.done $0x0  }
0xa0: {  	[sflag:s22] =	ssyncadd.s32 s4;
	_ =	sdelay $0x1  }
0xa1: {  	s23 =	simm.s32 $0x1B8B  }
0xa2: {  	_ =	swait.ge [sflag:s23], $0x1  }
0xa3: {  	[sflag:s23] =	ssyncset.done $0x0  }
0xa4: {  	s25 =	simm.s32 $0x1B8E;
	s24 =	sld [smem:$0x3FFE];
	[sflag:s23] =	ssyncadd.s32 $0xFFFFFFFF  }
0xa5: {  	s26 =	simm.s32 $execute0_lowered;
	[smem:$0x3FD2] =	sst s25  }
0xa6: {  	s5 =	sshll.u32 s26, $0x1;
	_ =	strace $0x80000046;
	[dreg:$0x1] =	wrdreg $0xFFFFFFFF  }
0xa7: {  	s28 =	simm.s32 $_size_execute0_lowered;
	s3 =	sadd.s32 s3, s5;
	[dreg:$0x0] =	wrdreg $0x0  }
0xa8: {  	s5 =	sshll.u32 s28, $0x1;
	[dreg:$0x2] =	wrdreg s3  }
0xa9: {  	[dreg:$0x3] =	wrdreg s5  }
0xaa: {  	[dreg:$0x4] =	wrdreg $0xC0  }
0xab: {  	_ =	task [dreg:s7], $0x5FFFF  }
0xac: {  	[dreg:$0x1] =	wrdreg $0xFFFFFFFF  }
0xad: {  	[dreg:$0x0] =	wrdreg $0x60  }
0xae: {  	[dreg:$0x2] =	wrdreg s24  }
0xaf: {  	[dreg:$0x3] =	wrdreg s2  }
0xb0: {  	[dreg:$0x4] =	wrdreg $0x8F000  }
0xb1: {  	[dreg:$0x5] =	wrdreg $0x9  }
0xb2: {  	_ =	task.clear_ibuf [dreg:s7], $0x6FFFF;
	_ =	strace $0x90000046  }
0xb3: {  	s29 =	simm.s32 $0x9;
	_ =	strace $0x80000048  }
0xb4: {  	_ =	swait.ge [sflag:s29], $0x1  }
0xb5: {  	[sflag:s29] =	ssyncadd.s32 $0xFFFFFFFF  }
0xb6: {  	_ =	strace $0x90000048  }
0xb7: {  	_ =	sfence  }
0xb8: {  	s30 =	sld [smem:$0x0];
	_ =	sdelay $0x2  }
0xb9: {  	s31 =	sshll.u32 s1, $0xD;
	s1 =	sshrl.u32 s1, $0x2  }
0xba: {  	s3 =	sand.u32 $0x4000, s31;
	s1 =	sadd.s32 s1, s30  }
0xbb: {  	s0 =	sor.u32 s3, s0;
	s1 =	sshll.u32 s1, $0x11  }
0xbc: {  	s0 =	sor.u32 s1, s0  }
0xbd: {  	s0 =	sadd.s32 $0x8F2B, s0  }
0xbe: {  	[sflag:s0] =	ssyncadd.remote.s32 $0x1  }
0xbf: {  	_ =	sfence.sel $0xFFFF  }
0xc0: {  	[dreg:$0x0] =	wrdreg $0xFFFFFFFF;
	(pc) =	sbr.abs _section_cstart, $3  }
0xc1: {  	[dreg:$0x1] =	wrdreg $0xFFFFFFFF  }
0xc2: {  	_ =	task.clear_ibuf [dreg:s7], $0x2FFFF;
	_ =	strace $0x9FFFFFFF  }
0xc3: {  	(tm) =	ssettm $0x7FFFFFFF  }
tec
execute0_lowered:
.L_overlay_start_1:
0x0: {  	(tag) =	ssettag $0x1  }
0x1: {  	s4 =	rddreg [dreg:$0x0]  }
0x2: {  	s0 =	rddreg [dreg:$0x1];
	s1 =	srdreg.scid  }
0x3: {  	s8 =	stileid.u32;
	s2 =	rddreg [dreg:$0x2];
	s3 =	simm.s32 $0x0  }
0x4: {  	s11 =	simm.s32 $0x0;
	s5 =	sand.u32 $0x1, s1;
	s1 =	rddreg [dreg:$0x3]  }
0x5: {  	s6 =	sshll.u32 s8, $0x1;
	[smem:$0x7FF] =	sst s3;
	p0 =	sne.s32 s8, $0x0  }
0x6: {  	s8 =	simm.s32 $0x2;
	s6 =	sor.u32 s5, s6;
	s9 =	smul.u32 $0x4E2, s5  }
0x7: {  	s5 =	ssub.s32 $0x2, s5;
	s7 =	smul.u32 $0x4E2, s6;
	s6 =	sshll.u32 s6, $0xB  }
0x8: {  	_ =	strace $0x80000047;
	s10 =	sshrl.u32 s5, $0x1;
	s6 =	sadd.s32 s6, s4  }
0x9: {  	s9 =	sadd.s32 s9, s4;
	s10 =	ssub.s32 s5, s10;
	s7 =	sadd.s32 s7, s4  }
0xa: {  	s4 =	sadd.s32 $0x15000, s6;
	s6 =	sadd.s32 $0x2EE00, s9;
	s9 =	simm.s32 $0x50  }
0xb: {  	s5 =	sadd.s32 $0x25000, s7;
	s7 =	smax.u32 s10, $0x1;
	s10 =	simm.s32 $0x1  }
.LBB2_1:
0xc: {  	s12 =	simm.s32 @!p0 $0x0;
	s13 =	simm.s32 @!p0 $0x6780  }
0xd: {  	[tilespmem:s13], [sflag:$0x2] =	stream.linear.gather @!p0 [hbm4b:s0+s12], $0x2780, $0x38;
	[tilespmem:$0x9178] =	vst v63  }
0xe: {  	s12 =	simm.s32 @!p0 $0x2  }
0xf: {  	_ =	swait.ge @!p0 [sflag:s12], $0x2780  }
0x10: {  	[sflag:s12] =	ssyncset.done @!p0 $0x0  }
0x11: {  	[sflag:s12] =	ssyncadd.s32 @!p0 $0xFFFFD880  }
0x12: {  	[spmem:s2] =	stream.linear.scatter @!p0 [tilespmem:s13], [sflag:$0x2], $0x2780, $0x38;
	[tilespmem:$0x9178] =	vst v63  }
0x13: {  	_ =	swait.ge @!p0 [sflag:s12], $0x2780  }
0x14: {  	[sflag:s12] =	ssyncset.done @!p0 $0x0  }
0x15: {  	[sflag:s12] =	ssyncadd.s32 @!p0 $0xFFFFD880  }
0x16: {  	[tilespmem:s3], [sflag:$0x2] =	stream.linear.gather [hbm4b:s4+s3], $0x3E80, $0x38;
	[tilespmem:$0x9178] =	vst v63  }
0x17: {  	_ =	swait.ge [sflag:s8], $0x3E80  }
0x18: {  	[sflag:s8] =	ssyncset.done $0x0  }
0x19: {  	s21 =	simm.s32 $0x4000;
	[sflag:s8] =	ssyncadd.s32 $0xFFFFC180  }
0x1a: {  	[tilespmem:s21], [sflag:$0x2] =	stream.linear.gather [hbm4b:s5+s3], $0x2710, $0x38;
	[tilespmem:$0x9178] =	vst v63  }
0x1b: {  	_ =	swait.ge [sflag:s8], $0x2710  }
0x1c: {  	[sflag:s8] =	ssyncset.done $0x0  }
0x1d: {  	[sflag:s8] =	ssyncadd.s32 $0xFFFFD8F0  }
0x1e: {  	s22 =	simm.s32 $0x0;
	[bflag:$0x0] =	sbarrier.arrive $0xFFFF  }
0x1f: {  	[spmem:s2] =	stream.indirect.scatter.add.f32 [tilespmem:s21], [sflag:$0x1], $0x1, s22, s9, $0xb8;
	[tilespmem:$0x9178] =	vst v63  }
0x20: {  	s23 =	simm.s32 $0x4050;
	s24 =	simm.s32 $0x80  }
0x21: {  	[spmem:s2] =	stream.indirect.scatter.add.f32 [tilespmem:s23], [sflag:$0x1], $0x1, s24, s9, $0xb8;
	[tilespmem:$0x9178] =	vst v63  }
0x22: {  	s25 =	simm.s32 $0x40A0;
	s26 =	simm.s32 $0x100  }
0x23: {  	[spmem:s2] =	stream.indirect.scatter.add.f32 [tilespmem:s25], [sflag:$0x1], $0x1, s26, s9, $0xb8;
	[tilespmem:$0x9178] =	vst v63  }
0x24: {  	s28 =	simm.s32 $0x40F0;
	s29 =	simm.s32 $0x180  }
0x25: {  	[spmem:s2] =	stream.indirect.scatter.add.f32 [tilespmem:s28], [sflag:$0x1], $0x1, s29, s9, $0xb8;
	[tilespmem:$0x9178] =	vst v63  }
0x26: {  	s30 =	simm.s32 $0x4140;
	s31 =	simm.s32 $0x200  }
0x27: {  	[spmem:s2] =	stream.indirect.scatter.add.f32 [tilespmem:s30], [sflag:$0x1], $0x1, s31, s9, $0xb8;
	[tilespmem:$0x9178] =	vst v63  }
0x28: {  	_ =	swait.ge [sflag:s10], $0x50  }
0x29: {  	[sflag:s10] =	ssyncset.done $0x0  }
0x2a: {  	[sflag:s10] =	ssyncadd.s32 $0xFFFFFFB0  }
0x2b: {  	_ =	swait.ge [sflag:s10], $0x50  }
0x2c: {  	[sflag:s10] =	ssyncset.done $0x0  }
0x2d: {  	[sflag:s10] =	ssyncadd.s32 $0xFFFFFFB0  }
0x2e: {  	_ =	swait.ge [sflag:s10], $0x50  }
0x2f: {  	[sflag:s10] =	ssyncset.done $0x0  }
0x30: {  	[sflag:s10] =	ssyncadd.s32 $0xFFFFFFB0  }
0x31: {  	_ =	swait.ge [sflag:s10], $0x50  }
0x32: {  	[sflag:s10] =	ssyncset.done $0x0  }
0x33: {  	[sflag:s10] =	ssyncadd.s32 $0xFFFFFFB0  }
0x34: {  	s14 =	simm.s32 $0x1400;
	_ =	swait.ge [sflag:s10], $0x50  }
0x35: {  	s13 =	simm.s32 $0xA00;
	s12 =	simm.s32 $0x4190;
	[sflag:s10] =	ssyncset.done $0x0  }
.LBB2_2:
0x36: {  	s15 =	sshra.s32 s13, $0x2  }
0x37: {  	[sflag:s10] =	ssyncadd.s32 $0xFFFFFFB0;
	s13 =	smov.u32 s14;
	s16 =	sadd.s32 $0xA00, s14  }
0x38: {  	[spmem:s2] =	stream.indirect.scatter.add.f32 [tilespmem:s12], [sflag:$0x1], $0x1, s15, s9, $0xb8;
	[tilespmem:$0x9178] =	vst v63  }
0x39: {  	p1 =	sne.s32 s14, $0xF000;
	s14 =	sadd.s32 $0x50, s12;
	s17 =	sadd.s32 $0x80, s15  }
0x3a: {  	[spmem:s2] =	stream.indirect.scatter.add.f32 [tilespmem:s14], [sflag:$0x1], $0x1, s17, s9, $0xb8;
	[tilespmem:$0x9178] =	vst v63  }
0x3b: {  	s14 =	sadd.s32 $0xA0, s12;
	s17 =	sadd.s32 $0x100, s15  }
0x3c: {  	[spmem:s2] =	stream.indirect.scatter.add.f32 [tilespmem:s14], [sflag:$0x1], $0x1, s17, s9, $0xb8;
	[tilespmem:$0x9178] =	vst v63  }
0x3d: {  	s14 =	sadd.s32 $0xF0, s12;
	s17 =	sadd.s32 $0x180, s15  }
0x3e: {  	[spmem:s2] =	stream.indirect.scatter.add.f32 [tilespmem:s14], [sflag:$0x1], $0x1, s17, s9, $0xb8;
	[tilespmem:$0x9178] =	vst v63  }
0x3f: {  	s15 =	sadd.s32 $0x200, s15;
	s14 =	sadd.s32 $0x140, s12  }
0x40: {  	[spmem:s2] =	stream.indirect.scatter.add.f32 [tilespmem:s14], [sflag:$0x1], $0x1, s15, s9, $0xb8;
	[tilespmem:$0x9178] =	vst v63  }
0x41: {  	_ =	swait.ge [sflag:s10], $0x50  }
0x42: {  	[sflag:s10] =	ssyncset.done $0x0  }
0x43: {  	[sflag:s10] =	ssyncadd.s32 $0xFFFFFFB0  }
0x44: {  	_ =	swait.ge [sflag:s10], $0x50  }
0x45: {  	[sflag:s10] =	ssyncset.done $0x0  }
0x46: {  	[sflag:s10] =	ssyncadd.s32 $0xFFFFFFB0  }
0x47: {  	_ =	swait.ge [sflag:s10], $0x50  }
0x48: {  	[sflag:s10] =	ssyncset.done $0x0  }
0x49: {  	[sflag:s10] =	ssyncadd.s32 $0xFFFFFFB0  }
.Ltmp0:
0x4a: {  	_ =	swait.ge [sflag:s10], $0x50;
	(pc) =	sbr.rel @p1 .LBB2_2-.Ltmp0, $4  }
0x4b: {  	[sflag:s10] =	ssyncset.done $0x0  }
0x4c: {  	[sflag:s10] =	ssyncadd.s32 $0xFFFFFFB0  }
0x4d: {  	_ =	swait.ge [sflag:s10], $0x50  }
0x4e: {  	s12 =	sadd.s32 $0x190, s12;
	s14 =	smov.u32 s16;
	[sflag:s10] =	ssyncset.done $0x0  }
0x4f: {  	s13 =	sshra.s32 s13, $0x2;
	[sflag:s10] =	ssyncadd.s32 $0xFFFFFFB0  }
0x50: {  	[spmem:s2] =	stream.indirect.scatter.add.f32 [tilespmem:s12], [sflag:$0x1], $0x1, s13, s9, $0xb8;
	[tilespmem:$0x9178] =	vst v63  }
0x51: {  	s14 =	sadd.s32 $0x50, s12;
	s15 =	sadd.s32 $0x80, s13  }
0x52: {  	[spmem:s2] =	stream.indirect.scatter.add.f32 [tilespmem:s14], [sflag:$0x1], $0x1, s15, s9, $0xb8;
	[tilespmem:$0x9178] =	vst v63  }
0x53: {  	s26 =	sadd.s32 $0xA0, s12;
	s28 =	sadd.s32 $0x100, s13  }
0x54: {  	[spmem:s2] =	stream.indirect.scatter.add.f32 [tilespmem:s26], [sflag:$0x1], $0x1, s28, s9, $0xb8;
	[tilespmem:$0x9178] =	vst v63  }
0x55: {  	s29 =	sadd.s32 $0xF0, s12;
	s30 =	sadd.s32 $0x180, s13  }
0x56: {  	[spmem:s2] =	stream.indirect.scatter.add.f32 [tilespmem:s29], [sflag:$0x1], $0x1, s30, s9, $0xb8;
	[tilespmem:$0x9178] =	vst v63  }
0x57: {  	s31 =	sadd.s32 $0x140, s12;
	s13 =	sadd.s32 $0x200, s13  }
0x58: {  	[spmem:s2] =	stream.indirect.scatter.add.f32 [tilespmem:s31], [sflag:$0x1], $0x1, s13, s9, $0xb8;
	[tilespmem:$0x9178] =	vst v63  }
0x59: {  	_ =	swait.ge [sflag:s10], $0x50  }
0x5a: {  	[sflag:s10] =	ssyncset.done $0x0  }
0x5b: {  	[sflag:s10] =	ssyncadd.s32 $0xFFFFFFB0  }
0x5c: {  	_ =	swait.ge [sflag:s10], $0x50  }
0x5d: {  	[sflag:s10] =	ssyncset.done $0x0  }
0x5e: {  	[sflag:s10] =	ssyncadd.s32 $0xFFFFFFB0  }
0x5f: {  	_ =	swait.ge [sflag:s10], $0x50  }
0x60: {  	[sflag:s10] =	ssyncset.done $0x0  }
0x61: {  	[sflag:s10] =	ssyncadd.s32 $0xFFFFFFB0  }
0x62: {  	_ =	swait.ge [sflag:s10], $0x50  }
0x63: {  	[sflag:s10] =	ssyncset.done $0x0  }
0x64: {  	[sflag:s10] =	ssyncadd.s32 $0xFFFFFFB0  }
0x65: {  	_ =	swait.ge [sflag:s10], $0x50  }
0x66: {  	[sflag:s10] =	ssyncset.done $0x0  }
0x67: {  	[sflag:s10] =	ssyncadd.s32 $0xFFFFFFB0  }
0x68: {  	s12 =	simm.s32 @!p0 $0x6780;
	s13 =	simm.s32 @!p0 $0x2;
	[bflag:$0x0] =	sbarrier.arrive $0xFFFF  }
0x69: {  	[tilespmem:s12], [sflag:$0x2] =	stream.linear.gather @!p0 [spmem:s2], $0x2780, $0x38;
	[tilespmem:$0x9178] =	vst v63  }
0x6a: {  	s11 =	sadd.s32 $0x1, s11;
	_ =	swait.ge @!p0 [sflag:s13], $0x2780  }
0x6b: {  	p1 =	sne.s32 s11, s7;
	[sflag:s13] =	ssyncset.done @!p0 $0x0  }
.Ltmp1:
0x6c: {  	s14 =	simm.s32 @!p0 $0x0;
	[sflag:s13] =	ssyncadd.s32 @!p0 $0xFFFFD880;
	(pc) =	sbr.rel @p1 .LBB2_1-.Ltmp1, $4  }
0x6d: {  	[hbm4b:s6+s14] =	stream.linear.scatter @!p0 [tilespmem:s12], [sflag:$0x2], $0x2710, $0x38;
	[tilespmem:$0x9178] =	vst v63  }
0x6e: {  	_ =	swait.ge @!p0 [sflag:s13], $0x2710  }
0x6f: {  	[sflag:s13] =	ssyncset.done @!p0 $0x0  }
0x70: {  	[sflag:s13] =	ssyncadd.s32 @!p0 $0xFFFFD8F0  }
0x71: {  	_ =	sfence.sel $0x180000  }
0x72: {  	[bflag:$0x0] =	sbarrier.arrive $0xFFFF  }
0x73: {  	_ =	strace $0x90000047  }
0x74: {  	s0 =	sadd.s32 @!p0 $0x100000, s1;
	[bflag:$0x2] =	sbarrier.arrive $0xFFFF  }
0x75: {  	[sflag:s0] =	ssyncadd.tile.s32 @!p0 $0x1;
	_ =	shalt  }
.Lfunc_end2:
_tile_overlayer_lowered:
.L_overlay_start_2:
0x76: {  	(tag) =	ssettag $0x2  }
0x77: {  	s0 =	rddreg [dreg:$0x0];
	s2 =	stileid.u32  }
0x78: {  	s1 =	rddreg [dreg:$0x1];
	p0 =	sne.s32 s2, $0x0  }
0x79: {  	s3 =	rddreg [dreg:$0x2];
	[bflag:$0x3] =	sbarrier.arrive $0xFFFF;
	s2 =	simm.s32 @!p0 $0x1C02  }
0x7a: {  	[timem:s3], [sflag:s2] =	dma.local @!p0 [hbm:s0], s1  }
0x7b: {  	s0 =	simm.s32 @!p0 $0x2  }
0x7c: {  	_ =	swait.ge @!p0 [sflag:s0], s1  }
0x7d: {  	s1 =	ssub.s32 @!p0 $0x0, s1;
	[sflag:s0] =	ssyncset.done @!p0 $0x0  }
0x7e: {  	[sflag:s0] =	ssyncadd.s32 @!p0 s1  }
0x7f: {  	[bflag:$0x3] =	sbarrier.arrive $0xFFFF  }
0x80: {  	_ =	shalt  }

// kernel: kernel.15.cloned.1.call-start
scs
__scs_entry_jumppad:
0x0: {  	(pc) =	sbr.rel $0x88, $3  }
0x1: {  	(tag) =	ssettag $0x0;
	lr =	simm.s32 $0x1  }
0x2: {  	[smem:$0x3F98] =	sst lr;
	_ =	strace $0xD0000000  }
0x3: {  	_ = 	snop  }
0x4: {  	_ = 	snop  }
0x5: {  	_ = 	snop  }
0x6: {  	_ = 	snop  }
0x7: {  	_ = 	snop  }
__scs_overlays_trampoline_lowered:
0x8: {  	[smem:$0x3FA7] =	sst s0  }
0x9: {  	[smem:$0x3FA8] =	sst s1  }
0xa: {  	[smem:$0x3FA9] =	sst s2  }
0xb: {  	[smem:$0x3FAA] =	sst s3  }
0xc: {  	[smem:$0x3FAB] =	sst s4  }
0xd: {  	[smem:$0x3FAC] =	sst s5  }
0xe: {  	[smem:$0x3FAD] =	sst s6  }
0xf: {  	[smem:$0x3FAE] =	sst s7  }
0x10: {  	[smem:$0x3FAF] =	sst s8  }
0x11: {  	[smem:$0x3FB0] =	sst s9;
	s0 =	simm.s32 @!p0 $0x0  }
0x12: {  	s1 =	sld [smem:$0x3F96];
	s0 =	simm.s32 @p0 $0x1  }
0x13: {  	[smem:$0x3FB1] =	sst s0;
	s0 =	simm.s32 @!p1 $0x0  }
0x14: {  	s2 =	sld [smem:$0x3F95];
	s0 =	simm.s32 @p1 $0x1  }
0x15: {  	[smem:$0x3FB2] =	sst s0;
	s0 =	simm.s32 @!p2 $0x0  }
0x16: {  	s3 =	sld [smem:$0x3FDB];
	s0 =	simm.s32 @p2 $0x1  }
0x17: {  	s4 =	simm.s32 $0x1BF5;
	[smem:$0x3FB4] =	sst s0  }
0x18: {  	s0 =	sld [smem:$0x3F97];
	_ =	swait.ge [sflag:s4], $0x0  }
0x19: {  	s7 =	sld [smem:$0x3F98]  }
0x1a: {  	s8 =	sadd.s32 $0xFFFFE003, lr  }
0x1b: {  	s9 =	sadd.s32 $0xFFFFFEF7, lr;
	s5 =	simm.s32 $0xFFFFFFFF;
	p2 =	slt.u32 s8, $0xFFFFF086  }
0x1c: {  	p1 =	slt.u32 s9, $0xF7A;
	s5 =	simm.s32 @!p2 $0x0  }
0x1d: {  	s5 =	simm.s32 @p1 $0x1;
	p0 =	seq.s32 s7, s2  }
0x1e: {  	s7 =	smul.u32 @!p0 $0xF7A, s2;
	p2 =	seq.s32 @!p0 s5, $0x0  }
0x1f: {  	s9 =	smul.u32 $0xF7A, s1;
	s8 =	simm.s32 @!p0 $0x1BF5;
	p2 =	por !p2, p0  }
0x20: {  	[sflag:s8] =	ssyncset.s32 @!p0 $0xFFFFF086;
	s6 =	sadd.s32 @!p0 s3, s7;
	s7 =	simm.s32 @!p0 $0x108  }
0x21: {  	s3 =	sadd.s32 s3, s9;
	s6 =	sadd.s32 @!p0 $0x88, s6;
	s7 =	simm.s32 @p2 $0x1082  }
0x22: {  	[simem:s7], [sflag:s8] =	dma.local @!p0 [hbm:s6], $0xF7A  }
0x23: {  	s9 =	sor.u32 $0xD0000000, s2;
	s6 =	simm.s32 $0x108;
	_ =	swait.ge @!p0 [sflag:s8], $0x0  }
0x24: {  	s3 =	sadd.s32 $0x88, s3;
	s6 =	simm.s32 @!p1 $0x1082;
	[sflag:s4] =	ssyncset.s32 $0xFFFFF086  }
0x25: {  	[simem:s6], [sflag:s4] =	dma.local [hbm:s3], $0xF7A  }
0x26: {  	[smem:$0x3F98] =	sst s1;
	(tag) =	ssettag s2;
	_ =	strace s9  }
0x27: {  	s1 =	sld [smem:$0x3FA8]  }
0x28: {  	s2 =	sld [smem:$0x3FA9]  }
0x29: {  	s4 =	sld [smem:$0x3FAB]  }
0x2a: {  	p0 =	seq.s32 s5, $0x0;
	s5 =	sld [smem:$0x3FAC]  }
0x2b: {  	s6 =	sld [smem:$0x3FAD]  }
0x2c: {  	s7 =	sld [smem:$0x3FAE]  }
0x2d: {  	s3 =	simm.s32 $0x108;
	s8 =	sld [smem:$0x3FAF]  }
0x2e: {  	s3 =	simm.s32 @!p0 $0x1082;
	s9 =	sld [smem:$0x3FB0]  }
0x2f: {  	lr =	sadd.s32 s0, s3;
	s0 =	sld [smem:$0x3FA7]  }
0x30: {  	s3 =	sld [smem:$0x3FAA]  }
0x31: {  	[smem:$0x3FB3] =	sst s10  }
0x32: {  	s10 =	sld [smem:$0x3FB1];
	_ =	sdelay $0x3  }
0x33: {  	p0 =	seq.s32 s10, $0x1;
	s10 =	sld [smem:$0x3FB3];
	_ =	sdelay $0x3  }
0x34: {  	[smem:$0x3FB3] =	sst s10  }
0x35: {  	s10 =	sld [smem:$0x3FB2];
	_ =	sdelay $0x3  }
0x36: {  	p1 =	seq.s32 s10, $0x1;
	s10 =	sld [smem:$0x3FB3];
	_ =	sdelay $0x3  }
0x37: {  	[smem:$0x3FB3] =	sst s10  }
0x38: {  	s10 =	sld [smem:$0x3FB4]  }
0x39: {  	_ = 	snop;
	(pc) =	sbr.ind lr, $3  }
0x3a: {  	_ = 	snop  }
0x3b: {  	_ = 	snop  }
0x3c: {  	p2 =	seq.s32 s10, $0x1;
	s10 =	sld [smem:$0x3FB3]  }
0x3d: {  	_ =	shalt  }
0x3e: {  	_ =	shalt  }
0x3f: {  	_ =	shalt  }
0x40: {  	_ =	shalt  }
0x41: {  	_ =	shalt  }
0x42: {  	_ =	shalt  }
0x43: {  	_ =	shalt  }
0x44: {  	_ =	shalt  }
0x45: {  	_ =	shalt  }
0x46: {  	_ =	shalt  }
0x47: {  	_ =	shalt  }
0x48: {  	_ =	shalt  }
0x49: {  	_ =	shalt  }
0x4a: {  	_ =	shalt  }
0x4b: {  	_ =	shalt  }
0x4c: {  	_ =	shalt  }
0x4d: {  	_ =	shalt  }
0x4e: {  	_ =	shalt  }
0x4f: {  	_ =	shalt  }
0x50: {  	_ =	shalt  }
0x51: {  	_ =	shalt  }
0x52: {  	_ =	shalt  }
0x53: {  	_ =	shalt  }
0x54: {  	_ =	shalt  }
0x55: {  	_ =	shalt  }
0x56: {  	_ =	shalt  }
0x57: {  	_ =	shalt  }
0x58: {  	_ =	shalt  }
0x59: {  	_ =	shalt  }
0x5a: {  	_ =	shalt  }
0x5b: {  	_ =	shalt  }
0x5c: {  	_ =	shalt  }
0x5d: {  	_ =	shalt  }
0x5e: {  	_ =	shalt  }
0x5f: {  	_ =	shalt  }
0x60: {  	_ =	shalt  }
0x61: {  	_ =	shalt  }
0x62: {  	_ =	shalt  }
0x63: {  	_ =	shalt  }
0x64: {  	_ =	shalt  }
0x65: {  	_ =	shalt  }
0x66: {  	_ =	shalt  }
0x67: {  	_ =	shalt  }
0x68: {  	_ =	shalt  }
0x69: {  	_ =	shalt  }
0x6a: {  	_ =	shalt  }
0x6b: {  	_ =	shalt  }
0x6c: {  	_ =	shalt  }
0x6d: {  	_ =	shalt  }
0x6e: {  	_ =	shalt  }
0x6f: {  	_ =	shalt  }
0x70: {  	_ =	shalt  }
0x71: {  	_ =	shalt  }
0x72: {  	_ =	shalt  }
0x73: {  	_ =	shalt  }
0x74: {  	_ =	shalt  }
0x75: {  	_ =	shalt  }
0x76: {  	_ =	shalt  }
0x77: {  	_ =	shalt  }
0x78: {  	_ =	shalt  }
0x79: {  	_ =	shalt  }
0x7a: {  	_ =	shalt  }
0x7b: {  	_ =	shalt  }
0x7c: {  	_ =	shalt  }
0x7d: {  	_ =	shalt  }
0x7e: {  	_ =	shalt  }
0x7f: {  	_ =	shalt  }
0x80: {  	_ =	shalt  }
0x81: {  	_ =	shalt  }
0x82: {  	_ =	shalt  }
0x83: {  	_ =	shalt  }
0x84: {  	_ =	shalt  }
0x85: {  	_ =	shalt  }
0x86: {  	_ =	shalt  }
0x87: {  	_ =	shalt  }
.Lfunc_end0:
.L_simem_size_0:
called_computation.1_lowered:
.L_overlay_start_0:
0x88: {  	s2 =	sld [smem:$0x3FD9]  }
0x89: {  	s3 =	sld [smem:$0x3FFE];
	_ =	sdelay $0x1  }
0x8a: {  	s1 =	srdreg.scid  }
0x8b: {  	s0 =	sand.u32 $0x1, s1  }
0x8c: {  	s16 =	sshll.u32 s0, $0xA;
	s2 =	sadd.s32 s3, s2  }
0x8d: {  	s2 =	sadd.s32 s2, s16  }
0x8e: {  	[smem:$0x3FBF] =	sst s2  }
0x8f: {  	_ = 	snop  }
0x90: {  	(tm) =	ssettm $0x1  }
0x91: {  	s17 =	sld [smem:$0x3FFB];
	_ =	sdelay $0x3  }
0x92: {  	_ =	strace s17  }
0x93: {  	s2 =	sld [smem:$0x3FFC];
	_ =	sdelay $0x3  }
0x94: {  	_ =	strace s2  }
0x95: {  	s2 =	sld [smem:$0x3FFD];
	_ =	sdelay $0x3  }
0x96: {  	_ =	strace s2  }
0x97: {  	_ =	strace $0x8FFFFFFF  }
0x98: {  	s18 =	sld [smem:$0x3FDB];
	_ =	sdelay $0x1  }
0x99: {  	s19 =	simm.s32 $_scs_section_size  }
0x9a: {  	s4 =	simm.s32 $_size__tile_overlayer_lowered;
	s5 =	simm.s32 $_tile_overlayer_lowered  }
0x9b: {  	s22 =	simm.s32 $0x1BFF;
	s21 =	sshll.u32 s5, $0x1;
	s2 =	sadd.s32 s19, s18  }
0x9c: {  	s6 =	simm.s32 $0x0;
	s20 =	sshll.u32 s4, $0x1;
	s4 =	sadd.s32 s21, s2  }
0x9d: {  	[timem:s6], [sflag:s22] =	dma.local [hbm:s4], s20  }
0x9e: {  	_ =	swait.ge [sflag:s22], s20  }
0x9f: {  	s3 =	ssub.s32 $0x0, s20;
	[sflag:s22] =	ssyncset.done $0x0  }
0xa0: {  	[sflag:s22] =	ssyncadd.s32 s3;
	_ =	sdelay $0x1  }
0xa1: {  	s23 =	simm.s32 $0x1B8B  }
0xa2: {  	_ =	swait.ge [sflag:s23], $0x1  }
0xa3: {  	[sflag:s23] =	ssyncset.done $0x0  }
0xa4: {  	s25 =	simm.s32 $0x1B8E;
	s24 =	sld [smem:$0x3FFE];
	[sflag:s23] =	ssyncadd.s32 $0xFFFFFFFF  }
0xa5: {  	s26 =	simm.s32 $execute0_lowered;
	[smem:$0x3FD2] =	sst s25  }
0xa6: {  	s4 =	sshll.u32 s26, $0x1;
	_ =	strace $0x80000049;
	[dreg:$0x1] =	wrdreg $0xFFFFFFFF  }
0xa7: {  	s28 =	simm.s32 $_size_execute0_lowered;
	s2 =	sadd.s32 s2, s4;
	[dreg:$0x0] =	wrdreg $0x0  }
0xa8: {  	s4 =	sshll.u32 s28, $0x1;
	[dreg:$0x2] =	wrdreg s2  }
0xa9: {  	[dreg:$0x3] =	wrdreg s4  }
0xaa: {  	[dreg:$0x4] =	wrdreg $0xC0  }
0xab: {  	_ =	task [dreg:s6], $0x5FFFF  }
0xac: {  	[dreg:$0x1] =	wrdreg $0xFFFFFFFF  }
0xad: {  	[dreg:$0x0] =	wrdreg $0x60  }
0xae: {  	[dreg:$0x2] =	wrdreg s24  }
0xaf: {  	[dreg:$0x3] =	wrdreg $0x9  }
0xb0: {  	_ =	task.clear_ibuf [dreg:s6], $0x4FFFF;
	_ =	strace $0x90000049  }
0xb1: {  	s29 =	simm.s32 $0x9;
	_ =	strace $0x8000004B  }
0xb2: {  	_ =	swait.ge [sflag:s29], $0x1  }
0xb3: {  	[sflag:s29] =	ssyncadd.s32 $0xFFFFFFFF  }
0xb4: {  	_ =	strace $0x9000004B  }
0xb5: {  	_ =	sfence  }
0xb6: {  	s30 =	sld [smem:$0x0];
	_ =	sdelay $0x2  }
0xb7: {  	s31 =	sshll.u32 s1, $0xD;
	s1 =	sshrl.u32 s1, $0x2  }
0xb8: {  	s3 =	sand.u32 $0x4000, s31;
	s1 =	sadd.s32 s1, s30  }
0xb9: {  	s0 =	sor.u32 s3, s0;
	s1 =	sshll.u32 s1, $0x11  }
0xba: {  	s0 =	sor.u32 s1, s0  }
0xbb: {  	s0 =	sadd.s32 $0x8F2B, s0  }
0xbc: {  	[sflag:s0] =	ssyncadd.remote.s32 $0x1  }
0xbd: {  	_ =	sfence.sel $0xFFFF  }
0xbe: {  	[dreg:$0x0] =	wrdreg $0xFFFFFFFF;
	(pc) =	sbr.abs _section_cstart, $3  }
0xbf: {  	[dreg:$0x1] =	wrdreg $0xFFFFFFFF  }
0xc0: {  	_ =	task.clear_ibuf [dreg:s6], $0x2FFFF;
	_ =	strace $0x9FFFFFFF  }
0xc1: {  	(tm) =	ssettm $0x7FFFFFFF  }
tec
execute0_lowered:
.L_overlay_start_1:
0x0: {  	(tag) =	ssettag $0x1  }
0x1: {  	s1 =	srdreg.scid  }
0x2: {  	s0 =	stileid.u32;
	s4 =	rddreg [dreg:$0x0]  }
0x3: {  	s2 =	simm.s32 $0x0;
	s9 =	simm.s32 $0x1;
	s10 =	simm.s32 $0x2780  }
0x4: {  	s11 =	simm.s32 $0x4F00;
	s3 =	sand.u32 $0x1, s1;
	s5 =	sshll.u32 s0, $0x1  }
0x5: {  	s12 =	simm.s32 $0x7680;
	s13 =	simm.s32 $0x9E00;
	s5 =	sor.u32 s3, s5  }
0x6: {  	s1 =	rddreg [dreg:$0x1];
	s6 =	ssub.s32 $0x2, s3;
	s5 =	smul.u32 $0x4E2, s5  }
0x7: {  	s14 =	simm.s32 $0x0;
	[smem:$0x7FF] =	sst s2;
	s31 =	sshrl.u32 s6, $0x1  }
0x8: {  	_ =	strace $0x8000004A;
	s8 =	ssub.s32 s6, s31;
	s7 =	sadd.s32 s5, s4  }
0x9: {  	s3 =	sadd.s32 $0x2EE00, s4;
	s8 =	smax.u32 s8, $0x1;
	s4 =	sadd.s32 $0x1400, s7  }
0xa: {  	s5 =	sadd.s32 $0xB200, s7;
	s6 =	sadd.s32 $0x25000, s7;
	s7 =	sadd.s32 $0x2F400, s7  }
.LBB2_1:
0xb: {  	[tilespmem:s2], [sflag:$0x1] =	stream.linear.gather [hbm4b:s3+s2], $0x2780, $0x38;
	[tilespmem:$0xC580] =	vst v63  }
0xc: {  	_ =	swait.ge [sflag:s9], $0x2780  }
0xd: {  	[sflag:s9] =	ssyncset.done $0x0  }
0xe: {  	[sflag:s9] =	ssyncadd.s32 $0xFFFFD880  }
0xf: {  	[tilespmem:s10], [sflag:$0x1] =	stream.linear.gather [hbm4b:s4+s2], $0x2710, $0x38;
	[tilespmem:$0xC580] =	vst v63  }
0x10: {  	_ =	swait.ge [sflag:s9], $0x2710  }
0x11: {  	[sflag:s9] =	ssyncset.done $0x0  }
0x12: {  	[sflag:s9] =	ssyncadd.s32 $0xFFFFD8F0  }
0x13: {  	[tilespmem:s11], [sflag:$0x1] =	stream.linear.gather [hbm4b:s5+s2], $0x2710, $0x38;
	[tilespmem:$0xC580] =	vst v63  }
0x14: {  	_ =	swait.ge [sflag:s9], $0x2710  }
0x15: {  	[sflag:s9] =	ssyncset.done $0x0  }
0x16: {  	[sflag:s9] =	ssyncadd.s32 $0xFFFFD8F0  }
0x17: {  	[tilespmem:s12], [sflag:$0x1] =	stream.linear.gather [hbm4b:s6+s2], $0x2710, $0x38;
	[tilespmem:$0xC580] =	vst v63  }
0x18: {  	_ =	swait.ge [sflag:s9], $0x2710  }
0x19: {  	[sflag:s9] =	ssyncset.done $0x0  }
0x1a: {  	s16 =	simm.s32 $0x27A0;
	[sflag:s9] =	ssyncadd.s32 $0xFFFFD8F0  }
0x1b: {  	v0 =	vld [tilespmem:s16+$0x10]  }
0x1c: {  	s15 =	simm.s32 $0x4F20;
	v1 =	vld [tilespmem:s16+$0xFFFFFFF0]  }
0x1d: {  	v2 =	vld [tilespmem:s15+$0x10]  }
0x1e: {  	v3 =	vld [tilespmem:s16+$0x0]  }
0x1f: {  	v4 =	vld [tilespmem:s16+$0xFFFFFFE0]  }
0x20: {  	v5 =	vld [tilespmem:s15+$0xFFFFFFE0]  }
0x21: {  	v7 =	vld [tilespmem:s15+$0xFFFFFFF0]  }
0x22: {  	v8 =	vld [tilespmem:s15+$0x0];
	s16 =	simm.s32 $0x76A0  }
0x23: {  	v9 =	vld [tilespmem:s16+$0x10]  }
0x24: {  	v11 =	vld [tilespmem:s16+$0xFFFFFFE0]  }
0x25: {  	v6 =	vld.idx.msk [tilespmem:v0+s2+$0x0], $0xffff  }
0x26: {  	v2 =	vld.idx.msk [tilespmem:v2+s2+$0x0], $0xffff  }
0x27: {  	v0 =	vld.idx.msk [tilespmem:v1+s2+$0x0], $0xffff  }
0x28: {  	v10 =	vld.idx.msk [tilespmem:v4+s2+$0x0], $0xffff  }
0x29: {  	v1 =	vld.idx.msk [tilespmem:v3+s2+$0x0], $0xffff  }
0x2a: {  	v3 =	vmul.f32 v9, v6;
	v6 =	vld [tilespmem:s16+$0xFFFFFFF0]  }
0x2b: {  	v4 =	vld [tilespmem:s16+$0x0]  }
0x2c: {  	v9 =	vmul.f32 v3, v2;
	v2 =	vld.idx.msk [tilespmem:v5+s2+$0x0], $0xffff  }
0x2d: {  	s17 =	simm.s32 $0x9E20;
	v3 =	vld.idx.msk [tilespmem:v7+s2+$0x0], $0xffff  }
0x2e: {  	s18 =	simm.s32 $0x0;
	s19 =	simm.s32 $0x27E0;
	v7 =	vmul.f32 v11, v10;
	v5 =	vld.idx.msk [tilespmem:v8+s2+$0x0], $0xffff;
	[tilespmem:s17+$0x10] =	vst v9  }
.LBB2_2:
0x2f: {  	v8 =	vld [tilespmem:s19+$0x10];
	s18 =	sadd.s32 $0x4, s18;
	v0 =	vmul.f32 v6, v0  }
0x30: {  	s15 =	sadd.s32 $0x40, s15;
	v6 =	vld [tilespmem:s19+$0xFFFFFFF0];
	p0 =	slt.u32 s18, $0x26C;
	v1 =	vmul.f32 v4, v1  }
0x31: {  	v4 =	vld [tilespmem:s15+$0x10]  }
0x32: {  	v2 =	vmul.f32 v7, v2;
	v9 =	vld [tilespmem:s19+$0x0]  }
0x33: {  	v0 =	vmul.f32 v0, v3;
	v7 =	vld [tilespmem:s19+$0xFFFFFFE0]  }
0x34: {  	v1 =	vmul.f32 v1, v5;
	v3 =	vld [tilespmem:s15+$0xFFFFFFE0];
	[tilespmem:s17+$0xFFFFFFE0] =	vst v2  }
0x35: {  	v5 =	vld [tilespmem:s15+$0xFFFFFFF0];
	[tilespmem:s17+$0xFFFFFFF0] =	vst v0  }
0x36: {  	v10 =	vld [tilespmem:s15+$0x0];
	[tilespmem:s17+$0x0] =	vst v1  }
0x37: {  	s16 =	sadd.s32 $0x40, s16;
	v2 =	vld.idx.msk [tilespmem:v8+s2+$0x0], $0xffff  }
0x38: {  	v8 =	vld [tilespmem:s16+$0x10]  }
0x39: {  	v11 =	vld.idx.msk [tilespmem:v4+s2+$0x0], $0xffff  }
0x3a: {  	v0 =	vld.idx.msk [tilespmem:v6+s2+$0x0], $0xffff  }
0x3b: {  	v7 =	vld.idx.msk [tilespmem:v7+s2+$0x0], $0xffff  }
0x3c: {  	v1 =	vld.idx.msk [tilespmem:v9+s2+$0x0], $0xffff  }
0x3d: {  	v9 =	vld [tilespmem:s16+$0xFFFFFFE0];
	v2 =	vmul.f32 v8, v2  }
.Ltmp0:
0x3e: {  	v6 =	vld [tilespmem:s16+$0xFFFFFFF0];
	(pc) =	sbr.rel @p0 .LBB2_2-.Ltmp0, $4  }
0x3f: {  	v4 =	vld [tilespmem:s16+$0x0];
	v8 =	vmul.f32 v2, v11  }
0x40: {  	s17 =	sadd.s32 $0x40, s17;
	v2 =	vld.idx.msk [tilespmem:v3+s2+$0x0], $0xffff  }
0x41: {  	v3 =	vld.idx.msk [tilespmem:v5+s2+$0x0], $0xffff;
	[tilespmem:s17+$0x10] =	vst v8  }
0x42: {  	s19 =	sadd.s32 $0x40, s19;
	v7 =	vmul.f32 v9, v7;
	v5 =	vld.idx.msk [tilespmem:v10+s2+$0x0], $0xffff  }
0x43: {  	_ = 	snop  }
0x44: {  	v0 =	vmul.f32 v6, v0  }
0x45: {  	v1 =	vmul.f32 v4, v1;
	v2 =	vmul.f32 v7, v2  }
0x46: {  	v0 =	vmul.f32 v0, v3  }
0x47: {  	[tilespmem:s17+$0xFFFFFFE0] =	vst v2;
	v1 =	vmul.f32 v1, v5  }
0x48: {  	[tilespmem:s17+$0xFFFFFFF0] =	vst v0  }
0x49: {  	[tilespmem:s17+$0x0] =	vst v1  }
0x4a: {  	v0 =	vld [tilespmem:$0x4E80];
	_ =	sdelay $0x1  }
0x4b: {  	v1 =	vld [tilespmem:$0x7600];
	_ =	sdelay $0x4  }
0x4c: {  	v2 =	vld [tilespmem:$0x9D80]  }
0x4d: {  	v0 =	vld.idx.msk [tilespmem:v0+s2+$0x0], $0xffff;
	_ =	sdelay $0x1  }
0x4e: {  	v1 =	vld.idx.msk [tilespmem:v1+s2+$0x0], $0xffff;
	_ =	sdelay $0x2  }
0x4f: {  	v0 =	vmul.f32 v2, v0;
	_ =	sdelay $0x1  }
0x50: {  	s14 =	sadd.s32 $0x1, s14;
	v0 =	vmul.f32 v0, v1  }
0x51: {  	p0 =	sne.s32 s14, s8  }
.Ltmp1:
0x52: {  	[tilespmem:$0xC500] =	vst v0;
	(pc) =	sbr.rel @p0 .LBB2_1-.Ltmp1, $4  }
0x53: {  	[hbm4b:s7+s2] =	stream.linear.scatter [tilespmem:s13], [sflag:$0x1], $0x2710, $0x38;
	[tilespmem:$0xC580] =	vst v63  }
0x54: {  	_ =	swait.ge [sflag:s9], $0x2710  }
0x55: {  	[sflag:s9] =	ssyncset.done $0x0  }
0x56: {  	[sflag:s9] =	ssyncadd.s32 $0xFFFFD8F0  }
0x57: {  	_ =	sfence.sel $0x180000  }
0x58: {  	[bflag:$0x0] =	sbarrier.arrive $0xFFFF  }
0x59: {  	p0 =	sne.s32 s0, $0x0;
	_ =	strace $0x9000004A  }
0x5a: {  	s0 =	sadd.s32 @!p0 $0x100000, s1;
	[bflag:$0x2] =	sbarrier.arrive $0xFFFF  }
0x5b: {  	[sflag:s0] =	ssyncadd.tile.s32 @!p0 $0x1;
	_ =	shalt  }
.Lfunc_end2:
_tile_overlayer_lowered:
.L_overlay_start_2:
0x5c: {  	(tag) =	ssettag $0x2  }
0x5d: {  	s0 =	rddreg [dreg:$0x0];
	s2 =	stileid.u32  }
0x5e: {  	s1 =	rddreg [dreg:$0x1];
	p0 =	sne.s32 s2, $0x0  }
0x5f: {  	s3 =	rddreg [dreg:$0x2];
	[bflag:$0x3] =	sbarrier.arrive $0xFFFF;
	s2 =	simm.s32 @!p0 $0x1C01  }
0x60: {  	[timem:s3], [sflag:s2] =	dma.local @!p0 [hbm:s0], s1  }
0x61: {  	s0 =	simm.s32 @!p0 $0x1  }
0x62: {  	_ =	swait.ge @!p0 [sflag:s0], s1  }
0x63: {  	s1 =	ssub.s32 @!p0 $0x0, s1;
	[sflag:s0] =	ssyncset.done @!p0 $0x0  }
0x64: {  	[sflag:s0] =	ssyncadd.s32 @!p0 s1  }
0x65: {  	[bflag:$0x3] =	sbarrier.arrive $0xFFFF  }
0x66: {  	_ =	shalt  }

// kernel: kernel.18.cloned.1.call-start
scs
__scs_entry_jumppad:
0x0: {  	(pc) =	sbr.rel $0x88, $3  }
0x1: {  	(tag) =	ssettag $0x0;
	lr =	simm.s32 $0x1  }
0x2: {  	[smem:$0x3F98] =	sst lr;
	_ =	strace $0xD0000000  }
0x3: {  	_ = 	snop  }
0x4: {  	_ = 	snop  }
0x5: {  	_ = 	snop  }
0x6: {  	_ = 	snop  }
0x7: {  	_ = 	snop  }
__scs_overlays_trampoline_lowered:
0x8: {  	[smem:$0x3FA7] =	sst s0  }
0x9: {  	[smem:$0x3FA8] =	sst s1  }
0xa: {  	[smem:$0x3FA9] =	sst s2  }
0xb: {  	[smem:$0x3FAA] =	sst s3  }
0xc: {  	[smem:$0x3FAB] =	sst s4  }
0xd: {  	[smem:$0x3FAC] =	sst s5  }
0xe: {  	[smem:$0x3FAD] =	sst s6  }
0xf: {  	[smem:$0x3FAE] =	sst s7  }
0x10: {  	[smem:$0x3FAF] =	sst s8  }
0x11: {  	[smem:$0x3FB0] =	sst s9;
	s0 =	simm.s32 @!p0 $0x0  }
0x12: {  	s1 =	sld [smem:$0x3F96];
	s0 =	simm.s32 @p0 $0x1  }
0x13: {  	[smem:$0x3FB1] =	sst s0;
	s0 =	simm.s32 @!p1 $0x0  }
0x14: {  	s2 =	sld [smem:$0x3F95];
	s0 =	simm.s32 @p1 $0x1  }
0x15: {  	[smem:$0x3FB2] =	sst s0;
	s0 =	simm.s32 @!p2 $0x0  }
0x16: {  	s3 =	sld [smem:$0x3FDB];
	s0 =	simm.s32 @p2 $0x1  }
0x17: {  	s4 =	simm.s32 $0x1BF5;
	[smem:$0x3FB4] =	sst s0  }
0x18: {  	s0 =	sld [smem:$0x3F97];
	_ =	swait.ge [sflag:s4], $0x0  }
0x19: {  	s7 =	sld [smem:$0x3F98]  }
0x1a: {  	s8 =	sadd.s32 $0xFFFFE003, lr  }
0x1b: {  	s9 =	sadd.s32 $0xFFFFFEF7, lr;
	s5 =	simm.s32 $0xFFFFFFFF;
	p2 =	slt.u32 s8, $0xFFFFF086  }
0x1c: {  	p1 =	slt.u32 s9, $0xF7A;
	s5 =	simm.s32 @!p2 $0x0  }
0x1d: {  	s5 =	simm.s32 @p1 $0x1;
	p0 =	seq.s32 s7, s2  }
0x1e: {  	s7 =	smul.u32 @!p0 $0xF7A, s2;
	p2 =	seq.s32 @!p0 s5, $0x0  }
0x1f: {  	s9 =	smul.u32 $0xF7A, s1;
	s8 =	simm.s32 @!p0 $0x1BF5;
	p2 =	por !p2, p0  }
0x20: {  	[sflag:s8] =	ssyncset.s32 @!p0 $0xFFFFF086;
	s6 =	sadd.s32 @!p0 s3, s7;
	s7 =	simm.s32 @!p0 $0x108  }
0x21: {  	s3 =	sadd.s32 s3, s9;
	s6 =	sadd.s32 @!p0 $0x88, s6;
	s7 =	simm.s32 @p2 $0x1082  }
0x22: {  	[simem:s7], [sflag:s8] =	dma.local @!p0 [hbm:s6], $0xF7A  }
0x23: {  	s9 =	sor.u32 $0xD0000000, s2;
	s6 =	simm.s32 $0x108;
	_ =	swait.ge @!p0 [sflag:s8], $0x0  }
0x24: {  	s3 =	sadd.s32 $0x88, s3;
	s6 =	simm.s32 @!p1 $0x1082;
	[sflag:s4] =	ssyncset.s32 $0xFFFFF086  }
0x25: {  	[simem:s6], [sflag:s4] =	dma.local [hbm:s3], $0xF7A  }
0x26: {  	[smem:$0x3F98] =	sst s1;
	(tag) =	ssettag s2;
	_ =	strace s9  }
0x27: {  	s1 =	sld [smem:$0x3FA8]  }
0x28: {  	s2 =	sld [smem:$0x3FA9]  }
0x29: {  	s4 =	sld [smem:$0x3FAB]  }
0x2a: {  	p0 =	seq.s32 s5, $0x0;
	s5 =	sld [smem:$0x3FAC]  }
0x2b: {  	s6 =	sld [smem:$0x3FAD]  }
0x2c: {  	s7 =	sld [smem:$0x3FAE]  }
0x2d: {  	s3 =	simm.s32 $0x108;
	s8 =	sld [smem:$0x3FAF]  }
0x2e: {  	s3 =	simm.s32 @!p0 $0x1082;
	s9 =	sld [smem:$0x3FB0]  }
0x2f: {  	lr =	sadd.s32 s0, s3;
	s0 =	sld [smem:$0x3FA7]  }
0x30: {  	s3 =	sld [smem:$0x3FAA]  }
0x31: {  	[smem:$0x3FB3] =	sst s10  }
0x32: {  	s10 =	sld [smem:$0x3FB1];
	_ =	sdelay $0x3  }
0x33: {  	p0 =	seq.s32 s10, $0x1;
	s10 =	sld [smem:$0x3FB3];
	_ =	sdelay $0x3  }
0x34: {  	[smem:$0x3FB3] =	sst s10  }
0x35: {  	s10 =	sld [smem:$0x3FB2];
	_ =	sdelay $0x3  }
0x36: {  	p1 =	seq.s32 s10, $0x1;
	s10 =	sld [smem:$0x3FB3];
	_ =	sdelay $0x3  }
0x37: {  	[smem:$0x3FB3] =	sst s10  }
0x38: {  	s10 =	sld [smem:$0x3FB4]  }
0x39: {  	_ = 	snop;
	(pc) =	sbr.ind lr, $3  }
0x3a: {  	_ = 	snop  }
0x3b: {  	_ = 	snop  }
0x3c: {  	p2 =	seq.s32 s10, $0x1;
	s10 =	sld [smem:$0x3FB3]  }
0x3d: {  	_ =	shalt  }
0x3e: {  	_ =	shalt  }
0x3f: {  	_ =	shalt  }
0x40: {  	_ =	shalt  }
0x41: {  	_ =	shalt  }
0x42: {  	_ =	shalt  }
0x43: {  	_ =	shalt  }
0x44: {  	_ =	shalt  }
0x45: {  	_ =	shalt  }
0x46: {  	_ =	shalt  }
0x47: {  	_ =	shalt  }
0x48: {  	_ =	shalt  }
0x49: {  	_ =	shalt  }
0x4a: {  	_ =	shalt  }
0x4b: {  	_ =	shalt  }
0x4c: {  	_ =	shalt  }
0x4d: {  	_ =	shalt  }
0x4e: {  	_ =	shalt  }
0x4f: {  	_ =	shalt  }
0x50: {  	_ =	shalt  }
0x51: {  	_ =	shalt  }
0x52: {  	_ =	shalt  }
0x53: {  	_ =	shalt  }
0x54: {  	_ =	shalt  }
0x55: {  	_ =	shalt  }
0x56: {  	_ =	shalt  }
0x57: {  	_ =	shalt  }
0x58: {  	_ =	shalt  }
0x59: {  	_ =	shalt  }
0x5a: {  	_ =	shalt  }
0x5b: {  	_ =	shalt  }
0x5c: {  	_ =	shalt  }
0x5d: {  	_ =	shalt  }
0x5e: {  	_ =	shalt  }
0x5f: {  	_ =	shalt  }
0x60: {  	_ =	shalt  }
0x61: {  	_ =	shalt  }
0x62: {  	_ =	shalt  }
0x63: {  	_ =	shalt  }
0x64: {  	_ =	shalt  }
0x65: {  	_ =	shalt  }
0x66: {  	_ =	shalt  }
0x67: {  	_ =	shalt  }
0x68: {  	_ =	shalt  }
0x69: {  	_ =	shalt  }
0x6a: {  	_ =	shalt  }
0x6b: {  	_ =	shalt  }
0x6c: {  	_ =	shalt  }
0x6d: {  	_ =	shalt  }
0x6e: {  	_ =	shalt  }
0x6f: {  	_ =	shalt  }
0x70: {  	_ =	shalt  }
0x71: {  	_ =	shalt  }
0x72: {  	_ =	shalt  }
0x73: {  	_ =	shalt  }
0x74: {  	_ =	shalt  }
0x75: {  	_ =	shalt  }
0x76: {  	_ =	shalt  }
0x77: {  	_ =	shalt  }
0x78: {  	_ =	shalt  }
0x79: {  	_ =	shalt  }
0x7a: {  	_ =	shalt  }
0x7b: {  	_ =	shalt  }
0x7c: {  	_ =	shalt  }
0x7d: {  	_ =	shalt  }
0x7e: {  	_ =	shalt  }
0x7f: {  	_ =	shalt  }
0x80: {  	_ =	shalt  }
0x81: {  	_ =	shalt  }
0x82: {  	_ =	shalt  }
0x83: {  	_ =	shalt  }
0x84: {  	_ =	shalt  }
0x85: {  	_ =	shalt  }
0x86: {  	_ =	shalt  }
0x87: {  	_ =	shalt  }
.Lfunc_end0:
.L_simem_size_0:
called_computation.2_lowered:
.L_overlay_start_0:
0x88: {  	s2 =	sld [smem:$0x3FD9]  }
0x89: {  	s3 =	sld [smem:$0x3FFE];
	_ =	sdelay $0x1  }
0x8a: {  	s1 =	srdreg.scid  }
0x8b: {  	s0 =	sand.u32 $0x1, s1  }
0x8c: {  	s17 =	sshll.u32 s0, $0xA;
	s2 =	sadd.s32 s3, s2  }
0x8d: {  	s2 =	sadd.s32 s2, s17  }
0x8e: {  	[smem:$0x3FBF] =	sst s2  }
0x8f: {  	_ = 	snop  }
0x90: {  	s2 =	sld [smem:$0x3FC9];
	(tm) =	ssettm $0x1  }
0x91: {  	s18 =	sld [smem:$0x3FFB];
	_ =	sdelay $0x3  }
0x92: {  	_ =	strace s18  }
0x93: {  	s3 =	sld [smem:$0x3FFC];
	_ =	sdelay $0x3  }
0x94: {  	_ =	strace s3  }
0x95: {  	s3 =	sld [smem:$0x3FFD];
	_ =	sdelay $0x3  }
0x96: {  	_ =	strace s3  }
0x97: {  	_ =	strace $0x8FFFFFFF  }
0x98: {  	s19 =	sld [smem:$0x3FDB];
	_ =	sdelay $0x1  }
0x99: {  	s4 =	simm.s32 $_scs_section_size  }
0x9a: {  	s5 =	simm.s32 $_size__tile_overlayer_lowered;
	s6 =	simm.s32 $_tile_overlayer_lowered  }
0x9b: {  	s22 =	simm.s32 $0x1BFF;
	s21 =	sshll.u32 s6, $0x1;
	s3 =	sadd.s32 s4, s19  }
0x9c: {  	s7 =	simm.s32 $0x0;
	s20 =	sshll.u32 s5, $0x1;
	s5 =	sadd.s32 s21, s3  }
0x9d: {  	[timem:s7], [sflag:s22] =	dma.local [hbm:s5], s20  }
0x9e: {  	_ =	swait.ge [sflag:s22], s20  }
0x9f: {  	s4 =	ssub.s32 $0x0, s20;
	[sflag:s22] =	ssyncset.done $0x0  }
0xa0: {  	[sflag:s22] =	ssyncadd.s32 s4;
	_ =	sdelay $0x1  }
0xa1: {  	s23 =	simm.s32 $0x1B8B  }
0xa2: {  	_ =	swait.ge [sflag:s23], $0x1  }
0xa3: {  	[sflag:s23] =	ssyncset.done $0x0  }
0xa4: {  	s25 =	simm.s32 $0x1B8E;
	s24 =	sld [smem:$0x3FFE];
	[sflag:s23] =	ssyncadd.s32 $0xFFFFFFFF  }
0xa5: {  	s26 =	simm.s32 $execute0_lowered;
	[smem:$0x3FD2] =	sst s25  }
0xa6: {  	s5 =	sshll.u32 s26, $0x1;
	_ =	strace $0x8000004C;
	[dreg:$0x1] =	wrdreg $0xFFFFFFFF  }
0xa7: {  	s28 =	simm.s32 $_size_execute0_lowered;
	s3 =	sadd.s32 s3, s5;
	[dreg:$0x0] =	wrdreg $0x0  }
0xa8: {  	s5 =	sshll.u32 s28, $0x1;
	[dreg:$0x2] =	wrdreg s3  }
0xa9: {  	[dreg:$0x3] =	wrdreg s5  }
0xaa: {  	[dreg:$0x4] =	wrdreg $0xC0  }
0xab: {  	_ =	task [dreg:s7], $0x5FFFF  }
0xac: {  	[dreg:$0x1] =	wrdreg $0xFFFFFFFF  }
0xad: {  	[dreg:$0x0] =	wrdreg $0x60  }
0xae: {  	[dreg:$0x2] =	wrdreg s2  }
0xaf: {  	[dreg:$0x3] =	wrdreg s24  }
0xb0: {  	[dreg:$0x4] =	wrdreg $0xB8800  }
0xb1: {  	[dreg:$0x5] =	wrdreg $0x9  }
0xb2: {  	_ =	task.clear_ibuf [dreg:s7], $0x6FFFF;
	_ =	strace $0x9000004C  }
0xb3: {  	s29 =	simm.s32 $0x9;
	_ =	strace $0x8000004E  }
0xb4: {  	_ =	swait.ge [sflag:s29], $0x1  }
0xb5: {  	[sflag:s29] =	ssyncadd.s32 $0xFFFFFFFF  }
0xb6: {  	_ =	strace $0x9000004E  }
0xb7: {  	_ =	sfence  }
0xb8: {  	s30 =	sld [smem:$0x0];
	_ =	sdelay $0x2  }
0xb9: {  	s31 =	sshll.u32 s1, $0xD;
	s1 =	sshrl.u32 s1, $0x2  }
0xba: {  	s3 =	sand.u32 $0x4000, s31;
	s1 =	sadd.s32 s1, s30  }
0xbb: {  	s0 =	sor.u32 s3, s0;
	s1 =	sshll.u32 s1, $0x11  }
0xbc: {  	s0 =	sor.u32 s1, s0  }
0xbd: {  	s0 =	sadd.s32 $0x8F2B, s0  }
0xbe: {  	[sflag:s0] =	ssyncadd.remote.s32 $0x1  }
0xbf: {  	_ =	sfence.sel $0xFFFF  }
0xc0: {  	[dreg:$0x0] =	wrdreg $0xFFFFFFFF;
	(pc) =	sbr.abs _section_cstart, $3  }
0xc1: {  	[dreg:$0x1] =	wrdreg $0xFFFFFFFF  }
0xc2: {  	_ =	task.clear_ibuf [dreg:s7], $0x2FFFF;
	_ =	strace $0x9FFFFFFF  }
0xc3: {  	(tm) =	ssettm $0x7FFFFFFF  }
tec
execute0_lowered:
.L_overlay_start_1:
0x0: {  	(tag) =	ssettag $0x1  }
0x1: {  	s1 =	rddreg [dreg:$0x0]  }
0x2: {  	s0 =	rddreg [dreg:$0x1];
	s2 =	srdreg.scid  }
0x3: {  	s14 =	stileid.u32;
	s3 =	rddreg [dreg:$0x2]  }
0x4: {  	s4 =	simm.s32 $0x0;
	s16 =	simm.s32 $0x7;
	s28 =	simm.s32 $0x2  }
0x5: {  	s29 =	simm.s32 $0x3;
	s30 =	simm.s32 $0x4;
	s31 =	simm.s32 $0x5  }
0x6: {  	s2 =	sand.u32 $0x1, s2;
	s5 =	sshll.u32 s14, $0x1;
	s7 =	smul.u32 $0x270, s14  }
0x7: {  	[smem:$0x7FF] =	sst s4;
	s12 =	sadd.s32 $0xB200, s0;
	s21 =	smul.u32 $0x4E000, s14  }
0x8: {  	p0 =	seq.s32 s14, $0xF;
	s5 =	sor.u32 s2, s5;
	_ =	strace $0x8000004D  }
0x9: {  	s10 =	smul.u32 $0x2710, s2;
	[dreg:$0x4] =	wrdreg s12;
	s2 =	ssub.s32 $0x2, s2  }
0xa: {  	s6 =	smul.u32 $0x2710, s5;
	s8 =	sshll.u32 s5, $0xB;
	s5 =	sadd.s32 $0x1400, s0  }
0xb: {  	s20 =	sshrl.u32 s2, $0x1;
	s24 =	sshrl.u32 s21, $0x2;
	s21 =	simm.s32 $0x6780  }
0xc: {  	s8 =	sadd.s32 s8, s0;
	s7 =	sadd.s32 s7, s10;
	s2 =	ssub.s32 s2, s20  }
0xd: {  	s9 =	sshrl.u32 s6, $0x3;
	s7 =	sshll.u32 s7, $0x4;
	s23 =	sadd.s32 $0x15000, s8  }
0xe: {  	s8 =	sadd.s32 $0x124800, s3;
	s12 =	sadd.s32 $0xF0, s6;
	s13 =	sadd.s32 $0x140, s6  }
0xf: {  	s26 =	smax.u32 s2, $0x1;
	s2 =	simm.s32 $0x6;
	s11 =	sadd.s32 s9, s0  }
0x10: {  	s0 =	sadd.s32 s7, s0;
	[dreg:$0x6] =	wrdreg s23;
	s9 =	sadd.s32 s5, s9  }
0x11: {  	s7 =	sadd.s32 s24, s3;
	[dreg:$0xb] =	wrdreg s26;
	s8 =	sshrl.u32 @p0 s8, $0x3  }
0x12: {  	s23 =	simm.s32 $0x6880;
	s22 =	sadd.s32 $0x2F400, s11;
	[dreg:$0x7] =	wrdreg s9  }
0x13: {  	s24 =	simm.s32 $0x1;
	s25 =	sadd.s32 $0xA, s9;
	[dreg:$0x5] =	wrdreg s22  }
.Ltmp0:
0x14: {  	s9 =	sadd.s32 $0x14, s9;
	[dreg:$0x8] =	wrdreg s25;
	(pc) =	sbr.rel .LBB2_1-.Ltmp0, $4  }
0x15: {  	s26 =	simm.s32 $0x9080;
	s0 =	sadd.s32 $0x39200, s0;
	[dreg:$0x9] =	wrdreg s9  }
0x16: {  	s11 =	simm.s32 $0x2780;
	s10 =	sshrl.u32 @!p0 s7, $0x3;
	[dreg:$0xa] =	wrdreg s0  }
0x17: {  	s0 =	sshll.u32 @!p0 s14, $0x6;
	s22 =	simm.s32 $0x50;
	s25 =	simm.s32 $0x6800  }
0x18: {  	[dreg:$0xc] =	wrdreg s10;
	s9 =	sor.u32 @!p0 $0x1C07, s0;
	s0 =	simm.s32 $0x0  }
.LBB2_10:
0x19: {  	_ =	swait.ge [sflag:s30], $0x2800  }
0x1a: {  	[sflag:s30] =	ssyncset.done $0x0  }
0x1b: {  	[sflag:s30] =	ssyncadd.s32 $0xFFFFD800  }
0x1c: {  	[bflag:$0x0] =	sbarrier.arrive $0xFFFF  }
0x1d: {  	s6 =	simm.s32 @p0 $0x1FC7;
	s7 =	rddreg [dreg:$0xa]  }
0x1e: {  	[hbm:s7], [sflag:s6] =	dma.local @p0 [spmem:s19], $0x2800  }
0x1f: {  	s6 =	simm.s32 @p0 $0x7  }
0x20: {  	_ =	swait.ge @p0 [sflag:s6], $0x2800  }
0x21: {  	[sflag:s6] =	ssyncset.done @p0 $0x0  }
0x22: {  	s10 =	rddreg [dreg:$0xc];
	[sflag:s6] =	ssyncadd.s32 @p0 $0xFFFFD800;
	s6 =	simm.s32 @!p0 $0x7  }
0x23: {  	[hbm:s7], [sflag:s20] =	dma.local @!p0 [spmem:s10], $0x2700  }
0x24: {  	_ =	swait.ge @!p0 [sflag:s6], $0x2700  }
0x25: {  	s9 =	smov.u32 s20;
	s0 =	sadd.s32 $0x1, s0;
	s20 =	rddreg [dreg:$0xb]  }
0x26: {  	p1 =	sne.s32 s0, s20  }
.Ltmp1:
0x27: {  	_ = 	snop;
	(pc) =	sbr.rel @!p1 .LBB2_11-.Ltmp1, $3  }
0x28: {  	_ =	sdelay $0x1  }
0x29: {  	[sflag:s6] =	ssyncset.done @!p0 $0x0  }
0x2a: {  	s8 =	smov.u32 s19;
	s11 =	simm.s32 $0x2780;
	[sflag:s6] =	ssyncadd.s32 @!p0 $0xFFFFD900  }
.LBB2_1:
0x2b: {  	s6 =	rddreg [dreg:$0x5]  }
0x2c: {  	[tilespmem:s4], [sflag:$0x7] =	stream.linear.gather [hbm4b:s6+s4], $0x2710, $0x38;
	[tilespmem:$0x1F100] =	vst v63  }
0x2d: {  	_ =	swait.ge [sflag:s16], $0x2710  }
0x2e: {  	[sflag:s16] =	ssyncset.done $0x0  }
0x2f: {  	s15 =	rddreg [dreg:$0x6];
	[sflag:s16] =	ssyncadd.s32 $0xFFFFD8F0  }
0x30: {  	[tilespmem:s11], [sflag:$0x7] =	stream.linear.gather [hbm4b:s15+s4], $0x3E80, $0x38;
	[tilespmem:$0x1F100] =	vst v63  }
0x31: {  	_ =	swait.ge [sflag:s16], $0x3E80  }
0x32: {  	[sflag:s16] =	ssyncset.done $0x0  }
0x33: {  	s6 =	simm.s32 @p0 $0x1FC7;
	s7 =	rddreg [dreg:$0x4];
	[sflag:s16] =	ssyncadd.s32 $0xFFFFC180  }
0x34: {  	[spmem:s8], [sflag:s6] =	dma.local @p0 [hbm:s7], $0x2800  }
0x35: {  	s6 =	simm.s32 @p0 $0x7  }
0x36: {  	_ =	swait.ge @p0 [sflag:s6], $0x2800  }
0x37: {  	[sflag:s6] =	ssyncset.done @p0 $0x0  }
0x38: {  	[sflag:s6] =	ssyncadd.s32 @p0 $0xFFFFD800;
	s6 =	simm.s32 @!p0 $0x7  }
0x39: {  	[spmem:s10], [sflag:s9] =	dma.local @!p0 [hbm:s7], $0x2700  }
0x3a: {  	_ =	swait.ge @!p0 [sflag:s6], $0x2700  }
0x3b: {  	[sflag:s6] =	ssyncset.done @!p0 $0x0  }
0x3c: {  	[sflag:s6] =	ssyncadd.s32 @!p0 $0xFFFFD900  }
0x3d: {  	[bflag:$0x0] =	sbarrier.arrive $0xFFFF  }
0x3e: {  	s17 =	rddreg [dreg:$0x7]  }
0x3f: {  	v0 =	vmov s4;
	[tilespmem:s21], [sflag:$0x7] =	stream.linear.gather [hbm4b:s17+s4], $0x50, $0x38;
	[tilespmem:$0x1F100] =	vst v63  }
0x40: {  	v0 =	vand.u32 $0xFFFFFFFE, v0;
	_ =	swait.ge [sflag:s16], $0x50  }
0x41: {  	v0 =	vbroadcast v0, $0x0;
	[sflag:s16] =	ssyncset.done $0x0  }
0x42: {  	[sflag:s16] =	ssyncadd.s32 $0xFFFFFFB0  }
0x43: {  	[tilespmem:s23], [sflag:$0x1] =	stream.indirect.gather [hbm4b:s1+s22], $0x80, s21, s22, $0xb8;
	[tilespmem:$0x1F100] =	vst v63  }
0x44: {  	_ =	swait.ge [sflag:s24], $0x2800  }
0x45: {  	[sflag:s24] =	ssyncset.done $0x0  }
0x46: {  	[sflag:s24] =	ssyncadd.s32 $0xFFFFD800  }
0x47: {  	s7 =	simm.s32 $0x6900;
	v1 =	vld.idx.msk [tilespmem:v0+s4+$0x0], $0xffff  }
0x48: {  	v0 =	vld [tilespmem:s7+$0xFFFFFFF0]  }
0x49: {  	v2 =	vld [tilespmem:s7+$0xFFFFFF80]  }
0x4a: {  	s18 =	simm.s32 $0x1;
	v5 =	vld [tilespmem:s7+$0xFFFFFF90]  }
0x4b: {  	v6 =	vmov s18;
	v7 =	vld [tilespmem:s7+$0xFFFFFFA0]  }
0x4c: {  	v10 =	vld [tilespmem:s7+$0xFFFFFFB0]  }
0x4d: {  	v4 =	vld [tilespmem:s7+$0xFFFFFFC0]  }
0x4e: {  	v3 =	vld [tilespmem:s7+$0xFFFFFFD0];
	v8 =	vmul.f32 v0, v1  }
0x4f: {  	v9 =	vmul.f32 v2, v1;
	v2 =	vld [tilespmem:s7+$0xFFFFFFE0]  }
0x50: {  	v0 =	vld.idx.msk [tilespmem:v6+s4+$0x0], $0xffff;
	v5 =	vmul.f32 v5, v1;
	[tilespmem:s7+$0xFFFFFFF0] =	vst v8  }
0x51: {  	s20 =	smov.u32 s9;
	s9 =	simm.s32 $0x2;
	v6 =	vld [tilespmem:s7+$0x0];
	[tilespmem:s7+$0xFFFFFF80] =	vst v9;
	v8 =	vmul.f32 v7, v1  }
0x52: {  	s19 =	smov.u32 s8;
	s8 =	simm.s32 $0x6900;
	s6 =	simm.s32 $0x4;
	v9 =	vmov s9;
	[tilespmem:s7+$0xFFFFFF90] =	vst v5;
	v7 =	vmul.f32 v10, v1;
	v5 =	vld [tilespmem:s7+$0x10]  }
.LBB2_2:
0x53: {  	p1 =	slt.u32 s6, $0x4E;
	v9 =	vand.u32 $0xFFFFFFFE, v9;
	s10 =	sadd.s32 $0x1, s9;
	[tilespmem:s7+$0xFFFFFFA0] =	vst v8;
	v4 =	vmul.f32 v4, v1;
	v8 =	vld [tilespmem:s7+$0x20];
	s9 =	smov.u32 s6  }
0x54: {  	v9 =	vbroadcast v9, $0x0;
	v10 =	vmov s10;
	[tilespmem:s7+$0xFFFFFFB0] =	vst v7;
	v3 =	vmul.f32 v3, v1;
	v7 =	vld [tilespmem:s7+$0x30]  }
0x55: {  	[tilespmem:s7+$0xFFFFFFC0] =	vst v4;
	v1 =	vmul.f32 v2, v1;
	v2 =	vld [tilespmem:s7+$0x40]  }
0x56: {  	[tilespmem:s7+$0xFFFFFFD0] =	vst v3;
	v3 =	vmul.f32 v6, v0;
	v4 =	vld [tilespmem:s7+$0x50]  }
0x57: {  	[tilespmem:s7+$0xFFFFFFE0] =	vst v1;
	v1 =	vmul.f32 v5, v0;
	v5 =	vld [tilespmem:s7+$0x60]  }
0x58: {  	[tilespmem:s7+$0x0] =	vst v3;
	v3 =	vmul.f32 v8, v0;
	v6 =	vld [tilespmem:s7+$0x70]  }
0x59: {  	v8 =	vld.idx.msk [tilespmem:v10+s4+$0x0], $0xffff;
	[tilespmem:s7+$0x10] =	vst v1;
	v7 =	vmul.f32 v7, v0  }
0x5a: {  	s7 =	sadd.s32 $0x100, s7;
	v1 =	vld.idx.msk [tilespmem:v9+s4+$0x0], $0xffff;
	[tilespmem:s8+$0x20] =	vst v3;
	v2 =	vmul.f32 v2, v0  }
0x5b: {  	v3 =	vld [tilespmem:s7+$0xFFFFFFF0];
	[tilespmem:s8+$0x30] =	vst v7;
	v4 =	vmul.f32 v4, v0  }
0x5c: {  	v7 =	vld [tilespmem:s7+$0xFFFFFF80];
	[tilespmem:s8+$0x40] =	vst v2;
	v2 =	vmul.f32 v5, v0  }
0x5d: {  	v5 =	vld [tilespmem:s7+$0xFFFFFF90];
	[tilespmem:s8+$0x50] =	vst v4;
	v4 =	vmul.f32 v6, v0  }
0x5e: {  	v6 =	vld [tilespmem:s7+$0xFFFFFFA0];
	[tilespmem:s8+$0x60] =	vst v2  }
0x5f: {  	v0 =	vmov v8;
	v10 =	vld [tilespmem:s7+$0xFFFFFFB0];
	[tilespmem:s8+$0x70] =	vst v4;
	s8 =	smov.u32 s7  }
.Ltmp2:
0x60: {  	v4 =	vld [tilespmem:s7+$0xFFFFFFC0];
	v8 =	vmul.f32 v3, v1;
	(pc) =	sbr.rel @p1 .LBB2_2-.Ltmp2, $4  }
0x61: {  	v7 =	vmul.f32 v7, v1;
	v3 =	vld [tilespmem:s7+$0xFFFFFFD0]  }
0x62: {  	v5 =	vmul.f32 v5, v1;
	v2 =	vld [tilespmem:s7+$0xFFFFFFE0];
	[tilespmem:s7+$0xFFFFFFF0] =	vst v8  }
0x63: {  	[tilespmem:s7+$0xFFFFFF80] =	vst v7;
	v8 =	vmul.f32 v6, v1;
	v6 =	vld [tilespmem:s7+$0x0]  }
0x64: {  	s6 =	sadd.s32 $0x2, s6;
	v9 =	vmov s9;
	[tilespmem:s7+$0xFFFFFF90] =	vst v5;
	v7 =	vmul.f32 v10, v1;
	v5 =	vld [tilespmem:s7+$0x10]  }
0x65: {  	v10 =	vld [tilespmem:s7+$0x20]  }
0x66: {  	v11 =	vld [tilespmem:s7+$0x30]  }
0x67: {  	s6 =	sadd.s32 $0x1, s9;
	v13 =	vld [tilespmem:s7+$0x40];
	[tilespmem:s7+$0xFFFFFFA0] =	vst v8;
	v4 =	vmul.f32 v4, v1  }
0x68: {  	v22 =	vld [tilespmem:s7+$0x50];
	v12 =	vmov s6;
	[tilespmem:s7+$0xFFFFFFB0] =	vst v7;
	v3 =	vmul.f32 v3, v1  }
0x69: {  	v23 =	vld [tilespmem:s7+$0x60];
	[tilespmem:s7+$0xFFFFFFC0] =	vst v4;
	v24 =	vmul.f32 v2, v1  }
0x6a: {  	v25 =	vld [tilespmem:s7+$0x70];
	s15 =	sadd.s32 $0x100, s7;
	v6 =	vmul.f32 v6, v0;
	[tilespmem:s7+$0xFFFFFFD0] =	vst v3  }
0x6b: {  	v31 =	vld [tilespmem:s15+$0xFFFFFFF0];
	v26 =	vmul.f32 v5, v0;
	[tilespmem:s7+$0xFFFFFFE0] =	vst v24  }
0x6c: {  	v46 =	vld [tilespmem:s15+$0x0];
	[tilespmem:s7+$0x0] =	vst v6;
	v28 =	vmul.f32 v10, v0  }
0x6d: {  	v30 =	vmul.f32 v11, v0;
	v27 =	vld.idx.msk [tilespmem:v12+s4+$0x0], $0xffff;
	[tilespmem:s7+$0x10] =	vst v26  }
0x6e: {  	v9 =	vand.u32 $0xFFFFFFFE, v9;
	v47 =	vld [tilespmem:s15+$0x10];
	v32 =	vmul.f32 v13, v0;
	[tilespmem:s8+$0x20] =	vst v28  }
0x6f: {  	v9 =	vbroadcast v9, $0x0;
	v49 =	vld [tilespmem:s15+$0x20];
	v34 =	vmul.f32 v22, v0;
	[tilespmem:s8+$0x30] =	vst v30  }
0x70: {  	v51 =	vld [tilespmem:s15+$0x30];
	v36 =	vmul.f32 v23, v0;
	[tilespmem:s8+$0x40] =	vst v32  }
0x71: {  	v53 =	vld [tilespmem:s15+$0x40];
	v38 =	vmul.f32 v25, v0;
	[tilespmem:s8+$0x50] =	vst v34  }
0x72: {  	v55 =	vld [tilespmem:s15+$0x50];
	[tilespmem:s8+$0x60] =	vst v36;
	v54 =	vmul.f32 v46, v27  }
0x73: {  	v57 =	vld [tilespmem:s15+$0x60];
	[tilespmem:s8+$0x70] =	vst v38;
	v56 =	vmul.f32 v47, v27  }
0x74: {  	v58 =	vld [tilespmem:s15+$0x70];
	v1 =	vmul.f32 v49, v27;
	[tilespmem:s15+$0x0] =	vst v54  }
0x75: {  	v29 =	vld.idx.msk [tilespmem:v9+s4+$0x0], $0xffff;
	v59 =	vmul.f32 v51, v27;
	[tilespmem:s15+$0x10] =	vst v56  }
0x76: {  	v33 =	vld [tilespmem:s15+$0xFFFFFF80];
	v60 =	vmul.f32 v53, v27;
	[tilespmem:s15+$0x20] =	vst v1  }
0x77: {  	v35 =	vld [tilespmem:s15+$0xFFFFFF90];
	v61 =	vmul.f32 v55, v27;
	[tilespmem:s15+$0x30] =	vst v59  }
0x78: {  	v37 =	vld [tilespmem:s15+$0xFFFFFFA0];
	v62 =	vmul.f32 v57, v27;
	[tilespmem:s15+$0x40] =	vst v60  }
0x79: {  	v39 =	vld [tilespmem:s15+$0xFFFFFFB0];
	v63 =	vmul.f32 v58, v27;
	[tilespmem:s15+$0x50] =	vst v61  }
0x7a: {  	v40 =	vld [tilespmem:s15+$0xFFFFFFC0];
	v41 =	vmul.f32 v31, v29;
	[tilespmem:s15+$0x60] =	vst v62  }
0x7b: {  	v43 =	vld [tilespmem:s15+$0xFFFFFFD0];
	v42 =	vmul.f32 v33, v29;
	[tilespmem:s15+$0x70] =	vst v63  }
0x7c: {  	v44 =	vld [tilespmem:s15+$0xFFFFFFE0];
	v8 =	vmul.f32 v35, v29;
	[tilespmem:s15+$0xFFFFFFF0] =	vst v41  }
0x7d: {  	v45 =	vmul.f32 v37, v29;
	[tilespmem:s15+$0xFFFFFF80] =	vst v42  }
0x7e: {  	v2 =	vmul.f32 v39, v29;
	[tilespmem:s15+$0xFFFFFF90] =	vst v8  }
0x7f: {  	v48 =	vmul.f32 v40, v29;
	[tilespmem:s15+$0xFFFFFFA0] =	vst v45  }
0x80: {  	v50 =	vmul.f32 v43, v29;
	[tilespmem:s15+$0xFFFFFFB0] =	vst v2  }
0x81: {  	v52 =	vmul.f32 v44, v29;
	[tilespmem:s15+$0xFFFFFFC0] =	vst v48  }
0x82: {  	[tilespmem:s15+$0xFFFFFFD0] =	vst v50  }
0x83: {  	[tilespmem:s15+$0xFFFFFFE0] =	vst v52  }
0x84: {  	[spmem:s3] =	stream.indirect.scatter.add.f32 [tilespmem:s23], [sflag:$0x7], $0x80, s11, s22, $0xb8;
	[tilespmem:$0x1F100] =	vst v63  }
0x85: {  	_ =	swait.ge [sflag:s16], $0x2800  }
0x86: {  	[sflag:s16] =	ssyncset.done $0x0  }
0x87: {  	s7 =	simm.s32 $0x0;
	s17 =	rddreg [dreg:$0x8];
	[sflag:s16] =	ssyncadd.s32 $0xFFFFD800  }
0x88: {  	[tilespmem:s21], [sflag:$0x7] =	stream.linear.gather [hbm4b:s17+s7], $0x50, $0x38;
	[tilespmem:$0x1F100] =	vst v63  }
0x89: {  	_ =	swait.ge [sflag:s16], $0x50  }
0x8a: {  	[sflag:s16] =	ssyncset.done $0x0  }
0x8b: {  	s18 =	rddreg [dreg:$0x9];
	[sflag:s16] =	ssyncadd.s32 $0xFFFFFFB0  }
0x8c: {  	[tilespmem:s25], [sflag:$0x7] =	stream.linear.gather [hbm4b:s18+s7], $0x50, $0x38;
	[tilespmem:$0x1F100] =	vst v63  }
0x8d: {  	_ =	swait.ge [sflag:s16], $0x50  }
0x8e: {  	[sflag:s16] =	ssyncset.done $0x0  }
0x8f: {  	[sflag:s16] =	ssyncadd.s32 $0xFFFFFFB0  }
0x90: {  	[tilespmem:s23], [sflag:$0x1] =	stream.indirect.gather [hbm4b:s1+s22], $0x80, s21, s22, $0xb8;
	[tilespmem:$0x1F100] =	vst v63  }
0x91: {  	s8 =	simm.s32 $0x0  }
0x92: {  	[tilespmem:s26], [sflag:$0x2] =	stream.indirect.gather [hbm4b:s1+s22], $0x80, s25, s22, $0xb8;
	[tilespmem:$0x1F100] =	vst v63  }
.LBB2_4:
0x93: {  	s6 =	sadd.s32 $0xFFFFFFFE, s7  }
0x94: {  	p1 =	seq.s32 s8, $0x3D;
	s9 =	sadd.s32 $0x52, s6  }
0x95: {  	s10 =	smul.u32 @!p1 $0xA0, s8;
	s6 =	sadd.s32 $0x53, s6;
	v0 =	vmov s9  }
0x96: {  	v1 =	vmov s6;
	v0 =	vand.u32 $0xFFFFFFFE, v0  }
0x97: {  	_ =	swait.ge [sflag:s24], $0x2800;
	s6 =	sadd.s32 @!p1 s10, s12;
	v2 =	vbroadcast v0, $0x0  }
0x98: {  	[sflag:s24] =	ssyncset.done $0x0;
	s11 =	simm.s32 @!p1 $0x6780;
	s6 =	sshrl.u32 @!p1 s6, $0x3  }
0x99: {  	[sflag:s24] =	ssyncadd.s32 $0xFFFFD800;
	s9 =	simm.s32 @!p1 $0x0;
	s6 =	sadd.s32 @!p1 s5, s6  }
0x9a: {  	[tilespmem:s11], [sflag:$0x5] =	stream.linear.gather @!p1 [hbm4b:s6+s9], $0x50, $0x38;
	[tilespmem:$0x1F100] =	vst v63  }
0x9b: {  	s15 =	simm.s32 $0x6900;
	v0 =	vld.idx.msk [tilespmem:v1+s4+$0x0], $0xffff  }
0x9c: {  	v3 =	vld [tilespmem:s15+$0xFFFFFFF0]  }
0x9d: {  	v1 =	vld.idx.msk [tilespmem:v2+s4+$0x0], $0xffff  }
0x9e: {  	v7 =	vld [tilespmem:s15+$0xFFFFFF80]  }
0x9f: {  	v6 =	vld [tilespmem:s15+$0xFFFFFF90]  }
0xa0: {  	v5 =	vld [tilespmem:s15+$0xFFFFFFA0]  }
0xa1: {  	s18 =	sshll.u32 s8, $0x1;
	v4 =	vld [tilespmem:s15+$0xFFFFFFB0]  }
0xa2: {  	s17 =	sadd.s32 $0x2, s18;
	v2 =	vld [tilespmem:s15+$0xFFFFFFC0];
	v8 =	vmul.f32 v3, v1  }
0xa3: {  	s11 =	sshllo.u32 s8, $0x1;
	s6 =	simm.s32 $0x0;
	s9 =	simm.s32 $0x6900;
	v7 =	vmul.f32 v7, v1;
	v3 =	vld [tilespmem:s15+$0xFFFFFFD0]  }
.LBB2_5:
0xa4: {  	s14 =	sadd.s32 s6, s7;
	s6 =	sadd.s32 $0x2, s6;
	v6 =	vmul.f32 v6, v1;
	v9 =	vld [tilespmem:s15+$0xFFFFFFE0];
	[tilespmem:s15+$0xFFFFFFF0] =	vst v8  }
0xa5: {  	s18 =	sadd.s32 $0x52, s14;
	s14 =	sadd.s32 $0x53, s14;
	p2 =	slt.u32 s6, $0x4E;
	[tilespmem:s15+$0xFFFFFF80] =	vst v7;
	v5 =	vmul.f32 v5, v1;
	v7 =	vld [tilespmem:s15+$0x0]  }
0xa6: {  	v8 =	vmov s18;
	v10 =	vmov s14;
	[tilespmem:s15+$0xFFFFFF90] =	vst v6;
	v4 =	vmul.f32 v4, v1;
	v6 =	vld [tilespmem:s15+$0x10]  }
0xa7: {  	v8 =	vand.u32 $0xFFFFFFFE, v8;
	[tilespmem:s15+$0xFFFFFFA0] =	vst v5;
	v2 =	vmul.f32 v2, v1;
	v5 =	vld [tilespmem:s15+$0x20]  }
0xa8: {  	v8 =	vbroadcast v8, $0x0;
	[tilespmem:s15+$0xFFFFFFB0] =	vst v4;
	v3 =	vmul.f32 v3, v1;
	v4 =	vld [tilespmem:s15+$0x30]  }
0xa9: {  	[tilespmem:s15+$0xFFFFFFC0] =	vst v2;
	v1 =	vmul.f32 v9, v1;
	v2 =	vld [tilespmem:s15+$0x40]  }
0xaa: {  	[tilespmem:s15+$0xFFFFFFD0] =	vst v3;
	v3 =	vmul.f32 v7, v0;
	v7 =	vld [tilespmem:s15+$0x50]  }
0xab: {  	v9 =	vld.idx.msk [tilespmem:v10+s4+$0x0], $0xffff;
	[tilespmem:s15+$0xFFFFFFE0] =	vst v1;
	v1 =	vmul.f32 v6, v0  }
0xac: {  	[tilespmem:s15+$0x0] =	vst v3;
	v3 =	vmul.f32 v5, v0;
	v5 =	vld [tilespmem:s15+$0x60]  }
0xad: {  	[tilespmem:s15+$0x10] =	vst v1;
	v4 =	vmul.f32 v4, v0;
	v10 =	vld [tilespmem:s15+$0x70]  }
0xae: {  	s15 =	sadd.s32 $0x100, s15;
	v1 =	vld.idx.msk [tilespmem:v8+s4+$0x0], $0xffff;
	[tilespmem:s9+$0x20] =	vst v3;
	v2 =	vmul.f32 v2, v0  }
0xaf: {  	v3 =	vld [tilespmem:s15+$0xFFFFFFF0];
	[tilespmem:s9+$0x30] =	vst v4;
	v4 =	vmul.f32 v7, v0  }
0xb0: {  	v7 =	vld [tilespmem:s15+$0xFFFFFF80];
	[tilespmem:s9+$0x40] =	vst v2  }
.Ltmp3:
0xb1: {  	v6 =	vld [tilespmem:s15+$0xFFFFFF90];
	[tilespmem:s9+$0x50] =	vst v4;
	v2 =	vmul.f32 v5, v0;
	(pc) =	sbr.rel @p2 .LBB2_5-.Ltmp3, $4  }
0xb2: {  	v5 =	vld [tilespmem:s15+$0xFFFFFFA0];
	v10 =	vmul.f32 v10, v0;
	v0 =	vmov v9  }
0xb3: {  	v4 =	vld [tilespmem:s15+$0xFFFFFFB0];
	[tilespmem:s9+$0x60] =	vst v2  }
0xb4: {  	v2 =	vld [tilespmem:s15+$0xFFFFFFC0];
	v8 =	vmul.f32 v3, v1;
	[tilespmem:s9+$0x70] =	vst v10;
	s9 =	smov.u32 s15  }
0xb5: {  	v7 =	vmul.f32 v7, v1;
	v3 =	vld [tilespmem:s15+$0xFFFFFFD0]  }
0xb6: {  	v9 =	vld [tilespmem:s15+$0x0];
	v6 =	vmul.f32 v6, v1;
	[tilespmem:s15+$0xFFFFFFF0] =	vst v8  }
0xb7: {  	v8 =	vld [tilespmem:s15+$0x10];
	[tilespmem:s15+$0xFFFFFF80] =	vst v7;
	v5 =	vmul.f32 v5, v1  }
0xb8: {  	v10 =	vld [tilespmem:s15+$0xFFFFFFE0];
	[tilespmem:s15+$0xFFFFFF90] =	vst v6;
	v4 =	vmul.f32 v4, v1  }
0xb9: {  	v7 =	vld [tilespmem:s15+$0x20];
	[tilespmem:s15+$0xFFFFFFA0] =	vst v5;
	v2 =	vmul.f32 v2, v1  }
0xba: {  	v6 =	vld [tilespmem:s15+$0x30];
	[tilespmem:s15+$0xFFFFFFB0] =	vst v4;
	v3 =	vmul.f32 v3, v1  }
0xbb: {  	v5 =	vld [tilespmem:s15+$0x40];
	v9 =	vmul.f32 v9, v0;
	[tilespmem:s15+$0xFFFFFFC0] =	vst v2  }
0xbc: {  	v4 =	vld [tilespmem:s15+$0x50];
	v8 =	vmul.f32 v8, v0;
	[tilespmem:s15+$0xFFFFFFD0] =	vst v3  }
0xbd: {  	v2 =	vld [tilespmem:s15+$0x60];
	v1 =	vmul.f32 v10, v1;
	[tilespmem:s15+$0x0] =	vst v9  }
0xbe: {  	v3 =	vmul.f32 v7, v0;
	v7 =	vld [tilespmem:s15+$0x70];
	[tilespmem:s15+$0x10] =	vst v8  }
0xbf: {  	[tilespmem:s15+$0xFFFFFFE0] =	vst v1;
	v1 =	vmul.f32 v6, v0  }
0xc0: {  	[tilespmem:s9+$0x20] =	vst v3;
	v3 =	vmul.f32 v5, v0  }
0xc1: {  	[tilespmem:s9+$0x30] =	vst v1;
	v1 =	vmul.f32 v4, v0  }
0xc2: {  	[tilespmem:s9+$0x40] =	vst v3;
	v2 =	vmul.f32 v2, v0  }
0xc3: {  	s6 =	sshll.u32 s11, $0x7;
	s14 =	sadd.s32 $0xFFFFFFFE, s7;
	[tilespmem:s9+$0x50] =	vst v1;
	v0 =	vmul.f32 v7, v0  }
0xc4: {  	s6 =	sand.u32 $0x3FFFFF80, s6;
	s15 =	sadd.s32 $0xA2, s14;
	[tilespmem:s9+$0x60] =	vst v2  }
0xc5: {  	s18 =	sadd.s32 $0xA3, s14;
	s6 =	sadd.s32 $0x2780, s6;
	[tilespmem:s9+$0x70] =	vst v0;
	v0 =	vmov s15  }
0xc6: {  	v1 =	vmov s18;
	[spmem:s3] =	stream.indirect.scatter.add.f32 [tilespmem:s23], [sflag:$0x3], $0x80, s6, s22, $0xb8;
	v0 =	vand.u32 $0xFFFFFFFE, v0;
	[tilespmem:$0x1F100] =	vst v63  }
0xc7: {  	s6 =	sadd.s32 @!p1 s10, s13;
	_ =	swait.ge [sflag:s28], $0x2800;
	v2 =	vbroadcast v0, $0x0  }
0xc8: {  	s9 =	simm.s32 @!p1 $0x0;
	s6 =	sshrl.u32 @!p1 s6, $0x3;
	[sflag:s28] =	ssyncset.done $0x0  }
0xc9: {  	s10 =	simm.s32 @!p1 $0x6800;
	s6 =	sadd.s32 @!p1 s5, s6;
	[sflag:s28] =	ssyncadd.s32 $0xFFFFD800  }
0xca: {  	[tilespmem:s10], [sflag:$0x6] =	stream.linear.gather @!p1 [hbm4b:s6+s9], $0x50, $0x38;
	[tilespmem:$0x1F100] =	vst v63  }
0xcb: {  	s10 =	simm.s32 $0x9100;
	v0 =	vld.idx.msk [tilespmem:v1+s4+$0x0], $0xffff  }
0xcc: {  	v3 =	vld [tilespmem:s10+$0xFFFFFFF0]  }
0xcd: {  	v1 =	vld.idx.msk [tilespmem:v2+s4+$0x0], $0xffff  }
0xce: {  	v7 =	vld [tilespmem:s10+$0xFFFFFF80]  }
0xcf: {  	v6 =	vld [tilespmem:s10+$0xFFFFFF90]  }
0xd0: {  	v5 =	vld [tilespmem:s10+$0xFFFFFFA0]  }
0xd1: {  	v4 =	vld [tilespmem:s10+$0xFFFFFFB0]  }
0xd2: {  	v2 =	vld [tilespmem:s10+$0xFFFFFFC0];
	v8 =	vmul.f32 v3, v1  }
0xd3: {  	s6 =	simm.s32 $0x0;
	s9 =	simm.s32 $0x9100;
	v7 =	vmul.f32 v7, v1;
	v3 =	vld [tilespmem:s10+$0xFFFFFFD0]  }
.LBB2_7:
0xd4: {  	s11 =	sadd.s32 s6, s7;
	s6 =	sadd.s32 $0x2, s6;
	v6 =	vmul.f32 v6, v1;
	v9 =	vld [tilespmem:s10+$0xFFFFFFE0];
	[tilespmem:s10+$0xFFFFFFF0] =	vst v8  }
0xd5: {  	s14 =	sadd.s32 $0xA2, s11;
	s11 =	sadd.s32 $0xA3, s11;
	p2 =	slt.u32 s6, $0x4E;
	[tilespmem:s10+$0xFFFFFF80] =	vst v7;
	v5 =	vmul.f32 v5, v1;
	v7 =	vld [tilespmem:s10+$0x0]  }
0xd6: {  	v8 =	vmov s14;
	v10 =	vmov s11;
	[tilespmem:s10+$0xFFFFFF90] =	vst v6;
	v4 =	vmul.f32 v4, v1;
	v6 =	vld [tilespmem:s10+$0x10]  }
0xd7: {  	v8 =	vand.u32 $0xFFFFFFFE, v8;
	[tilespmem:s10+$0xFFFFFFA0] =	vst v5;
	v2 =	vmul.f32 v2, v1;
	v5 =	vld [tilespmem:s10+$0x20]  }
0xd8: {  	v8 =	vbroadcast v8, $0x0;
	[tilespmem:s10+$0xFFFFFFB0] =	vst v4;
	v3 =	vmul.f32 v3, v1;
	v4 =	vld [tilespmem:s10+$0x30]  }
0xd9: {  	[tilespmem:s10+$0xFFFFFFC0] =	vst v2;
	v1 =	vmul.f32 v9, v1;
	v2 =	vld [tilespmem:s10+$0x40]  }
0xda: {  	[tilespmem:s10+$0xFFFFFFD0] =	vst v3;
	v3 =	vmul.f32 v7, v0;
	v7 =	vld [tilespmem:s10+$0x50]  }
0xdb: {  	v9 =	vld.idx.msk [tilespmem:v10+s4+$0x0], $0xffff;
	[tilespmem:s10+$0xFFFFFFE0] =	vst v1;
	v1 =	vmul.f32 v6, v0  }
0xdc: {  	[tilespmem:s10+$0x0] =	vst v3;
	v3 =	vmul.f32 v5, v0;
	v5 =	vld [tilespmem:s10+$0x60]  }
0xdd: {  	[tilespmem:s10+$0x10] =	vst v1;
	v4 =	vmul.f32 v4, v0;
	v10 =	vld [tilespmem:s10+$0x70]  }
0xde: {  	s10 =	sadd.s32 $0x100, s10;
	v1 =	vld.idx.msk [tilespmem:v8+s4+$0x0], $0xffff;
	[tilespmem:s9+$0x20] =	vst v3;
	v2 =	vmul.f32 v2, v0  }
0xdf: {  	v3 =	vld [tilespmem:s10+$0xFFFFFFF0];
	[tilespmem:s9+$0x30] =	vst v4;
	v4 =	vmul.f32 v7, v0  }
0xe0: {  	v7 =	vld [tilespmem:s10+$0xFFFFFF80];
	[tilespmem:s9+$0x40] =	vst v2  }
.Ltmp4:
0xe1: {  	v6 =	vld [tilespmem:s10+$0xFFFFFF90];
	[tilespmem:s9+$0x50] =	vst v4;
	v2 =	vmul.f32 v5, v0;
	(pc) =	sbr.rel @p2 .LBB2_7-.Ltmp4, $4  }
0xe2: {  	v5 =	vld [tilespmem:s10+$0xFFFFFFA0];
	v10 =	vmul.f32 v10, v0;
	v0 =	vmov v9  }
0xe3: {  	v4 =	vld [tilespmem:s10+$0xFFFFFFB0];
	[tilespmem:s9+$0x60] =	vst v2  }
0xe4: {  	v2 =	vld [tilespmem:s10+$0xFFFFFFC0];
	v8 =	vmul.f32 v3, v1;
	[tilespmem:s9+$0x70] =	vst v10;
	s9 =	smov.u32 s10  }
0xe5: {  	v7 =	vmul.f32 v7, v1;
	v3 =	vld [tilespmem:s10+$0xFFFFFFD0]  }
0xe6: {  	v9 =	vld [tilespmem:s10+$0x0];
	v6 =	vmul.f32 v6, v1;
	[tilespmem:s10+$0xFFFFFFF0] =	vst v8  }
0xe7: {  	v51 =	vld [tilespmem:s10+$0x10];
	[tilespmem:s10+$0xFFFFFF80] =	vst v7;
	v5 =	vmul.f32 v5, v1  }
0xe8: {  	v10 =	vld [tilespmem:s10+$0xFFFFFFE0];
	[tilespmem:s10+$0xFFFFFF90] =	vst v6;
	v4 =	vmul.f32 v4, v1  }
0xe9: {  	v52 =	vld [tilespmem:s10+$0x20];
	[tilespmem:s10+$0xFFFFFFA0] =	vst v5;
	v2 =	vmul.f32 v2, v1  }
0xea: {  	v53 =	vld [tilespmem:s10+$0x30];
	[tilespmem:s10+$0xFFFFFFB0] =	vst v4;
	v3 =	vmul.f32 v3, v1  }
0xeb: {  	v54 =	vld [tilespmem:s10+$0x40];
	v9 =	vmul.f32 v9, v0;
	[tilespmem:s10+$0xFFFFFFC0] =	vst v2  }
0xec: {  	v55 =	vld [tilespmem:s10+$0x50];
	v8 =	vmul.f32 v51, v0;
	[tilespmem:s10+$0xFFFFFFD0] =	vst v3  }
0xed: {  	v56 =	vld [tilespmem:s10+$0x60];
	v57 =	vmul.f32 v10, v1;
	[tilespmem:s10+$0x0] =	vst v9  }
0xee: {  	v59 =	vld [tilespmem:s10+$0x70];
	v58 =	vmul.f32 v52, v0;
	[tilespmem:s10+$0x10] =	vst v8  }
0xef: {  	v60 =	vmul.f32 v53, v0;
	[tilespmem:s10+$0xFFFFFFE0] =	vst v57  }
0xf0: {  	v61 =	vmul.f32 v54, v0;
	[tilespmem:s9+$0x20] =	vst v58  }
0xf1: {  	v62 =	vmul.f32 v55, v0;
	[tilespmem:s9+$0x30] =	vst v60  }
0xf2: {  	v2 =	vmul.f32 v56, v0;
	[tilespmem:s9+$0x40] =	vst v61  }
0xf3: {  	s6 =	sshll.u32 s17, $0x7;
	v63 =	vmul.f32 v59, v0;
	[tilespmem:s9+$0x50] =	vst v62  }
0xf4: {  	s6 =	sand.u32 $0x3FFFFF80, s6;
	[tilespmem:s9+$0x60] =	vst v2  }
.Ltmp5:
0xf5: {  	s6 =	sadd.s32 $0x2780, s6;
	[tilespmem:s9+$0x70] =	vst v63;
	(pc) =	sbr.rel @p1 .LBB2_10-.Ltmp5, $4  }
0xf6: {  	[spmem:s3] =	stream.indirect.scatter.add.f32 [tilespmem:s26], [sflag:$0x4], $0x80, s6, s22, $0xb8;
	[tilespmem:$0x1F100] =	vst v63  }
0xf7: {  	_ =	swait.ge [sflag:s29], $0x2800  }
0xf8: {  	[sflag:s29] =	ssyncset.done $0x0  }
0xf9: {  	[sflag:s29] =	ssyncadd.s32 $0xFFFFD800  }
0xfa: {  	_ =	swait.ge [sflag:s31], $0x50  }
0xfb: {  	[sflag:s31] =	ssyncset.done $0x0  }
0xfc: {  	[sflag:s31] =	ssyncadd.s32 $0xFFFFFFB0  }
0xfd: {  	[tilespmem:s23], [sflag:$0x1] =	stream.indirect.gather [hbm4b:s1+s22], $0x80, s21, s22, $0xb8;
	[tilespmem:$0x1F100] =	vst v63  }
0xfe: {  	_ =	swait.ge [sflag:s30], $0x2800  }
0xff: {  	[sflag:s30] =	ssyncset.done $0x0  }
.Ltmp6:
0x100: {  	[sflag:s30] =	ssyncadd.s32 $0xFFFFD800;
	(pc) =	sbr.rel .LBB2_4-.Ltmp6, $4  }
0x101: {  	_ =	swait.ge [sflag:s2], $0x50  }
0x102: {  	[sflag:s2] =	ssyncset.done $0x0  }
0x103: {  	s8 =	sadd.s32 $0x1, s8;
	s7 =	sadd.s32 $0xA0, s7;
	[sflag:s2] =	ssyncadd.s32 $0xFFFFFFB0  }
0x104: {  	[tilespmem:s26], [sflag:$0x2] =	stream.indirect.gather [hbm4b:s1+s22], $0x80, s25, s22, $0xb8;
	[tilespmem:$0x1F100] =	vst v63  }
.LBB2_11:
0x105: {  	_ =	sfence.sel $0x180000  }
0x106: {  	[bflag:$0x0] =	sbarrier.arrive $0xFFFF  }
0x107: {  	_ =	strace $0x9000004D  }
0x108: {  	s0 =	stileid.u32;
	[bflag:$0x2] =	sbarrier.arrive $0xFFFF  }
0x109: {  	p0 =	sne.s32 s0, $0x0;
	s0 =	rddreg [dreg:$0x3]  }
0x10a: {  	s0 =	sadd.s32 @!p0 $0x100000, s0  }
0x10b: {  	[sflag:s0] =	ssyncadd.tile.s32 @!p0 $0x1;
	_ =	shalt  }
.Lfunc_end2:
_tile_overlayer_lowered:
.L_overlay_start_2:
0x10c: {  	(tag) =	ssettag $0x2  }
0x10d: {  	s0 =	rddreg [dreg:$0x0];
	s2 =	stileid.u32  }
0x10e: {  	s1 =	rddreg [dreg:$0x1];
	p0 =	sne.s32 s2, $0x0  }
0x10f: {  	s3 =	rddreg [dreg:$0x2];
	[bflag:$0x3] =	sbarrier.arrive $0xFFFF;
	s2 =	simm.s32 @!p0 $0x1C07  }
0x110: {  	[timem:s3], [sflag:s2] =	dma.local @!p0 [hbm:s0], s1  }
0x111: {  	s0 =	simm.s32 @!p0 $0x7  }
0x112: {  	_ =	swait.ge @!p0 [sflag:s0], s1  }
0x113: {  	s1 =	ssub.s32 @!p0 $0x0, s1;
	[sflag:s0] =	ssyncset.done @!p0 $0x0  }
0x114: {  	[sflag:s0] =	ssyncadd.s32 @!p0 s1  }
0x115: {  	[bflag:$0x3] =	sbarrier.arrive $0xFFFF  }
0x116: {  	_ =	shalt  }

// kernel: kernel.21.cloned.1.call-start
scs
__scs_entry_jumppad:
0x0: {  	(pc) =	sbr.rel $0x88, $3  }
0x1: {  	(tag) =	ssettag $0x0;
	lr =	simm.s32 $0x1  }
0x2: {  	[smem:$0x3F98] =	sst lr;
	_ =	strace $0xD0000000  }
0x3: {  	_ = 	snop  }
0x4: {  	_ = 	snop  }
0x5: {  	_ = 	snop  }
0x6: {  	_ = 	snop  }
0x7: {  	_ = 	snop  }
__scs_overlays_trampoline_lowered:
0x8: {  	[smem:$0x3FA7] =	sst s0  }
0x9: {  	[smem:$0x3FA8] =	sst s1  }
0xa: {  	[smem:$0x3FA9] =	sst s2  }
0xb: {  	[smem:$0x3FAA] =	sst s3  }
0xc: {  	[smem:$0x3FAB] =	sst s4  }
0xd: {  	[smem:$0x3FAC] =	sst s5  }
0xe: {  	[smem:$0x3FAD] =	sst s6  }
0xf: {  	[smem:$0x3FAE] =	sst s7  }
0x10: {  	[smem:$0x3FAF] =	sst s8  }
0x11: {  	[smem:$0x3FB0] =	sst s9;
	s0 =	simm.s32 @!p0 $0x0  }
0x12: {  	s1 =	sld [smem:$0x3F96];
	s0 =	simm.s32 @p0 $0x1  }
0x13: {  	[smem:$0x3FB1] =	sst s0;
	s0 =	simm.s32 @!p1 $0x0  }
0x14: {  	s2 =	sld [smem:$0x3F95];
	s0 =	simm.s32 @p1 $0x1  }
0x15: {  	[smem:$0x3FB2] =	sst s0;
	s0 =	simm.s32 @!p2 $0x0  }
0x16: {  	s3 =	sld [smem:$0x3FDB];
	s0 =	simm.s32 @p2 $0x1  }
0x17: {  	s4 =	simm.s32 $0x1BF5;
	[smem:$0x3FB4] =	sst s0  }
0x18: {  	s0 =	sld [smem:$0x3F97];
	_ =	swait.ge [sflag:s4], $0x0  }
0x19: {  	s7 =	sld [smem:$0x3F98]  }
0x1a: {  	s8 =	sadd.s32 $0xFFFFE003, lr  }
0x1b: {  	s9 =	sadd.s32 $0xFFFFFEF7, lr;
	s5 =	simm.s32 $0xFFFFFFFF;
	p2 =	slt.u32 s8, $0xFFFFF086  }
0x1c: {  	p1 =	slt.u32 s9, $0xF7A;
	s5 =	simm.s32 @!p2 $0x0  }
0x1d: {  	s5 =	simm.s32 @p1 $0x1;
	p0 =	seq.s32 s7, s2  }
0x1e: {  	s7 =	smul.u32 @!p0 $0xF7A, s2;
	p2 =	seq.s32 @!p0 s5, $0x0  }
0x1f: {  	s9 =	smul.u32 $0xF7A, s1;
	s8 =	simm.s32 @!p0 $0x1BF5;
	p2 =	por !p2, p0  }
0x20: {  	[sflag:s8] =	ssyncset.s32 @!p0 $0xFFFFF086;
	s6 =	sadd.s32 @!p0 s3, s7;
	s7 =	simm.s32 @!p0 $0x108  }
0x21: {  	s3 =	sadd.s32 s3, s9;
	s6 =	sadd.s32 @!p0 $0x88, s6;
	s7 =	simm.s32 @p2 $0x1082  }
0x22: {  	[simem:s7], [sflag:s8] =	dma.local @!p0 [hbm:s6], $0xF7A  }
0x23: {  	s9 =	sor.u32 $0xD0000000, s2;
	s6 =	simm.s32 $0x108;
	_ =	swait.ge @!p0 [sflag:s8], $0x0  }
0x24: {  	s3 =	sadd.s32 $0x88, s3;
	s6 =	simm.s32 @!p1 $0x1082;
	[sflag:s4] =	ssyncset.s32 $0xFFFFF086  }
0x25: {  	[simem:s6], [sflag:s4] =	dma.local [hbm:s3], $0xF7A  }
0x26: {  	[smem:$0x3F98] =	sst s1;
	(tag) =	ssettag s2;
	_ =	strace s9  }
0x27: {  	s1 =	sld [smem:$0x3FA8]  }
0x28: {  	s2 =	sld [smem:$0x3FA9]  }
0x29: {  	s4 =	sld [smem:$0x3FAB]  }
0x2a: {  	p0 =	seq.s32 s5, $0x0;
	s5 =	sld [smem:$0x3FAC]  }
0x2b: {  	s6 =	sld [smem:$0x3FAD]  }
0x2c: {  	s7 =	sld [smem:$0x3FAE]  }
0x2d: {  	s3 =	simm.s32 $0x108;
	s8 =	sld [smem:$0x3FAF]  }
0x2e: {  	s3 =	simm.s32 @!p0 $0x1082;
	s9 =	sld [smem:$0x3FB0]  }
0x2f: {  	lr =	sadd.s32 s0, s3;
	s0 =	sld [smem:$0x3FA7]  }
0x30: {  	s3 =	sld [smem:$0x3FAA]  }
0x31: {  	[smem:$0x3FB3] =	sst s10  }
0x32: {  	s10 =	sld [smem:$0x3FB1];
	_ =	sdelay $0x3  }
0x33: {  	p0 =	seq.s32 s10, $0x1;
	s10 =	sld [smem:$0x3FB3];
	_ =	sdelay $0x3  }
0x34: {  	[smem:$0x3FB3] =	sst s10  }
0x35: {  	s10 =	sld [smem:$0x3FB2];
	_ =	sdelay $0x3  }
0x36: {  	p1 =	seq.s32 s10, $0x1;
	s10 =	sld [smem:$0x3FB3];
	_ =	sdelay $0x3  }
0x37: {  	[smem:$0x3FB3] =	sst s10  }
0x38: {  	s10 =	sld [smem:$0x3FB4]  }
0x39: {  	_ = 	snop;
	(pc) =	sbr.ind lr, $3  }
0x3a: {  	_ = 	snop  }
0x3b: {  	_ = 	snop  }
0x3c: {  	p2 =	seq.s32 s10, $0x1;
	s10 =	sld [smem:$0x3FB3]  }
0x3d: {  	_ =	shalt  }
0x3e: {  	_ =	shalt  }
0x3f: {  	_ =	shalt  }
0x40: {  	_ =	shalt  }
0x41: {  	_ =	shalt  }
0x42: {  	_ =	shalt  }
0x43: {  	_ =	shalt  }
0x44: {  	_ =	shalt  }
0x45: {  	_ =	shalt  }
0x46: {  	_ =	shalt  }
0x47: {  	_ =	shalt  }
0x48: {  	_ =	shalt  }
0x49: {  	_ =	shalt  }
0x4a: {  	_ =	shalt  }
0x4b: {  	_ =	shalt  }
0x4c: {  	_ =	shalt  }
0x4d: {  	_ =	shalt  }
0x4e: {  	_ =	shalt  }
0x4f: {  	_ =	shalt  }
0x50: {  	_ =	shalt  }
0x51: {  	_ =	shalt  }
0x52: {  	_ =	shalt  }
0x53: {  	_ =	shalt  }
0x54: {  	_ =	shalt  }
0x55: {  	_ =	shalt  }
0x56: {  	_ =	shalt  }
0x57: {  	_ =	shalt  }
0x58: {  	_ =	shalt  }
0x59: {  	_ =	shalt  }
0x5a: {  	_ =	shalt  }
0x5b: {  	_ =	shalt  }
0x5c: {  	_ =	shalt  }
0x5d: {  	_ =	shalt  }
0x5e: {  	_ =	shalt  }
0x5f: {  	_ =	shalt  }
0x60: {  	_ =	shalt  }
0x61: {  	_ =	shalt  }
0x62: {  	_ =	shalt  }
0x63: {  	_ =	shalt  }
0x64: {  	_ =	shalt  }
0x65: {  	_ =	shalt  }
0x66: {  	_ =	shalt  }
0x67: {  	_ =	shalt  }
0x68: {  	_ =	shalt  }
0x69: {  	_ =	shalt  }
0x6a: {  	_ =	shalt  }
0x6b: {  	_ =	shalt  }
0x6c: {  	_ =	shalt  }
0x6d: {  	_ =	shalt  }
0x6e: {  	_ =	shalt  }
0x6f: {  	_ =	shalt  }
0x70: {  	_ =	shalt  }
0x71: {  	_ =	shalt  }
0x72: {  	_ =	shalt  }
0x73: {  	_ =	shalt  }
0x74: {  	_ =	shalt  }
0x75: {  	_ =	shalt  }
0x76: {  	_ =	shalt  }
0x77: {  	_ =	shalt  }
0x78: {  	_ =	shalt  }
0x79: {  	_ =	shalt  }
0x7a: {  	_ =	shalt  }
0x7b: {  	_ =	shalt  }
0x7c: {  	_ =	shalt  }
0x7d: {  	_ =	shalt  }
0x7e: {  	_ =	shalt  }
0x7f: {  	_ =	shalt  }
0x80: {  	_ =	shalt  }
0x81: {  	_ =	shalt  }
0x82: {  	_ =	shalt  }
0x83: {  	_ =	shalt  }
0x84: {  	_ =	shalt  }
0x85: {  	_ =	shalt  }
0x86: {  	_ =	shalt  }
0x87: {  	_ =	shalt  }
.Lfunc_end0:
.L_simem_size_0:
called_computation.3_lowered:
.L_overlay_start_0:
0x88: {  	s2 =	sld [smem:$0x3FD9]  }
0x89: {  	s3 =	sld [smem:$0x3FFE];
	_ =	sdelay $0x1  }
0x8a: {  	s1 =	srdreg.scid  }
0x8b: {  	s0 =	sand.u32 $0x1, s1  }
0x8c: {  	s16 =	sshll.u32 s0, $0xA;
	s2 =	sadd.s32 s3, s2  }
0x8d: {  	s2 =	sadd.s32 s2, s16  }
0x8e: {  	[smem:$0x3FBF] =	sst s2  }
0x8f: {  	_ = 	snop  }
0x90: {  	(tm) =	ssettm $0x1  }
0x91: {  	s17 =	sld [smem:$0x3FFB];
	_ =	sdelay $0x3  }
0x92: {  	_ =	strace s17  }
0x93: {  	s2 =	sld [smem:$0x3FFC];
	_ =	sdelay $0x3  }
0x94: {  	_ =	strace s2  }
0x95: {  	s2 =	sld [smem:$0x3FFD];
	_ =	sdelay $0x3  }
0x96: {  	_ =	strace s2  }
0x97: {  	_ =	strace $0x8FFFFFFF  }
0x98: {  	s18 =	sld [smem:$0x3FDB];
	_ =	sdelay $0x1  }
0x99: {  	s19 =	simm.s32 $_scs_section_size  }
0x9a: {  	s4 =	simm.s32 $_size__tile_overlayer_lowered;
	s5 =	simm.s32 $_tile_overlayer_lowered  }
0x9b: {  	s22 =	simm.s32 $0x1BFF;
	s21 =	sshll.u32 s5, $0x1;
	s2 =	sadd.s32 s19, s18  }
0x9c: {  	s6 =	simm.s32 $0x0;
	s20 =	sshll.u32 s4, $0x1;
	s4 =	sadd.s32 s21, s2  }
0x9d: {  	[timem:s6], [sflag:s22] =	dma.local [hbm:s4], s20  }
0x9e: {  	_ =	swait.ge [sflag:s22], s20  }
0x9f: {  	s3 =	ssub.s32 $0x0, s20;
	[sflag:s22] =	ssyncset.done $0x0  }
0xa0: {  	[sflag:s22] =	ssyncadd.s32 s3;
	_ =	sdelay $0x1  }
0xa1: {  	s23 =	simm.s32 $0x1B8B  }
0xa2: {  	_ =	swait.ge [sflag:s23], $0x1  }
0xa3: {  	[sflag:s23] =	ssyncset.done $0x0  }
0xa4: {  	s25 =	simm.s32 $0x1B8E;
	s24 =	sld [smem:$0x3FFE];
	[sflag:s23] =	ssyncadd.s32 $0xFFFFFFFF  }
0xa5: {  	s26 =	simm.s32 $execute0_lowered;
	[smem:$0x3FD2] =	sst s25  }
0xa6: {  	s4 =	sshll.u32 s26, $0x1;
	_ =	strace $0x8000004F;
	[dreg:$0x1] =	wrdreg $0xFFFFFFFF  }
0xa7: {  	s28 =	simm.s32 $_size_execute0_lowered;
	s2 =	sadd.s32 s2, s4;
	[dreg:$0x0] =	wrdreg $0x0  }
0xa8: {  	s4 =	sshll.u32 s28, $0x1;
	[dreg:$0x2] =	wrdreg s2  }
0xa9: {  	[dreg:$0x3] =	wrdreg s4  }
0xaa: {  	[dreg:$0x4] =	wrdreg $0xC0  }
0xab: {  	_ =	task [dreg:s6], $0x5FFFF  }
0xac: {  	[dreg:$0x1] =	wrdreg $0xFFFFFFFF  }
0xad: {  	[dreg:$0x0] =	wrdreg $0x60  }
0xae: {  	[dreg:$0x2] =	wrdreg s24  }
0xaf: {  	[dreg:$0x3] =	wrdreg $0xB8800  }
0xb0: {  	[dreg:$0x4] =	wrdreg $0x9  }
0xb1: {  	_ =	task.clear_ibuf [dreg:s6], $0x5FFFF;
	_ =	strace $0x9000004F  }
0xb2: {  	s29 =	simm.s32 $0x9;
	_ =	strace $0x80000051  }
0xb3: {  	_ =	swait.ge [sflag:s29], $0x1  }
0xb4: {  	[sflag:s29] =	ssyncadd.s32 $0xFFFFFFFF  }
0xb5: {  	_ =	strace $0x90000051  }
0xb6: {  	_ =	sfence  }
0xb7: {  	s30 =	sld [smem:$0x0];
	_ =	sdelay $0x2  }
0xb8: {  	s31 =	sshll.u32 s1, $0xD;
	s1 =	sshrl.u32 s1, $0x2  }
0xb9: {  	s3 =	sand.u32 $0x4000, s31;
	s1 =	sadd.s32 s1, s30  }
0xba: {  	s0 =	sor.u32 s3, s0;
	s1 =	sshll.u32 s1, $0x11  }
0xbb: {  	s0 =	sor.u32 s1, s0  }
0xbc: {  	s0 =	sadd.s32 $0x8F2B, s0  }
0xbd: {  	[sflag:s0] =	ssyncadd.remote.s32 $0x1  }
0xbe: {  	_ =	sfence.sel $0xFFFF  }
0xbf: {  	[dreg:$0x0] =	wrdreg $0xFFFFFFFF;
	(pc) =	sbr.abs _section_cstart, $3  }
0xc0: {  	[dreg:$0x1] =	wrdreg $0xFFFFFFFF  }
0xc1: {  	_ =	task.clear_ibuf [dreg:s6], $0x2FFFF;
	_ =	strace $0x9FFFFFFF  }
0xc2: {  	(tm) =	ssettm $0x7FFFFFFF  }
0xc3: {  	_ =	shalt  }
tec
execute0_lowered:
.L_overlay_start_1:
0x0: {  	(tag) =	ssettag $0x1  }
0x1: {  	s0 =	rddreg [dreg:$0x0];
	s1 =	srdreg.scid  }
0x2: {  	s14 =	stileid.u32;
	s2 =	rddreg [dreg:$0x1];
	s3 =	simm.s32 $0x0  }
0x3: {  	s16 =	simm.s32 $0x7;
	s28 =	simm.s32 $0x2;
	s29 =	simm.s32 $0x3  }
0x4: {  	s30 =	simm.s32 $0x4;
	s31 =	simm.s32 $0x5;
	s1 =	sand.u32 $0x1, s1  }
0x5: {  	s4 =	sshll.u32 s14, $0x1;
	[smem:$0x7FF] =	sst s3;
	s7 =	smul.u32 $0x270, s14  }
0x6: {  	s12 =	sadd.s32 $0xB200, s0;
	s21 =	smul.u32 $0x4E000, s14;
	p0 =	seq.s32 s14, $0xF  }
0x7: {  	s5 =	sor.u32 s1, s4;
	_ =	strace $0x80000050;
	s4 =	sadd.s32 $0x39200, s0  }
0x8: {  	s10 =	smul.u32 $0x2710, s1;
	[dreg:$0x3] =	wrdreg s12;
	s1 =	ssub.s32 $0x2, s1  }
0x9: {  	s6 =	smul.u32 $0x2710, s5;
	s8 =	sshll.u32 s5, $0xB;
	s5 =	sadd.s32 $0x1400, s0  }
0xa: {  	s20 =	sshrl.u32 s1, $0x1;
	s24 =	sshrl.u32 s21, $0x2;
	s21 =	simm.s32 $0x6780  }
0xb: {  	s8 =	sadd.s32 s8, s0;
	s7 =	sadd.s32 s7, s10;
	s1 =	ssub.s32 s1, s20  }
0xc: {  	s9 =	sshrl.u32 s6, $0x3;
	s7 =	sshll.u32 s7, $0x4;
	s23 =	sadd.s32 $0x15000, s8  }
0xd: {  	s8 =	sadd.s32 $0x124800, s2;
	s12 =	sadd.s32 $0xF0, s6;
	s13 =	sadd.s32 $0x140, s6  }
0xe: {  	s26 =	smax.u32 s1, $0x1;
	s1 =	simm.s32 $0x6;
	s11 =	sadd.s32 s9, s0  }
0xf: {  	s0 =	sadd.s32 s7, s0;
	[dreg:$0x5] =	wrdreg s23;
	s9 =	sadd.s32 s5, s9  }
0x10: {  	s7 =	sadd.s32 s24, s2;
	[dreg:$0xa] =	wrdreg s26;
	s8 =	sshrl.u32 @p0 s8, $0x3  }
0x11: {  	s23 =	simm.s32 $0x6880;
	s22 =	sadd.s32 $0x2F400, s11;
	[dreg:$0x6] =	wrdreg s9  }
0x12: {  	s24 =	simm.s32 $0x1;
	s25 =	sadd.s32 $0xA, s9;
	[dreg:$0x4] =	wrdreg s22  }
.Ltmp0:
0x13: {  	s9 =	sadd.s32 $0x14, s9;
	[dreg:$0x7] =	wrdreg s25;
	(pc) =	sbr.rel .LBB2_1-.Ltmp0, $4  }
0x14: {  	s26 =	simm.s32 $0x9080;
	s0 =	sadd.s32 $0x60400, s0;
	[dreg:$0x8] =	wrdreg s9  }
0x15: {  	s11 =	simm.s32 $0x2780;
	s10 =	sshrl.u32 @!p0 s7, $0x3;
	[dreg:$0x9] =	wrdreg s0  }
0x16: {  	s0 =	sshll.u32 @!p0 s14, $0x6;
	s22 =	simm.s32 $0x50;
	s25 =	simm.s32 $0x6800  }
0x17: {  	[dreg:$0xb] =	wrdreg s10;
	s9 =	sor.u32 @!p0 $0x1C07, s0;
	s0 =	simm.s32 $0x0  }
.LBB2_10:
0x18: {  	_ =	swait.ge [sflag:s30], $0x2800  }
0x19: {  	[sflag:s30] =	ssyncset.done $0x0  }
0x1a: {  	[sflag:s30] =	ssyncadd.s32 $0xFFFFD800  }
0x1b: {  	[bflag:$0x0] =	sbarrier.arrive $0xFFFF  }
0x1c: {  	s6 =	simm.s32 @p0 $0x1FC7;
	s7 =	rddreg [dreg:$0x9]  }
0x1d: {  	[hbm:s7], [sflag:s6] =	dma.local @p0 [spmem:s19], $0x2800  }
0x1e: {  	s6 =	simm.s32 @p0 $0x7  }
0x1f: {  	_ =	swait.ge @p0 [sflag:s6], $0x2800  }
0x20: {  	[sflag:s6] =	ssyncset.done @p0 $0x0  }
0x21: {  	s10 =	rddreg [dreg:$0xb];
	[sflag:s6] =	ssyncadd.s32 @p0 $0xFFFFD800;
	s6 =	simm.s32 @!p0 $0x7  }
0x22: {  	[hbm:s7], [sflag:s20] =	dma.local @!p0 [spmem:s10], $0x2700  }
0x23: {  	_ =	swait.ge @!p0 [sflag:s6], $0x2700  }
0x24: {  	s9 =	smov.u32 s20;
	s0 =	sadd.s32 $0x1, s0;
	s20 =	rddreg [dreg:$0xa]  }
0x25: {  	p1 =	sne.s32 s0, s20  }
.Ltmp1:
0x26: {  	_ = 	snop;
	(pc) =	sbr.rel @!p1 .LBB2_11-.Ltmp1, $3  }
0x27: {  	_ =	sdelay $0x1  }
0x28: {  	[sflag:s6] =	ssyncset.done @!p0 $0x0  }
0x29: {  	s8 =	smov.u32 s19;
	s11 =	simm.s32 $0x2780;
	[sflag:s6] =	ssyncadd.s32 @!p0 $0xFFFFD900  }
.LBB2_1:
0x2a: {  	s6 =	rddreg [dreg:$0x4]  }
0x2b: {  	[tilespmem:s3], [sflag:$0x7] =	stream.linear.gather [hbm4b:s6+s3], $0x2710, $0x38;
	[tilespmem:$0x1F100] =	vst v63  }
0x2c: {  	_ =	swait.ge [sflag:s16], $0x2710  }
0x2d: {  	[sflag:s16] =	ssyncset.done $0x0  }
0x2e: {  	s15 =	rddreg [dreg:$0x5];
	[sflag:s16] =	ssyncadd.s32 $0xFFFFD8F0  }
0x2f: {  	[tilespmem:s11], [sflag:$0x7] =	stream.linear.gather [hbm4b:s15+s3], $0x3E80, $0x38;
	[tilespmem:$0x1F100] =	vst v63  }
0x30: {  	_ =	swait.ge [sflag:s16], $0x3E80  }
0x31: {  	[sflag:s16] =	ssyncset.done $0x0  }
0x32: {  	s6 =	simm.s32 @p0 $0x1FC7;
	s7 =	rddreg [dreg:$0x3];
	[sflag:s16] =	ssyncadd.s32 $0xFFFFC180  }
0x33: {  	[spmem:s8], [sflag:s6] =	dma.local @p0 [hbm:s7], $0x2800  }
0x34: {  	s6 =	simm.s32 @p0 $0x7  }
0x35: {  	_ =	swait.ge @p0 [sflag:s6], $0x2800  }
0x36: {  	[sflag:s6] =	ssyncset.done @p0 $0x0  }
0x37: {  	[sflag:s6] =	ssyncadd.s32 @p0 $0xFFFFD800;
	s6 =	simm.s32 @!p0 $0x7  }
0x38: {  	[spmem:s10], [sflag:s9] =	dma.local @!p0 [hbm:s7], $0x2700  }
0x39: {  	_ =	swait.ge @!p0 [sflag:s6], $0x2700  }
0x3a: {  	[sflag:s6] =	ssyncset.done @!p0 $0x0  }
0x3b: {  	[sflag:s6] =	ssyncadd.s32 @!p0 $0xFFFFD900  }
0x3c: {  	[bflag:$0x0] =	sbarrier.arrive $0xFFFF  }
0x3d: {  	s17 =	rddreg [dreg:$0x6]  }
0x3e: {  	v0 =	vmov s3;
	[tilespmem:s21], [sflag:$0x7] =	stream.linear.gather [hbm4b:s17+s3], $0x50, $0x38;
	[tilespmem:$0x1F100] =	vst v63  }
0x3f: {  	v0 =	vand.u32 $0xFFFFFFFE, v0;
	_ =	swait.ge [sflag:s16], $0x50  }
0x40: {  	v0 =	vbroadcast v0, $0x0;
	[sflag:s16] =	ssyncset.done $0x0  }
0x41: {  	[sflag:s16] =	ssyncadd.s32 $0xFFFFFFB0  }
0x42: {  	[tilespmem:s23], [sflag:$0x1] =	stream.indirect.gather [hbm4b:s4+s22], $0x80, s21, s22, $0xb8;
	[tilespmem:$0x1F100] =	vst v63  }
0x43: {  	_ =	swait.ge [sflag:s24], $0x2800  }
0x44: {  	[sflag:s24] =	ssyncset.done $0x0  }
0x45: {  	[sflag:s24] =	ssyncadd.s32 $0xFFFFD800  }
0x46: {  	s7 =	simm.s32 $0x6900;
	v1 =	vld.idx.msk [tilespmem:v0+s3+$0x0], $0xffff  }
0x47: {  	v0 =	vld [tilespmem:s7+$0xFFFFFFF0]  }
0x48: {  	v2 =	vld [tilespmem:s7+$0xFFFFFF80]  }
0x49: {  	s18 =	simm.s32 $0x1;
	v5 =	vld [tilespmem:s7+$0xFFFFFF90]  }
0x4a: {  	v6 =	vmov s18;
	v7 =	vld [tilespmem:s7+$0xFFFFFFA0]  }
0x4b: {  	v10 =	vld [tilespmem:s7+$0xFFFFFFB0]  }
0x4c: {  	v4 =	vld [tilespmem:s7+$0xFFFFFFC0]  }
0x4d: {  	v3 =	vld [tilespmem:s7+$0xFFFFFFD0];
	v8 =	vmul.f32 v0, v1  }
0x4e: {  	v9 =	vmul.f32 v2, v1;
	v2 =	vld [tilespmem:s7+$0xFFFFFFE0]  }
0x4f: {  	v0 =	vld.idx.msk [tilespmem:v6+s3+$0x0], $0xffff;
	v5 =	vmul.f32 v5, v1;
	[tilespmem:s7+$0xFFFFFFF0] =	vst v8  }
0x50: {  	s20 =	smov.u32 s9;
	s9 =	simm.s32 $0x2;
	v6 =	vld [tilespmem:s7+$0x0];
	[tilespmem:s7+$0xFFFFFF80] =	vst v9;
	v8 =	vmul.f32 v7, v1  }
0x51: {  	s19 =	smov.u32 s8;
	s8 =	simm.s32 $0x6900;
	s6 =	simm.s32 $0x4;
	v9 =	vmov s9;
	[tilespmem:s7+$0xFFFFFF90] =	vst v5;
	v7 =	vmul.f32 v10, v1;
	v5 =	vld [tilespmem:s7+$0x10]  }
.LBB2_2:
0x52: {  	p1 =	slt.u32 s6, $0x4E;
	v9 =	vand.u32 $0xFFFFFFFE, v9;
	s10 =	sadd.s32 $0x1, s9;
	[tilespmem:s7+$0xFFFFFFA0] =	vst v8;
	v4 =	vmul.f32 v4, v1;
	v8 =	vld [tilespmem:s7+$0x20];
	s9 =	smov.u32 s6  }
0x53: {  	v9 =	vbroadcast v9, $0x0;
	v10 =	vmov s10;
	[tilespmem:s7+$0xFFFFFFB0] =	vst v7;
	v3 =	vmul.f32 v3, v1;
	v7 =	vld [tilespmem:s7+$0x30]  }
0x54: {  	[tilespmem:s7+$0xFFFFFFC0] =	vst v4;
	v1 =	vmul.f32 v2, v1;
	v2 =	vld [tilespmem:s7+$0x40]  }
0x55: {  	[tilespmem:s7+$0xFFFFFFD0] =	vst v3;
	v3 =	vmul.f32 v6, v0;
	v4 =	vld [tilespmem:s7+$0x50]  }
0x56: {  	[tilespmem:s7+$0xFFFFFFE0] =	vst v1;
	v1 =	vmul.f32 v5, v0;
	v5 =	vld [tilespmem:s7+$0x60]  }
0x57: {  	[tilespmem:s7+$0x0] =	vst v3;
	v3 =	vmul.f32 v8, v0;
	v6 =	vld [tilespmem:s7+$0x70]  }
0x58: {  	v8 =	vld.idx.msk [tilespmem:v10+s3+$0x0], $0xffff;
	[tilespmem:s7+$0x10] =	vst v1;
	v7 =	vmul.f32 v7, v0  }
0x59: {  	s7 =	sadd.s32 $0x100, s7;
	v1 =	vld.idx.msk [tilespmem:v9+s3+$0x0], $0xffff;
	[tilespmem:s8+$0x20] =	vst v3;
	v2 =	vmul.f32 v2, v0  }
0x5a: {  	v3 =	vld [tilespmem:s7+$0xFFFFFFF0];
	[tilespmem:s8+$0x30] =	vst v7;
	v4 =	vmul.f32 v4, v0  }
0x5b: {  	v7 =	vld [tilespmem:s7+$0xFFFFFF80];
	[tilespmem:s8+$0x40] =	vst v2;
	v2 =	vmul.f32 v5, v0  }
0x5c: {  	v5 =	vld [tilespmem:s7+$0xFFFFFF90];
	[tilespmem:s8+$0x50] =	vst v4;
	v4 =	vmul.f32 v6, v0  }
0x5d: {  	v6 =	vld [tilespmem:s7+$0xFFFFFFA0];
	[tilespmem:s8+$0x60] =	vst v2  }
0x5e: {  	v0 =	vmov v8;
	v10 =	vld [tilespmem:s7+$0xFFFFFFB0];
	[tilespmem:s8+$0x70] =	vst v4;
	s8 =	smov.u32 s7  }
.Ltmp2:
0x5f: {  	v4 =	vld [tilespmem:s7+$0xFFFFFFC0];
	v8 =	vmul.f32 v3, v1;
	(pc) =	sbr.rel @p1 .LBB2_2-.Ltmp2, $4  }
0x60: {  	v7 =	vmul.f32 v7, v1;
	v3 =	vld [tilespmem:s7+$0xFFFFFFD0]  }
0x61: {  	v5 =	vmul.f32 v5, v1;
	v2 =	vld [tilespmem:s7+$0xFFFFFFE0];
	[tilespmem:s7+$0xFFFFFFF0] =	vst v8  }
0x62: {  	[tilespmem:s7+$0xFFFFFF80] =	vst v7;
	v8 =	vmul.f32 v6, v1;
	v6 =	vld [tilespmem:s7+$0x0]  }
0x63: {  	s6 =	sadd.s32 $0x2, s6;
	v9 =	vmov s9;
	[tilespmem:s7+$0xFFFFFF90] =	vst v5;
	v7 =	vmul.f32 v10, v1;
	v5 =	vld [tilespmem:s7+$0x10]  }
0x64: {  	v10 =	vld [tilespmem:s7+$0x20]  }
0x65: {  	v11 =	vld [tilespmem:s7+$0x30]  }
0x66: {  	s6 =	sadd.s32 $0x1, s9;
	v13 =	vld [tilespmem:s7+$0x40];
	[tilespmem:s7+$0xFFFFFFA0] =	vst v8;
	v4 =	vmul.f32 v4, v1  }
0x67: {  	v22 =	vld [tilespmem:s7+$0x50];
	v12 =	vmov s6;
	[tilespmem:s7+$0xFFFFFFB0] =	vst v7;
	v3 =	vmul.f32 v3, v1  }
0x68: {  	v23 =	vld [tilespmem:s7+$0x60];
	[tilespmem:s7+$0xFFFFFFC0] =	vst v4;
	v24 =	vmul.f32 v2, v1  }
0x69: {  	v25 =	vld [tilespmem:s7+$0x70];
	s15 =	sadd.s32 $0x100, s7;
	v6 =	vmul.f32 v6, v0;
	[tilespmem:s7+$0xFFFFFFD0] =	vst v3  }
0x6a: {  	v31 =	vld [tilespmem:s15+$0xFFFFFFF0];
	v26 =	vmul.f32 v5, v0;
	[tilespmem:s7+$0xFFFFFFE0] =	vst v24  }
0x6b: {  	v46 =	vld [tilespmem:s15+$0x0];
	[tilespmem:s7+$0x0] =	vst v6;
	v28 =	vmul.f32 v10, v0  }
0x6c: {  	v30 =	vmul.f32 v11, v0;
	v27 =	vld.idx.msk [tilespmem:v12+s3+$0x0], $0xffff;
	[tilespmem:s7+$0x10] =	vst v26  }
0x6d: {  	v9 =	vand.u32 $0xFFFFFFFE, v9;
	v47 =	vld [tilespmem:s15+$0x10];
	v32 =	vmul.f32 v13, v0;
	[tilespmem:s8+$0x20] =	vst v28  }
0x6e: {  	v9 =	vbroadcast v9, $0x0;
	v49 =	vld [tilespmem:s15+$0x20];
	v34 =	vmul.f32 v22, v0;
	[tilespmem:s8+$0x30] =	vst v30  }
0x6f: {  	v51 =	vld [tilespmem:s15+$0x30];
	v36 =	vmul.f32 v23, v0;
	[tilespmem:s8+$0x40] =	vst v32  }
0x70: {  	v53 =	vld [tilespmem:s15+$0x40];
	v38 =	vmul.f32 v25, v0;
	[tilespmem:s8+$0x50] =	vst v34  }
0x71: {  	v55 =	vld [tilespmem:s15+$0x50];
	[tilespmem:s8+$0x60] =	vst v36;
	v54 =	vmul.f32 v46, v27  }
0x72: {  	v57 =	vld [tilespmem:s15+$0x60];
	[tilespmem:s8+$0x70] =	vst v38;
	v56 =	vmul.f32 v47, v27  }
0x73: {  	v58 =	vld [tilespmem:s15+$0x70];
	v1 =	vmul.f32 v49, v27;
	[tilespmem:s15+$0x0] =	vst v54  }
0x74: {  	v29 =	vld.idx.msk [tilespmem:v9+s3+$0x0], $0xffff;
	v59 =	vmul.f32 v51, v27;
	[tilespmem:s15+$0x10] =	vst v56  }
0x75: {  	v33 =	vld [tilespmem:s15+$0xFFFFFF80];
	v60 =	vmul.f32 v53, v27;
	[tilespmem:s15+$0x20] =	vst v1  }
0x76: {  	v35 =	vld [tilespmem:s15+$0xFFFFFF90];
	v61 =	vmul.f32 v55, v27;
	[tilespmem:s15+$0x30] =	vst v59  }
0x77: {  	v37 =	vld [tilespmem:s15+$0xFFFFFFA0];
	v62 =	vmul.f32 v57, v27;
	[tilespmem:s15+$0x40] =	vst v60  }
0x78: {  	v39 =	vld [tilespmem:s15+$0xFFFFFFB0];
	v63 =	vmul.f32 v58, v27;
	[tilespmem:s15+$0x50] =	vst v61  }
0x79: {  	v40 =	vld [tilespmem:s15+$0xFFFFFFC0];
	v41 =	vmul.f32 v31, v29;
	[tilespmem:s15+$0x60] =	vst v62  }
0x7a: {  	v43 =	vld [tilespmem:s15+$0xFFFFFFD0];
	v42 =	vmul.f32 v33, v29;
	[tilespmem:s15+$0x70] =	vst v63  }
0x7b: {  	v44 =	vld [tilespmem:s15+$0xFFFFFFE0];
	v8 =	vmul.f32 v35, v29;
	[tilespmem:s15+$0xFFFFFFF0] =	vst v41  }
0x7c: {  	v45 =	vmul.f32 v37, v29;
	[tilespmem:s15+$0xFFFFFF80] =	vst v42  }
0x7d: {  	v2 =	vmul.f32 v39, v29;
	[tilespmem:s15+$0xFFFFFF90] =	vst v8  }
0x7e: {  	v48 =	vmul.f32 v40, v29;
	[tilespmem:s15+$0xFFFFFFA0] =	vst v45  }
0x7f: {  	v50 =	vmul.f32 v43, v29;
	[tilespmem:s15+$0xFFFFFFB0] =	vst v2  }
0x80: {  	v52 =	vmul.f32 v44, v29;
	[tilespmem:s15+$0xFFFFFFC0] =	vst v48  }
0x81: {  	[tilespmem:s15+$0xFFFFFFD0] =	vst v50  }
0x82: {  	[tilespmem:s15+$0xFFFFFFE0] =	vst v52  }
0x83: {  	[spmem:s2] =	stream.indirect.scatter.add.f32 [tilespmem:s23], [sflag:$0x7], $0x80, s11, s22, $0xb8;
	[tilespmem:$0x1F100] =	vst v63  }
0x84: {  	_ =	swait.ge [sflag:s16], $0x2800  }
0x85: {  	[sflag:s16] =	ssyncset.done $0x0  }
0x86: {  	s7 =	simm.s32 $0x0;
	s17 =	rddreg [dreg:$0x7];
	[sflag:s16] =	ssyncadd.s32 $0xFFFFD800  }
0x87: {  	[tilespmem:s21], [sflag:$0x7] =	stream.linear.gather [hbm4b:s17+s7], $0x50, $0x38;
	[tilespmem:$0x1F100] =	vst v63  }
0x88: {  	_ =	swait.ge [sflag:s16], $0x50  }
0x89: {  	[sflag:s16] =	ssyncset.done $0x0  }
0x8a: {  	s18 =	rddreg [dreg:$0x8];
	[sflag:s16] =	ssyncadd.s32 $0xFFFFFFB0  }
0x8b: {  	[tilespmem:s25], [sflag:$0x7] =	stream.linear.gather [hbm4b:s18+s7], $0x50, $0x38;
	[tilespmem:$0x1F100] =	vst v63  }
0x8c: {  	_ =	swait.ge [sflag:s16], $0x50  }
0x8d: {  	[sflag:s16] =	ssyncset.done $0x0  }
0x8e: {  	[sflag:s16] =	ssyncadd.s32 $0xFFFFFFB0  }
0x8f: {  	[tilespmem:s23], [sflag:$0x1] =	stream.indirect.gather [hbm4b:s4+s22], $0x80, s21, s22, $0xb8;
	[tilespmem:$0x1F100] =	vst v63  }
0x90: {  	s8 =	simm.s32 $0x0  }
0x91: {  	[tilespmem:s26], [sflag:$0x2] =	stream.indirect.gather [hbm4b:s4+s22], $0x80, s25, s22, $0xb8;
	[tilespmem:$0x1F100] =	vst v63  }
.LBB2_4:
0x92: {  	s6 =	sadd.s32 $0xFFFFFFFE, s7  }
0x93: {  	p1 =	seq.s32 s8, $0x3D;
	s9 =	sadd.s32 $0x52, s6  }
0x94: {  	s10 =	smul.u32 @!p1 $0xA0, s8;
	s6 =	sadd.s32 $0x53, s6;
	v0 =	vmov s9  }
0x95: {  	v1 =	vmov s6;
	v0 =	vand.u32 $0xFFFFFFFE, v0  }
0x96: {  	_ =	swait.ge [sflag:s24], $0x2800;
	s6 =	sadd.s32 @!p1 s10, s12;
	v2 =	vbroadcast v0, $0x0  }
0x97: {  	[sflag:s24] =	ssyncset.done $0x0;
	s11 =	simm.s32 @!p1 $0x6780;
	s6 =	sshrl.u32 @!p1 s6, $0x3  }
0x98: {  	[sflag:s24] =	ssyncadd.s32 $0xFFFFD800;
	s9 =	simm.s32 @!p1 $0x0;
	s6 =	sadd.s32 @!p1 s5, s6  }
0x99: {  	[tilespmem:s11], [sflag:$0x5] =	stream.linear.gather @!p1 [hbm4b:s6+s9], $0x50, $0x38;
	[tilespmem:$0x1F100] =	vst v63  }
0x9a: {  	s15 =	simm.s32 $0x6900;
	v0 =	vld.idx.msk [tilespmem:v1+s3+$0x0], $0xffff  }
0x9b: {  	v3 =	vld [tilespmem:s15+$0xFFFFFFF0]  }
0x9c: {  	v1 =	vld.idx.msk [tilespmem:v2+s3+$0x0], $0xffff  }
0x9d: {  	v7 =	vld [tilespmem:s15+$0xFFFFFF80]  }
0x9e: {  	v6 =	vld [tilespmem:s15+$0xFFFFFF90]  }
0x9f: {  	v5 =	vld [tilespmem:s15+$0xFFFFFFA0]  }
0xa0: {  	s18 =	sshll.u32 s8, $0x1;
	v4 =	vld [tilespmem:s15+$0xFFFFFFB0]  }
0xa1: {  	s17 =	sadd.s32 $0x2, s18;
	v2 =	vld [tilespmem:s15+$0xFFFFFFC0];
	v8 =	vmul.f32 v3, v1  }
0xa2: {  	s11 =	sshllo.u32 s8, $0x1;
	s6 =	simm.s32 $0x0;
	s9 =	simm.s32 $0x6900;
	v7 =	vmul.f32 v7, v1;
	v3 =	vld [tilespmem:s15+$0xFFFFFFD0]  }
.LBB2_5:
0xa3: {  	s14 =	sadd.s32 s6, s7;
	s6 =	sadd.s32 $0x2, s6;
	v6 =	vmul.f32 v6, v1;
	v9 =	vld [tilespmem:s15+$0xFFFFFFE0];
	[tilespmem:s15+$0xFFFFFFF0] =	vst v8  }
0xa4: {  	s18 =	sadd.s32 $0x52, s14;
	s14 =	sadd.s32 $0x53, s14;
	p2 =	slt.u32 s6, $0x4E;
	[tilespmem:s15+$0xFFFFFF80] =	vst v7;
	v5 =	vmul.f32 v5, v1;
	v7 =	vld [tilespmem:s15+$0x0]  }
0xa5: {  	v8 =	vmov s18;
	v10 =	vmov s14;
	[tilespmem:s15+$0xFFFFFF90] =	vst v6;
	v4 =	vmul.f32 v4, v1;
	v6 =	vld [tilespmem:s15+$0x10]  }
0xa6: {  	v8 =	vand.u32 $0xFFFFFFFE, v8;
	[tilespmem:s15+$0xFFFFFFA0] =	vst v5;
	v2 =	vmul.f32 v2, v1;
	v5 =	vld [tilespmem:s15+$0x20]  }
0xa7: {  	v8 =	vbroadcast v8, $0x0;
	[tilespmem:s15+$0xFFFFFFB0] =	vst v4;
	v3 =	vmul.f32 v3, v1;
	v4 =	vld [tilespmem:s15+$0x30]  }
0xa8: {  	[tilespmem:s15+$0xFFFFFFC0] =	vst v2;
	v1 =	vmul.f32 v9, v1;
	v2 =	vld [tilespmem:s15+$0x40]  }
0xa9: {  	[tilespmem:s15+$0xFFFFFFD0] =	vst v3;
	v3 =	vmul.f32 v7, v0;
	v7 =	vld [tilespmem:s15+$0x50]  }
0xaa: {  	v9 =	vld.idx.msk [tilespmem:v10+s3+$0x0], $0xffff;
	[tilespmem:s15+$0xFFFFFFE0] =	vst v1;
	v1 =	vmul.f32 v6, v0  }
0xab: {  	[tilespmem:s15+$0x0] =	vst v3;
	v3 =	vmul.f32 v5, v0;
	v5 =	vld [tilespmem:s15+$0x60]  }
0xac: {  	[tilespmem:s15+$0x10] =	vst v1;
	v4 =	vmul.f32 v4, v0;
	v10 =	vld [tilespmem:s15+$0x70]  }
0xad: {  	s15 =	sadd.s32 $0x100, s15;
	v1 =	vld.idx.msk [tilespmem:v8+s3+$0x0], $0xffff;
	[tilespmem:s9+$0x20] =	vst v3;
	v2 =	vmul.f32 v2, v0  }
0xae: {  	v3 =	vld [tilespmem:s15+$0xFFFFFFF0];
	[tilespmem:s9+$0x30] =	vst v4;
	v4 =	vmul.f32 v7, v0  }
0xaf: {  	v7 =	vld [tilespmem:s15+$0xFFFFFF80];
	[tilespmem:s9+$0x40] =	vst v2  }
.Ltmp3:
0xb0: {  	v6 =	vld [tilespmem:s15+$0xFFFFFF90];
	[tilespmem:s9+$0x50] =	vst v4;
	v2 =	vmul.f32 v5, v0;
	(pc) =	sbr.rel @p2 .LBB2_5-.Ltmp3, $4  }
0xb1: {  	v5 =	vld [tilespmem:s15+$0xFFFFFFA0];
	v10 =	vmul.f32 v10, v0;
	v0 =	vmov v9  }
0xb2: {  	v4 =	vld [tilespmem:s15+$0xFFFFFFB0];
	[tilespmem:s9+$0x60] =	vst v2  }
0xb3: {  	v2 =	vld [tilespmem:s15+$0xFFFFFFC0];
	v8 =	vmul.f32 v3, v1;
	[tilespmem:s9+$0x70] =	vst v10;
	s9 =	smov.u32 s15  }
0xb4: {  	v7 =	vmul.f32 v7, v1;
	v3 =	vld [tilespmem:s15+$0xFFFFFFD0]  }
0xb5: {  	v9 =	vld [tilespmem:s15+$0x0];
	v6 =	vmul.f32 v6, v1;
	[tilespmem:s15+$0xFFFFFFF0] =	vst v8  }
0xb6: {  	v8 =	vld [tilespmem:s15+$0x10];
	[tilespmem:s15+$0xFFFFFF80] =	vst v7;
	v5 =	vmul.f32 v5, v1  }
0xb7: {  	v10 =	vld [tilespmem:s15+$0xFFFFFFE0];
	[tilespmem:s15+$0xFFFFFF90] =	vst v6;
	v4 =	vmul.f32 v4, v1  }
0xb8: {  	v7 =	vld [tilespmem:s15+$0x20];
	[tilespmem:s15+$0xFFFFFFA0] =	vst v5;
	v2 =	vmul.f32 v2, v1  }
0xb9: {  	v6 =	vld [tilespmem:s15+$0x30];
	[tilespmem:s15+$0xFFFFFFB0] =	vst v4;
	v3 =	vmul.f32 v3, v1  }
0xba: {  	v5 =	vld [tilespmem:s15+$0x40];
	v9 =	vmul.f32 v9, v0;
	[tilespmem:s15+$0xFFFFFFC0] =	vst v2  }
0xbb: {  	v4 =	vld [tilespmem:s15+$0x50];
	v8 =	vmul.f32 v8, v0;
	[tilespmem:s15+$0xFFFFFFD0] =	vst v3  }
0xbc: {  	v2 =	vld [tilespmem:s15+$0x60];
	v1 =	vmul.f32 v10, v1;
	[tilespmem:s15+$0x0] =	vst v9  }
0xbd: {  	v3 =	vmul.f32 v7, v0;
	v7 =	vld [tilespmem:s15+$0x70];
	[tilespmem:s15+$0x10] =	vst v8  }
0xbe: {  	[tilespmem:s15+$0xFFFFFFE0] =	vst v1;
	v1 =	vmul.f32 v6, v0  }
0xbf: {  	[tilespmem:s9+$0x20] =	vst v3;
	v3 =	vmul.f32 v5, v0  }
0xc0: {  	[tilespmem:s9+$0x30] =	vst v1;
	v1 =	vmul.f32 v4, v0  }
0xc1: {  	[tilespmem:s9+$0x40] =	vst v3;
	v2 =	vmul.f32 v2, v0  }
0xc2: {  	s6 =	sshll.u32 s11, $0x7;
	s14 =	sadd.s32 $0xFFFFFFFE, s7;
	[tilespmem:s9+$0x50] =	vst v1;
	v0 =	vmul.f32 v7, v0  }
0xc3: {  	s6 =	sand.u32 $0x3FFFFF80, s6;
	s15 =	sadd.s32 $0xA2, s14;
	[tilespmem:s9+$0x60] =	vst v2  }
0xc4: {  	s18 =	sadd.s32 $0xA3, s14;
	s6 =	sadd.s32 $0x2780, s6;
	[tilespmem:s9+$0x70] =	vst v0;
	v0 =	vmov s15  }
0xc5: {  	v1 =	vmov s18;
	[spmem:s2] =	stream.indirect.scatter.add.f32 [tilespmem:s23], [sflag:$0x3], $0x80, s6, s22, $0xb8;
	v0 =	vand.u32 $0xFFFFFFFE, v0;
	[tilespmem:$0x1F100] =	vst v63  }
0xc6: {  	s6 =	sadd.s32 @!p1 s10, s13;
	_ =	swait.ge [sflag:s28], $0x2800;
	v2 =	vbroadcast v0, $0x0  }
0xc7: {  	s9 =	simm.s32 @!p1 $0x0;
	s6 =	sshrl.u32 @!p1 s6, $0x3;
	[sflag:s28] =	ssyncset.done $0x0  }
0xc8: {  	s10 =	simm.s32 @!p1 $0x6800;
	s6 =	sadd.s32 @!p1 s5, s6;
	[sflag:s28] =	ssyncadd.s32 $0xFFFFD800  }
0xc9: {  	[tilespmem:s10], [sflag:$0x6] =	stream.linear.gather @!p1 [hbm4b:s6+s9], $0x50, $0x38;
	[tilespmem:$0x1F100] =	vst v63  }
0xca: {  	s10 =	simm.s32 $0x9100;
	v0 =	vld.idx.msk [tilespmem:v1+s3+$0x0], $0xffff  }
0xcb: {  	v3 =	vld [tilespmem:s10+$0xFFFFFFF0]  }
0xcc: {  	v1 =	vld.idx.msk [tilespmem:v2+s3+$0x0], $0xffff  }
0xcd: {  	v7 =	vld [tilespmem:s10+$0xFFFFFF80]  }
0xce: {  	v6 =	vld [tilespmem:s10+$0xFFFFFF90]  }
0xcf: {  	v5 =	vld [tilespmem:s10+$0xFFFFFFA0]  }
0xd0: {  	v4 =	vld [tilespmem:s10+$0xFFFFFFB0]  }
0xd1: {  	v2 =	vld [tilespmem:s10+$0xFFFFFFC0];
	v8 =	vmul.f32 v3, v1  }
0xd2: {  	s6 =	simm.s32 $0x0;
	s9 =	simm.s32 $0x9100;
	v7 =	vmul.f32 v7, v1;
	v3 =	vld [tilespmem:s10+$0xFFFFFFD0]  }
.LBB2_7:
0xd3: {  	s11 =	sadd.s32 s6, s7;
	s6 =	sadd.s32 $0x2, s6;
	v6 =	vmul.f32 v6, v1;
	v9 =	vld [tilespmem:s10+$0xFFFFFFE0];
	[tilespmem:s10+$0xFFFFFFF0] =	vst v8  }
0xd4: {  	s14 =	sadd.s32 $0xA2, s11;
	s11 =	sadd.s32 $0xA3, s11;
	p2 =	slt.u32 s6, $0x4E;
	[tilespmem:s10+$0xFFFFFF80] =	vst v7;
	v5 =	vmul.f32 v5, v1;
	v7 =	vld [tilespmem:s10+$0x0]  }
0xd5: {  	v8 =	vmov s14;
	v10 =	vmov s11;
	[tilespmem:s10+$0xFFFFFF90] =	vst v6;
	v4 =	vmul.f32 v4, v1;
	v6 =	vld [tilespmem:s10+$0x10]  }
0xd6: {  	v8 =	vand.u32 $0xFFFFFFFE, v8;
	[tilespmem:s10+$0xFFFFFFA0] =	vst v5;
	v2 =	vmul.f32 v2, v1;
	v5 =	vld [tilespmem:s10+$0x20]  }
0xd7: {  	v8 =	vbroadcast v8, $0x0;
	[tilespmem:s10+$0xFFFFFFB0] =	vst v4;
	v3 =	vmul.f32 v3, v1;
	v4 =	vld [tilespmem:s10+$0x30]  }
0xd8: {  	[tilespmem:s10+$0xFFFFFFC0] =	vst v2;
	v1 =	vmul.f32 v9, v1;
	v2 =	vld [tilespmem:s10+$0x40]  }
0xd9: {  	[tilespmem:s10+$0xFFFFFFD0] =	vst v3;
	v3 =	vmul.f32 v7, v0;
	v7 =	vld [tilespmem:s10+$0x50]  }
0xda: {  	v9 =	vld.idx.msk [tilespmem:v10+s3+$0x0], $0xffff;
	[tilespmem:s10+$0xFFFFFFE0] =	vst v1;
	v1 =	vmul.f32 v6, v0  }
0xdb: {  	[tilespmem:s10+$0x0] =	vst v3;
	v3 =	vmul.f32 v5, v0;
	v5 =	vld [tilespmem:s10+$0x60]  }
0xdc: {  	[tilespmem:s10+$0x10] =	vst v1;
	v4 =	vmul.f32 v4, v0;
	v10 =	vld [tilespmem:s10+$0x70]  }
0xdd: {  	s10 =	sadd.s32 $0x100, s10;
	v1 =	vld.idx.msk [tilespmem:v8+s3+$0x0], $0xffff;
	[tilespmem:s9+$0x20] =	vst v3;
	v2 =	vmul.f32 v2, v0  }
0xde: {  	v3 =	vld [tilespmem:s10+$0xFFFFFFF0];
	[tilespmem:s9+$0x30] =	vst v4;
	v4 =	vmul.f32 v7, v0  }
0xdf: {  	v7 =	vld [tilespmem:s10+$0xFFFFFF80];
	[tilespmem:s9+$0x40] =	vst v2  }
.Ltmp4:
0xe0: {  	v6 =	vld [tilespmem:s10+$0xFFFFFF90];
	[tilespmem:s9+$0x50] =	vst v4;
	v2 =	vmul.f32 v5, v0;
	(pc) =	sbr.rel @p2 .LBB2_7-.Ltmp4, $4  }
0xe1: {  	v5 =	vld [tilespmem:s10+$0xFFFFFFA0];
	v10 =	vmul.f32 v10, v0;
	v0 =	vmov v9  }
0xe2: {  	v4 =	vld [tilespmem:s10+$0xFFFFFFB0];
	[tilespmem:s9+$0x60] =	vst v2  }
0xe3: {  	v2 =	vld [tilespmem:s10+$0xFFFFFFC0];
	v8 =	vmul.f32 v3, v1;
	[tilespmem:s9+$0x70] =	vst v10;
	s9 =	smov.u32 s10  }
0xe4: {  	v7 =	vmul.f32 v7, v1;
	v3 =	vld [tilespmem:s10+$0xFFFFFFD0]  }
0xe5: {  	v9 =	vld [tilespmem:s10+$0x0];
	v6 =	vmul.f32 v6, v1;
	[tilespmem:s10+$0xFFFFFFF0] =	vst v8  }
0xe6: {  	v51 =	vld [tilespmem:s10+$0x10];
	[tilespmem:s10+$0xFFFFFF80] =	vst v7;
	v5 =	vmul.f32 v5, v1  }
0xe7: {  	v10 =	vld [tilespmem:s10+$0xFFFFFFE0];
	[tilespmem:s10+$0xFFFFFF90] =	vst v6;
	v4 =	vmul.f32 v4, v1  }
0xe8: {  	v52 =	vld [tilespmem:s10+$0x20];
	[tilespmem:s10+$0xFFFFFFA0] =	vst v5;
	v2 =	vmul.f32 v2, v1  }
0xe9: {  	v53 =	vld [tilespmem:s10+$0x30];
	[tilespmem:s10+$0xFFFFFFB0] =	vst v4;
	v3 =	vmul.f32 v3, v1  }
0xea: {  	v54 =	vld [tilespmem:s10+$0x40];
	v9 =	vmul.f32 v9, v0;
	[tilespmem:s10+$0xFFFFFFC0] =	vst v2  }
0xeb: {  	v55 =	vld [tilespmem:s10+$0x50];
	v8 =	vmul.f32 v51, v0;
	[tilespmem:s10+$0xFFFFFFD0] =	vst v3  }
0xec: {  	v56 =	vld [tilespmem:s10+$0x60];
	v57 =	vmul.f32 v10, v1;
	[tilespmem:s10+$0x0] =	vst v9  }
0xed: {  	v59 =	vld [tilespmem:s10+$0x70];
	v58 =	vmul.f32 v52, v0;
	[tilespmem:s10+$0x10] =	vst v8  }
0xee: {  	v60 =	vmul.f32 v53, v0;
	[tilespmem:s10+$0xFFFFFFE0] =	vst v57  }
0xef: {  	v61 =	vmul.f32 v54, v0;
	[tilespmem:s9+$0x20] =	vst v58  }
0xf0: {  	v62 =	vmul.f32 v55, v0;
	[tilespmem:s9+$0x30] =	vst v60  }
0xf1: {  	v2 =	vmul.f32 v56, v0;
	[tilespmem:s9+$0x40] =	vst v61  }
0xf2: {  	s6 =	sshll.u32 s17, $0x7;
	v63 =	vmul.f32 v59, v0;
	[tilespmem:s9+$0x50] =	vst v62  }
0xf3: {  	s6 =	sand.u32 $0x3FFFFF80, s6;
	[tilespmem:s9+$0x60] =	vst v2  }
.Ltmp5:
0xf4: {  	s6 =	sadd.s32 $0x2780, s6;
	[tilespmem:s9+$0x70] =	vst v63;
	(pc) =	sbr.rel @p1 .LBB2_10-.Ltmp5, $4  }
0xf5: {  	[spmem:s2] =	stream.indirect.scatter.add.f32 [tilespmem:s26], [sflag:$0x4], $0x80, s6, s22, $0xb8;
	[tilespmem:$0x1F100] =	vst v63  }
0xf6: {  	_ =	swait.ge [sflag:s29], $0x2800  }
0xf7: {  	[sflag:s29] =	ssyncset.done $0x0  }
0xf8: {  	[sflag:s29] =	ssyncadd.s32 $0xFFFFD800  }
0xf9: {  	_ =	swait.ge [sflag:s31], $0x50  }
0xfa: {  	[sflag:s31] =	ssyncset.done $0x0  }
0xfb: {  	[sflag:s31] =	ssyncadd.s32 $0xFFFFFFB0  }
0xfc: {  	[tilespmem:s23], [sflag:$0x1] =	stream.indirect.gather [hbm4b:s4+s22], $0x80, s21, s22, $0xb8;
	[tilespmem:$0x1F100] =	vst v63  }
0xfd: {  	_ =	swait.ge [sflag:s30], $0x2800  }
0xfe: {  	[sflag:s30] =	ssyncset.done $0x0  }
.Ltmp6:
0xff: {  	[sflag:s30] =	ssyncadd.s32 $0xFFFFD800;
	(pc) =	sbr.rel .LBB2_4-.Ltmp6, $4  }
0x100: {  	_ =	swait.ge [sflag:s1], $0x50  }
0x101: {  	[sflag:s1] =	ssyncset.done $0x0  }
0x102: {  	s8 =	sadd.s32 $0x1, s8;
	s7 =	sadd.s32 $0xA0, s7;
	[sflag:s1] =	ssyncadd.s32 $0xFFFFFFB0  }
0x103: {  	[tilespmem:s26], [sflag:$0x2] =	stream.indirect.gather [hbm4b:s4+s22], $0x80, s25, s22, $0xb8;
	[tilespmem:$0x1F100] =	vst v63  }
.LBB2_11:
0x104: {  	_ =	sfence.sel $0x180000  }
0x105: {  	[bflag:$0x0] =	sbarrier.arrive $0xFFFF  }
0x106: {  	_ =	strace $0x90000050  }
0x107: {  	s0 =	stileid.u32;
	[bflag:$0x2] =	sbarrier.arrive $0xFFFF  }
0x108: {  	p0 =	sne.s32 s0, $0x0;
	s0 =	rddreg [dreg:$0x2]  }
0x109: {  	s0 =	sadd.s32 @!p0 $0x100000, s0  }
0x10a: {  	[sflag:s0] =	ssyncadd.tile.s32 @!p0 $0x1;
	_ =	shalt  }
.Lfunc_end2:
_tile_overlayer_lowered:
.L_overlay_start_2:
0x10b: {  	(tag) =	ssettag $0x2  }
0x10c: {  	s0 =	rddreg [dreg:$0x0];
	s2 =	stileid.u32  }
0x10d: {  	s1 =	rddreg [dreg:$0x1];
	p0 =	sne.s32 s2, $0x0  }
0x10e: {  	s3 =	rddreg [dreg:$0x2];
	[bflag:$0x3] =	sbarrier.arrive $0xFFFF;
	s2 =	simm.s32 @!p0 $0x1C07  }
0x10f: {  	[timem:s3], [sflag:s2] =	dma.local @!p0 [hbm:s0], s1  }
0x110: {  	s0 =	simm.s32 @!p0 $0x7  }
0x111: {  	_ =	swait.ge @!p0 [sflag:s0], s1  }
0x112: {  	s1 =	ssub.s32 @!p0 $0x0, s1;
	[sflag:s0] =	ssyncset.done @!p0 $0x0  }
0x113: {  	[sflag:s0] =	ssyncadd.s32 @!p0 s1  }
0x114: {  	[bflag:$0x3] =	sbarrier.arrive $0xFFFF  }
0x115: {  	_ =	shalt  }

// kernel: kernel.24.cloned.1.call-start
scs
__scs_entry_jumppad:
0x0: {  	(pc) =	sbr.rel $0x88, $3  }
0x1: {  	(tag) =	ssettag $0x0;
	lr =	simm.s32 $0x1  }
0x2: {  	[smem:$0x3F98] =	sst lr;
	_ =	strace $0xD0000000  }
0x3: {  	_ = 	snop  }
0x4: {  	_ = 	snop  }
0x5: {  	_ = 	snop  }
0x6: {  	_ = 	snop  }
0x7: {  	_ = 	snop  }
__scs_overlays_trampoline_lowered:
0x8: {  	[smem:$0x3FA7] =	sst s0  }
0x9: {  	[smem:$0x3FA8] =	sst s1  }
0xa: {  	[smem:$0x3FA9] =	sst s2  }
0xb: {  	[smem:$0x3FAA] =	sst s3  }
0xc: {  	[smem:$0x3FAB] =	sst s4  }
0xd: {  	[smem:$0x3FAC] =	sst s5  }
0xe: {  	[smem:$0x3FAD] =	sst s6  }
0xf: {  	[smem:$0x3FAE] =	sst s7  }
0x10: {  	[smem:$0x3FAF] =	sst s8  }
0x11: {  	[smem:$0x3FB0] =	sst s9;
	s0 =	simm.s32 @!p0 $0x0  }
0x12: {  	s1 =	sld [smem:$0x3F96];
	s0 =	simm.s32 @p0 $0x1  }
0x13: {  	[smem:$0x3FB1] =	sst s0;
	s0 =	simm.s32 @!p1 $0x0  }
0x14: {  	s2 =	sld [smem:$0x3F95];
	s0 =	simm.s32 @p1 $0x1  }
0x15: {  	[smem:$0x3FB2] =	sst s0;
	s0 =	simm.s32 @!p2 $0x0  }
0x16: {  	s3 =	sld [smem:$0x3FDB];
	s0 =	simm.s32 @p2 $0x1  }
0x17: {  	s4 =	simm.s32 $0x1BF5;
	[smem:$0x3FB4] =	sst s0  }
0x18: {  	s0 =	sld [smem:$0x3F97];
	_ =	swait.ge [sflag:s4], $0x0  }
0x19: {  	s7 =	sld [smem:$0x3F98]  }
0x1a: {  	s8 =	sadd.s32 $0xFFFFE003, lr  }
0x1b: {  	s9 =	sadd.s32 $0xFFFFFEF7, lr;
	s5 =	simm.s32 $0xFFFFFFFF;
	p2 =	slt.u32 s8, $0xFFFFF086  }
0x1c: {  	p1 =	slt.u32 s9, $0xF7A;
	s5 =	simm.s32 @!p2 $0x0  }
0x1d: {  	s5 =	simm.s32 @p1 $0x1;
	p0 =	seq.s32 s7, s2  }
0x1e: {  	s7 =	smul.u32 @!p0 $0xF7A, s2;
	p2 =	seq.s32 @!p0 s5, $0x0  }
0x1f: {  	s9 =	smul.u32 $0xF7A, s1;
	s8 =	simm.s32 @!p0 $0x1BF5;
	p2 =	por !p2, p0  }
0x20: {  	[sflag:s8] =	ssyncset.s32 @!p0 $0xFFFFF086;
	s6 =	sadd.s32 @!p0 s3, s7;
	s7 =	simm.s32 @!p0 $0x108  }
0x21: {  	s3 =	sadd.s32 s3, s9;
	s6 =	sadd.s32 @!p0 $0x88, s6;
	s7 =	simm.s32 @p2 $0x1082  }
0x22: {  	[simem:s7], [sflag:s8] =	dma.local @!p0 [hbm:s6], $0xF7A  }
0x23: {  	s9 =	sor.u32 $0xD0000000, s2;
	s6 =	simm.s32 $0x108;
	_ =	swait.ge @!p0 [sflag:s8], $0x0  }
0x24: {  	s3 =	sadd.s32 $0x88, s3;
	s6 =	simm.s32 @!p1 $0x1082;
	[sflag:s4] =	ssyncset.s32 $0xFFFFF086  }
0x25: {  	[simem:s6], [sflag:s4] =	dma.local [hbm:s3], $0xF7A  }
0x26: {  	[smem:$0x3F98] =	sst s1;
	(tag) =	ssettag s2;
	_ =	strace s9  }
0x27: {  	s1 =	sld [smem:$0x3FA8]  }
0x28: {  	s2 =	sld [smem:$0x3FA9]  }
0x29: {  	s4 =	sld [smem:$0x3FAB]  }
0x2a: {  	p0 =	seq.s32 s5, $0x0;
	s5 =	sld [smem:$0x3FAC]  }
0x2b: {  	s6 =	sld [smem:$0x3FAD]  }
0x2c: {  	s7 =	sld [smem:$0x3FAE]  }
0x2d: {  	s3 =	simm.s32 $0x108;
	s8 =	sld [smem:$0x3FAF]  }
0x2e: {  	s3 =	simm.s32 @!p0 $0x1082;
	s9 =	sld [smem:$0x3FB0]  }
0x2f: {  	lr =	sadd.s32 s0, s3;
	s0 =	sld [smem:$0x3FA7]  }
0x30: {  	s3 =	sld [smem:$0x3FAA]  }
0x31: {  	[smem:$0x3FB3] =	sst s10  }
0x32: {  	s10 =	sld [smem:$0x3FB1];
	_ =	sdelay $0x3  }
0x33: {  	p0 =	seq.s32 s10, $0x1;
	s10 =	sld [smem:$0x3FB3];
	_ =	sdelay $0x3  }
0x34: {  	[smem:$0x3FB3] =	sst s10  }
0x35: {  	s10 =	sld [smem:$0x3FB2];
	_ =	sdelay $0x3  }
0x36: {  	p1 =	seq.s32 s10, $0x1;
	s10 =	sld [smem:$0x3FB3];
	_ =	sdelay $0x3  }
0x37: {  	[smem:$0x3FB3] =	sst s10  }
0x38: {  	s10 =	sld [smem:$0x3FB4]  }
0x39: {  	_ = 	snop;
	(pc) =	sbr.ind lr, $3  }
0x3a: {  	_ = 	snop  }
0x3b: {  	_ = 	snop  }
0x3c: {  	p2 =	seq.s32 s10, $0x1;
	s10 =	sld [smem:$0x3FB3]  }
0x3d: {  	_ =	shalt  }
0x3e: {  	_ =	shalt  }
0x3f: {  	_ =	shalt  }
0x40: {  	_ =	shalt  }
0x41: {  	_ =	shalt  }
0x42: {  	_ =	shalt  }
0x43: {  	_ =	shalt  }
0x44: {  	_ =	shalt  }
0x45: {  	_ =	shalt  }
0x46: {  	_ =	shalt  }
0x47: {  	_ =	shalt  }
0x48: {  	_ =	shalt  }
0x49: {  	_ =	shalt  }
0x4a: {  	_ =	shalt  }
0x4b: {  	_ =	shalt  }
0x4c: {  	_ =	shalt  }
0x4d: {  	_ =	shalt  }
0x4e: {  	_ =	shalt  }
0x4f: {  	_ =	shalt  }
0x50: {  	_ =	shalt  }
0x51: {  	_ =	shalt  }
0x52: {  	_ =	shalt  }
0x53: {  	_ =	shalt  }
0x54: {  	_ =	shalt  }
0x55: {  	_ =	shalt  }
0x56: {  	_ =	shalt  }
0x57: {  	_ =	shalt  }
0x58: {  	_ =	shalt  }
0x59: {  	_ =	shalt  }
0x5a: {  	_ =	shalt  }
0x5b: {  	_ =	shalt  }
0x5c: {  	_ =	shalt  }
0x5d: {  	_ =	shalt  }
0x5e: {  	_ =	shalt  }
0x5f: {  	_ =	shalt  }
0x60: {  	_ =	shalt  }
0x61: {  	_ =	shalt  }
0x62: {  	_ =	shalt  }
0x63: {  	_ =	shalt  }
0x64: {  	_ =	shalt  }
0x65: {  	_ =	shalt  }
0x66: {  	_ =	shalt  }
0x67: {  	_ =	shalt  }
0x68: {  	_ =	shalt  }
0x69: {  	_ =	shalt  }
0x6a: {  	_ =	shalt  }
0x6b: {  	_ =	shalt  }
0x6c: {  	_ =	shalt  }
0x6d: {  	_ =	shalt  }
0x6e: {  	_ =	shalt  }
0x6f: {  	_ =	shalt  }
0x70: {  	_ =	shalt  }
0x71: {  	_ =	shalt  }
0x72: {  	_ =	shalt  }
0x73: {  	_ =	shalt  }
0x74: {  	_ =	shalt  }
0x75: {  	_ =	shalt  }
0x76: {  	_ =	shalt  }
0x77: {  	_ =	shalt  }
0x78: {  	_ =	shalt  }
0x79: {  	_ =	shalt  }
0x7a: {  	_ =	shalt  }
0x7b: {  	_ =	shalt  }
0x7c: {  	_ =	shalt  }
0x7d: {  	_ =	shalt  }
0x7e: {  	_ =	shalt  }
0x7f: {  	_ =	shalt  }
0x80: {  	_ =	shalt  }
0x81: {  	_ =	shalt  }
0x82: {  	_ =	shalt  }
0x83: {  	_ =	shalt  }
0x84: {  	_ =	shalt  }
0x85: {  	_ =	shalt  }
0x86: {  	_ =	shalt  }
0x87: {  	_ =	shalt  }
.Lfunc_end0:
.L_simem_size_0:
called_computation.4_lowered:
.L_overlay_start_0:
0x88: {  	s2 =	sld [smem:$0x3FD9]  }
0x89: {  	s3 =	sld [smem:$0x3FFE];
	_ =	sdelay $0x1  }
0x8a: {  	s1 =	srdreg.scid  }
0x8b: {  	s0 =	sand.u32 $0x1, s1  }
0x8c: {  	s17 =	sshll.u32 s0, $0xA;
	s2 =	sadd.s32 s3, s2  }
0x8d: {  	s2 =	sadd.s32 s2, s17  }
0x8e: {  	[smem:$0x3FBF] =	sst s2  }
0x8f: {  	_ = 	snop  }
0x90: {  	s2 =	sld [smem:$0x3FD0];
	(tm) =	ssettm $0x1  }
0x91: {  	s18 =	sld [smem:$0x3FFB];
	_ =	sdelay $0x3  }
0x92: {  	_ =	strace s18  }
0x93: {  	s3 =	sld [smem:$0x3FFC];
	_ =	sdelay $0x3  }
0x94: {  	_ =	strace s3  }
0x95: {  	s3 =	sld [smem:$0x3FFD];
	_ =	sdelay $0x3  }
0x96: {  	_ =	strace s3  }
0x97: {  	_ =	strace $0x8FFFFFFF  }
0x98: {  	s19 =	sld [smem:$0x3FDB];
	_ =	sdelay $0x1  }
0x99: {  	s4 =	simm.s32 $_scs_section_size  }
0x9a: {  	s5 =	simm.s32 $_size__tile_overlayer_lowered;
	s6 =	simm.s32 $_tile_overlayer_lowered  }
0x9b: {  	s22 =	simm.s32 $0x1BFF;
	s21 =	sshll.u32 s6, $0x1;
	s3 =	sadd.s32 s4, s19  }
0x9c: {  	s7 =	simm.s32 $0x0;
	s20 =	sshll.u32 s5, $0x1;
	s5 =	sadd.s32 s21, s3  }
0x9d: {  	[timem:s7], [sflag:s22] =	dma.local [hbm:s5], s20  }
0x9e: {  	_ =	swait.ge [sflag:s22], s20  }
0x9f: {  	s4 =	ssub.s32 $0x0, s20;
	[sflag:s22] =	ssyncset.done $0x0  }
0xa0: {  	[sflag:s22] =	ssyncadd.s32 s4;
	_ =	sdelay $0x1  }
0xa1: {  	s23 =	simm.s32 $0x1B8B  }
0xa2: {  	_ =	swait.ge [sflag:s23], $0x1  }
0xa3: {  	[sflag:s23] =	ssyncset.done $0x0  }
0xa4: {  	s25 =	simm.s32 $0x1B8E;
	s24 =	sld [smem:$0x3FFE];
	[sflag:s23] =	ssyncadd.s32 $0xFFFFFFFF  }
0xa5: {  	s26 =	simm.s32 $execute0_lowered;
	[smem:$0x3FD2] =	sst s25  }
0xa6: {  	s5 =	sshll.u32 s26, $0x1;
	_ =	strace $0x80000052;
	[dreg:$0x1] =	wrdreg $0xFFFFFFFF  }
0xa7: {  	s28 =	simm.s32 $_size_execute0_lowered;
	s3 =	sadd.s32 s3, s5;
	[dreg:$0x0] =	wrdreg $0x0  }
0xa8: {  	s5 =	sshll.u32 s28, $0x1;
	[dreg:$0x2] =	wrdreg s3  }
0xa9: {  	[dreg:$0x3] =	wrdreg s5  }
0xaa: {  	[dreg:$0x4] =	wrdreg $0xC0  }
0xab: {  	_ =	task [dreg:s7], $0x5FFFF  }
0xac: {  	[dreg:$0x1] =	wrdreg $0xFFFFFFFF  }
0xad: {  	[dreg:$0x0] =	wrdreg $0x60  }
0xae: {  	[dreg:$0x2] =	wrdreg s24  }
0xaf: {  	[dreg:$0x3] =	wrdreg s2  }
0xb0: {  	[dreg:$0x4] =	wrdreg $0x11E000  }
0xb1: {  	[dreg:$0x5] =	wrdreg $0x9  }
0xb2: {  	_ =	task.clear_ibuf [dreg:s7], $0x6FFFF;
	_ =	strace $0x90000052  }
0xb3: {  	s29 =	simm.s32 $0x9;
	_ =	strace $0x80000054  }
0xb4: {  	_ =	swait.ge [sflag:s29], $0x1  }
0xb5: {  	[sflag:s29] =	ssyncadd.s32 $0xFFFFFFFF  }
0xb6: {  	_ =	strace $0x90000054  }
0xb7: {  	_ =	sfence  }
0xb8: {  	s30 =	sld [smem:$0x0];
	_ =	sdelay $0x2  }
0xb9: {  	s31 =	sshll.u32 s1, $0xD;
	s1 =	sshrl.u32 s1, $0x2  }
0xba: {  	s3 =	sand.u32 $0x4000, s31;
	s1 =	sadd.s32 s1, s30  }
0xbb: {  	s0 =	sor.u32 s3, s0;
	s1 =	sshll.u32 s1, $0x11  }
0xbc: {  	s0 =	sor.u32 s1, s0  }
0xbd: {  	s0 =	sadd.s32 $0x8F2B, s0  }
0xbe: {  	[sflag:s0] =	ssyncadd.remote.s32 $0x1  }
0xbf: {  	_ =	sfence.sel $0xFFFF  }
0xc0: {  	[dreg:$0x0] =	wrdreg $0xFFFFFFFF;
	(pc) =	sbr.abs _section_cstart, $3  }
0xc1: {  	[dreg:$0x1] =	wrdreg $0xFFFFFFFF  }
0xc2: {  	_ =	task.clear_ibuf [dreg:s7], $0x2FFFF;
	_ =	strace $0x9FFFFFFF  }
0xc3: {  	(tm) =	ssettm $0x7FFFFFFF  }
tec
execute0_lowered:
.L_overlay_start_1:
0x0: {  	(tag) =	ssettag $0x1  }
0x1: {  	s5 =	rddreg [dreg:$0x0]  }
0x2: {  	s1 =	rddreg [dreg:$0x1]  }
0x3: {  	s2 =	rddreg [dreg:$0x2]  }
0x4: {  	s0 =	rddreg [dreg:$0x3];
	s4 =	srdreg.scid  }
0x5: {  	s10 =	stileid.u32;
	s3 =	simm.s32 $0x0;
	s12 =	simm.s32 $0x4F00  }
0x6: {  	s13 =	simm.s32 $0x7680;
	s14 =	simm.s32 $0x50;
	s15 =	simm.s32 $0x1  }
0x7: {  	s16 =	simm.s32 $0x0;
	s6 =	sand.u32 $0x1, s4;
	s31 =	sshll.u32 s10, $0x1  }
0x8: {  	[smem:$0x7FF] =	sst s3;
	s4 =	sadd.s32 $0xB200, s5;
	p0 =	sne.s32 s10, $0x0  }
0x9: {  	s10 =	simm.s32 $0x2;
	s7 =	sor.u32 s6, s31;
	s9 =	smul.u32 $0x4E2, s6  }
0xa: {  	s6 =	ssub.s32 $0x2, s6;
	s8 =	smul.u32 $0x4E2, s7;
	s7 =	sshll.u32 s7, $0xB  }
0xb: {  	_ =	strace $0x80000053;
	s11 =	sshrl.u32 s6, $0x1;
	s7 =	sadd.s32 s7, s5  }
0xc: {  	s9 =	sadd.s32 s9, s5;
	s11 =	ssub.s32 s6, s11;
	s8 =	sadd.s32 s8, s5  }
0xd: {  	s7 =	sadd.s32 $0x15000, s7;
	s5 =	sadd.s32 $0x1400, s8;
	s6 =	sadd.s32 $0x2F400, s8  }
0xe: {  	s8 =	sadd.s32 $0xB800, s9;
	s9 =	smax.u32 s11, $0x1;
	s11 =	simm.s32 $0x2780  }
.LBB2_1:
0xf: {  	[tilespmem:s3], [sflag:$0x2] =	stream.linear.gather [hbm4b:s4+s3], $0x2780, $0x38;
	[tilespmem:$0x12078] =	vst v63  }
0x10: {  	_ =	swait.ge [sflag:s10], $0x2780  }
0x11: {  	[sflag:s10] =	ssyncset.done $0x0  }
0x12: {  	[sflag:s10] =	ssyncadd.s32 $0xFFFFD880  }
0x13: {  	[tilespmem:s11], [sflag:$0x2] =	stream.linear.gather [hbm4b:s5+s3], $0x2710, $0x38;
	[tilespmem:$0x12078] =	vst v63  }
0x14: {  	_ =	swait.ge [sflag:s10], $0x2710  }
0x15: {  	[sflag:s10] =	ssyncset.done $0x0  }
0x16: {  	[sflag:s10] =	ssyncadd.s32 $0xFFFFD8F0  }
0x17: {  	[tilespmem:s12], [sflag:$0x2] =	stream.linear.gather [hbm4b:s6+s3], $0x2710, $0x38;
	[tilespmem:$0x12078] =	vst v63  }
0x18: {  	_ =	swait.ge [sflag:s10], $0x2710  }
0x19: {  	[sflag:s10] =	ssyncset.done $0x0  }
0x1a: {  	[sflag:s10] =	ssyncadd.s32 $0xFFFFD8F0  }
0x1b: {  	[tilespmem:s13], [sflag:$0x2] =	stream.linear.gather [hbm4b:s7+s3], $0x3E80, $0x38;
	[tilespmem:$0x12078] =	vst v63  }
0x1c: {  	_ =	swait.ge [sflag:s10], $0x3E80  }
0x1d: {  	[sflag:s10] =	ssyncset.done $0x0  }
0x1e: {  	s17 =	simm.s32 @!p0 $0x0;
	s18 =	simm.s32 @!p0 $0xF680;
	[sflag:s10] =	ssyncadd.s32 $0xFFFFC180  }
0x1f: {  	[tilespmem:s18], [sflag:$0x2] =	stream.linear.gather @!p0 [hbm4b:s1+s17], $0x2780, $0x38;
	[tilespmem:$0x12078] =	vst v63  }
0x20: {  	s17 =	simm.s32 @!p0 $0x2  }
0x21: {  	_ =	swait.ge @!p0 [sflag:s17], $0x2780  }
0x22: {  	[sflag:s17] =	ssyncset.done @!p0 $0x0  }
0x23: {  	[sflag:s17] =	ssyncadd.s32 @!p0 $0xFFFFD880  }
0x24: {  	[spmem:s2] =	stream.linear.scatter @!p0 [tilespmem:s18], [sflag:$0x2], $0x2780, $0x38;
	[tilespmem:$0x12078] =	vst v63  }
0x25: {  	_ =	swait.ge @!p0 [sflag:s17], $0x2780  }
0x26: {  	[sflag:s17] =	ssyncset.done @!p0 $0x0  }
0x27: {  	s19 =	simm.s32 $0x0;
	[sflag:s17] =	ssyncadd.s32 @!p0 $0xFFFFD880  }
0x28: {  	s18 =	simm.s32 $0x2840;
	s17 =	simm.s32 $0x4FC0;
	[bflag:$0x0] =	sbarrier.arrive $0xFFFF  }
.LBB2_2:
0x29: {  	v0 =	vld [tilespmem:s18+$0xFFFFFF40];
	_ =	sdelay $0x6  }
0x2a: {  	v1 =	vld [tilespmem:s17+$0xFFFFFF40]  }
0x2b: {  	v0 =	vld.idx.msk [tilespmem:v0+s3+$0x0], $0xffff;
	_ =	sdelay $0x4  }
0x2c: {  	v0 =	vmul.f32 v1, v0  }
0x2d: {  	s20 =	sshra.s32 s19, $0x2  }
0x2e: {  	[tilespmem:s20+$0xB680] =	vst v0  }
0x2f: {  	v0 =	vld [tilespmem:s18+$0xFFFFFF50];
	_ =	sdelay $0x6  }
0x30: {  	v40 =	vld [tilespmem:s17+$0xFFFFFF50]  }
0x31: {  	v0 =	vld.idx.msk [tilespmem:v0+s3+$0x0], $0xffff;
	_ =	sdelay $0x4  }
0x32: {  	v0 =	vmul.f32 v40, v0;
	_ =	sdelay $0x1  }
0x33: {  	[tilespmem:s20+$0xB690] =	vst v0  }
0x34: {  	v0 =	vld [tilespmem:s18+$0xFFFFFF60];
	_ =	sdelay $0x6  }
0x35: {  	v41 =	vld [tilespmem:s17+$0xFFFFFF60]  }
0x36: {  	v0 =	vld.idx.msk [tilespmem:v0+s3+$0x0], $0xffff;
	_ =	sdelay $0x4  }
0x37: {  	v0 =	vmul.f32 v41, v0;
	_ =	sdelay $0x1  }
0x38: {  	[tilespmem:s20+$0xB6A0] =	vst v0  }
0x39: {  	v0 =	vld [tilespmem:s18+$0xFFFFFF70];
	_ =	sdelay $0x6  }
0x3a: {  	v42 =	vld [tilespmem:s17+$0xFFFFFF70]  }
0x3b: {  	v0 =	vld.idx.msk [tilespmem:v0+s3+$0x0], $0xffff;
	_ =	sdelay $0x4  }
0x3c: {  	v0 =	vmul.f32 v42, v0;
	_ =	sdelay $0x1  }
0x3d: {  	[tilespmem:s20+$0xB6B0] =	vst v0  }
0x3e: {  	v0 =	vld [tilespmem:s18+$0xFFFFFF80];
	_ =	sdelay $0x6  }
0x3f: {  	v43 =	vld [tilespmem:s17+$0xFFFFFF80]  }
0x40: {  	v0 =	vld.idx.msk [tilespmem:v0+s3+$0x0], $0xffff;
	_ =	sdelay $0x4  }
0x41: {  	v0 =	vmul.f32 v43, v0;
	_ =	sdelay $0x1  }
0x42: {  	s21 =	sadd.s32 $0xB680, s20;
	s22 =	sadd.s32 $0x7680, s20;
	[tilespmem:s20+$0xB6C0] =	vst v0  }
0x43: {  	[spmem:s2] =	stream.indirect.scatter.add.f32 [tilespmem:s21], [sflag:$0x1], $0x1, s22, s14, $0xb8;
	[tilespmem:$0x12078] =	vst v63  }
0x44: {  	v0 =	vld [tilespmem:s18+$0xFFFFFF90];
	_ =	sdelay $0x6  }
0x45: {  	v44 =	vld [tilespmem:s17+$0xFFFFFF90]  }
0x46: {  	v0 =	vld.idx.msk [tilespmem:v0+s3+$0x0], $0xffff;
	_ =	sdelay $0x4  }
0x47: {  	v0 =	vmul.f32 v44, v0;
	_ =	sdelay $0x1  }
0x48: {  	[tilespmem:s20+$0xB700] =	vst v0  }
0x49: {  	v0 =	vld [tilespmem:s18+$0xFFFFFFA0];
	_ =	sdelay $0x6  }
0x4a: {  	v45 =	vld [tilespmem:s17+$0xFFFFFFA0]  }
0x4b: {  	v0 =	vld.idx.msk [tilespmem:v0+s3+$0x0], $0xffff;
	_ =	sdelay $0x4  }
0x4c: {  	v0 =	vmul.f32 v45, v0;
	_ =	sdelay $0x1  }
0x4d: {  	[tilespmem:s20+$0xB710] =	vst v0  }
0x4e: {  	v0 =	vld [tilespmem:s18+$0xFFFFFFB0];
	_ =	sdelay $0x6  }
0x4f: {  	v46 =	vld [tilespmem:s17+$0xFFFFFFB0]  }
0x50: {  	v0 =	vld.idx.msk [tilespmem:v0+s3+$0x0], $0xffff;
	_ =	sdelay $0x4  }
0x51: {  	v0 =	vmul.f32 v46, v0;
	_ =	sdelay $0x1  }
0x52: {  	[tilespmem:s20+$0xB720] =	vst v0  }
0x53: {  	v0 =	vld [tilespmem:s18+$0xFFFFFFC0];
	_ =	sdelay $0x6  }
0x54: {  	v47 =	vld [tilespmem:s17+$0xFFFFFFC0]  }
0x55: {  	v0 =	vld.idx.msk [tilespmem:v0+s3+$0x0], $0xffff;
	_ =	sdelay $0x4  }
0x56: {  	v0 =	vmul.f32 v47, v0;
	_ =	sdelay $0x1  }
0x57: {  	[tilespmem:s20+$0xB730] =	vst v0  }
0x58: {  	v0 =	vld [tilespmem:s18+$0xFFFFFFD0];
	_ =	sdelay $0x6  }
0x59: {  	v48 =	vld [tilespmem:s17+$0xFFFFFFD0]  }
0x5a: {  	v0 =	vld.idx.msk [tilespmem:v0+s3+$0x0], $0xffff;
	_ =	sdelay $0x4  }
0x5b: {  	v0 =	vmul.f32 v48, v0;
	_ =	sdelay $0x1  }
0x5c: {  	s24 =	sadd.s32 $0xB700, s20;
	s25 =	sadd.s32 $0x7700, s20;
	[tilespmem:s20+$0xB740] =	vst v0  }
0x5d: {  	[spmem:s2] =	stream.indirect.scatter.add.f32 [tilespmem:s24], [sflag:$0x1], $0x1, s25, s14, $0xb8;
	[tilespmem:$0x12078] =	vst v63  }
0x5e: {  	v0 =	vld [tilespmem:s18+$0xFFFFFFE0];
	_ =	sdelay $0x6  }
0x5f: {  	v49 =	vld [tilespmem:s17+$0xFFFFFFE0]  }
0x60: {  	v0 =	vld.idx.msk [tilespmem:v0+s3+$0x0], $0xffff;
	_ =	sdelay $0x4  }
0x61: {  	v0 =	vmul.f32 v49, v0;
	_ =	sdelay $0x1  }
0x62: {  	[tilespmem:s20+$0xB780] =	vst v0  }
0x63: {  	v0 =	vld [tilespmem:s18+$0xFFFFFFF0];
	_ =	sdelay $0x6  }
0x64: {  	v50 =	vld [tilespmem:s17+$0xFFFFFFF0]  }
0x65: {  	v0 =	vld.idx.msk [tilespmem:v0+s3+$0x0], $0xffff;
	_ =	sdelay $0x4  }
0x66: {  	v0 =	vmul.f32 v50, v0;
	_ =	sdelay $0x1  }
0x67: {  	[tilespmem:s20+$0xB790] =	vst v0  }
0x68: {  	v0 =	vld [tilespmem:s18+$0x0];
	_ =	sdelay $0x6  }
0x69: {  	v51 =	vld [tilespmem:s17+$0x0]  }
0x6a: {  	v0 =	vld.idx.msk [tilespmem:v0+s3+$0x0], $0xffff;
	_ =	sdelay $0x4  }
0x6b: {  	v0 =	vmul.f32 v51, v0;
	_ =	sdelay $0x1  }
0x6c: {  	[tilespmem:s20+$0xB7A0] =	vst v0  }
0x6d: {  	v0 =	vld [tilespmem:s18+$0x10];
	_ =	sdelay $0x6  }
0x6e: {  	v52 =	vld [tilespmem:s17+$0x10]  }
0x6f: {  	v0 =	vld.idx.msk [tilespmem:v0+s3+$0x0], $0xffff;
	_ =	sdelay $0x4  }
0x70: {  	v0 =	vmul.f32 v52, v0;
	_ =	sdelay $0x1  }
0x71: {  	[tilespmem:s20+$0xB7B0] =	vst v0  }
0x72: {  	v0 =	vld [tilespmem:s18+$0x20];
	_ =	sdelay $0x6  }
0x73: {  	v53 =	vld [tilespmem:s17+$0x20]  }
0x74: {  	v0 =	vld.idx.msk [tilespmem:v0+s3+$0x0], $0xffff;
	_ =	sdelay $0x4  }
0x75: {  	v0 =	vmul.f32 v53, v0;
	_ =	sdelay $0x1  }
0x76: {  	s26 =	sadd.s32 $0xB780, s20;
	s28 =	sadd.s32 $0x7780, s20;
	[tilespmem:s20+$0xB7C0] =	vst v0  }
0x77: {  	[spmem:s2] =	stream.indirect.scatter.add.f32 [tilespmem:s26], [sflag:$0x1], $0x1, s28, s14, $0xb8;
	[tilespmem:$0x12078] =	vst v63  }
0x78: {  	v0 =	vld [tilespmem:s18+$0x30];
	_ =	sdelay $0x6  }
0x79: {  	v54 =	vld [tilespmem:s17+$0x30]  }
0x7a: {  	v0 =	vld.idx.msk [tilespmem:v0+s3+$0x0], $0xffff;
	_ =	sdelay $0x4  }
0x7b: {  	v0 =	vmul.f32 v54, v0;
	_ =	sdelay $0x1  }
0x7c: {  	[tilespmem:s20+$0xB800] =	vst v0  }
0x7d: {  	v0 =	vld [tilespmem:s18+$0x40];
	_ =	sdelay $0x6  }
0x7e: {  	v55 =	vld [tilespmem:s17+$0x40]  }
0x7f: {  	v0 =	vld.idx.msk [tilespmem:v0+s3+$0x0], $0xffff;
	_ =	sdelay $0x4  }
0x80: {  	v0 =	vmul.f32 v55, v0;
	_ =	sdelay $0x1  }
0x81: {  	[tilespmem:s20+$0xB810] =	vst v0  }
0x82: {  	v0 =	vld [tilespmem:s18+$0x50];
	_ =	sdelay $0x6  }
0x83: {  	v56 =	vld [tilespmem:s17+$0x50]  }
0x84: {  	v0 =	vld.idx.msk [tilespmem:v0+s3+$0x0], $0xffff;
	_ =	sdelay $0x4  }
0x85: {  	v0 =	vmul.f32 v56, v0;
	_ =	sdelay $0x1  }
0x86: {  	[tilespmem:s20+$0xB820] =	vst v0  }
0x87: {  	v0 =	vld [tilespmem:s18+$0x60];
	_ =	sdelay $0x6  }
0x88: {  	v57 =	vld [tilespmem:s17+$0x60]  }
0x89: {  	v0 =	vld.idx.msk [tilespmem:v0+s3+$0x0], $0xffff;
	_ =	sdelay $0x4  }
0x8a: {  	v0 =	vmul.f32 v57, v0;
	_ =	sdelay $0x1  }
0x8b: {  	[tilespmem:s20+$0xB830] =	vst v0  }
0x8c: {  	v0 =	vld [tilespmem:s18+$0x70];
	_ =	sdelay $0x6  }
0x8d: {  	v58 =	vld [tilespmem:s17+$0x70]  }
0x8e: {  	v0 =	vld.idx.msk [tilespmem:v0+s3+$0x0], $0xffff;
	_ =	sdelay $0x4  }
0x8f: {  	v0 =	vmul.f32 v58, v0;
	_ =	sdelay $0x1  }
0x90: {  	s29 =	sadd.s32 $0xB800, s20;
	s30 =	sadd.s32 $0x7800, s20;
	[tilespmem:s20+$0xB840] =	vst v0  }
0x91: {  	[spmem:s2] =	stream.indirect.scatter.add.f32 [tilespmem:s29], [sflag:$0x1], $0x1, s30, s14, $0xb8;
	[tilespmem:$0x12078] =	vst v63  }
0x92: {  	v0 =	vld [tilespmem:s18+$0x80];
	_ =	sdelay $0x6  }
0x93: {  	v59 =	vld [tilespmem:s17+$0x80]  }
0x94: {  	v0 =	vld.idx.msk [tilespmem:v0+s3+$0x0], $0xffff;
	_ =	sdelay $0x4  }
0x95: {  	v0 =	vmul.f32 v59, v0;
	_ =	sdelay $0x1  }
0x96: {  	[tilespmem:s20+$0xB880] =	vst v0  }
0x97: {  	v0 =	vld [tilespmem:s18+$0x90];
	_ =	sdelay $0x6  }
0x98: {  	v60 =	vld [tilespmem:s17+$0x90]  }
0x99: {  	v0 =	vld.idx.msk [tilespmem:v0+s3+$0x0], $0xffff;
	_ =	sdelay $0x4  }
0x9a: {  	v0 =	vmul.f32 v60, v0;
	_ =	sdelay $0x1  }
0x9b: {  	[tilespmem:s20+$0xB890] =	vst v0  }
0x9c: {  	v0 =	vld [tilespmem:s18+$0xA0];
	_ =	sdelay $0x6  }
0x9d: {  	v61 =	vld [tilespmem:s17+$0xA0]  }
0x9e: {  	v0 =	vld.idx.msk [tilespmem:v0+s3+$0x0], $0xffff;
	_ =	sdelay $0x4  }
0x9f: {  	v0 =	vmul.f32 v61, v0;
	_ =	sdelay $0x1  }
0xa0: {  	[tilespmem:s20+$0xB8A0] =	vst v0  }
0xa1: {  	v0 =	vld [tilespmem:s18+$0xB0];
	_ =	sdelay $0x6  }
0xa2: {  	v62 =	vld [tilespmem:s17+$0xB0]  }
0xa3: {  	v0 =	vld.idx.msk [tilespmem:v0+s3+$0x0], $0xffff;
	_ =	sdelay $0x4  }
0xa4: {  	v0 =	vmul.f32 v62, v0;
	_ =	sdelay $0x1  }
0xa5: {  	[tilespmem:s20+$0xB8B0] =	vst v0  }
0xa6: {  	v0 =	vld [tilespmem:s18+$0xC0];
	_ =	sdelay $0x6  }
0xa7: {  	v63 =	vld [tilespmem:s17+$0xC0]  }
0xa8: {  	v0 =	vld.idx.msk [tilespmem:v0+s3+$0x0], $0xffff;
	_ =	sdelay $0x4  }
0xa9: {  	v0 =	vmul.f32 v63, v0;
	_ =	sdelay $0x1  }
0xaa: {  	s31 =	sadd.s32 $0xB880, s20;
	[tilespmem:s20+$0xB8C0] =	vst v0;
	s20 =	sadd.s32 $0x7880, s20  }
0xab: {  	[spmem:s2] =	stream.indirect.scatter.add.f32 [tilespmem:s31], [sflag:$0x1], $0x1, s20, s14, $0xb8;
	[tilespmem:$0x12078] =	vst v63  }
0xac: {  	_ =	swait.ge [sflag:s15], $0x50  }
0xad: {  	[sflag:s15] =	ssyncset.done $0x0  }
0xae: {  	[sflag:s15] =	ssyncadd.s32 $0xFFFFFFB0  }
0xaf: {  	_ =	swait.ge [sflag:s15], $0x50  }
0xb0: {  	[sflag:s15] =	ssyncset.done $0x0  }
0xb1: {  	[sflag:s15] =	ssyncadd.s32 $0xFFFFFFB0  }
0xb2: {  	_ =	swait.ge [sflag:s15], $0x50  }
0xb3: {  	[sflag:s15] =	ssyncset.done $0x0  }
0xb4: {  	[sflag:s15] =	ssyncadd.s32 $0xFFFFFFB0  }
0xb5: {  	p1 =	sne.s32 s19, $0xF000;
	_ =	swait.ge [sflag:s15], $0x50  }
.Ltmp0:
0xb6: {  	[sflag:s15] =	ssyncset.done $0x0;
	(pc) =	sbr.rel @p1 .LBB2_2-.Ltmp0, $4  }
0xb7: {  	[sflag:s15] =	ssyncadd.s32 $0xFFFFFFB0  }
0xb8: {  	_ =	swait.ge [sflag:s15], $0x50  }
0xb9: {  	s19 =	sadd.s32 $0xA00, s19;
	[sflag:s15] =	ssyncset.done $0x0  }
0xba: {  	s17 =	sadd.s32 $0x190, s17;
	s18 =	sadd.s32 $0x190, s18;
	[sflag:s15] =	ssyncadd.s32 $0xFFFFFFB0  }
0xbb: {  	[bflag:$0x0] =	sbarrier.arrive $0xFFFF;
	s17 =	simm.s32 @!p0 $0xF680;
	s18 =	simm.s32 @!p0 $0x2  }
0xbc: {  	[tilespmem:s17], [sflag:$0x2] =	stream.linear.gather @!p0 [spmem:s2], $0x2780, $0x38;
	[tilespmem:$0x12078] =	vst v63  }
0xbd: {  	s16 =	sadd.s32 $0x1, s16;
	_ =	swait.ge @!p0 [sflag:s18], $0x2780  }
0xbe: {  	p1 =	sne.s32 s16, s9;
	[sflag:s18] =	ssyncset.done @!p0 $0x0  }
.Ltmp1:
0xbf: {  	s19 =	simm.s32 @!p0 $0x0;
	[sflag:s18] =	ssyncadd.s32 @!p0 $0xFFFFD880;
	(pc) =	sbr.rel @p1 .LBB2_1-.Ltmp1, $4  }
0xc0: {  	[hbm4b:s8+s19] =	stream.linear.scatter @!p0 [tilespmem:s17], [sflag:$0x2], $0x2710, $0x38;
	[tilespmem:$0x12078] =	vst v63  }
0xc1: {  	_ =	swait.ge @!p0 [sflag:s18], $0x2710  }
0xc2: {  	[sflag:s18] =	ssyncset.done @!p0 $0x0  }
0xc3: {  	[sflag:s18] =	ssyncadd.s32 @!p0 $0xFFFFD8F0  }
0xc4: {  	_ =	sfence.sel $0x180000  }
0xc5: {  	[bflag:$0x0] =	sbarrier.arrive $0xFFFF  }
0xc6: {  	_ =	strace $0x90000053  }
0xc7: {  	s0 =	sadd.s32 @!p0 $0x100000, s0;
	[bflag:$0x2] =	sbarrier.arrive $0xFFFF  }
0xc8: {  	[sflag:s0] =	ssyncadd.tile.s32 @!p0 $0x1;
	_ =	shalt  }
.Lfunc_end2:
_tile_overlayer_lowered:
.L_overlay_start_2:
0xc9: {  	(tag) =	ssettag $0x2  }
0xca: {  	s0 =	rddreg [dreg:$0x0];
	s2 =	stileid.u32  }
0xcb: {  	s1 =	rddreg [dreg:$0x1];
	p0 =	sne.s32 s2, $0x0  }
0xcc: {  	s3 =	rddreg [dreg:$0x2];
	[bflag:$0x3] =	sbarrier.arrive $0xFFFF;
	s2 =	simm.s32 @!p0 $0x1C02  }
0xcd: {  	[timem:s3], [sflag:s2] =	dma.local @!p0 [hbm:s0], s1  }
0xce: {  	s0 =	simm.s32 @!p0 $0x2  }
0xcf: {  	_ =	swait.ge @!p0 [sflag:s0], s1  }
0xd0: {  	s1 =	ssub.s32 @!p0 $0x0, s1;
	[sflag:s0] =	ssyncset.done @!p0 $0x0  }
0xd1: {  	[sflag:s0] =	ssyncadd.s32 @!p0 s1  }
0xd2: {  	[bflag:$0x3] =	sbarrier.arrive $0xFFFF  }
0xd3: {  	_ =	shalt  }

</sc_bundles>
